<compile_context>
chip_gen: v7x
topology: tpu7x:2x2x1
jax: 0.10.2.dev20260603
libtpu: 0.0.44.dev20260713+nightly
codegen_flags: <defaults>
</compile_context>

<pallas_src>
import jax
import jax.numpy as jnp
from jax import lax
from jax.experimental import pallas as pl
from jax.experimental.pallas import tpu as pltpu
from jax.experimental.pallas import tpu_sc as plsc

NR, NT, NZ = 128, 256, 32
R_MIN, R_MAX = 0.0, 50.0
Z_MIN, Z_MAX = -10.0, 10.0
C = 16
V = NR * NT * NZ

PTS_PAD = 409600
NPT = PTS_PAD // 16
SEG = 3200
NSEG = NPT // SEG
SVR = SEG // 16
NCH = 16
CH = V // NCH
ROUNDS = NCH // 2
SLICE = CH // 16
TRASH = CH
BIG = 1 << 30

RING = 8192
FLUSH = 512


def _binning_body(x_ref, y_ref, z_ref, lin_ref):
    x = x_ref[...]
    y = y_ref[...]
    z = z_ref[...]
    r = jnp.sqrt(x * x + y * y)
    theta = jnp.arctan2(y, x)
    theta = (theta + 2.0 * jnp.pi) % (2.0 * jnp.pi)
    ir = jnp.floor((r - R_MIN) / (R_MAX - R_MIN) * NR).astype(jnp.int32)
    it = jnp.floor(theta / (2.0 * jnp.pi) * NT).astype(jnp.int32) % NT
    iz = jnp.floor((z - Z_MIN) / (Z_MAX - Z_MIN) * NZ).astype(jnp.int32)
    valid = (ir >= 0) & (ir < NR) & (iz >= 0) & (iz < NZ)
    irc = jnp.clip(ir, 0, NR - 1)
    itc = jnp.clip(it, 0, NT - 1)
    izc = jnp.clip(iz, 0, NZ - 1)
    lin = (irc * NT + itc) * NZ + izc
    low = lin & 0xFFFF
    row = (low & 0xE000) | ((low & 0x1F) << 8) | ((low >> 5) & 0xFF)
    lin_ref[...] = jnp.where(valid, (lin - low) + row, BIG)


def _sc_body(lin_hbm, feats_hbm, out_hbm,
             seg_v, cvox, cpid, idx0, pid0, idx1, pid1, grows0, grows1,
             ones, zbuf, zocc, outbuf, obuf, rcp, sfeat, socc,
             gsem, lsem):
    cid = lax.axis_index("c")
    sid = lax.axis_index("s")
    pt_base = sid * NPT
    row0 = sid * SLICE
    iota = jnp.arange(16, dtype=jnp.int32)
    zf = jnp.zeros((16,), jnp.float32)
    chv = jnp.full((16,), CH, jnp.uint32)

    def fill_body(i, _):
        zbuf[i, :] = zf
        zocc[pl.ds(i * 16, 16)] = zf
        return 0
    lax.fori_loop(0, 256, fill_body, 0)
    for k in range(FLUSH // 16):
        ones[pl.ds(k * 16, 16)] = jnp.ones((16,), jnp.float32)

    def zero_slice():
        for j in range(SLICE // 256):
            pltpu.sync_copy(zbuf, sfeat.at[pl.ds(row0 + j * 256, 256)])
        for j in range(SLICE // 4096):
            pltpu.sync_copy(zocc, socc.at[pl.ds(row0 + j * 4096, 4096)])

    zero_slice()

    def build_block(b, idx_s, pid_s):
        o = (b * FLUSH) & (RING - 1)
        for k in range(FLUSH // 16):
            idx_s[pl.ds(k * 16, 16)] = cvox[pl.ds(o + k * 16, 16)]
            pid_s[pl.ds(k * 16, 16)] = cpid[pl.ds(o + k * 16, 16)]

    def fire_block(b):
        def go(idx_s, pid_s, grows):
            build_block(b, idx_s, pid_s)
            pltpu.async_copy(feats_hbm.at[pid_s], grows, gsem)

        @pl.when(b % 2 == 0)
        def _():
            go(idx0, pid0, grows0)

        @pl.when(b % 2 == 1)
        def _():
            go(idx1, pid1, grows1)

    def drain_block(b):
        def go(idx_s, pid_s, grows):
            pltpu.make_async_copy(feats_hbm.at[pid_s], grows, gsem).wait()
            pltpu.sync_copy(grows, sfeat.at[idx_s], add=True)
            pltpu.sync_copy(ones, socc.at[idx_s], add=True)

        @pl.when(b % 2 == 0)
        def _():
            go(idx0, pid0, grows0)

        @pl.when(b % 2 == 1)
        def _():
            go(idx1, pid1, grows1)

    def lin_slot(g):
        return g % 2

    def fire_lin(g):
        @pl.when(g < NSEG)
        def _():
            pltpu.async_copy(
                lin_hbm.at[pl.ds(pt_base + g * SEG, SEG)],
                seg_v.at[lin_slot(g)], lsem)

    def wait_lin(g):
        pltpu.make_async_copy(
            lin_hbm.at[pl.ds(pt_base + g * SEG, SEG)],
            seg_v.at[lin_slot(g)], lsem).wait()

    def round_body(rnd, _):
        plsc.subcore_barrier()
        base = (rnd * 2 + cid) * CH
        base_v = jnp.full((16,), base, jnp.int32)
        ringm = jnp.full((16,), RING - 1, jnp.int32)

        fire_lin(0)

        def seg_body(g, carry):
            cnt0, fired0, drained0 = carry
            wait_lin(g)
            fire_lin(g + 1)
            slot = lin_slot(g)
            seg_pt = pt_base + g * SEG

            def scan_body(i, cnt):
                l = seg_v[slot, pl.ds(i * 16, 16)]
                d = l - base_v
                m = d.astype(jnp.uint32) < chv
                inc = m.astype(jnp.int32)
                cs = plsc.cumsum(inc)
                pos = (jnp.full((16,), cnt, jnp.int32) + cs - inc) & ringm
                plsc.store_scatter(cvox, [pos], d, mask=m)
                plsc.store_scatter(cpid, [pos],
                                   iota + jnp.full((16,), seg_pt + i * 16,
                                                   jnp.int32), mask=m)
                return cnt + lax.squeeze(lax.slice(cs, (15,), (16,)), (0,))
            cnt = lax.fori_loop(0, SVR, scan_body, cnt0)

            def fl_body(j, carry):
                fired, drained = carry
                fire_block(fired)
                @pl.when(fired > drained)
                def _():
                    drain_block(drained)
                return (fired + 1,
                        jnp.where(fired > drained, drained + 1, drained))
            nfl = cnt // FLUSH - fired0
            fired, drained = lax.fori_loop(0, nfl, fl_body,
                                           (fired0, drained0))
            return (cnt, fired, drained)

        cnt, fired, drained = lax.fori_loop(
            0, NSEG, seg_body, (jnp.int32(0), jnp.int32(0), jnp.int32(0)))

        @pl.when(fired > drained)
        def _():
            drain_block(drained)

        @pl.when(cnt > fired * FLUSH)
        def _():
            trash_v = jnp.full((16,), TRASH, jnp.int32)
            zero_i = jnp.zeros((16,), jnp.int32)
            for k in range(FLUSH // 16):
                posk = (jnp.full((16,), cnt + k * 16, jnp.int32)
                        + iota) & ringm
                plsc.store_scatter(cvox, [posk], trash_v)
                plsc.store_scatter(cpid, [posk], zero_i)
            fire_block(fired)
            drain_block(fired)

        plsc.subcore_barrier()

        r_loc = sid // 2
        z0 = (sid % 2) * 16
        r = (rnd * 2 + cid) * 8 + r_loc
        vbuf = grows0.at[pl.ds(0, 256)]
        epsv = jnp.full((16,), 1e-8, jnp.float32)

        def fin_body(zi, _):
            z = z0 + zi
            rowz = (r_loc * 32 + z) * 256
            pltpu.sync_copy(sfeat.at[pl.ds(rowz, 256)], vbuf)
            pltpu.sync_copy(socc.at[pl.ds(rowz, 256)], obuf)

            def rcp_body(j, _):
                o = obuf[pl.ds(j * 16, 16)]
                rcp[pl.ds(j * 16, 16)] = jnp.where(
                    o > zf, jnp.ones((16,), jnp.float32) / (o + epsv), zf)
                return 0
            lax.fori_loop(0, 16, rcp_body, 0)

            def t_body(j, _):
                rv = rcp[pl.ds(j * 16, 16)]
                tl = jnp.full((16,), j * 16, jnp.int32) + iota
                for c in range(C):
                    g = plsc.load_gather(
                        vbuf, [tl, jnp.full((16,), c, jnp.int32)])
                    outbuf[c, pl.ds(j * 16, 16)] = g * rv
                return 0
            lax.fori_loop(0, 16, t_body, 0)
            pltpu.sync_copy(outbuf, out_hbm.at[r, z])
            return 0
        lax.fori_loop(0, 16, fin_body, 0)
        zero_slice()
        return 0

    lax.fori_loop(0, ROUNDS, round_body, 0)


_sc_voxelize = pl.kernel(
    _sc_body,
    out_type=jax.ShapeDtypeStruct((NR, NZ, C, NT), jnp.float32),
    mesh=plsc.VectorSubcoreMesh(core_axis_name="c", subcore_axis_name="s"),
    compiler_params=pltpu.CompilerParams(needs_layout_passes=False,
                                         use_tc_tiling_on_sc=False),
    scratch_types=[
        pltpu.VMEM((2, SEG), jnp.int32),
        pltpu.VMEM((RING,), jnp.int32),
        pltpu.VMEM((RING,), jnp.int32),
        pltpu.VMEM((FLUSH,), jnp.int32),
        pltpu.VMEM((FLUSH,), jnp.int32),
        pltpu.VMEM((FLUSH,), jnp.int32),
        pltpu.VMEM((FLUSH,), jnp.int32),
        pltpu.VMEM((FLUSH, C), jnp.float32),
        pltpu.VMEM((FLUSH, C), jnp.float32),
        pltpu.VMEM((FLUSH,), jnp.float32),
        pltpu.VMEM((256, C), jnp.float32),
        pltpu.VMEM((4096,), jnp.float32),
        pltpu.VMEM((C, NT), jnp.float32),
        pltpu.VMEM((256,), jnp.float32),
        pltpu.VMEM((256,), jnp.float32),
        pltpu.VMEM_SHARED((CH + 16, C), jnp.float32),
        pltpu.VMEM_SHARED((CH + 16,), jnp.float32),
        pltpu.SemaphoreType.DMA,
        pltpu.SemaphoreType.DMA,
    ],
)


def kernel(points, features):
    pad = PTS_PAD - points.shape[0]
    x = jnp.pad(points[:, 0], (0, pad), constant_values=1e9)
    y = jnp.pad(points[:, 1], (0, pad), constant_values=1e9)
    z = jnp.pad(points[:, 2], (0, pad), constant_values=1e9)

    BLK = 4096
    lin = pl.pallas_call(
        _binning_body,
        out_shape=jax.ShapeDtypeStruct((PTS_PAD,), jnp.int32),
        grid=(PTS_PAD // BLK,),
        in_specs=[pl.BlockSpec((BLK,), lambda i: (i,))] * 3,
        out_specs=pl.BlockSpec((BLK,), lambda i: (i,)),
    )(x, y, z)

    grid_zct = _sc_voxelize(lin, features)
    return grid_zct.transpose(0, 3, 1, 2)

# --- scband reference (transcript-rebuilt; emitter-appended) ---
"""Pipeline reference for scband-cylindrical-bevfusion-54631984005323 (READ-ONLY COPY).

The authoritative reference and input builder live on the scoring server;
editing this copy changes nothing except your own understanding.
"""

import jax, jax.numpy as jnp
import numpy as np

NR, NT, NZ = 128, 256, 32
R_MIN, R_MAX = 0.0, 50.0
Z_MIN, Z_MAX = -10.0, 10.0


def setup_inputs(seed: int = 0) -> dict:
    key = jax.random.key(seed)
    k1, k2 = jax.random.split(key)
    # randn points, scaled so they spread across the cylindrical grid while staying in range
    points = jax.random.normal(k1, (400000, 3), dtype=jnp.float32) * jnp.array([12.0, 12.0, 3.0], dtype=jnp.float32)
    features = jax.random.normal(k2, (400000, 16), dtype=jnp.float32)
    return {"points": points, "features": features}


def reference(points, features):
    # Cartesian -> cylindrical
    x, y, z = points[:, 0], points[:, 1], points[:, 2]
    r = jnp.sqrt(x ** 2 + y ** 2)
    theta = jnp.arctan2(y, x)
    theta = (theta + 2.0 * jnp.pi) % (2.0 * jnp.pi)
    # digitize against uniform linspace edges == floor of normalized coordinate
    ir = jnp.floor((r - R_MIN) / (R_MAX - R_MIN) * NR).astype(jnp.int32)
    it = jnp.floor(theta / (2.0 * jnp.pi) * NT).astype(jnp.int32) % NT
    iz = jnp.floor((z - Z_MIN) / (Z_MAX - Z_MIN) * NZ).astype(jnp.int32)
    valid = (ir >= 0) & (ir < NR) & (iz >= 0) & (iz < NZ)
    irc = jnp.clip(ir, 0, NR - 1)
    itc = jnp.clip(it, 0, NT - 1)
    izc = jnp.clip(iz, 0, NZ - 1)
    lin = (irc * NT + itc) * NZ + izc
    w = valid.astype(jnp.float32)
    feats = features * w[:, None]
    C = features.shape[1]
    # scatter-add feature histogram + occupancy histogram
    grid_sum = jnp.zeros((NR * NT * NZ, C), dtype=jnp.float32).at[lin].add(feats)
    occ = jnp.zeros((NR * NT * NZ,), dtype=jnp.float32).at[lin].add(w)
    # avg pooling per voxel (as in CylindricalGrid.voxelize_points pooling='avg')
    grid = jnp.where(occ[:, None] > 0, grid_sum / (occ[:, None] + 1e-08), 0.0)
    return grid.reshape(NR, NT, NZ, C)

if __name__ == "__main__":
    import jax
    _d = setup_inputs()
    print(jax.jit(kernel)(*tuple(_d.values())))

</pallas_src>

<mosaic_0001>
#map = affine_map<(d0, d1) -> (0)>
#map1 = affine_map<(d0, d1) -> (0, 0)>
#map2 = affine_map<(d0, d1) -> (0, 0, 0, 0)>
module attributes {stable_mosaic.version = 14 : i64} {
  func.func @_sc_body(%arg0: i32, %arg1: i32, %arg2: memref<409600xi32, #tpu.memory_space<hbm>>, %arg3: memref<400000x16xf32, #tpu.memory_space<hbm>>, %arg4: memref<128x32x16x256xf32, #tpu.memory_space<hbm>>, %arg5: memref<2x3200xi32, #tpu.memory_space<vmem>>, %arg6: memref<8192xi32, #tpu.memory_space<vmem>>, %arg7: memref<8192xi32, #tpu.memory_space<vmem>>, %arg8: memref<512xi32, #tpu.memory_space<vmem>>, %arg9: memref<512xi32, #tpu.memory_space<vmem>>, %arg10: memref<512xi32, #tpu.memory_space<vmem>>, %arg11: memref<512xi32, #tpu.memory_space<vmem>>, %arg12: memref<512x16xf32, #tpu.memory_space<vmem>>, %arg13: memref<512x16xf32, #tpu.memory_space<vmem>>, %arg14: memref<512xf32, #tpu.memory_space<vmem>>, %arg15: memref<256x16xf32, #tpu.memory_space<vmem>>, %arg16: memref<4096xf32, #tpu.memory_space<vmem>>, %arg17: memref<16x256xf32, #tpu.memory_space<vmem>>, %arg18: memref<256xf32, #tpu.memory_space<vmem>>, %arg19: memref<256xf32, #tpu.memory_space<vmem>>, %arg20: memref<65552x16xf32, #tpu.memory_space<vmem_shared>>, %arg21: memref<65552xf32, #tpu.memory_space<vmem_shared>>, %arg22: memref<!tpu.dma_semaphore, #tpu.memory_space<semaphore_mem>>, %arg23: memref<!tpu.dma_semaphore, #tpu.memory_space<semaphore_mem>>) attributes {dimension_semantics = [#tpu.dimension_semantics<core_parallel>, #tpu.dimension_semantics<subcore_parallel>], iteration_bounds = array<i64: 2, 16>, scalar_prefetch = 0 : i64, scratch_operands = 19 : i64, tpu.core_type = #tpu.core_type<sc_vector_subcore>, window_params = [{transform_indices = #map}, {transform_indices = #map1}, {transform_indices = #map2}]} {
    %mul3A = arith.constant 25600 : i32
    %mul3A_0 = arith.muli %arg1, %mul3A : i32
    %mul3A_1 = arith.constant 4096 : i32
    %mul3A_2 = arith.muli %arg1, %mul3A_1 : i32
    %iota3A = tpu.iota {dimensions = array<i32: 0>} : vector<16xi32>
    %broadcast_in_dim3A = arith.constant 0.000000e+00 : f32
    %broadcast_in_dim3A_3 = vector.broadcast %broadcast_in_dim3A : f32 to vector<16xf32>
    %broadcast_in_dim3A_4 = arith.constant 65536 : i32
    %broadcast_in_dim3A_5 = vector.broadcast %broadcast_in_dim3A_4 : i32 to vector<16xi32>
    %scan3A = arith.constant 0 : i32
    %scan3A_6 = arith.constant 0 : i32
    %scan3A_7 = arith.constant 256 : i32
    %scan3A_8 = arith.addi %scan3A_6, %scan3A_7 : i32
    %scan3A_9 = arith.constant 1 : i32
    %scan3A_10 = scf.for %scan3A_179 = %scan3A_6 to %scan3A_8 step %scan3A_9 iter_args(%scan3A_180 = %scan3A) -> (i32)  : i32 {
      %swap3A_181 = arith.index_cast %scan3A_179 : i32 to index
      %swap3A_182 = arith.constant 0 : index
      %swap3A_183 = tpu.vector_load %arg15[%swap3A_181, %swap3A_182] {strides = array<i32>} : memref<256x16xf32, #tpu.memory_space<vmem>>, vector<16xf32>,
      tpu.vector_store %arg15[%swap3A_181, %swap3A_182], %broadcast_in_dim3A_3 {strides = array<i32>} : memref<256x16xf32, #tpu.memory_space<vmem>>, vector<16xf32>,
      %mul3A_184 = arith.constant 16 : i32
      %mul3A_185 = arith.muli %scan3A_179, %mul3A_184 : i32
      %swap3A_186 = arith.index_cast %mul3A_185 : i32 to index
      %swap3A_187 = tpu.vector_load %arg16[%swap3A_186] {strides = array<i32>} : memref<4096xf32, #tpu.memory_space<vmem>>, vector<16xf32>,
      tpu.vector_store %arg16[%swap3A_186], %broadcast_in_dim3A_3 {strides = array<i32>} : memref<4096xf32, #tpu.memory_space<vmem>>, vector<16xf32>,
      %scan3A_188 = arith.constant 0 : i32
      scf.yield %scan3A_188 : i32
    }
    %scan3A_11 = arith.constant 256 : i32
    %broadcast_in_dim3A_12 = arith.constant 1.000000e+00 : f32
    %broadcast_in_dim3A_13 = vector.broadcast %broadcast_in_dim3A_12 : f32 to vector<16xf32>
    %swap3A = arith.constant 0 : index
    %swap3A_14 = tpu.vector_load %arg14[%swap3A] {strides = array<i32>} : memref<512xf32, #tpu.memory_space<vmem>>, vector<16xf32>,
    tpu.vector_store %arg14[%swap3A], %broadcast_in_dim3A_13 {strides = array<i32>} : memref<512xf32, #tpu.memory_space<vmem>>, vector<16xf32>,
    %broadcast_in_dim3A_15 = arith.constant 1.000000e+00 : f32
    %broadcast_in_dim3A_16 = vector.broadcast %broadcast_in_dim3A_15 : f32 to vector<16xf32>
    %swap3A_17 = arith.constant 16 : index
    %swap3A_18 = tpu.vector_load %arg14[%swap3A_17] {strides = array<i32>} : memref<512xf32, #tpu.memory_space<vmem>>, vector<16xf32>,
    tpu.vector_store %arg14[%swap3A_17], %broadcast_in_dim3A_16 {strides = array<i32>} : memref<512xf32, #tpu.memory_space<vmem>>, vector<16xf32>,
    %broadcast_in_dim3A_19 = arith.constant 1.000000e+00 : f32
    %broadcast_in_dim3A_20 = vector.broadcast %broadcast_in_dim3A_19 : f32 to vector<16xf32>
    %swap3A_21 = arith.constant 32 : index
    %swap3A_22 = tpu.vector_load %arg14[%swap3A_21] {strides = array<i32>} : memref<512xf32, #tpu.memory_space<vmem>>, vector<16xf32>,
    tpu.vector_store %arg14[%swap3A_21], %broadcast_in_dim3A_20 {strides = array<i32>} : memref<512xf32, #tpu.memory_space<vmem>>, vector<16xf32>,
    %broadcast_in_dim3A_23 = arith.constant 1.000000e+00 : f32
    %broadcast_in_dim3A_24 = vector.broadcast %broadcast_in_dim3A_23 : f32 to vector<16xf32>
    %swap3A_25 = arith.constant 48 : index
    %swap3A_26 = tpu.vector_load %arg14[%swap3A_25] {strides = array<i32>} : memref<512xf32, #tpu.memory_space<vmem>>, vector<16xf32>,
    tpu.vector_store %arg14[%swap3A_25], %broadcast_in_dim3A_24 {strides = array<i32>} : memref<512xf32, #tpu.memory_space<vmem>>, vector<16xf32>,
    %broadcast_in_dim3A_27 = arith.constant 1.000000e+00 : f32
    %broadcast_in_dim3A_28 = vector.broadcast %broadcast_in_dim3A_27 : f32 to vector<16xf32>
    %swap3A_29 = arith.constant 64 : index
    %swap3A_30 = tpu.vector_load %arg14[%swap3A_29] {strides = array<i32>} : memref<512xf32, #tpu.memory_space<vmem>>, vector<16xf32>,
    tpu.vector_store %arg14[%swap3A_29], %broadcast_in_dim3A_28 {strides = array<i32>} : memref<512xf32, #tpu.memory_space<vmem>>, vector<16xf32>,
    %broadcast_in_dim3A_31 = arith.constant 1.000000e+00 : f32
    %broadcast_in_dim3A_32 = vector.broadcast %broadcast_in_dim3A_31 : f32 to vector<16xf32>
    %swap3A_33 = arith.constant 80 : index
    %swap3A_34 = tpu.vector_load %arg14[%swap3A_33] {strides = array<i32>} : memref<512xf32, #tpu.memory_space<vmem>>, vector<16xf32>,
    tpu.vector_store %arg14[%swap3A_33], %broadcast_in_dim3A_32 {strides = array<i32>} : memref<512xf32, #tpu.memory_space<vmem>>, vector<16xf32>,
    %broadcast_in_dim3A_35 = arith.constant 1.000000e+00 : f32
    %broadcast_in_dim3A_36 = vector.broadcast %broadcast_in_dim3A_35 : f32 to vector<16xf32>
    %swap3A_37 = arith.constant 96 : index
    %swap3A_38 = tpu.vector_load %arg14[%swap3A_37] {strides = array<i32>} : memref<512xf32, #tpu.memory_space<vmem>>, vector<16xf32>,
    tpu.vector_store %arg14[%swap3A_37], %broadcast_in_dim3A_36 {strides = array<i32>} : memref<512xf32, #tpu.memory_space<vmem>>, vector<16xf32>,
    %broadcast_in_dim3A_39 = arith.constant 1.000000e+00 : f32
    %broadcast_in_dim3A_40 = vector.broadcast %broadcast_in_dim3A_39 : f32 to vector<16xf32>
    %swap3A_41 = arith.constant 112 : index
    %swap3A_42 = tpu.vector_load %arg14[%swap3A_41] {strides = array<i32>} : memref<512xf32, #tpu.memory_space<vmem>>, vector<16xf32>,
    tpu.vector_store %arg14[%swap3A_41], %broadcast_in_dim3A_40 {strides = array<i32>} : memref<512xf32, #tpu.memory_space<vmem>>, vector<16xf32>,
    %broadcast_in_dim3A_43 = arith.constant 1.000000e+00 : f32
    %broadcast_in_dim3A_44 = vector.broadcast %broadcast_in_dim3A_43 : f32 to vector<16xf32>
    %swap3A_45 = arith.constant 128 : index
    %swap3A_46 = tpu.vector_load %arg14[%swap3A_45] {strides = array<i32>} : memref<512xf32, #tpu.memory_space<vmem>>, vector<16xf32>,
    tpu.vector_store %arg14[%swap3A_45], %broadcast_in_dim3A_44 {strides = array<i32>} : memref<512xf32, #tpu.memory_space<vmem>>, vector<16xf32>,
    %broadcast_in_dim3A_47 = arith.constant 1.000000e+00 : f32
    %broadcast_in_dim3A_48 = vector.broadcast %broadcast_in_dim3A_47 : f32 to vector<16xf32>
    %swap3A_49 = arith.constant 144 : index
    %swap3A_50 = tpu.vector_load %arg14[%swap3A_49] {strides = array<i32>} : memref<512xf32, #tpu.memory_space<vmem>>, vector<16xf32>,
    tpu.vector_store %arg14[%swap3A_49], %broadcast_in_dim3A_48 {strides = array<i32>} : memref<512xf32, #tpu.memory_space<vmem>>, vector<16xf32>,
    %broadcast_in_dim3A_51 = arith.constant 1.000000e+00 : f32
    %broadcast_in_dim3A_52 = vector.broadcast %broadcast_in_dim3A_51 : f32 to vector<16xf32>
    %swap3A_53 = arith.constant 160 : index
    %swap3A_54 = tpu.vector_load %arg14[%swap3A_53] {strides = array<i32>} : memref<512xf32, #tpu.memory_space<vmem>>, vector<16xf32>,
    tpu.vector_store %arg14[%swap3A_53], %broadcast_in_dim3A_52 {strides = array<i32>} : memref<512xf32, #tpu.memory_space<vmem>>, vector<16xf32>,
    %broadcast_in_dim3A_55 = arith.constant 1.000000e+00 : f32
    %broadcast_in_dim3A_56 = vector.broadcast %broadcast_in_dim3A_55 : f32 to vector<16xf32>
    %swap3A_57 = arith.constant 176 : index
    %swap3A_58 = tpu.vector_load %arg14[%swap3A_57] {strides = array<i32>} : memref<512xf32, #tpu.memory_space<vmem>>, vector<16xf32>,
    tpu.vector_store %arg14[%swap3A_57], %broadcast_in_dim3A_56 {strides = array<i32>} : memref<512xf32, #tpu.memory_space<vmem>>, vector<16xf32>,
    %broadcast_in_dim3A_59 = arith.constant 1.000000e+00 : f32
    %broadcast_in_dim3A_60 = vector.broadcast %broadcast_in_dim3A_59 : f32 to vector<16xf32>
    %swap3A_61 = arith.constant 192 : index
    %swap3A_62 = tpu.vector_load %arg14[%swap3A_61] {strides = array<i32>} : memref<512xf32, #tpu.memory_space<vmem>>, vector<16xf32>,
    tpu.vector_store %arg14[%swap3A_61], %broadcast_in_dim3A_60 {strides = array<i32>} : memref<512xf32, #tpu.memory_space<vmem>>, vector<16xf32>,
    %broadcast_in_dim3A_63 = arith.constant 1.000000e+00 : f32
    %broadcast_in_dim3A_64 = vector.broadcast %broadcast_in_dim3A_63 : f32 to vector<16xf32>
    %swap3A_65 = arith.constant 208 : index
    %swap3A_66 = tpu.vector_load %arg14[%swap3A_65] {strides = array<i32>} : memref<512xf32, #tpu.memory_space<vmem>>, vector<16xf32>,
    tpu.vector_store %arg14[%swap3A_65], %broadcast_in_dim3A_64 {strides = array<i32>} : memref<512xf32, #tpu.memory_space<vmem>>, vector<16xf32>,
    %broadcast_in_dim3A_67 = arith.constant 1.000000e+00 : f32
    %broadcast_in_dim3A_68 = vector.broadcast %broadcast_in_dim3A_67 : f32 to vector<16xf32>
    %swap3A_69 = arith.constant 224 : index
    %swap3A_70 = tpu.vector_load %arg14[%swap3A_69] {strides = array<i32>} : memref<512xf32, #tpu.memory_space<vmem>>, vector<16xf32>,
    tpu.vector_store %arg14[%swap3A_69], %broadcast_in_dim3A_68 {strides = array<i32>} : memref<512xf32, #tpu.memory_space<vmem>>, vector<16xf32>,
    %broadcast_in_dim3A_71 = arith.constant 1.000000e+00 : f32
    %broadcast_in_dim3A_72 = vector.broadcast %broadcast_in_dim3A_71 : f32 to vector<16xf32>
    %swap3A_73 = arith.constant 240 : index
    %swap3A_74 = tpu.vector_load %arg14[%swap3A_73] {strides = array<i32>} : memref<512xf32, #tpu.memory_space<vmem>>, vector<16xf32>,
    tpu.vector_store %arg14[%swap3A_73], %broadcast_in_dim3A_72 {strides = array<i32>} : memref<512xf32, #tpu.memory_space<vmem>>, vector<16xf32>,
    %broadcast_in_dim3A_75 = arith.constant 1.000000e+00 : f32
    %broadcast_in_dim3A_76 = vector.broadcast %broadcast_in_dim3A_75 : f32 to vector<16xf32>
    %swap3A_77 = arith.constant 256 : index
    %swap3A_78 = tpu.vector_load %arg14[%swap3A_77] {strides = array<i32>} : memref<512xf32, #tpu.memory_space<vmem>>, vector<16xf32>,
    tpu.vector_store %arg14[%swap3A_77], %broadcast_in_dim3A_76 {strides = array<i32>} : memref<512xf32, #tpu.memory_space<vmem>>, vector<16xf32>,
    %broadcast_in_dim3A_79 = arith.constant 1.000000e+00 : f32
    %broadcast_in_dim3A_80 = vector.broadcast %broadcast_in_dim3A_79 : f32 to vector<16xf32>
    %swap3A_81 = arith.constant 272 : index
    %swap3A_82 = tpu.vector_load %arg14[%swap3A_81] {strides = array<i32>} : memref<512xf32, #tpu.memory_space<vmem>>, vector<16xf32>,
    tpu.vector_store %arg14[%swap3A_81], %broadcast_in_dim3A_80 {strides = array<i32>} : memref<512xf32, #tpu.memory_space<vmem>>, vector<16xf32>,
    %broadcast_in_dim3A_83 = arith.constant 1.000000e+00 : f32
    %broadcast_in_dim3A_84 = vector.broadcast %broadcast_in_dim3A_83 : f32 to vector<16xf32>
    %swap3A_85 = arith.constant 288 : index
    %swap3A_86 = tpu.vector_load %arg14[%swap3A_85] {strides = array<i32>} : memref<512xf32, #tpu.memory_space<vmem>>, vector<16xf32>,
    tpu.vector_store %arg14[%swap3A_85], %broadcast_in_dim3A_84 {strides = array<i32>} : memref<512xf32, #tpu.memory_space<vmem>>, vector<16xf32>,
    %broadcast_in_dim3A_87 = arith.constant 1.000000e+00 : f32
    %broadcast_in_dim3A_88 = vector.broadcast %broadcast_in_dim3A_87 : f32 to vector<16xf32>
    %swap3A_89 = arith.constant 304 : index
    %swap3A_90 = tpu.vector_load %arg14[%swap3A_89] {strides = array<i32>} : memref<512xf32, #tpu.memory_space<vmem>>, vector<16xf32>,
    tpu.vector_store %arg14[%swap3A_89], %broadcast_in_dim3A_88 {strides = array<i32>} : memref<512xf32, #tpu.memory_space<vmem>>, vector<16xf32>,
    %broadcast_in_dim3A_91 = arith.constant 1.000000e+00 : f32
    %broadcast_in_dim3A_92 = vector.broadcast %broadcast_in_dim3A_91 : f32 to vector<16xf32>
    %swap3A_93 = arith.constant 320 : index
    %swap3A_94 = tpu.vector_load %arg14[%swap3A_93] {strides = array<i32>} : memref<512xf32, #tpu.memory_space<vmem>>, vector<16xf32>,
    tpu.vector_store %arg14[%swap3A_93], %broadcast_in_dim3A_92 {strides = array<i32>} : memref<512xf32, #tpu.memory_space<vmem>>, vector<16xf32>,
    %broadcast_in_dim3A_95 = arith.constant 1.000000e+00 : f32
    %broadcast_in_dim3A_96 = vector.broadcast %broadcast_in_dim3A_95 : f32 to vector<16xf32>
    %swap3A_97 = arith.constant 336 : index
    %swap3A_98 = tpu.vector_load %arg14[%swap3A_97] {strides = array<i32>} : memref<512xf32, #tpu.memory_space<vmem>>, vector<16xf32>,
    tpu.vector_store %arg14[%swap3A_97], %broadcast_in_dim3A_96 {strides = array<i32>} : memref<512xf32, #tpu.memory_space<vmem>>, vector<16xf32>,
    %broadcast_in_dim3A_99 = arith.constant 1.000000e+00 : f32
    %broadcast_in_dim3A_100 = vector.broadcast %broadcast_in_dim3A_99 : f32 to vector<16xf32>
    %swap3A_101 = arith.constant 352 : index
    %swap3A_102 = tpu.vector_load %arg14[%swap3A_101] {strides = array<i32>} : memref<512xf32, #tpu.memory_space<vmem>>, vector<16xf32>,
    tpu.vector_store %arg14[%swap3A_101], %broadcast_in_dim3A_100 {strides = array<i32>} : memref<512xf32, #tpu.memory_space<vmem>>, vector<16xf32>,
    %broadcast_in_dim3A_103 = arith.constant 1.000000e+00 : f32
    %broadcast_in_dim3A_104 = vector.broadcast %broadcast_in_dim3A_103 : f32 to vector<16xf32>
    %swap3A_105 = arith.constant 368 : index
    %swap3A_106 = tpu.vector_load %arg14[%swap3A_105] {strides = array<i32>} : memref<512xf32, #tpu.memory_space<vmem>>, vector<16xf32>,
    tpu.vector_store %arg14[%swap3A_105], %broadcast_in_dim3A_104 {strides = array<i32>} : memref<512xf32, #tpu.memory_space<vmem>>, vector<16xf32>,
    %broadcast_in_dim3A_107 = arith.constant 1.000000e+00 : f32
    %broadcast_in_dim3A_108 = vector.broadcast %broadcast_in_dim3A_107 : f32 to vector<16xf32>
    %swap3A_109 = arith.constant 384 : index
    %swap3A_110 = tpu.vector_load %arg14[%swap3A_109] {strides = array<i32>} : memref<512xf32, #tpu.memory_space<vmem>>, vector<16xf32>,
    tpu.vector_store %arg14[%swap3A_109], %broadcast_in_dim3A_108 {strides = array<i32>} : memref<512xf32, #tpu.memory_space<vmem>>, vector<16xf32>,
    %broadcast_in_dim3A_111 = arith.constant 1.000000e+00 : f32
    %broadcast_in_dim3A_112 = vector.broadcast %broadcast_in_dim3A_111 : f32 to vector<16xf32>
    %swap3A_113 = arith.constant 400 : index
    %swap3A_114 = tpu.vector_load %arg14[%swap3A_113] {strides = array<i32>} : memref<512xf32, #tpu.memory_space<vmem>>, vector<16xf32>,
    tpu.vector_store %arg14[%swap3A_113], %broadcast_in_dim3A_112 {strides = array<i32>} : memref<512xf32, #tpu.memory_space<vmem>>, vector<16xf32>,
    %broadcast_in_dim3A_115 = arith.constant 1.000000e+00 : f32
    %broadcast_in_dim3A_116 = vector.broadcast %broadcast_in_dim3A_115 : f32 to vector<16xf32>
    %swap3A_117 = arith.constant 416 : index
    %swap3A_118 = tpu.vector_load %arg14[%swap3A_117] {strides = array<i32>} : memref<512xf32, #tpu.memory_space<vmem>>, vector<16xf32>,
    tpu.vector_store %arg14[%swap3A_117], %broadcast_in_dim3A_116 {strides = array<i32>} : memref<512xf32, #tpu.memory_space<vmem>>, vector<16xf32>,
    %broadcast_in_dim3A_119 = arith.constant 1.000000e+00 : f32
    %broadcast_in_dim3A_120 = vector.broadcast %broadcast_in_dim3A_119 : f32 to vector<16xf32>
    %swap3A_121 = arith.constant 432 : index
    %swap3A_122 = tpu.vector_load %arg14[%swap3A_121] {strides = array<i32>} : memref<512xf32, #tpu.memory_space<vmem>>, vector<16xf32>,
    tpu.vector_store %arg14[%swap3A_121], %broadcast_in_dim3A_120 {strides = array<i32>} : memref<512xf32, #tpu.memory_space<vmem>>, vector<16xf32>,
    %broadcast_in_dim3A_123 = arith.constant 1.000000e+00 : f32
    %broadcast_in_dim3A_124 = vector.broadcast %broadcast_in_dim3A_123 : f32 to vector<16xf32>
    %swap3A_125 = arith.constant 448 : index
    %swap3A_126 = tpu.vector_load %arg14[%swap3A_125] {strides = array<i32>} : memref<512xf32, #tpu.memory_space<vmem>>, vector<16xf32>,
    tpu.vector_store %arg14[%swap3A_125], %broadcast_in_dim3A_124 {strides = array<i32>} : memref<512xf32, #tpu.memory_space<vmem>>, vector<16xf32>,
    %broadcast_in_dim3A_127 = arith.constant 1.000000e+00 : f32
    %broadcast_in_dim3A_128 = vector.broadcast %broadcast_in_dim3A_127 : f32 to vector<16xf32>
    %swap3A_129 = arith.constant 464 : index
    %swap3A_130 = tpu.vector_load %arg14[%swap3A_129] {strides = array<i32>} : memref<512xf32, #tpu.memory_space<vmem>>, vector<16xf32>,
    tpu.vector_store %arg14[%swap3A_129], %broadcast_in_dim3A_128 {strides = array<i32>} : memref<512xf32, #tpu.memory_space<vmem>>, vector<16xf32>,
    %broadcast_in_dim3A_131 = arith.constant 1.000000e+00 : f32
    %broadcast_in_dim3A_132 = vector.broadcast %broadcast_in_dim3A_131 : f32 to vector<16xf32>
    %swap3A_133 = arith.constant 480 : index
    %swap3A_134 = tpu.vector_load %arg14[%swap3A_133] {strides = array<i32>} : memref<512xf32, #tpu.memory_space<vmem>>, vector<16xf32>,
    tpu.vector_store %arg14[%swap3A_133], %broadcast_in_dim3A_132 {strides = array<i32>} : memref<512xf32, #tpu.memory_space<vmem>>, vector<16xf32>,
    %broadcast_in_dim3A_135 = arith.constant 1.000000e+00 : f32
    %broadcast_in_dim3A_136 = vector.broadcast %broadcast_in_dim3A_135 : f32 to vector<16xf32>
    %swap3A_137 = arith.constant 496 : index
    %swap3A_138 = tpu.vector_load %arg14[%swap3A_137] {strides = array<i32>} : memref<512xf32, #tpu.memory_space<vmem>>, vector<16xf32>,
    tpu.vector_store %arg14[%swap3A_137], %broadcast_in_dim3A_136 {strides = array<i32>} : memref<512xf32, #tpu.memory_space<vmem>>, vector<16xf32>,
    %add3A = arith.constant 0 : i32
    %add3A_139 = arith.addi %mul3A_2, %add3A : i32
    "tpu.region"() ({
      %run_scoped3A = tpu.sem_alloc : memref<!tpu.dma_semaphore, #tpu.memory_space<semaphore_mem>>
      %dma_start3A = arith.constant 0 : i32
      %dma_start3A_179 = tpu.memref_slice %arg20[%add3A_139, %dma_start3A] : memref<65552x16xf32, #tpu.memory_space<vmem_shared>> -> memref<256x16xf32, #tpu.memory_space<vmem_shared>>
      %dma_start3A_180 = arith.constant 0 : i32
      %dma_start3A_181 = tpu.memref_slice %arg20[%add3A_139, %dma_start3A_180] : memref<65552x16xf32, #tpu.memory_space<vmem_shared>> -> memref<256x16xf32, #tpu.memory_space<vmem_shared>>
      tpu.enqueue_dma source(%arg15 : memref<256x16xf32, #tpu.memory_space<vmem>>) target(%dma_start3A_181 : memref<256x16xf32, #tpu.memory_space<vmem_shared>>) target_semaphore(%run_scoped3A : memref<!tpu.dma_semaphore, #tpu.memory_space<semaphore_mem>>)
      %dma_wait3A = arith.constant 0 : i32
      %dma_wait3A_182 = tpu.memref_slice %arg20[%add3A_139, %dma_wait3A] : memref<65552x16xf32, #tpu.memory_space<vmem_shared>> -> memref<256x16xf32, #tpu.memory_space<vmem_shared>>
      %dma_wait3A_183 = arith.constant 0 : i32
      %dma_wait3A_184 = tpu.memref_slice %arg20[%add3A_139, %dma_wait3A_183] : memref<65552x16xf32, #tpu.memory_space<vmem_shared>> -> memref<256x16xf32, #tpu.memory_space<vmem_shared>>
      tpu.wait_dma2 semaphore(%run_scoped3A : memref<!tpu.dma_semaphore, #tpu.memory_space<semaphore_mem>>) src(%arg15 : memref<256x16xf32, #tpu.memory_space<vmem>>) dst(%dma_wait3A_184 : memref<256x16xf32, #tpu.memory_space<vmem_shared>>)
      tpu.yield
    }) : () -> ()
    %add3A_140 = arith.constant 256 : i32
    %add3A_141 = arith.addi %mul3A_2, %add3A_140 : i32
    "tpu.region"() ({
      %run_scoped3A = tpu.sem_alloc : memref<!tpu.dma_semaphore, #tpu.memory_space<semaphore_mem>>
      %dma_start3A = arith.constant 0 : i32
      %dma_start3A_179 = tpu.memref_slice %arg20[%add3A_141, %dma_start3A] : memref<65552x16xf32, #tpu.memory_space<vmem_shared>> -> memref<256x16xf32, #tpu.memory_space<vmem_shared>>
      %dma_start3A_180 = arith.constant 0 : i32
      %dma_start3A_181 = tpu.memref_slice %arg20[%add3A_141, %dma_start3A_180] : memref<65552x16xf32, #tpu.memory_space<vmem_shared>> -> memref<256x16xf32, #tpu.memory_space<vmem_shared>>
      tpu.enqueue_dma source(%arg15 : memref<256x16xf32, #tpu.memory_space<vmem>>) target(%dma_start3A_181 : memref<256x16xf32, #tpu.memory_space<vmem_shared>>) target_semaphore(%run_scoped3A : memref<!tpu.dma_semaphore, #tpu.memory_space<semaphore_mem>>)
      %dma_wait3A = arith.constant 0 : i32
      %dma_wait3A_182 = tpu.memref_slice %arg20[%add3A_141, %dma_wait3A] : memref<65552x16xf32, #tpu.memory_space<vmem_shared>> -> memref<256x16xf32, #tpu.memory_space<vmem_shared>>
      %dma_wait3A_183 = arith.constant 0 : i32
      %dma_wait3A_184 = tpu.memref_slice %arg20[%add3A_141, %dma_wait3A_183] : memref<65552x16xf32, #tpu.memory_space<vmem_shared>> -> memref<256x16xf32, #tpu.memory_space<vmem_shared>>
      tpu.wait_dma2 semaphore(%run_scoped3A : memref<!tpu.dma_semaphore, #tpu.memory_space<semaphore_mem>>) src(%arg15 : memref<256x16xf32, #tpu.memory_space<vmem>>) dst(%dma_wait3A_184 : memref<256x16xf32, #tpu.memory_space<vmem_shared>>)
      tpu.yield
    }) : () -> ()
    %add3A_142 = arith.constant 512 : i32
    %add3A_143 = arith.addi %mul3A_2, %add3A_142 : i32
    "tpu.region"() ({
      %run_scoped3A = tpu.sem_alloc : memref<!tpu.dma_semaphore, #tpu.memory_space<semaphore_mem>>
      %dma_start3A = arith.constant 0 : i32
      %dma_start3A_179 = tpu.memref_slice %arg20[%add3A_143, %dma_start3A] : memref<65552x16xf32, #tpu.memory_space<vmem_shared>> -> memref<256x16xf32, #tpu.memory_space<vmem_shared>>
      %dma_start3A_180 = arith.constant 0 : i32
      %dma_start3A_181 = tpu.memref_slice %arg20[%add3A_143, %dma_start3A_180] : memref<65552x16xf32, #tpu.memory_space<vmem_shared>> -> memref<256x16xf32, #tpu.memory_space<vmem_shared>>
      tpu.enqueue_dma source(%arg15 : memref<256x16xf32, #tpu.memory_space<vmem>>) target(%dma_start3A_181 : memref<256x16xf32, #tpu.memory_space<vmem_shared>>) target_semaphore(%run_scoped3A : memref<!tpu.dma_semaphore, #tpu.memory_space<semaphore_mem>>)
      %dma_wait3A = arith.constant 0 : i32
      %dma_wait3A_182 = tpu.memref_slice %arg20[%add3A_143, %dma_wait3A] : memref<65552x16xf32, #tpu.memory_space<vmem_shared>> -> memref<256x16xf32, #tpu.memory_space<vmem_shared>>
      %dma_wait3A_183 = arith.constant 0 : i32
      %dma_wait3A_184 = tpu.memref_slice %arg20[%add3A_143, %dma_wait3A_183] : memref<65552x16xf32, #tpu.memory_space<vmem_shared>> -> memref<256x16xf32, #tpu.memory_space<vmem_shared>>
      tpu.wait_dma2 semaphore(%run_scoped3A : memref<!tpu.dma_semaphore, #tpu.memory_space<semaphore_mem>>) src(%arg15 : memref<256x16xf32, #tpu.memory_space<vmem>>) dst(%dma_wait3A_184 : memref<256x16xf32, #tpu.memory_space<vmem_shared>>)
      tpu.yield
    }) : () -> ()
    %add3A_144 = arith.constant 768 : i32
    %add3A_145 = arith.addi %mul3A_2, %add3A_144 : i32
    "tpu.region"() ({
      %run_scoped3A = tpu.sem_alloc : memref<!tpu.dma_semaphore, #tpu.memory_space<semaphore_mem>>
      %dma_start3A = arith.constant 0 : i32
      %dma_start3A_179 = tpu.memref_slice %arg20[%add3A_145, %dma_start3A] : memref<65552x16xf32, #tpu.memory_space<vmem_shared>> -> memref<256x16xf32, #tpu.memory_space<vmem_shared>>
      %dma_start3A_180 = arith.constant 0 : i32
      %dma_start3A_181 = tpu.memref_slice %arg20[%add3A_145, %dma_start3A_180] : memref<65552x16xf32, #tpu.memory_space<vmem_shared>> -> memref<256x16xf32, #tpu.memory_space<vmem_shared>>
      tpu.enqueue_dma source(%arg15 : memref<256x16xf32, #tpu.memory_space<vmem>>) target(%dma_start3A_181 : memref<256x16xf32, #tpu.memory_space<vmem_shared>>) target_semaphore(%run_scoped3A : memref<!tpu.dma_semaphore, #tpu.memory_space<semaphore_mem>>)
      %dma_wait3A = arith.constant 0 : i32
      %dma_wait3A_182 = tpu.memref_slice %arg20[%add3A_145, %dma_wait3A] : memref<65552x16xf32, #tpu.memory_space<vmem_shared>> -> memref<256x16xf32, #tpu.memory_space<vmem_shared>>
      %dma_wait3A_183 = arith.constant 0 : i32
      %dma_wait3A_184 = tpu.memref_slice %arg20[%add3A_145, %dma_wait3A_183] : memref<65552x16xf32, #tpu.memory_space<vmem_shared>> -> memref<256x16xf32, #tpu.memory_space<vmem_shared>>
      tpu.wait_dma2 semaphore(%run_scoped3A : memref<!tpu.dma_semaphore, #tpu.memory_space<semaphore_mem>>) src(%arg15 : memref<256x16xf32, #tpu.memory_space<vmem>>) dst(%dma_wait3A_184 : memref<256x16xf32, #tpu.memory_space<vmem_shared>>)
      tpu.yield
    }) : () -> ()
    %add3A_146 = arith.constant 1024 : i32
    %add3A_147 = arith.addi %mul3A_2, %add3A_146 : i32
    "tpu.region"() ({
      %run_scoped3A = tpu.sem_alloc : memref<!tpu.dma_semaphore, #tpu.memory_space<semaphore_mem>>
      %dma_start3A = arith.constant 0 : i32
      %dma_start3A_179 = tpu.memref_slice %arg20[%add3A_147, %dma_start3A] : memref<65552x16xf32, #tpu.memory_space<vmem_shared>> -> memref<256x16xf32, #tpu.memory_space<vmem_shared>>
      %dma_start3A_180 = arith.constant 0 : i32
      %dma_start3A_181 = tpu.memref_slice %arg20[%add3A_147, %dma_start3A_180] : memref<65552x16xf32, #tpu.memory_space<vmem_shared>> -> memref<256x16xf32, #tpu.memory_space<vmem_shared>>
      tpu.enqueue_dma source(%arg15 : memref<256x16xf32, #tpu.memory_space<vmem>>) target(%dma_start3A_181 : memref<256x16xf32, #tpu.memory_space<vmem_shared>>) target_semaphore(%run_scoped3A : memref<!tpu.dma_semaphore, #tpu.memory_space<semaphore_mem>>)
      %dma_wait3A = arith.constant 0 : i32
      %dma_wait3A_182 = tpu.memref_slice %arg20[%add3A_147, %dma_wait3A] : memref<65552x16xf32, #tpu.memory_space<vmem_shared>> -> memref<256x16xf32, #tpu.memory_space<vmem_shared>>
      %dma_wait3A_183 = arith.constant 0 : i32
      %dma_wait3A_184 = tpu.memref_slice %arg20[%add3A_147, %dma_wait3A_183] : memref<65552x16xf32, #tpu.memory_space<vmem_shared>> -> memref<256x16xf32, #tpu.memory_space<vmem_shared>>
      tpu.wait_dma2 semaphore(%run_scoped3A : memref<!tpu.dma_semaphore, #tpu.memory_space<semaphore_mem>>) src(%arg15 : memref<256x16xf32, #tpu.memory_space<vmem>>) dst(%dma_wait3A_184 : memref<256x16xf32, #tpu.memory_space<vmem_shared>>)
      tpu.yield
    }) : () -> ()
    %add3A_148 = arith.constant 1280 : i32
    %add3A_149 = arith.addi %mul3A_2, %add3A_148 : i32
    "tpu.region"() ({
      %run_scoped3A = tpu.sem_alloc : memref<!tpu.dma_semaphore, #tpu.memory_space<semaphore_mem>>
      %dma_start3A = arith.constant 0 : i32
      %dma_start3A_179 = tpu.memref_slice %arg20[%add3A_149, %dma_start3A] : memref<65552x16xf32, #tpu.memory_space<vmem_shared>> -> memref<256x16xf32, #tpu.memory_space<vmem_shared>>
      %dma_start3A_180 = arith.constant 0 : i32
      %dma_start3A_181 = tpu.memref_slice %arg20[%add3A_149, %dma_start3A_180] : memref<65552x16xf32, #tpu.memory_space<vmem_shared>> -> memref<256x16xf32, #tpu.memory_space<vmem_shared>>
      tpu.enqueue_dma source(%arg15 : memref<256x16xf32, #tpu.memory_space<vmem>>) target(%dma_start3A_181 : memref<256x16xf32, #tpu.memory_space<vmem_shared>>) target_semaphore(%run_scoped3A : memref<!tpu.dma_semaphore, #tpu.memory_space<semaphore_mem>>)
      %dma_wait3A = arith.constant 0 : i32
      %dma_wait3A_182 = tpu.memref_slice %arg20[%add3A_149, %dma_wait3A] : memref<65552x16xf32, #tpu.memory_space<vmem_shared>> -> memref<256x16xf32, #tpu.memory_space<vmem_shared>>
      %dma_wait3A_183 = arith.constant 0 : i32
      %dma_wait3A_184 = tpu.memref_slice %arg20[%add3A_149, %dma_wait3A_183] : memref<65552x16xf32, #tpu.memory_space<vmem_shared>> -> memref<256x16xf32, #tpu.memory_space<vmem_shared>>
      tpu.wait_dma2 semaphore(%run_scoped3A : memref<!tpu.dma_semaphore, #tpu.memory_space<semaphore_mem>>) src(%arg15 : memref<256x16xf32, #tpu.memory_space<vmem>>) dst(%dma_wait3A_184 : memref<256x16xf32, #tpu.memory_space<vmem_shared>>)
      tpu.yield
    }) : () -> ()
    %add3A_150 = arith.constant 1536 : i32
    %add3A_151 = arith.addi %mul3A_2, %add3A_150 : i32
    "tpu.region"() ({
      %run_scoped3A = tpu.sem_alloc : memref<!tpu.dma_semaphore, #tpu.memory_space<semaphore_mem>>
      %dma_start3A = arith.constant 0 : i32
      %dma_start3A_179 = tpu.memref_slice %arg20[%add3A_151, %dma_start3A] : memref<65552x16xf32, #tpu.memory_space<vmem_shared>> -> memref<256x16xf32, #tpu.memory_space<vmem_shared>>
      %dma_start3A_180 = arith.constant 0 : i32
      %dma_start3A_181 = tpu.memref_slice %arg20[%add3A_151, %dma_start3A_180] : memref<65552x16xf32, #tpu.memory_space<vmem_shared>> -> memref<256x16xf32, #tpu.memory_space<vmem_shared>>
      tpu.enqueue_dma source(%arg15 : memref<256x16xf32, #tpu.memory_space<vmem>>) target(%dma_start3A_181 : memref<256x16xf32, #tpu.memory_space<vmem_shared>>) target_semaphore(%run_scoped3A : memref<!tpu.dma_semaphore, #tpu.memory_space<semaphore_mem>>)
      %dma_wait3A = arith.constant 0 : i32
      %dma_wait3A_182 = tpu.memref_slice %arg20[%add3A_151, %dma_wait3A] : memref<65552x16xf32, #tpu.memory_space<vmem_shared>> -> memref<256x16xf32, #tpu.memory_space<vmem_shared>>
      %dma_wait3A_183 = arith.constant 0 : i32
      %dma_wait3A_184 = tpu.memref_slice %arg20[%add3A_151, %dma_wait3A_183] : memref<65552x16xf32, #tpu.memory_space<vmem_shared>> -> memref<256x16xf32, #tpu.memory_space<vmem_shared>>
      tpu.wait_dma2 semaphore(%run_scoped3A : memref<!tpu.dma_semaphore, #tpu.memory_space<semaphore_mem>>) src(%arg15 : memref<256x16xf32, #tpu.memory_space<vmem>>) dst(%dma_wait3A_184 : memref<256x16xf32, #tpu.memory_space<vmem_shared>>)
      tpu.yield
    }) : () -> ()
    %add3A_152 = arith.constant 1792 : i32
    %add3A_153 = arith.addi %mul3A_2, %add3A_152 : i32
    "tpu.region"() ({
      %run_scoped3A = tpu.sem_alloc : memref<!tpu.dma_semaphore, #tpu.memory_space<semaphore_mem>>
      %dma_start3A = arith.constant 0 : i32
      %dma_start3A_179 = tpu.memref_slice %arg20[%add3A_153, %dma_start3A] : memref<65552x16xf32, #tpu.memory_space<vmem_shared>> -> memref<256x16xf32, #tpu.memory_space<vmem_shared>>
      %dma_start3A_180 = arith.constant 0 : i32
      %dma_start3A_181 = tpu.memref_slice %arg20[%add3A_153, %dma_start3A_180] : memref<65552x16xf32, #tpu.memory_space<vmem_shared>> -> memref<256x16xf32, #tpu.memory_space<vmem_shared>>
      tpu.enqueue_dma source(%arg15 : memref<256x16xf32, #tpu.memory_space<vmem>>) target(%dma_start3A_181 : memref<256x16xf32, #tpu.memory_space<vmem_shared>>) target_semaphore(%run_scoped3A : memref<!tpu.dma_semaphore, #tpu.memory_space<semaphore_mem>>)
      %dma_wait3A = arith.constant 0 : i32
      %dma_wait3A_182 = tpu.memref_slice %arg20[%add3A_153, %dma_wait3A] : memref<65552x16xf32, #tpu.memory_space<vmem_shared>> -> memref<256x16xf32, #tpu.memory_space<vmem_shared>>
      %dma_wait3A_183 = arith.constant 0 : i32
      %dma_wait3A_184 = tpu.memref_slice %arg20[%add3A_153, %dma_wait3A_183] : memref<65552x16xf32, #tpu.memory_space<vmem_shared>> -> memref<256x16xf32, #tpu.memory_space<vmem_shared>>
      tpu.wait_dma2 semaphore(%run_scoped3A : memref<!tpu.dma_semaphore, #tpu.memory_space<semaphore_mem>>) src(%arg15 : memref<256x16xf32, #tpu.memory_space<vmem>>) dst(%dma_wait3A_184 : memref<256x16xf32, #tpu.memory_space<vmem_shared>>)
      tpu.yield
    }) : () -> ()
    %add3A_154 = arith.constant 2048 : i32
    %add3A_155 = arith.addi %mul3A_2, %add3A_154 : i32
    "tpu.region"() ({
      %run_scoped3A = tpu.sem_alloc : memref<!tpu.dma_semaphore, #tpu.memory_space<semaphore_mem>>
      %dma_start3A = arith.constant 0 : i32
      %dma_start3A_179 = tpu.memref_slice %arg20[%add3A_155, %dma_start3A] : memref<65552x16xf32, #tpu.memory_space<vmem_shared>> -> memref<256x16xf32, #tpu.memory_space<vmem_shared>>
      %dma_start3A_180 = arith.constant 0 : i32
      %dma_start3A_181 = tpu.memref_slice %arg20[%add3A_155, %dma_start3A_180] : memref<65552x16xf32, #tpu.memory_space<vmem_shared>> -> memref<256x16xf32, #tpu.memory_space<vmem_shared>>
      tpu.enqueue_dma source(%arg15 : memref<256x16xf32, #tpu.memory_space<vmem>>) target(%dma_start3A_181 : memref<256x16xf32, #tpu.memory_space<vmem_shared>>) target_semaphore(%run_scoped3A : memref<!tpu.dma_semaphore, #tpu.memory_space<semaphore_mem>>)
      %dma_wait3A = arith.constant 0 : i32
      %dma_wait3A_182 = tpu.memref_slice %arg20[%add3A_155, %dma_wait3A] : memref<65552x16xf32, #tpu.memory_space<vmem_shared>> -> memref<256x16xf32, #tpu.memory_space<vmem_shared>>
      %dma_wait3A_183 = arith.constant 0 : i32
      %dma_wait3A_184 = tpu.memref_slice %arg20[%add3A_155, %dma_wait3A_183] : memref<65552x16xf32, #tpu.memory_space<vmem_shared>> -> memref<256x16xf32, #tpu.memory_space<vmem_shared>>
      tpu.wait_dma2 semaphore(%run_scoped3A : memref<!tpu.dma_semaphore, #tpu.memory_space<semaphore_mem>>) src(%arg15 : memref<256x16xf32, #tpu.memory_space<vmem>>) dst(%dma_wait3A_184 : memref<256x16xf32, #tpu.memory_space<vmem_shared>>)
      tpu.yield
    }) : () -> ()
    %add3A_156 = arith.constant 2304 : i32
    %add3A_157 = arith.addi %mul3A_2, %add3A_156 : i32
    "tpu.region"() ({
      %run_scoped3A = tpu.sem_alloc : memref<!tpu.dma_semaphore, #tpu.memory_space<semaphore_mem>>
      %dma_start3A = arith.constant 0 : i32
      %dma_start3A_179 = tpu.memref_slice %arg20[%add3A_157, %dma_start3A] : memref<65552x16xf32, #tpu.memory_space<vmem_shared>> -> memref<256x16xf32, #tpu.memory_space<vmem_shared>>
      %dma_start3A_180 = arith.constant 0 : i32
      %dma_start3A_181 = tpu.memref_slice %arg20[%add3A_157, %dma_start3A_180] : memref<65552x16xf32, #tpu.memory_space<vmem_shared>> -> memref<256x16xf32, #tpu.memory_space<vmem_shared>>
      tpu.enqueue_dma source(%arg15 : memref<256x16xf32, #tpu.memory_space<vmem>>) target(%dma_start3A_181 : memref<256x16xf32, #tpu.memory_space<vmem_shared>>) target_semaphore(%run_scoped3A : memref<!tpu.dma_semaphore, #tpu.memory_space<semaphore_mem>>)
      %dma_wait3A = arith.constant 0 : i32
      %dma_wait3A_182 = tpu.memref_slice %arg20[%add3A_157, %dma_wait3A] : memref<65552x16xf32, #tpu.memory_space<vmem_shared>> -> memref<256x16xf32, #tpu.memory_space<vmem_shared>>
      %dma_wait3A_183 = arith.constant 0 : i32
      %dma_wait3A_184 = tpu.memref_slice %arg20[%add3A_157, %dma_wait3A_183] : memref<65552x16xf32, #tpu.memory_space<vmem_shared>> -> memref<256x16xf32, #tpu.memory_space<vmem_shared>>
      tpu.wait_dma2 semaphore(%run_scoped3A : memref<!tpu.dma_semaphore, #tpu.memory_space<semaphore_mem>>) src(%arg15 : memref<256x16xf32, #tpu.memory_space<vmem>>) dst(%dma_wait3A_184 : memref<256x16xf32, #tpu.memory_space<vmem_shared>>)
      tpu.yield
    }) : () -> ()
    %add3A_158 = arith.constant 2560 : i32
    %add3A_159 = arith.addi %mul3A_2, %add3A_158 : i32
    "tpu.region"() ({
      %run_scoped3A = tpu.sem_alloc : memref<!tpu.dma_semaphore, #tpu.memory_space<semaphore_mem>>
      %dma_start3A = arith.constant 0 : i32
      %dma_start3A_179 = tpu.memref_slice %arg20[%add3A_159, %dma_start3A] : memref<65552x16xf32, #tpu.memory_space<vmem_shared>> -> memref<256x16xf32, #tpu.memory_space<vmem_shared>>
      %dma_start3A_180 = arith.constant 0 : i32
      %dma_start3A_181 = tpu.memref_slice %arg20[%add3A_159, %dma_start3A_180] : memref<65552x16xf32, #tpu.memory_space<vmem_shared>> -> memref<256x16xf32, #tpu.memory_space<vmem_shared>>
      tpu.enqueue_dma source(%arg15 : memref<256x16xf32, #tpu.memory_space<vmem>>) target(%dma_start3A_181 : memref<256x16xf32, #tpu.memory_space<vmem_shared>>) target_semaphore(%run_scoped3A : memref<!tpu.dma_semaphore, #tpu.memory_space<semaphore_mem>>)
      %dma_wait3A = arith.constant 0 : i32
      %dma_wait3A_182 = tpu.memref_slice %arg20[%add3A_159, %dma_wait3A] : memref<65552x16xf32, #tpu.memory_space<vmem_shared>> -> memref<256x16xf32, #tpu.memory_space<vmem_shared>>
      %dma_wait3A_183 = arith.constant 0 : i32
      %dma_wait3A_184 = tpu.memref_slice %arg20[%add3A_159, %dma_wait3A_183] : memref<65552x16xf32, #tpu.memory_space<vmem_shared>> -> memref<256x16xf32, #tpu.memory_space<vmem_shared>>
      tpu.wait_dma2 semaphore(%run_scoped3A : memref<!tpu.dma_semaphore, #tpu.memory_space<semaphore_mem>>) src(%arg15 : memref<256x16xf32, #tpu.memory_space<vmem>>) dst(%dma_wait3A_184 : memref<256x16xf32, #tpu.memory_space<vmem_shared>>)
      tpu.yield
    }) : () -> ()
    %add3A_160 = arith.constant 2816 : i32
    %add3A_161 = arith.addi %mul3A_2, %add3A_160 : i32
    "tpu.region"() ({
      %run_scoped3A = tpu.sem_alloc : memref<!tpu.dma_semaphore, #tpu.memory_space<semaphore_mem>>
      %dma_start3A = arith.constant 0 : i32
      %dma_start3A_179 = tpu.memref_slice %arg20[%add3A_161, %dma_start3A] : memref<65552x16xf32, #tpu.memory_space<vmem_shared>> -> memref<256x16xf32, #tpu.memory_space<vmem_shared>>
      %dma_start3A_180 = arith.constant 0 : i32
      %dma_start3A_181 = tpu.memref_slice %arg20[%add3A_161, %dma_start3A_180] : memref<65552x16xf32, #tpu.memory_space<vmem_shared>> -> memref<256x16xf32, #tpu.memory_space<vmem_shared>>
      tpu.enqueue_dma source(%arg15 : memref<256x16xf32, #tpu.memory_space<vmem>>) target(%dma_start3A_181 : memref<256x16xf32, #tpu.memory_space<vmem_shared>>) target_semaphore(%run_scoped3A : memref<!tpu.dma_semaphore, #tpu.memory_space<semaphore_mem>>)
      %dma_wait3A = arith.constant 0 : i32
      %dma_wait3A_182 = tpu.memref_slice %arg20[%add3A_161, %dma_wait3A] : memref<65552x16xf32, #tpu.memory_space<vmem_shared>> -> memref<256x16xf32, #tpu.memory_space<vmem_shared>>
      %dma_wait3A_183 = arith.constant 0 : i32
      %dma_wait3A_184 = tpu.memref_slice %arg20[%add3A_161, %dma_wait3A_183] : memref<65552x16xf32, #tpu.memory_space<vmem_shared>> -> memref<256x16xf32, #tpu.memory_space<vmem_shared>>
      tpu.wait_dma2 semaphore(%run_scoped3A : memref<!tpu.dma_semaphore, #tpu.memory_space<semaphore_mem>>) src(%arg15 : memref<256x16xf32, #tpu.memory_space<vmem>>) dst(%dma_wait3A_184 : memref<256x16xf32, #tpu.memory_space<vmem_shared>>)
      tpu.yield
    }) : () -> ()
    %add3A_162 = arith.constant 3072 : i32
    %add3A_163 = arith.addi %mul3A_2, %add3A_162 : i32
    "tpu.region"() ({
      %run_scoped3A = tpu.sem_alloc : memref<!tpu.dma_semaphore, #tpu.memory_space<semaphore_mem>>
      %dma_start3A = arith.constant 0 : i32
      %dma_start3A_179 = tpu.memref_slice %arg20[%add3A_163, %dma_start3A] : memref<65552x16xf32, #tpu.memory_space<vmem_shared>> -> memref<256x16xf32, #tpu.memory_space<vmem_shared>>
      %dma_start3A_180 = arith.constant 0 : i32
      %dma_start3A_181 = tpu.memref_slice %arg20[%add3A_163, %dma_start3A_180] : memref<65552x16xf32, #tpu.memory_space<vmem_shared>> -> memref<256x16xf32, #tpu.memory_space<vmem_shared>>
      tpu.enqueue_dma source(%arg15 : memref<256x16xf32, #tpu.memory_space<vmem>>) target(%dma_start3A_181 : memref<256x16xf32, #tpu.memory_space<vmem_shared>>) target_semaphore(%run_scoped3A : memref<!tpu.dma_semaphore, #tpu.memory_space<semaphore_mem>>)
      %dma_wait3A = arith.constant 0 : i32
      %dma_wait3A_182 = tpu.memref_slice %arg20[%add3A_163, %dma_wait3A] : memref<65552x16xf32, #tpu.memory_space<vmem_shared>> -> memref<256x16xf32, #tpu.memory_space<vmem_shared>>
      %dma_wait3A_183 = arith.constant 0 : i32
      %dma_wait3A_184 = tpu.memref_slice %arg20[%add3A_163, %dma_wait3A_183] : memref<65552x16xf32, #tpu.memory_space<vmem_shared>> -> memref<256x16xf32, #tpu.memory_space<vmem_shared>>
      tpu.wait_dma2 semaphore(%run_scoped3A : memref<!tpu.dma_semaphore, #tpu.memory_space<semaphore_mem>>) src(%arg15 : memref<256x16xf32, #tpu.memory_space<vmem>>) dst(%dma_wait3A_184 : memref<256x16xf32, #tpu.memory_space<vmem_shared>>)
      tpu.yield
    }) : () -> ()
    %add3A_164 = arith.constant 3328 : i32
    %add3A_165 = arith.addi %mul3A_2, %add3A_164 : i32
    "tpu.region"() ({
      %run_scoped3A = tpu.sem_alloc : memref<!tpu.dma_semaphore, #tpu.memory_space<semaphore_mem>>
      %dma_start3A = arith.constant 0 : i32
      %dma_start3A_179 = tpu.memref_slice %arg20[%add3A_165, %dma_start3A] : memref<65552x16xf32, #tpu.memory_space<vmem_shared>> -> memref<256x16xf32, #tpu.memory_space<vmem_shared>>
      %dma_start3A_180 = arith.constant 0 : i32
      %dma_start3A_181 = tpu.memref_slice %arg20[%add3A_165, %dma_start3A_180] : memref<65552x16xf32, #tpu.memory_space<vmem_shared>> -> memref<256x16xf32, #tpu.memory_space<vmem_shared>>
      tpu.enqueue_dma source(%arg15 : memref<256x16xf32, #tpu.memory_space<vmem>>) target(%dma_start3A_181 : memref<256x16xf32, #tpu.memory_space<vmem_shared>>) target_semaphore(%run_scoped3A : memref<!tpu.dma_semaphore, #tpu.memory_space<semaphore_mem>>)
      %dma_wait3A = arith.constant 0 : i32
      %dma_wait3A_182 = tpu.memref_slice %arg20[%add3A_165, %dma_wait3A] : memref<65552x16xf32, #tpu.memory_space<vmem_shared>> -> memref<256x16xf32, #tpu.memory_space<vmem_shared>>
      %dma_wait3A_183 = arith.constant 0 : i32
      %dma_wait3A_184 = tpu.memref_slice %arg20[%add3A_165, %dma_wait3A_183] : memref<65552x16xf32, #tpu.memory_space<vmem_shared>> -> memref<256x16xf32, #tpu.memory_space<vmem_shared>>
      tpu.wait_dma2 semaphore(%run_scoped3A : memref<!tpu.dma_semaphore, #tpu.memory_space<semaphore_mem>>) src(%arg15 : memref<256x16xf32, #tpu.memory_space<vmem>>) dst(%dma_wait3A_184 : memref<256x16xf32, #tpu.memory_space<vmem_shared>>)
      tpu.yield
    }) : () -> ()
    %add3A_166 = arith.constant 3584 : i32
    %add3A_167 = arith.addi %mul3A_2, %add3A_166 : i32
    "tpu.region"() ({
      %run_scoped3A = tpu.sem_alloc : memref<!tpu.dma_semaphore, #tpu.memory_space<semaphore_mem>>
      %dma_start3A = arith.constant 0 : i32
      %dma_start3A_179 = tpu.memref_slice %arg20[%add3A_167, %dma_start3A] : memref<65552x16xf32, #tpu.memory_space<vmem_shared>> -> memref<256x16xf32, #tpu.memory_space<vmem_shared>>
      %dma_start3A_180 = arith.constant 0 : i32
      %dma_start3A_181 = tpu.memref_slice %arg20[%add3A_167, %dma_start3A_180] : memref<65552x16xf32, #tpu.memory_space<vmem_shared>> -> memref<256x16xf32, #tpu.memory_space<vmem_shared>>
      tpu.enqueue_dma source(%arg15 : memref<256x16xf32, #tpu.memory_space<vmem>>) target(%dma_start3A_181 : memref<256x16xf32, #tpu.memory_space<vmem_shared>>) target_semaphore(%run_scoped3A : memref<!tpu.dma_semaphore, #tpu.memory_space<semaphore_mem>>)
      %dma_wait3A = arith.constant 0 : i32
      %dma_wait3A_182 = tpu.memref_slice %arg20[%add3A_167, %dma_wait3A] : memref<65552x16xf32, #tpu.memory_space<vmem_shared>> -> memref<256x16xf32, #tpu.memory_space<vmem_shared>>
      %dma_wait3A_183 = arith.constant 0 : i32
      %dma_wait3A_184 = tpu.memref_slice %arg20[%add3A_167, %dma_wait3A_183] : memref<65552x16xf32, #tpu.memory_space<vmem_shared>> -> memref<256x16xf32, #tpu.memory_space<vmem_shared>>
      tpu.wait_dma2 semaphore(%run_scoped3A : memref<!tpu.dma_semaphore, #tpu.memory_space<semaphore_mem>>) src(%arg15 : memref<256x16xf32, #tpu.memory_space<vmem>>) dst(%dma_wait3A_184 : memref<256x16xf32, #tpu.memory_space<vmem_shared>>)
      tpu.yield
    }) : () -> ()
    %add3A_168 = arith.constant 3840 : i32
    %add3A_169 = arith.addi %mul3A_2, %add3A_168 : i32
    "tpu.region"() ({
      %run_scoped3A = tpu.sem_alloc : memref<!tpu.dma_semaphore, #tpu.memory_space<semaphore_mem>>
      %dma_start3A = arith.constant 0 : i32
      %dma_start3A_179 = tpu.memref_slice %arg20[%add3A_169, %dma_start3A] : memref<65552x16xf32, #tpu.memory_space<vmem_shared>> -> memref<256x16xf32, #tpu.memory_space<vmem_shared>>
      %dma_start3A_180 = arith.constant 0 : i32
      %dma_start3A_181 = tpu.memref_slice %arg20[%add3A_169, %dma_start3A_180] : memref<65552x16xf32, #tpu.memory_space<vmem_shared>> -> memref<256x16xf32, #tpu.memory_space<vmem_shared>>
      tpu.enqueue_dma source(%arg15 : memref<256x16xf32, #tpu.memory_space<vmem>>) target(%dma_start3A_181 : memref<256x16xf32, #tpu.memory_space<vmem_shared>>) target_semaphore(%run_scoped3A : memref<!tpu.dma_semaphore, #tpu.memory_space<semaphore_mem>>)
      %dma_wait3A = arith.constant 0 : i32
      %dma_wait3A_182 = tpu.memref_slice %arg20[%add3A_169, %dma_wait3A] : memref<65552x16xf32, #tpu.memory_space<vmem_shared>> -> memref<256x16xf32, #tpu.memory_space<vmem_shared>>
      %dma_wait3A_183 = arith.constant 0 : i32
      %dma_wait3A_184 = tpu.memref_slice %arg20[%add3A_169, %dma_wait3A_183] : memref<65552x16xf32, #tpu.memory_space<vmem_shared>> -> memref<256x16xf32, #tpu.memory_space<vmem_shared>>
      tpu.wait_dma2 semaphore(%run_scoped3A : memref<!tpu.dma_semaphore, #tpu.memory_space<semaphore_mem>>) src(%arg15 : memref<256x16xf32, #tpu.memory_space<vmem>>) dst(%dma_wait3A_184 : memref<256x16xf32, #tpu.memory_space<vmem_shared>>)
      tpu.yield
    }) : () -> ()
    %add3A_170 = arith.constant 0 : i32
    %add3A_171 = arith.addi %mul3A_2, %add3A_170 : i32
    "tpu.region"() ({
      %run_scoped3A = tpu.sem_alloc : memref<!tpu.dma_semaphore, #tpu.memory_space<semaphore_mem>>
      %dma_start3A = tpu.memref_slice %arg21[%add3A_171] : memref<65552xf32, #tpu.memory_space<vmem_shared>> -> memref<4096xf32, #tpu.memory_space<vmem_shared>>
      %dma_start3A_179 = tpu.memref_slice %arg21[%add3A_171] : memref<65552xf32, #tpu.memory_space<vmem_shared>> -> memref<4096xf32, #tpu.memory_space<vmem_shared>>
      tpu.enqueue_dma source(%arg16 : memref<4096xf32, #tpu.memory_space<vmem>>) target(%dma_start3A_179 : memref<4096xf32, #tpu.memory_space<vmem_shared>>) target_semaphore(%run_scoped3A : memref<!tpu.dma_semaphore, #tpu.memory_space<semaphore_mem>>)
      %dma_wait3A = tpu.memref_slice %arg21[%add3A_171] : memref<65552xf32, #tpu.memory_space<vmem_shared>> -> memref<4096xf32, #tpu.memory_space<vmem_shared>>
      %dma_wait3A_180 = tpu.memref_slice %arg21[%add3A_171] : memref<65552xf32, #tpu.memory_space<vmem_shared>> -> memref<4096xf32, #tpu.memory_space<vmem_shared>>
      tpu.wait_dma2 semaphore(%run_scoped3A : memref<!tpu.dma_semaphore, #tpu.memory_space<semaphore_mem>>) src(%arg16 : memref<4096xf32, #tpu.memory_space<vmem>>) dst(%dma_wait3A_180 : memref<4096xf32, #tpu.memory_space<vmem_shared>>)
      tpu.yield
    }) : () -> ()
    %scan3A_172 = arith.constant 0 : i32
    %scan3A_173 = arith.constant 0 : i32
    %scan3A_174 = arith.constant 8 : i32
    %scan3A_175 = arith.addi %scan3A_173, %scan3A_174 : i32
    %scan3A_176 = arith.constant 1 : i32
    %scan3A_177 = scf.for %scan3A_179 = %scan3A_173 to %scan3A_175 step %scan3A_176 iter_args(%scan3A_180 = %scan3A_172) -> (i32)  : i32 {
      %barrier3A = arith.constant 0 : index
      tpu.barrier barrier_id(%barrier3A)
      %mul3A_181 = arith.constant 2 : i32
      %mul3A_182 = arith.muli %scan3A_179, %mul3A_181 : i32
      %add3A_183 = arith.addi %mul3A_182, %arg0 : i32
      %mul3A_184 = arith.constant 65536 : i32
      %mul3A_185 = arith.muli %add3A_183, %mul3A_184 : i32
      %broadcast_in_dim3A_186 = vector.broadcast %mul3A_185 : i32 to vector<16xi32>
      %broadcast_in_dim3A_187 = arith.constant 8191 : i32
      %broadcast_in_dim3A_188 = vector.broadcast %broadcast_in_dim3A_187 : i32 to vector<16xi32>
      %add3A_189 = arith.constant 0 : i32
      %add3A_190 = arith.addi %mul3A_0, %add3A_189 : i32
      %dma_start3A = arith.constant 0 : i32
      %dma_start3A_191 = arith.constant 0 : i32
      %dma_start3A_192 = tpu.memref_slice %arg5[%dma_start3A, %dma_start3A_191] : memref<2x3200xi32, #tpu.memory_space<vmem>> -> memref<1x3200xi32, #tpu.memory_space<vmem>>
      %dma_start3A_193 = tpu.memref_squeeze %dma_start3A_192 : memref<1x3200xi32, #tpu.memory_space<vmem>> -> memref<3200xi32, #tpu.memory_space<vmem>>
      %dma_start3A_194 = tpu.memref_slice %arg2[%add3A_190] : memref<409600xi32, #tpu.memory_space<hbm>> -> memref<3200xi32, #tpu.memory_space<hbm>>
      %dma_start3A_195 = arith.constant 0 : i32
      %dma_start3A_196 = tpu.memref_slice %arg5[%dma_start3A, %dma_start3A_195] : memref<2x3200xi32, #tpu.memory_space<vmem>> -> memref<1x3200xi32, #tpu.memory_space<vmem>>
      %dma_start3A_197 = tpu.memref_squeeze %dma_start3A_196 : memref<1x3200xi32, #tpu.memory_space<vmem>> -> memref<3200xi32, #tpu.memory_space<vmem>>
      %dma_start3A_198 = tpu.memref_slice %arg2[%add3A_190] : memref<409600xi32, #tpu.memory_space<hbm>> -> memref<3200xi32, #tpu.memory_space<hbm>>
      tpu.enqueue_dma source(%dma_start3A_198 : memref<3200xi32, #tpu.memory_space<hbm>>) target(%dma_start3A_197 : memref<3200xi32, #tpu.memory_space<vmem>>) target_semaphore(%arg23 : memref<!tpu.dma_semaphore, #tpu.memory_space<semaphore_mem>>)
      %scan3A_199 = arith.constant 0 : i32
      %scan3A_200 = arith.constant 0 : i32
      %scan3A_201 = arith.constant 0 : i32
      %scan3A_202 = arith.constant 0 : i32
      %scan3A_203 = arith.constant 8 : i32
      %scan3A_204 = arith.addi %scan3A_202, %scan3A_203 : i32
      %scan3A_205 = arith.constant 1 : i32
      %scan3A_206:3 = scf.for %scan3A_298 = %scan3A_202 to %scan3A_204 step %scan3A_205 iter_args(%scan3A_299 = %scan3A_199, %scan3A_300 = %scan3A_200, %scan3A_301 = %scan3A_201) -> (i32, i32, i32)  : i32 {
        %mul3A_302 = arith.constant 3200 : i32
        %mul3A_303 = arith.muli %scan3A_298, %mul3A_302 : i32
        %add3A_304 = arith.addi %mul3A_0, %mul3A_303 : i32
        %jit3A_305 = arith.constant 2 : i32
        %eq3A_306 = arith.constant 0 : i32
        %eq3A_307 = arith.cmpi eq, %jit3A_305, %eq3A_306 : i32
        %jit3A_308 = arith.constant 1 : i32
        %select_n3A_309 = arith.select %eq3A_307, %jit3A_308, %jit3A_305 : i32
        %rem3A_310 = arith.remsi %scan3A_298, %select_n3A_309 : i32
        %ne3A_311 = arith.constant 0 : i32
        %ne3A_312 = arith.cmpi ne, %rem3A_310, %ne3A_311 : i32
        %lt3A_313 = arith.constant 0 : i32
        %lt3A_314 = arith.cmpi slt, %rem3A_310, %lt3A_313 : i32
        %lt3A_315 = arith.constant 0 : i32
        %lt3A_316 = arith.cmpi slt, %select_n3A_309, %lt3A_315 : i32
        %ne3A_317 = arith.xori %lt3A_314, %lt3A_316 : i1
        %and3A_318 = arith.andi %ne3A_317, %ne3A_312 : i1
        %add3A_319 = arith.addi %rem3A_310, %select_n3A_309 : i32
        %select_n3A_320 = arith.select %and3A_318, %add3A_319, %rem3A_310 : i32
        %dma_wait3A = arith.constant 0 : i32
        %dma_wait3A_321 = tpu.memref_slice %arg5[%select_n3A_320, %dma_wait3A] : memref<2x3200xi32, #tpu.memory_space<vmem>> -> memref<1x3200xi32, #tpu.memory_space<vmem>>
        %dma_wait3A_322 = tpu.memref_squeeze %dma_wait3A_321 : memref<1x3200xi32, #tpu.memory_space<vmem>> -> memref<3200xi32, #tpu.memory_space<vmem>>
        %dma_wait3A_323 = tpu.memref_slice %arg2[%add3A_304] : memref<409600xi32, #tpu.memory_space<hbm>> -> memref<3200xi32, #tpu.memory_space<hbm>>
        %dma_wait3A_324 = arith.constant 0 : i32
        %dma_wait3A_325 = tpu.memref_slice %arg5[%select_n3A_320, %dma_wait3A_324] : memref<2x3200xi32, #tpu.memory_space<vmem>> -> memref<1x3200xi32, #tpu.memory_space<vmem>>
        %dma_wait3A_326 = tpu.memref_squeeze %dma_wait3A_325 : memref<1x3200xi32, #tpu.memory_space<vmem>> -> memref<3200xi32, #tpu.memory_space<vmem>>
        %dma_wait3A_327 = tpu.memref_slice %arg2[%add3A_304] : memref<409600xi32, #tpu.memory_space<hbm>> -> memref<3200xi32, #tpu.memory_space<hbm>>
        tpu.wait_dma2 semaphore(%arg23 : memref<!tpu.dma_semaphore, #tpu.memory_space<semaphore_mem>>) src(%dma_wait3A_327 : memref<3200xi32, #tpu.memory_space<hbm>>) dst(%dma_wait3A_326 : memref<3200xi32, #tpu.memory_space<vmem>>)
        %add3A_328 = arith.constant 1 : i32
        %add3A_329 = arith.addi %scan3A_298, %add3A_328 : i32
        %lt3A_330 = arith.constant 8 : i32
        %lt3A_331 = arith.cmpi slt, %add3A_329, %lt3A_330 : i32
        %convert_element_type3A_332 = arith.extui %lt3A_331 : i1 to i32
        %cond3A_333 = arith.constant 0 : i32
        %cond3A_334 = arith.cmpi ne, %convert_element_type3A_332, %cond3A_333 : i32
        scf.if %cond3A_334 {
          %mul3A_395 = arith.constant 3200 : i32
          %mul3A_396 = arith.muli %add3A_329, %mul3A_395 : i32
          %add3A_397 = arith.addi %mul3A_0, %mul3A_396 : i32
          %jit3A_398 = arith.constant 2 : i32
          %eq3A_399 = arith.constant 0 : i32
          %eq3A_400 = arith.cmpi eq, %jit3A_398, %eq3A_399 : i32
          %jit3A_401 = arith.constant 1 : i32
          %select_n3A_402 = arith.select %eq3A_400, %jit3A_401, %jit3A_398 : i32
          %rem3A_403 = arith.remsi %add3A_329, %select_n3A_402 : i32
          %ne3A_404 = arith.constant 0 : i32
          %ne3A_405 = arith.cmpi ne, %rem3A_403, %ne3A_404 : i32
          %lt3A_406 = arith.constant 0 : i32
          %lt3A_407 = arith.cmpi slt, %rem3A_403, %lt3A_406 : i32
          %lt3A_408 = arith.constant 0 : i32
          %lt3A_409 = arith.cmpi slt, %select_n3A_402, %lt3A_408 : i32
          %ne3A_410 = arith.xori %lt3A_407, %lt3A_409 : i1
          %and3A_411 = arith.andi %ne3A_410, %ne3A_405 : i1
          %add3A_412 = arith.addi %rem3A_403, %select_n3A_402 : i32
          %select_n3A_413 = arith.select %and3A_411, %add3A_412, %rem3A_403 : i32
          %dma_start3A_414 = arith.constant 0 : i32
          %dma_start3A_415 = tpu.memref_slice %arg5[%select_n3A_413, %dma_start3A_414] : memref<2x3200xi32, #tpu.memory_space<vmem>> -> memref<1x3200xi32, #tpu.memory_space<vmem>>
          %dma_start3A_416 = tpu.memref_squeeze %dma_start3A_415 : memref<1x3200xi32, #tpu.memory_space<vmem>> -> memref<3200xi32, #tpu.memory_space<vmem>>
          %dma_start3A_417 = tpu.memref_slice %arg2[%add3A_397] : memref<409600xi32, #tpu.memory_space<hbm>> -> memref<3200xi32, #tpu.memory_space<hbm>>
          %dma_start3A_418 = arith.constant 0 : i32
          %dma_start3A_419 = tpu.memref_slice %arg5[%select_n3A_413, %dma_start3A_418] : memref<2x3200xi32, #tpu.memory_space<vmem>> -> memref<1x3200xi32, #tpu.memory_space<vmem>>
          %dma_start3A_420 = tpu.memref_squeeze %dma_start3A_419 : memref<1x3200xi32, #tpu.memory_space<vmem>> -> memref<3200xi32, #tpu.memory_space<vmem>>
          %dma_start3A_421 = tpu.memref_slice %arg2[%add3A_397] : memref<409600xi32, #tpu.memory_space<hbm>> -> memref<3200xi32, #tpu.memory_space<hbm>>
          tpu.enqueue_dma source(%dma_start3A_421 : memref<3200xi32, #tpu.memory_space<hbm>>) target(%dma_start3A_420 : memref<3200xi32, #tpu.memory_space<vmem>>) target_semaphore(%arg23 : memref<!tpu.dma_semaphore, #tpu.memory_space<semaphore_mem>>)
        } else {
        }
        %jit3A_335 = arith.constant 2 : i32
        %eq3A_336 = arith.constant 0 : i32
        %eq3A_337 = arith.cmpi eq, %jit3A_335, %eq3A_336 : i32
        %jit3A_338 = arith.constant 1 : i32
        %select_n3A_339 = arith.select %eq3A_337, %jit3A_338, %jit3A_335 : i32
        %rem3A_340 = arith.remsi %scan3A_298, %select_n3A_339 : i32
        %ne3A_341 = arith.constant 0 : i32
        %ne3A_342 = arith.cmpi ne, %rem3A_340, %ne3A_341 : i32
        %lt3A_343 = arith.constant 0 : i32
        %lt3A_344 = arith.cmpi slt, %rem3A_340, %lt3A_343 : i32
        %lt3A_345 = arith.constant 0 : i32
        %lt3A_346 = arith.cmpi slt, %select_n3A_339, %lt3A_345 : i32
        %ne3A_347 = arith.xori %lt3A_344, %lt3A_346 : i1
        %and3A_348 = arith.andi %ne3A_347, %ne3A_342 : i1
        %add3A_349 = arith.addi %rem3A_340, %select_n3A_339 : i32
        %select_n3A_350 = arith.select %and3A_348, %add3A_349, %rem3A_340 : i32
        %mul3A_351 = arith.constant 3200 : i32
        %mul3A_352 = arith.muli %scan3A_298, %mul3A_351 : i32
        %add3A_353 = arith.addi %mul3A_0, %mul3A_352 : i32
        %scan3A_354 = arith.constant 0 : i32
        %scan3A_355 = arith.constant 200 : i32
        %scan3A_356 = arith.addi %scan3A_354, %scan3A_355 : i32
        %scan3A_357 = arith.constant 1 : i32
        %scan3A_358 = scf.for %scan3A_395 = %scan3A_354 to %scan3A_356 step %scan3A_357 iter_args(%scan3A_396 = %scan3A_299) -> (i32)  : i32 {
          %mul3A_397 = arith.constant 16 : i32
          %mul3A_398 = arith.muli %scan3A_395, %mul3A_397 : i32
          %get3A = arith.index_cast %select_n3A_350 : i32 to index
          %get3A_399 = arith.index_cast %mul3A_398 : i32 to index
          %get3A_400 = tpu.vector_load %arg5[%get3A, %get3A_399] {strides = array<i32>} : memref<2x3200xi32, #tpu.memory_space<vmem>>, vector<16xi32>,
          %sub3A_401 = arith.subi %get3A_400, %broadcast_in_dim3A_186 : vector<16xi32>
          %lt3A_402 = arith.cmpi ult, %sub3A_401, %broadcast_in_dim3A_5 : vector<16xi32>
          %convert_element_type3A_403 = arith.extui %lt3A_402 : vector<16xi1> to vector<16xi32>
          %broadcast_in_dim3A_404 = arith.constant true
          %broadcast_in_dim3A_405 = vector.broadcast %broadcast_in_dim3A_404 : i1 to vector<16xi1>
          %masked_cumsum3A = tpu.scan <sum>, %convert_element_type3A_403 masked %broadcast_in_dim3A_405 : vector<16xi32>, vector<16xi1> -> vector<16xi32>
          %broadcast_in_dim3A_406 = vector.broadcast %scan3A_396 : i32 to vector<16xi32>
          %add3A_407 = arith.addi %broadcast_in_dim3A_406, %masked_cumsum3A : vector<16xi32>
          %sub3A_408 = arith.subi %add3A_407, %convert_element_type3A_403 : vector<16xi32>
          %and3A_409 = arith.andi %sub3A_408, %broadcast_in_dim3A_188 : vector<16xi32>
          tpu.vector_store_idx %arg6[%and3A_409], %sub3A_401 masked %lt3A_402 : memref<8192xi32, #tpu.memory_space<vmem>>[vector<16xi32>], vector<16xi32>, vector<16xi1>
          %mul3A_410 = arith.constant 16 : i32
          %mul3A_411 = arith.muli %scan3A_395, %mul3A_410 : i32
          %add3A_412 = arith.addi %add3A_353, %mul3A_411 : i32
          %broadcast_in_dim3A_413 = vector.broadcast %add3A_412 : i32 to vector<16xi32>
          %add3A_414 = arith.addi %iota3A, %broadcast_in_dim3A_413 : vector<16xi32>
          tpu.vector_store_idx %arg7[%and3A_409], %add3A_414 masked %lt3A_402 : memref<8192xi32, #tpu.memory_space<vmem>>[vector<16xi32>], vector<16xi32>, vector<16xi1>
          %slice3A = vector.extract_strided_slice %masked_cumsum3A {offsets = [15], sizes = [1], strides = [1]} : vector<16xi32> to vector<1xi32>
          %squeeze3A = vector.extract %slice3A[0] : i32 from vector<1xi32>
          %add3A_415 = arith.addi %scan3A_396, %squeeze3A : i32
          scf.yield %add3A_415 : i32
        }
        %scan3A_359 = arith.constant 200 : i32
        %jit3A_360 = arith.constant 512 : i32
        %div3A_361 = arith.divsi %scan3A_358, %jit3A_360 : i32
        %sign3A_362 = arith.constant 0 : i32
        %sign3A_363 = arith.cmpi sgt, %scan3A_358, %sign3A_362 : i32
        %sign3A_364 = arith.extui %sign3A_363 : i1 to i32
        %sign3A_365 = arith.constant 0 : i32
        %sign3A_366 = arith.cmpi slt, %scan3A_358, %sign3A_365 : i32
        %sign3A_367 = arith.extui %sign3A_366 : i1 to i32
        %sign3A_368 = arith.subi %sign3A_364, %sign3A_367 : i32
        %sign3A_369 = arith.constant 0 : i32
        %sign3A_370 = arith.cmpi sgt, %jit3A_360, %sign3A_369 : i32
        %sign3A_371 = arith.extui %sign3A_370 : i1 to i32
        %sign3A_372 = arith.constant 0 : i32
        %sign3A_373 = arith.cmpi slt, %jit3A_360, %sign3A_372 : i32
        %sign3A_374 = arith.extui %sign3A_373 : i1 to i32
        %sign3A_375 = arith.subi %sign3A_371, %sign3A_374 : i32
        %ne3A_376 = arith.cmpi ne, %sign3A_368, %sign3A_375 : i32
        %rem3A_377 = arith.remsi %scan3A_358, %jit3A_360 : i32
        %ne3A_378 = arith.constant 0 : i32
        %ne3A_379 = arith.cmpi ne, %rem3A_377, %ne3A_378 : i32
        %and3A_380 = arith.andi %ne3A_376, %ne3A_379 : i1
        %sub3A_381 = arith.constant 1 : i32
        %sub3A_382 = arith.subi %div3A_361, %sub3A_381 : i32
        %select_n3A_383 = arith.select %and3A_380, %sub3A_382, %div3A_361 : i32
        %sub3A_384 = arith.subi %select_n3A_383, %scan3A_300 : i32
        %while3A = arith.constant 0 : i32
        %while3A_385 = arith.subi %sub3A_384, %while3A : i32
        %while3A_386 = arith.addi %while3A, %while3A_385 : i32
        %while3A_387 = arith.constant 1 : i32
        %while3A_388 = arith.divsi %while3A_385, %while3A_387 : i32
        %while3A_389 = arith.muli %while3A_388, %while3A_387 : i32
        %while3A_390 = arith.addi %while3A, %while3A_389 : i32
        %while3A_391 = arith.constant 1 : i32
        %while3A_392:2 = scf.for %while3A_395 = %while3A to %while3A_390 step %while3A_391 iter_args(%while3A_396 = %scan3A_300, %while3A_397 = %scan3A_301) -> (i32, i32)  : i32 {
          %jit3A_398 = arith.constant 2 : i32
          %eq3A_399 = arith.constant 0 : i32
          %eq3A_400 = arith.cmpi eq, %jit3A_398, %eq3A_399 : i32
          %jit3A_401 = arith.constant 1 : i32
          %select_n3A_402 = arith.select %eq3A_400, %jit3A_401, %jit3A_398 : i32
          %rem3A_403 = arith.remsi %while3A_396, %select_n3A_402 : i32
          %ne3A_404 = arith.constant 0 : i32
          %ne3A_405 = arith.cmpi ne, %rem3A_403, %ne3A_404 : i32
          %lt3A_406 = arith.constant 0 : i32
          %lt3A_407 = arith.cmpi slt, %rem3A_403, %lt3A_406 : i32
          %lt3A_408 = arith.constant 0 : i32
          %lt3A_409 = arith.cmpi slt, %select_n3A_402, %lt3A_408 : i32
          %ne3A_410 = arith.xori %lt3A_407, %lt3A_409 : i1
          %and3A_411 = arith.andi %ne3A_410, %ne3A_405 : i1
          %add3A_412 = arith.addi %rem3A_403, %select_n3A_402 : i32
          %select_n3A_413 = arith.select %and3A_411, %add3A_412, %rem3A_403 : i32
          %eq3A_414 = arith.constant 0 : i32
          %eq3A_415 = arith.cmpi eq, %select_n3A_413, %eq3A_414 : i32
          %convert_element_type3A_416 = arith.extui %eq3A_415 : i1 to i32
          %cond3A_417 = arith.constant 0 : i32
          %cond3A_418 = arith.cmpi ne, %convert_element_type3A_416, %cond3A_417 : i32
          scf.if %cond3A_418 {
            %mul3A_450 = arith.constant 512 : i32
            %mul3A_451 = arith.muli %while3A_396, %mul3A_450 : i32
            %and3A_452 = arith.constant 8191 : i32
            %and3A_453 = arith.andi %mul3A_451, %and3A_452 : i32
            %add3A_454 = arith.constant 0 : i32
            %add3A_455 = arith.addi %and3A_453, %add3A_454 : i32
            %get3A = arith.index_cast %add3A_455 : i32 to index
            %get3A_456 = tpu.vector_load %arg6[%get3A] {strides = array<i32>} : memref<8192xi32, #tpu.memory_space<vmem>>, vector<16xi32>,
            %swap3A_457 = arith.constant 0 : index
            %swap3A_458 = tpu.vector_load %arg8[%swap3A_457] {strides = array<i32>} : memref<512xi32, #tpu.memory_space<vmem>>, vector<16xi32>,
            tpu.vector_store %arg8[%swap3A_457], %get3A_456 {strides = array<i32>} : memref<512xi32, #tpu.memory_space<vmem>>, vector<16xi32>,
            %add3A_459 = arith.constant 0 : i32
            %add3A_460 = arith.addi %and3A_453, %add3A_459 : i32
            %get3A_461 = arith.index_cast %add3A_460 : i32 to index
            %get3A_462 = tpu.vector_load %arg7[%get3A_461] {strides = array<i32>} : memref<8192xi32, #tpu.memory_space<vmem>>, vector<16xi32>,
            %swap3A_463 = arith.constant 0 : index
            %swap3A_464 = tpu.vector_load %arg9[%swap3A_463] {strides = array<i32>} : memref<512xi32, #tpu.memory_space<vmem>>, vector<16xi32>,
            tpu.vector_store %arg9[%swap3A_463], %get3A_462 {strides = array<i32>} : memref<512xi32, #tpu.memory_space<vmem>>, vector<16xi32>,
            %add3A_465 = arith.constant 16 : i32
            %add3A_466 = arith.addi %and3A_453, %add3A_465 : i32
            %get3A_467 = arith.index_cast %add3A_466 : i32 to index
            %get3A_468 = tpu.vector_load %arg6[%get3A_467] {strides = array<i32>} : memref<8192xi32, #tpu.memory_space<vmem>>, vector<16xi32>,
            %swap3A_469 = arith.constant 16 : index
            %swap3A_470 = tpu.vector_load %arg8[%swap3A_469] {strides = array<i32>} : memref<512xi32, #tpu.memory_space<vmem>>, vector<16xi32>,
            tpu.vector_store %arg8[%swap3A_469], %get3A_468 {strides = array<i32>} : memref<512xi32, #tpu.memory_space<vmem>>, vector<16xi32>,
            %add3A_471 = arith.constant 16 : i32
            %add3A_472 = arith.addi %and3A_453, %add3A_471 : i32
            %get3A_473 = arith.index_cast %add3A_472 : i32 to index
            %get3A_474 = tpu.vector_load %arg7[%get3A_473] {strides = array<i32>} : memref<8192xi32, #tpu.memory_space<vmem>>, vector<16xi32>,
            %swap3A_475 = arith.constant 16 : index
            %swap3A_476 = tpu.vector_load %arg9[%swap3A_475] {strides = array<i32>} : memref<512xi32, #tpu.memory_space<vmem>>, vector<16xi32>,
            tpu.vector_store %arg9[%swap3A_475], %get3A_474 {strides = array<i32>} : memref<512xi32, #tpu.memory_space<vmem>>, vector<16xi32>,
            %add3A_477 = arith.constant 32 : i32
            %add3A_478 = arith.addi %and3A_453, %add3A_477 : i32
            %get3A_479 = arith.index_cast %add3A_478 : i32 to index
            %get3A_480 = tpu.vector_load %arg6[%get3A_479] {strides = array<i32>} : memref<8192xi32, #tpu.memory_space<vmem>>, vector<16xi32>,
            %swap3A_481 = arith.constant 32 : index
            %swap3A_482 = tpu.vector_load %arg8[%swap3A_481] {strides = array<i32>} : memref<512xi32, #tpu.memory_space<vmem>>, vector<16xi32>,
            tpu.vector_store %arg8[%swap3A_481], %get3A_480 {strides = array<i32>} : memref<512xi32, #tpu.memory_space<vmem>>, vector<16xi32>,
            %add3A_483 = arith.constant 32 : i32
            %add3A_484 = arith.addi %and3A_453, %add3A_483 : i32
            %get3A_485 = arith.index_cast %add3A_484 : i32 to index
            %get3A_486 = tpu.vector_load %arg7[%get3A_485] {strides = array<i32>} : memref<8192xi32, #tpu.memory_space<vmem>>, vector<16xi32>,
            %swap3A_487 = arith.constant 32 : index
            %swap3A_488 = tpu.vector_load %arg9[%swap3A_487] {strides = array<i32>} : memref<512xi32, #tpu.memory_space<vmem>>, vector<16xi32>,
            tpu.vector_store %arg9[%swap3A_487], %get3A_486 {strides = array<i32>} : memref<512xi32, #tpu.memory_space<vmem>>, vector<16xi32>,
            %add3A_489 = arith.constant 48 : i32
            %add3A_490 = arith.addi %and3A_453, %add3A_489 : i32
            %get3A_491 = arith.index_cast %add3A_490 : i32 to index
            %get3A_492 = tpu.vector_load %arg6[%get3A_491] {strides = array<i32>} : memref<8192xi32, #tpu.memory_space<vmem>>, vector<16xi32>,
            %swap3A_493 = arith.constant 48 : index
            %swap3A_494 = tpu.vector_load %arg8[%swap3A_493] {strides = array<i32>} : memref<512xi32, #tpu.memory_space<vmem>>, vector<16xi32>,
            tpu.vector_store %arg8[%swap3A_493], %get3A_492 {strides = array<i32>} : memref<512xi32, #tpu.memory_space<vmem>>, vector<16xi32>,
            %add3A_495 = arith.constant 48 : i32
            %add3A_496 = arith.addi %and3A_453, %add3A_495 : i32
            %get3A_497 = arith.index_cast %add3A_496 : i32 to index
            %get3A_498 = tpu.vector_load %arg7[%get3A_497] {strides = array<i32>} : memref<8192xi32, #tpu.memory_space<vmem>>, vector<16xi32>,
            %swap3A_499 = arith.constant 48 : index
            %swap3A_500 = tpu.vector_load %arg9[%swap3A_499] {strides = array<i32>} : memref<512xi32, #tpu.memory_space<vmem>>, vector<16xi32>,
            tpu.vector_store %arg9[%swap3A_499], %get3A_498 {strides = array<i32>} : memref<512xi32, #tpu.memory_space<vmem>>, vector<16xi32>,
            %add3A_501 = arith.constant 64 : i32
            %add3A_502 = arith.addi %and3A_453, %add3A_501 : i32
            %get3A_503 = arith.index_cast %add3A_502 : i32 to index
            %get3A_504 = tpu.vector_load %arg6[%get3A_503] {strides = array<i32>} : memref<8192xi32, #tpu.memory_space<vmem>>, vector<16xi32>,
            %swap3A_505 = arith.constant 64 : index
            %swap3A_506 = tpu.vector_load %arg8[%swap3A_505] {strides = array<i32>} : memref<512xi32, #tpu.memory_space<vmem>>, vector<16xi32>,
            tpu.vector_store %arg8[%swap3A_505], %get3A_504 {strides = array<i32>} : memref<512xi32, #tpu.memory_space<vmem>>, vector<16xi32>,
            %add3A_507 = arith.constant 64 : i32
            %add3A_508 = arith.addi %and3A_453, %add3A_507 : i32
            %get3A_509 = arith.index_cast %add3A_508 : i32 to index
            %get3A_510 = tpu.vector_load %arg7[%get3A_509] {strides = array<i32>} : memref<8192xi32, #tpu.memory_space<vmem>>, vector<16xi32>,
            %swap3A_511 = arith.constant 64 : index
            %swap3A_512 = tpu.vector_load %arg9[%swap3A_511] {strides = array<i32>} : memref<512xi32, #tpu.memory_space<vmem>>, vector<16xi32>,
            tpu.vector_store %arg9[%swap3A_511], %get3A_510 {strides = array<i32>} : memref<512xi32, #tpu.memory_space<vmem>>, vector<16xi32>,
            %add3A_513 = arith.constant 80 : i32
            %add3A_514 = arith.addi %and3A_453, %add3A_513 : i32
            %get3A_515 = arith.index_cast %add3A_514 : i32 to index
            %get3A_516 = tpu.vector_load %arg6[%get3A_515] {strides = array<i32>} : memref<8192xi32, #tpu.memory_space<vmem>>, vector<16xi32>,
            %swap3A_517 = arith.constant 80 : index
            %swap3A_518 = tpu.vector_load %arg8[%swap3A_517] {strides = array<i32>} : memref<512xi32, #tpu.memory_space<vmem>>, vector<16xi32>,
            tpu.vector_store %arg8[%swap3A_517], %get3A_516 {strides = array<i32>} : memref<512xi32, #tpu.memory_space<vmem>>, vector<16xi32>,
            %add3A_519 = arith.constant 80 : i32
            %add3A_520 = arith.addi %and3A_453, %add3A_519 : i32
            %get3A_521 = arith.index_cast %add3A_520 : i32 to index
            %get3A_522 = tpu.vector_load %arg7[%get3A_521] {strides = array<i32>} : memref<8192xi32, #tpu.memory_space<vmem>>, vector<16xi32>,
            %swap3A_523 = arith.constant 80 : index
            %swap3A_524 = tpu.vector_load %arg9[%swap3A_523] {strides = array<i32>} : memref<512xi32, #tpu.memory_space<vmem>>, vector<16xi32>,
            tpu.vector_store %arg9[%swap3A_523], %get3A_522 {strides = array<i32>} : memref<512xi32, #tpu.memory_space<vmem>>, vector<16xi32>,
            %add3A_525 = arith.constant 96 : i32
            %add3A_526 = arith.addi %and3A_453, %add3A_525 : i32
            %get3A_527 = arith.index_cast %add3A_526 : i32 to index
            %get3A_528 = tpu.vector_load %arg6[%get3A_527] {strides = array<i32>} : memref<8192xi32, #tpu.memory_space<vmem>>, vector<16xi32>,
            %swap3A_529 = arith.constant 96 : index
            %swap3A_530 = tpu.vector_load %arg8[%swap3A_529] {strides = array<i32>} : memref<512xi32, #tpu.memory_space<vmem>>, vector<16xi32>,
            tpu.vector_store %arg8[%swap3A_529], %get3A_528 {strides = array<i32>} : memref<512xi32, #tpu.memory_space<vmem>>, vector<16xi32>,
            %add3A_531 = arith.constant 96 : i32
            %add3A_532 = arith.addi %and3A_453, %add3A_531 : i32
            %get3A_533 = arith.index_cast %add3A_532 : i32 to index
            %get3A_534 = tpu.vector_load %arg7[%get3A_533] {strides = array<i32>} : memref<8192xi32, #tpu.memory_space<vmem>>, vector<16xi32>,
            %swap3A_535 = arith.constant 96 : index
            %swap3A_536 = tpu.vector_load %arg9[%swap3A_535] {strides = array<i32>} : memref<512xi32, #tpu.memory_space<vmem>>, vector<16xi32>,
            tpu.vector_store %arg9[%swap3A_535], %get3A_534 {strides = array<i32>} : memref<512xi32, #tpu.memory_space<vmem>>, vector<16xi32>,
            %add3A_537 = arith.constant 112 : i32
            %add3A_538 = arith.addi %and3A_453, %add3A_537 : i32
            %get3A_539 = arith.index_cast %add3A_538 : i32 to index
            %get3A_540 = tpu.vector_load %arg6[%get3A_539] {strides = array<i32>} : memref<8192xi32, #tpu.memory_space<vmem>>, vector<16xi32>,
            %swap3A_541 = arith.constant 112 : index
            %swap3A_542 = tpu.vector_load %arg8[%swap3A_541] {strides = array<i32>} : memref<512xi32, #tpu.memory_space<vmem>>, vector<16xi32>,
            tpu.vector_store %arg8[%swap3A_541], %get3A_540 {strides = array<i32>} : memref<512xi32, #tpu.memory_space<vmem>>, vector<16xi32>,
            %add3A_543 = arith.constant 112 : i32
            %add3A_544 = arith.addi %and3A_453, %add3A_543 : i32
            %get3A_545 = arith.index_cast %add3A_544 : i32 to index
            %get3A_546 = tpu.vector_load %arg7[%get3A_545] {strides = array<i32>} : memref<8192xi32, #tpu.memory_space<vmem>>, vector<16xi32>,
            %swap3A_547 = arith.constant 112 : index
            %swap3A_548 = tpu.vector_load %arg9[%swap3A_547] {strides = array<i32>} : memref<512xi32, #tpu.memory_space<vmem>>, vector<16xi32>,
            tpu.vector_store %arg9[%swap3A_547], %get3A_546 {strides = array<i32>} : memref<512xi32, #tpu.memory_space<vmem>>, vector<16xi32>,
            %add3A_549 = arith.constant 128 : i32
            %add3A_550 = arith.addi %and3A_453, %add3A_549 : i32
            %get3A_551 = arith.index_cast %add3A_550 : i32 to index
            %get3A_552 = tpu.vector_load %arg6[%get3A_551] {strides = array<i32>} : memref<8192xi32, #tpu.memory_space<vmem>>, vector<16xi32>,
            %swap3A_553 = arith.constant 128 : index
            %swap3A_554 = tpu.vector_load %arg8[%swap3A_553] {strides = array<i32>} : memref<512xi32, #tpu.memory_space<vmem>>, vector<16xi32>,
            tpu.vector_store %arg8[%swap3A_553], %get3A_552 {strides = array<i32>} : memref<512xi32, #tpu.memory_space<vmem>>, vector<16xi32>,
            %add3A_555 = arith.constant 128 : i32
            %add3A_556 = arith.addi %and3A_453, %add3A_555 : i32
            %get3A_557 = arith.index_cast %add3A_556 : i32 to index
            %get3A_558 = tpu.vector_load %arg7[%get3A_557] {strides = array<i32>} : memref<8192xi32, #tpu.memory_space<vmem>>, vector<16xi32>,
            %swap3A_559 = arith.constant 128 : index
            %swap3A_560 = tpu.vector_load %arg9[%swap3A_559] {strides = array<i32>} : memref<512xi32, #tpu.memory_space<vmem>>, vector<16xi32>,
            tpu.vector_store %arg9[%swap3A_559], %get3A_558 {strides = array<i32>} : memref<512xi32, #tpu.memory_space<vmem>>, vector<16xi32>,
            %add3A_561 = arith.constant 144 : i32
            %add3A_562 = arith.addi %and3A_453, %add3A_561 : i32
            %get3A_563 = arith.index_cast %add3A_562 : i32 to index
            %get3A_564 = tpu.vector_load %arg6[%get3A_563] {strides = array<i32>} : memref<8192xi32, #tpu.memory_space<vmem>>, vector<16xi32>,
            %swap3A_565 = arith.constant 144 : index
            %swap3A_566 = tpu.vector_load %arg8[%swap3A_565] {strides = array<i32>} : memref<512xi32, #tpu.memory_space<vmem>>, vector<16xi32>,
            tpu.vector_store %arg8[%swap3A_565], %get3A_564 {strides = array<i32>} : memref<512xi32, #tpu.memory_space<vmem>>, vector<16xi32>,
            %add3A_567 = arith.constant 144 : i32
            %add3A_568 = arith.addi %and3A_453, %add3A_567 : i32
            %get3A_569 = arith.index_cast %add3A_568 : i32 to index
            %get3A_570 = tpu.vector_load %arg7[%get3A_569] {strides = array<i32>} : memref<8192xi32, #tpu.memory_space<vmem>>, vector<16xi32>,
            %swap3A_571 = arith.constant 144 : index
            %swap3A_572 = tpu.vector_load %arg9[%swap3A_571] {strides = array<i32>} : memref<512xi32, #tpu.memory_space<vmem>>, vector<16xi32>,
            tpu.vector_store %arg9[%swap3A_571], %get3A_570 {strides = array<i32>} : memref<512xi32, #tpu.memory_space<vmem>>, vector<16xi32>,
            %add3A_573 = arith.constant 160 : i32
            %add3A_574 = arith.addi %and3A_453, %add3A_573 : i32
            %get3A_575 = arith.index_cast %add3A_574 : i32 to index
            %get3A_576 = tpu.vector_load %arg6[%get3A_575] {strides = array<i32>} : memref<8192xi32, #tpu.memory_space<vmem>>, vector<16xi32>,
            %swap3A_577 = arith.constant 160 : index
            %swap3A_578 = tpu.vector_load %arg8[%swap3A_577] {strides = array<i32>} : memref<512xi32, #tpu.memory_space<vmem>>, vector<16xi32>,
            tpu.vector_store %arg8[%swap3A_577], %get3A_576 {strides = array<i32>} : memref<512xi32, #tpu.memory_space<vmem>>, vector<16xi32>,
            %add3A_579 = arith.constant 160 : i32
            %add3A_580 = arith.addi %and3A_453, %add3A_579 : i32
            %get3A_581 = arith.index_cast %add3A_580 : i32 to index
            %get3A_582 = tpu.vector_load %arg7[%get3A_581] {strides = array<i32>} : memref<8192xi32, #tpu.memory_space<vmem>>, vector<16xi32>,
            %swap3A_583 = arith.constant 160 : index
            %swap3A_584 = tpu.vector_load %arg9[%swap3A_583] {strides = array<i32>} : memref<512xi32, #tpu.memory_space<vmem>>, vector<16xi32>,
            tpu.vector_store %arg9[%swap3A_583], %get3A_582 {strides = array<i32>} : memref<512xi32, #tpu.memory_space<vmem>>, vector<16xi32>,
            %add3A_585 = arith.constant 176 : i32
            %add3A_586 = arith.addi %and3A_453, %add3A_585 : i32
            %get3A_587 = arith.index_cast %add3A_586 : i32 to index
            %get3A_588 = tpu.vector_load %arg6[%get3A_587] {strides = array<i32>} : memref<8192xi32, #tpu.memory_space<vmem>>, vector<16xi32>,
            %swap3A_589 = arith.constant 176 : index
            %swap3A_590 = tpu.vector_load %arg8[%swap3A_589] {strides = array<i32>} : memref<512xi32, #tpu.memory_space<vmem>>, vector<16xi32>,
            tpu.vector_store %arg8[%swap3A_589], %get3A_588 {strides = array<i32>} : memref<512xi32, #tpu.memory_space<vmem>>, vector<16xi32>,
            %add3A_591 = arith.constant 176 : i32
            %add3A_592 = arith.addi %and3A_453, %add3A_591 : i32
            %get3A_593 = arith.index_cast %add3A_592 : i32 to index
            %get3A_594 = tpu.vector_load %arg7[%get3A_593] {strides = array<i32>} : memref<8192xi32, #tpu.memory_space<vmem>>, vector<16xi32>,
            %swap3A_595 = arith.constant 176 : index
            %swap3A_596 = tpu.vector_load %arg9[%swap3A_595] {strides = array<i32>} : memref<512xi32, #tpu.memory_space<vmem>>, vector<16xi32>,
            tpu.vector_store %arg9[%swap3A_595], %get3A_594 {strides = array<i32>} : memref<512xi32, #tpu.memory_space<vmem>>, vector<16xi32>,
            %add3A_597 = arith.constant 192 : i32
            %add3A_598 = arith.addi %and3A_453, %add3A_597 : i32
            %get3A_599 = arith.index_cast %add3A_598 : i32 to index
            %get3A_600 = tpu.vector_load %arg6[%get3A_599] {strides = array<i32>} : memref<8192xi32, #tpu.memory_space<vmem>>, vector<16xi32>,
            %swap3A_601 = arith.constant 192 : index
            %swap3A_602 = tpu.vector_load %arg8[%swap3A_601] {strides = array<i32>} : memref<512xi32, #tpu.memory_space<vmem>>, vector<16xi32>,
            tpu.vector_store %arg8[%swap3A_601], %get3A_600 {strides = array<i32>} : memref<512xi32, #tpu.memory_space<vmem>>, vector<16xi32>,
            %add3A_603 = arith.constant 192 : i32
            %add3A_604 = arith.addi %and3A_453, %add3A_603 : i32
            %get3A_605 = arith.index_cast %add3A_604 : i32 to index
            %get3A_606 = tpu.vector_load %arg7[%get3A_605] {strides = array<i32>} : memref<8192xi32, #tpu.memory_space<vmem>>, vector<16xi32>,
            %swap3A_607 = arith.constant 192 : index
            %swap3A_608 = tpu.vector_load %arg9[%swap3A_607] {strides = array<i32>} : memref<512xi32, #tpu.memory_space<vmem>>, vector<16xi32>,
            tpu.vector_store %arg9[%swap3A_607], %get3A_606 {strides = array<i32>} : memref<512xi32, #tpu.memory_space<vmem>>, vector<16xi32>,
            %add3A_609 = arith.constant 208 : i32
            %add3A_610 = arith.addi %and3A_453, %add3A_609 : i32
            %get3A_611 = arith.index_cast %add3A_610 : i32 to index
            %get3A_612 = tpu.vector_load %arg6[%get3A_611] {strides = array<i32>} : memref<8192xi32, #tpu.memory_space<vmem>>, vector<16xi32>,
            %swap3A_613 = arith.constant 208 : index
            %swap3A_614 = tpu.vector_load %arg8[%swap3A_613] {strides = array<i32>} : memref<512xi32, #tpu.memory_space<vmem>>, vector<16xi32>,
            tpu.vector_store %arg8[%swap3A_613], %get3A_612 {strides = array<i32>} : memref<512xi32, #tpu.memory_space<vmem>>, vector<16xi32>,
            %add3A_615 = arith.constant 208 : i32
            %add3A_616 = arith.addi %and3A_453, %add3A_615 : i32
            %get3A_617 = arith.index_cast %add3A_616 : i32 to index
            %get3A_618 = tpu.vector_load %arg7[%get3A_617] {strides = array<i32>} : memref<8192xi32, #tpu.memory_space<vmem>>, vector<16xi32>,
            %swap3A_619 = arith.constant 208 : index
            %swap3A_620 = tpu.vector_load %arg9[%swap3A_619] {strides = array<i32>} : memref<512xi32, #tpu.memory_space<vmem>>, vector<16xi32>,
            tpu.vector_store %arg9[%swap3A_619], %get3A_618 {strides = array<i32>} : memref<512xi32, #tpu.memory_space<vmem>>, vector<16xi32>,
            %add3A_621 = arith.constant 224 : i32
            %add3A_622 = arith.addi %and3A_453, %add3A_621 : i32
            %get3A_623 = arith.index_cast %add3A_622 : i32 to index
            %get3A_624 = tpu.vector_load %arg6[%get3A_623] {strides = array<i32>} : memref<8192xi32, #tpu.memory_space<vmem>>, vector<16xi32>,
            %swap3A_625 = arith.constant 224 : index
            %swap3A_626 = tpu.vector_load %arg8[%swap3A_625] {strides = array<i32>} : memref<512xi32, #tpu.memory_space<vmem>>, vector<16xi32>,
            tpu.vector_store %arg8[%swap3A_625], %get3A_624 {strides = array<i32>} : memref<512xi32, #tpu.memory_space<vmem>>, vector<16xi32>,
            %add3A_627 = arith.constant 224 : i32
            %add3A_628 = arith.addi %and3A_453, %add3A_627 : i32
            %get3A_629 = arith.index_cast %add3A_628 : i32 to index
            %get3A_630 = tpu.vector_load %arg7[%get3A_629] {strides = array<i32>} : memref<8192xi32, #tpu.memory_space<vmem>>, vector<16xi32>,
            %swap3A_631 = arith.constant 224 : index
            %swap3A_632 = tpu.vector_load %arg9[%swap3A_631] {strides = array<i32>} : memref<512xi32, #tpu.memory_space<vmem>>, vector<16xi32>,
            tpu.vector_store %arg9[%swap3A_631], %get3A_630 {strides = array<i32>} : memref<512xi32, #tpu.memory_space<vmem>>, vector<16xi32>,
            %add3A_633 = arith.constant 240 : i32
            %add3A_634 = arith.addi %and3A_453, %add3A_633 : i32
            %get3A_635 = arith.index_cast %add3A_634 : i32 to index
            %get3A_636 = tpu.vector_load %arg6[%get3A_635] {strides = array<i32>} : memref<8192xi32, #tpu.memory_space<vmem>>, vector<16xi32>,
            %swap3A_637 = arith.constant 240 : index
            %swap3A_638 = tpu.vector_load %arg8[%swap3A_637] {strides = array<i32>} : memref<512xi32, #tpu.memory_space<vmem>>, vector<16xi32>,
            tpu.vector_store %arg8[%swap3A_637], %get3A_636 {strides = array<i32>} : memref<512xi32, #tpu.memory_space<vmem>>, vector<16xi32>,
            %add3A_639 = arith.constant 240 : i32
            %add3A_640 = arith.addi %and3A_453, %add3A_639 : i32
            %get3A_641 = arith.index_cast %add3A_640 : i32 to index
            %get3A_642 = tpu.vector_load %arg7[%get3A_641] {strides = array<i32>} : memref<8192xi32, #tpu.memory_space<vmem>>, vector<16xi32>,
            %swap3A_643 = arith.constant 240 : index
            %swap3A_644 = tpu.vector_load %arg9[%swap3A_643] {strides = array<i32>} : memref<512xi32, #tpu.memory_space<vmem>>, vector<16xi32>,
            tpu.vector_store %arg9[%swap3A_643], %get3A_642 {strides = array<i32>} : memref<512xi32, #tpu.memory_space<vmem>>, vector<16xi32>,
            %add3A_645 = arith.constant 256 : i32
            %add3A_646 = arith.addi %and3A_453, %add3A_645 : i32
            %get3A_647 = arith.index_cast %add3A_646 : i32 to index
            %get3A_648 = tpu.vector_load %arg6[%get3A_647] {strides = array<i32>} : memref<8192xi32, #tpu.memory_space<vmem>>, vector<16xi32>,
            %swap3A_649 = arith.constant 256 : index
            %swap3A_650 = tpu.vector_load %arg8[%swap3A_649] {strides = array<i32>} : memref<512xi32, #tpu.memory_space<vmem>>, vector<16xi32>,
            tpu.vector_store %arg8[%swap3A_649], %get3A_648 {strides = array<i32>} : memref<512xi32, #tpu.memory_space<vmem>>, vector<16xi32>,
            %add3A_651 = arith.constant 256 : i32
            %add3A_652 = arith.addi %and3A_453, %add3A_651 : i32
            %get3A_653 = arith.index_cast %add3A_652 : i32 to index
            %get3A_654 = tpu.vector_load %arg7[%get3A_653] {strides = array<i32>} : memref<8192xi32, #tpu.memory_space<vmem>>, vector<16xi32>,
            %swap3A_655 = arith.constant 256 : index
            %swap3A_656 = tpu.vector_load %arg9[%swap3A_655] {strides = array<i32>} : memref<512xi32, #tpu.memory_space<vmem>>, vector<16xi32>,
            tpu.vector_store %arg9[%swap3A_655], %get3A_654 {strides = array<i32>} : memref<512xi32, #tpu.memory_space<vmem>>, vector<16xi32>,
            %add3A_657 = arith.constant 272 : i32
            %add3A_658 = arith.addi %and3A_453, %add3A_657 : i32
            %get3A_659 = arith.index_cast %add3A_658 : i32 to index
            %get3A_660 = tpu.vector_load %arg6[%get3A_659] {strides = array<i32>} : memref<8192xi32, #tpu.memory_space<vmem>>, vector<16xi32>,
            %swap3A_661 = arith.constant 272 : index
            %swap3A_662 = tpu.vector_load %arg8[%swap3A_661] {strides = array<i32>} : memref<512xi32, #tpu.memory_space<vmem>>, vector<16xi32>,
            tpu.vector_store %arg8[%swap3A_661], %get3A_660 {strides = array<i32>} : memref<512xi32, #tpu.memory_space<vmem>>, vector<16xi32>,
            %add3A_663 = arith.constant 272 : i32
            %add3A_664 = arith.addi %and3A_453, %add3A_663 : i32
            %get3A_665 = arith.index_cast %add3A_664 : i32 to index
            %get3A_666 = tpu.vector_load %arg7[%get3A_665] {strides = array<i32>} : memref<8192xi32, #tpu.memory_space<vmem>>, vector<16xi32>,
            %swap3A_667 = arith.constant 272 : index
            %swap3A_668 = tpu.vector_load %arg9[%swap3A_667] {strides = array<i32>} : memref<512xi32, #tpu.memory_space<vmem>>, vector<16xi32>,
            tpu.vector_store %arg9[%swap3A_667], %get3A_666 {strides = array<i32>} : memref<512xi32, #tpu.memory_space<vmem>>, vector<16xi32>,
            %add3A_669 = arith.constant 288 : i32
            %add3A_670 = arith.addi %and3A_453, %add3A_669 : i32
            %get3A_671 = arith.index_cast %add3A_670 : i32 to index
            %get3A_672 = tpu.vector_load %arg6[%get3A_671] {strides = array<i32>} : memref<8192xi32, #tpu.memory_space<vmem>>, vector<16xi32>,
            %swap3A_673 = arith.constant 288 : index
            %swap3A_674 = tpu.vector_load %arg8[%swap3A_673] {strides = array<i32>} : memref<512xi32, #tpu.memory_space<vmem>>, vector<16xi32>,
            tpu.vector_store %arg8[%swap3A_673], %get3A_672 {strides = array<i32>} : memref<512xi32, #tpu.memory_space<vmem>>, vector<16xi32>,
            %add3A_675 = arith.constant 288 : i32
            %add3A_676 = arith.addi %and3A_453, %add3A_675 : i32
            %get3A_677 = arith.index_cast %add3A_676 : i32 to index
            %get3A_678 = tpu.vector_load %arg7[%get3A_677] {strides = array<i32>} : memref<8192xi32, #tpu.memory_space<vmem>>, vector<16xi32>,
            %swap3A_679 = arith.constant 288 : index
            %swap3A_680 = tpu.vector_load %arg9[%swap3A_679] {strides = array<i32>} : memref<512xi32, #tpu.memory_space<vmem>>, vector<16xi32>,
            tpu.vector_store %arg9[%swap3A_679], %get3A_678 {strides = array<i32>} : memref<512xi32, #tpu.memory_space<vmem>>, vector<16xi32>,
            %add3A_681 = arith.constant 304 : i32
            %add3A_682 = arith.addi %and3A_453, %add3A_681 : i32
            %get3A_683 = arith.index_cast %add3A_682 : i32 to index
            %get3A_684 = tpu.vector_load %arg6[%get3A_683] {strides = array<i32>} : memref<8192xi32, #tpu.memory_space<vmem>>, vector<16xi32>,
            %swap3A_685 = arith.constant 304 : index
            %swap3A_686 = tpu.vector_load %arg8[%swap3A_685] {strides = array<i32>} : memref<512xi32, #tpu.memory_space<vmem>>, vector<16xi32>,
            tpu.vector_store %arg8[%swap3A_685], %get3A_684 {strides = array<i32>} : memref<512xi32, #tpu.memory_space<vmem>>, vector<16xi32>,
            %add3A_687 = arith.constant 304 : i32
            %add3A_688 = arith.addi %and3A_453, %add3A_687 : i32
            %get3A_689 = arith.index_cast %add3A_688 : i32 to index
            %get3A_690 = tpu.vector_load %arg7[%get3A_689] {strides = array<i32>} : memref<8192xi32, #tpu.memory_space<vmem>>, vector<16xi32>,
            %swap3A_691 = arith.constant 304 : index
            %swap3A_692 = tpu.vector_load %arg9[%swap3A_691] {strides = array<i32>} : memref<512xi32, #tpu.memory_space<vmem>>, vector<16xi32>,
            tpu.vector_store %arg9[%swap3A_691], %get3A_690 {strides = array<i32>} : memref<512xi32, #tpu.memory_space<vmem>>, vector<16xi32>,
            %add3A_693 = arith.constant 320 : i32
            %add3A_694 = arith.addi %and3A_453, %add3A_693 : i32
            %get3A_695 = arith.index_cast %add3A_694 : i32 to index
            %get3A_696 = tpu.vector_load %arg6[%get3A_695] {strides = array<i32>} : memref<8192xi32, #tpu.memory_space<vmem>>, vector<16xi32>,
            %swap3A_697 = arith.constant 320 : index
            %swap3A_698 = tpu.vector_load %arg8[%swap3A_697] {strides = array<i32>} : memref<512xi32, #tpu.memory_space<vmem>>, vector<16xi32>,
            tpu.vector_store %arg8[%swap3A_697], %get3A_696 {strides = array<i32>} : memref<512xi32, #tpu.memory_space<vmem>>, vector<16xi32>,
            %add3A_699 = arith.constant 320 : i32
            %add3A_700 = arith.addi %and3A_453, %add3A_699 : i32
            %get3A_701 = arith.index_cast %add3A_700 : i32 to index
            %get3A_702 = tpu.vector_load %arg7[%get3A_701] {strides = array<i32>} : memref<8192xi32, #tpu.memory_space<vmem>>, vector<16xi32>,
            %swap3A_703 = arith.constant 320 : index
            %swap3A_704 = tpu.vector_load %arg9[%swap3A_703] {strides = array<i32>} : memref<512xi32, #tpu.memory_space<vmem>>, vector<16xi32>,
            tpu.vector_store %arg9[%swap3A_703], %get3A_702 {strides = array<i32>} : memref<512xi32, #tpu.memory_space<vmem>>, vector<16xi32>,
            %add3A_705 = arith.constant 336 : i32
            %add3A_706 = arith.addi %and3A_453, %add3A_705 : i32
            %get3A_707 = arith.index_cast %add3A_706 : i32 to index
            %get3A_708 = tpu.vector_load %arg6[%get3A_707] {strides = array<i32>} : memref<8192xi32, #tpu.memory_space<vmem>>, vector<16xi32>,
            %swap3A_709 = arith.constant 336 : index
            %swap3A_710 = tpu.vector_load %arg8[%swap3A_709] {strides = array<i32>} : memref<512xi32, #tpu.memory_space<vmem>>, vector<16xi32>,
            tpu.vector_store %arg8[%swap3A_709], %get3A_708 {strides = array<i32>} : memref<512xi32, #tpu.memory_space<vmem>>, vector<16xi32>,
            %add3A_711 = arith.constant 336 : i32
            %add3A_712 = arith.addi %and3A_453, %add3A_711 : i32
            %get3A_713 = arith.index_cast %add3A_712 : i32 to index
            %get3A_714 = tpu.vector_load %arg7[%get3A_713] {strides = array<i32>} : memref<8192xi32, #tpu.memory_space<vmem>>, vector<16xi32>,
            %swap3A_715 = arith.constant 336 : index
            %swap3A_716 = tpu.vector_load %arg9[%swap3A_715] {strides = array<i32>} : memref<512xi32, #tpu.memory_space<vmem>>, vector<16xi32>,
            tpu.vector_store %arg9[%swap3A_715], %get3A_714 {strides = array<i32>} : memref<512xi32, #tpu.memory_space<vmem>>, vector<16xi32>,
            %add3A_717 = arith.constant 352 : i32
            %add3A_718 = arith.addi %and3A_453, %add3A_717 : i32
            %get3A_719 = arith.index_cast %add3A_718 : i32 to index
            %get3A_720 = tpu.vector_load %arg6[%get3A_719] {strides = array<i32>} : memref<8192xi32, #tpu.memory_space<vmem>>, vector<16xi32>,
            %swap3A_721 = arith.constant 352 : index
            %swap3A_722 = tpu.vector_load %arg8[%swap3A_721] {strides = array<i32>} : memref<512xi32, #tpu.memory_space<vmem>>, vector<16xi32>,
            tpu.vector_store %arg8[%swap3A_721], %get3A_720 {strides = array<i32>} : memref<512xi32, #tpu.memory_space<vmem>>, vector<16xi32>,
            %add3A_723 = arith.constant 352 : i32
            %add3A_724 = arith.addi %and3A_453, %add3A_723 : i32
            %get3A_725 = arith.index_cast %add3A_724 : i32 to index
            %get3A_726 = tpu.vector_load %arg7[%get3A_725] {strides = array<i32>} : memref<8192xi32, #tpu.memory_space<vmem>>, vector<16xi32>,
            %swap3A_727 = arith.constant 352 : index
            %swap3A_728 = tpu.vector_load %arg9[%swap3A_727] {strides = array<i32>} : memref<512xi32, #tpu.memory_space<vmem>>, vector<16xi32>,
            tpu.vector_store %arg9[%swap3A_727], %get3A_726 {strides = array<i32>} : memref<512xi32, #tpu.memory_space<vmem>>, vector<16xi32>,
            %add3A_729 = arith.constant 368 : i32
            %add3A_730 = arith.addi %and3A_453, %add3A_729 : i32
            %get3A_731 = arith.index_cast %add3A_730 : i32 to index
            %get3A_732 = tpu.vector_load %arg6[%get3A_731] {strides = array<i32>} : memref<8192xi32, #tpu.memory_space<vmem>>, vector<16xi32>,
            %swap3A_733 = arith.constant 368 : index
            %swap3A_734 = tpu.vector_load %arg8[%swap3A_733] {strides = array<i32>} : memref<512xi32, #tpu.memory_space<vmem>>, vector<16xi32>,
            tpu.vector_store %arg8[%swap3A_733], %get3A_732 {strides = array<i32>} : memref<512xi32, #tpu.memory_space<vmem>>, vector<16xi32>,
            %add3A_735 = arith.constant 368 : i32
            %add3A_736 = arith.addi %and3A_453, %add3A_735 : i32
            %get3A_737 = arith.index_cast %add3A_736 : i32 to index
            %get3A_738 = tpu.vector_load %arg7[%get3A_737] {strides = array<i32>} : memref<8192xi32, #tpu.memory_space<vmem>>, vector<16xi32>,
            %swap3A_739 = arith.constant 368 : index
            %swap3A_740 = tpu.vector_load %arg9[%swap3A_739] {strides = array<i32>} : memref<512xi32, #tpu.memory_space<vmem>>, vector<16xi32>,
            tpu.vector_store %arg9[%swap3A_739], %get3A_738 {strides = array<i32>} : memref<512xi32, #tpu.memory_space<vmem>>, vector<16xi32>,
            %add3A_741 = arith.constant 384 : i32
            %add3A_742 = arith.addi %and3A_453, %add3A_741 : i32
            %get3A_743 = arith.index_cast %add3A_742 : i32 to index
            %get3A_744 = tpu.vector_load %arg6[%get3A_743] {strides = array<i32>} : memref<8192xi32, #tpu.memory_space<vmem>>, vector<16xi32>,
            %swap3A_745 = arith.constant 384 : index
            %swap3A_746 = tpu.vector_load %arg8[%swap3A_745] {strides = array<i32>} : memref<512xi32, #tpu.memory_space<vmem>>, vector<16xi32>,
            tpu.vector_store %arg8[%swap3A_745], %get3A_744 {strides = array<i32>} : memref<512xi32, #tpu.memory_space<vmem>>, vector<16xi32>,
            %add3A_747 = arith.constant 384 : i32
            %add3A_748 = arith.addi %and3A_453, %add3A_747 : i32
            %get3A_749 = arith.index_cast %add3A_748 : i32 to index
            %get3A_750 = tpu.vector_load %arg7[%get3A_749] {strides = array<i32>} : memref<8192xi32, #tpu.memory_space<vmem>>, vector<16xi32>,
            %swap3A_751 = arith.constant 384 : index
            %swap3A_752 = tpu.vector_load %arg9[%swap3A_751] {strides = array<i32>} : memref<512xi32, #tpu.memory_space<vmem>>, vector<16xi32>,
            tpu.vector_store %arg9[%swap3A_751], %get3A_750 {strides = array<i32>} : memref<512xi32, #tpu.memory_space<vmem>>, vector<16xi32>,
            %add3A_753 = arith.constant 400 : i32
            %add3A_754 = arith.addi %and3A_453, %add3A_753 : i32
            %get3A_755 = arith.index_cast %add3A_754 : i32 to index
            %get3A_756 = tpu.vector_load %arg6[%get3A_755] {strides = array<i32>} : memref<8192xi32, #tpu.memory_space<vmem>>, vector<16xi32>,
            %swap3A_757 = arith.constant 400 : index
            %swap3A_758 = tpu.vector_load %arg8[%swap3A_757] {strides = array<i32>} : memref<512xi32, #tpu.memory_space<vmem>>, vector<16xi32>,
            tpu.vector_store %arg8[%swap3A_757], %get3A_756 {strides = array<i32>} : memref<512xi32, #tpu.memory_space<vmem>>, vector<16xi32>,
            %add3A_759 = arith.constant 400 : i32
            %add3A_760 = arith.addi %and3A_453, %add3A_759 : i32
            %get3A_761 = arith.index_cast %add3A_760 : i32 to index
            %get3A_762 = tpu.vector_load %arg7[%get3A_761] {strides = array<i32>} : memref<8192xi32, #tpu.memory_space<vmem>>, vector<16xi32>,
            %swap3A_763 = arith.constant 400 : index
            %swap3A_764 = tpu.vector_load %arg9[%swap3A_763] {strides = array<i32>} : memref<512xi32, #tpu.memory_space<vmem>>, vector<16xi32>,
            tpu.vector_store %arg9[%swap3A_763], %get3A_762 {strides = array<i32>} : memref<512xi32, #tpu.memory_space<vmem>>, vector<16xi32>,
            %add3A_765 = arith.constant 416 : i32
            %add3A_766 = arith.addi %and3A_453, %add3A_765 : i32
            %get3A_767 = arith.index_cast %add3A_766 : i32 to index
            %get3A_768 = tpu.vector_load %arg6[%get3A_767] {strides = array<i32>} : memref<8192xi32, #tpu.memory_space<vmem>>, vector<16xi32>,
            %swap3A_769 = arith.constant 416 : index
            %swap3A_770 = tpu.vector_load %arg8[%swap3A_769] {strides = array<i32>} : memref<512xi32, #tpu.memory_space<vmem>>, vector<16xi32>,
            tpu.vector_store %arg8[%swap3A_769], %get3A_768 {strides = array<i32>} : memref<512xi32, #tpu.memory_space<vmem>>, vector<16xi32>,
            %add3A_771 = arith.constant 416 : i32
            %add3A_772 = arith.addi %and3A_453, %add3A_771 : i32
            %get3A_773 = arith.index_cast %add3A_772 : i32 to index
            %get3A_774 = tpu.vector_load %arg7[%get3A_773] {strides = array<i32>} : memref<8192xi32, #tpu.memory_space<vmem>>, vector<16xi32>,
            %swap3A_775 = arith.constant 416 : index
            %swap3A_776 = tpu.vector_load %arg9[%swap3A_775] {strides = array<i32>} : memref<512xi32, #tpu.memory_space<vmem>>, vector<16xi32>,
            tpu.vector_store %arg9[%swap3A_775], %get3A_774 {strides = array<i32>} : memref<512xi32, #tpu.memory_space<vmem>>, vector<16xi32>,
            %add3A_777 = arith.constant 432 : i32
            %add3A_778 = arith.addi %and3A_453, %add3A_777 : i32
            %get3A_779 = arith.index_cast %add3A_778 : i32 to index
            %get3A_780 = tpu.vector_load %arg6[%get3A_779] {strides = array<i32>} : memref<8192xi32, #tpu.memory_space<vmem>>, vector<16xi32>,
            %swap3A_781 = arith.constant 432 : index
            %swap3A_782 = tpu.vector_load %arg8[%swap3A_781] {strides = array<i32>} : memref<512xi32, #tpu.memory_space<vmem>>, vector<16xi32>,
            tpu.vector_store %arg8[%swap3A_781], %get3A_780 {strides = array<i32>} : memref<512xi32, #tpu.memory_space<vmem>>, vector<16xi32>,
            %add3A_783 = arith.constant 432 : i32
            %add3A_784 = arith.addi %and3A_453, %add3A_783 : i32
            %get3A_785 = arith.index_cast %add3A_784 : i32 to index
            %get3A_786 = tpu.vector_load %arg7[%get3A_785] {strides = array<i32>} : memref<8192xi32, #tpu.memory_space<vmem>>, vector<16xi32>,
            %swap3A_787 = arith.constant 432 : index
            %swap3A_788 = tpu.vector_load %arg9[%swap3A_787] {strides = array<i32>} : memref<512xi32, #tpu.memory_space<vmem>>, vector<16xi32>,
            tpu.vector_store %arg9[%swap3A_787], %get3A_786 {strides = array<i32>} : memref<512xi32, #tpu.memory_space<vmem>>, vector<16xi32>,
            %add3A_789 = arith.constant 448 : i32
            %add3A_790 = arith.addi %and3A_453, %add3A_789 : i32
            %get3A_791 = arith.index_cast %add3A_790 : i32 to index
            %get3A_792 = tpu.vector_load %arg6[%get3A_791] {strides = array<i32>} : memref<8192xi32, #tpu.memory_space<vmem>>, vector<16xi32>,
            %swap3A_793 = arith.constant 448 : index
            %swap3A_794 = tpu.vector_load %arg8[%swap3A_793] {strides = array<i32>} : memref<512xi32, #tpu.memory_space<vmem>>, vector<16xi32>,
            tpu.vector_store %arg8[%swap3A_793], %get3A_792 {strides = array<i32>} : memref<512xi32, #tpu.memory_space<vmem>>, vector<16xi32>,
            %add3A_795 = arith.constant 448 : i32
            %add3A_796 = arith.addi %and3A_453, %add3A_795 : i32
            %get3A_797 = arith.index_cast %add3A_796 : i32 to index
            %get3A_798 = tpu.vector_load %arg7[%get3A_797] {strides = array<i32>} : memref<8192xi32, #tpu.memory_space<vmem>>, vector<16xi32>,
            %swap3A_799 = arith.constant 448 : index
            %swap3A_800 = tpu.vector_load %arg9[%swap3A_799] {strides = array<i32>} : memref<512xi32, #tpu.memory_space<vmem>>, vector<16xi32>,
            tpu.vector_store %arg9[%swap3A_799], %get3A_798 {strides = array<i32>} : memref<512xi32, #tpu.memory_space<vmem>>, vector<16xi32>,
            %add3A_801 = arith.constant 464 : i32
            %add3A_802 = arith.addi %and3A_453, %add3A_801 : i32
            %get3A_803 = arith.index_cast %add3A_802 : i32 to index
            %get3A_804 = tpu.vector_load %arg6[%get3A_803] {strides = array<i32>} : memref<8192xi32, #tpu.memory_space<vmem>>, vector<16xi32>,
            %swap3A_805 = arith.constant 464 : index
            %swap3A_806 = tpu.vector_load %arg8[%swap3A_805] {strides = array<i32>} : memref<512xi32, #tpu.memory_space<vmem>>, vector<16xi32>,
            tpu.vector_store %arg8[%swap3A_805], %get3A_804 {strides = array<i32>} : memref<512xi32, #tpu.memory_space<vmem>>, vector<16xi32>,
            %add3A_807 = arith.constant 464 : i32
            %add3A_808 = arith.addi %and3A_453, %add3A_807 : i32
            %get3A_809 = arith.index_cast %add3A_808 : i32 to index
            %get3A_810 = tpu.vector_load %arg7[%get3A_809] {strides = array<i32>} : memref<8192xi32, #tpu.memory_space<vmem>>, vector<16xi32>,
            %swap3A_811 = arith.constant 464 : index
            %swap3A_812 = tpu.vector_load %arg9[%swap3A_811] {strides = array<i32>} : memref<512xi32, #tpu.memory_space<vmem>>, vector<16xi32>,
            tpu.vector_store %arg9[%swap3A_811], %get3A_810 {strides = array<i32>} : memref<512xi32, #tpu.memory_space<vmem>>, vector<16xi32>,
            %add3A_813 = arith.constant 480 : i32
            %add3A_814 = arith.addi %and3A_453, %add3A_813 : i32
            %get3A_815 = arith.index_cast %add3A_814 : i32 to index
            %get3A_816 = tpu.vector_load %arg6[%get3A_815] {strides = array<i32>} : memref<8192xi32, #tpu.memory_space<vmem>>, vector<16xi32>,
            %swap3A_817 = arith.constant 480 : index
            %swap3A_818 = tpu.vector_load %arg8[%swap3A_817] {strides = array<i32>} : memref<512xi32, #tpu.memory_space<vmem>>, vector<16xi32>,
            tpu.vector_store %arg8[%swap3A_817], %get3A_816 {strides = array<i32>} : memref<512xi32, #tpu.memory_space<vmem>>, vector<16xi32>,
            %add3A_819 = arith.constant 480 : i32
            %add3A_820 = arith.addi %and3A_453, %add3A_819 : i32
            %get3A_821 = arith.index_cast %add3A_820 : i32 to index
            %get3A_822 = tpu.vector_load %arg7[%get3A_821] {strides = array<i32>} : memref<8192xi32, #tpu.memory_space<vmem>>, vector<16xi32>,
            %swap3A_823 = arith.constant 480 : index
            %swap3A_824 = tpu.vector_load %arg9[%swap3A_823] {strides = array<i32>} : memref<512xi32, #tpu.memory_space<vmem>>, vector<16xi32>,
            tpu.vector_store %arg9[%swap3A_823], %get3A_822 {strides = array<i32>} : memref<512xi32, #tpu.memory_space<vmem>>, vector<16xi32>,
            %add3A_825 = arith.constant 496 : i32
            %add3A_826 = arith.addi %and3A_453, %add3A_825 : i32
            %get3A_827 = arith.index_cast %add3A_826 : i32 to index
            %get3A_828 = tpu.vector_load %arg6[%get3A_827] {strides = array<i32>} : memref<8192xi32, #tpu.memory_space<vmem>>, vector<16xi32>,
            %swap3A_829 = arith.constant 496 : index
            %swap3A_830 = tpu.vector_load %arg8[%swap3A_829] {strides = array<i32>} : memref<512xi32, #tpu.memory_space<vmem>>, vector<16xi32>,
            tpu.vector_store %arg8[%swap3A_829], %get3A_828 {strides = array<i32>} : memref<512xi32, #tpu.memory_space<vmem>>, vector<16xi32>,
            %add3A_831 = arith.constant 496 : i32
            %add3A_832 = arith.addi %and3A_453, %add3A_831 : i32
            %get3A_833 = arith.index_cast %add3A_832 : i32 to index
            %get3A_834 = tpu.vector_load %arg7[%get3A_833] {strides = array<i32>} : memref<8192xi32, #tpu.memory_space<vmem>>, vector<16xi32>,
            %swap3A_835 = arith.constant 496 : index
            %swap3A_836 = tpu.vector_load %arg9[%swap3A_835] {strides = array<i32>} : memref<512xi32, #tpu.memory_space<vmem>>, vector<16xi32>,
            tpu.vector_store %arg9[%swap3A_835], %get3A_834 {strides = array<i32>} : memref<512xi32, #tpu.memory_space<vmem>>, vector<16xi32>,
            %dma_start3A_837 = arith.constant 0 : i32
            %dma_start3A_838 = arith.constant 0 : i32
            %dma_start3A_839 = tpu.memref_slice %arg3[%dma_start3A_837, %dma_start3A_838] : memref<400000x16xf32, #tpu.memory_space<hbm>> -> memref<400000x16xf32, #tpu.memory_space<hbm>>
            tpu.enqueue_indirect_dma source(%dma_start3A_839 : memref<400000x16xf32, #tpu.memory_space<hbm>>) target(%arg12 : memref<512x16xf32, #tpu.memory_space<vmem>>) offsets(%arg9 : memref<512xi32, #tpu.memory_space<vmem>>) semaphore(%arg22 : memref<!tpu.dma_semaphore, #tpu.memory_space<semaphore_mem>>)
          } else {
          }
          %jit3A_419 = arith.constant 2 : i32
          %eq3A_420 = arith.constant 0 : i32
          %eq3A_421 = arith.cmpi eq, %jit3A_419, %eq3A_420 : i32
          %jit3A_422 = arith.constant 1 : i32
          %select_n3A_423 = arith.select %eq3A_421, %jit3A_422, %jit3A_419 : i32
          %rem3A_424 = arith.remsi %while3A_396, %select_n3A_423 : i32
          %ne3A_425 = arith.constant 0 : i32
          %ne3A_426 = arith.cmpi ne, %rem3A_424, %ne3A_425 : i32
          %lt3A_427 = arith.constant 0 : i32
          %lt3A_428 = arith.cmpi slt, %rem3A_424, %lt3A_427 : i32
          %lt3A_429 = arith.constant 0 : i32
          %lt3A_430 = arith.cmpi slt, %select_n3A_423, %lt3A_429 : i32
          %ne3A_431 = arith.xori %lt3A_428, %lt3A_430 : i1
          %and3A_432 = arith.andi %ne3A_431, %ne3A_426 : i1
          %add3A_433 = arith.addi %rem3A_424, %select_n3A_423 : i32
          %select_n3A_434 = arith.select %and3A_432, %add3A_433, %rem3A_424 : i32
          %eq3A_435 = arith.constant 1 : i32
          %eq3A_436 = arith.cmpi eq, %select_n3A_434, %eq3A_435 : i32
          %convert_element_type3A_437 = arith.extui %eq3A_436 : i1 to i32
          %cond3A_438 = arith.constant 0 : i32
          %cond3A_439 = arith.cmpi ne, %convert_element_type3A_437, %cond3A_438 : i32
          scf.if %cond3A_439 {
            %mul3A_450 = arith.constant 512 : i32
            %mul3A_451 = arith.muli %while3A_396, %mul3A_450 : i32
            %and3A_452 = arith.constant 8191 : i32
            %and3A_453 = arith.andi %mul3A_451, %and3A_452 : i32
            %add3A_454 = arith.constant 0 : i32
            %add3A_455 = arith.addi %and3A_453, %add3A_454 : i32
            %get3A = arith.index_cast %add3A_455 : i32 to index
            %get3A_456 = tpu.vector_load %arg6[%get3A] {strides = array<i32>} : memref<8192xi32, #tpu.memory_space<vmem>>, vector<16xi32>,
            %swap3A_457 = arith.constant 0 : index
            %swap3A_458 = tpu.vector_load %arg10[%swap3A_457] {strides = array<i32>} : memref<512xi32, #tpu.memory_space<vmem>>, vector<16xi32>,
            tpu.vector_store %arg10[%swap3A_457], %get3A_456 {strides = array<i32>} : memref<512xi32, #tpu.memory_space<vmem>>, vector<16xi32>,
            %add3A_459 = arith.constant 0 : i32
            %add3A_460 = arith.addi %and3A_453, %add3A_459 : i32
            %get3A_461 = arith.index_cast %add3A_460 : i32 to index
            %get3A_462 = tpu.vector_load %arg7[%get3A_461] {strides = array<i32>} : memref<8192xi32, #tpu.memory_space<vmem>>, vector<16xi32>,
            %swap3A_463 = arith.constant 0 : index
            %swap3A_464 = tpu.vector_load %arg11[%swap3A_463] {strides = array<i32>} : memref<512xi32, #tpu.memory_space<vmem>>, vector<16xi32>,
            tpu.vector_store %arg11[%swap3A_463], %get3A_462 {strides = array<i32>} : memref<512xi32, #tpu.memory_space<vmem>>, vector<16xi32>,
            %add3A_465 = arith.constant 16 : i32
            %add3A_466 = arith.addi %and3A_453, %add3A_465 : i32
            %get3A_467 = arith.index_cast %add3A_466 : i32 to index
            %get3A_468 = tpu.vector_load %arg6[%get3A_467] {strides = array<i32>} : memref<8192xi32, #tpu.memory_space<vmem>>, vector<16xi32>,
            %swap3A_469 = arith.constant 16 : index
            %swap3A_470 = tpu.vector_load %arg10[%swap3A_469] {strides = array<i32>} : memref<512xi32, #tpu.memory_space<vmem>>, vector<16xi32>,
            tpu.vector_store %arg10[%swap3A_469], %get3A_468 {strides = array<i32>} : memref<512xi32, #tpu.memory_space<vmem>>, vector<16xi32>,
            %add3A_471 = arith.constant 16 : i32
            %add3A_472 = arith.addi %and3A_453, %add3A_471 : i32
            %get3A_473 = arith.index_cast %add3A_472 : i32 to index
            %get3A_474 = tpu.vector_load %arg7[%get3A_473] {strides = array<i32>} : memref<8192xi32, #tpu.memory_space<vmem>>, vector<16xi32>,
            %swap3A_475 = arith.constant 16 : index
            %swap3A_476 = tpu.vector_load %arg11[%swap3A_475] {strides = array<i32>} : memref<512xi32, #tpu.memory_space<vmem>>, vector<16xi32>,
            tpu.vector_store %arg11[%swap3A_475], %get3A_474 {strides = array<i32>} : memref<512xi32, #tpu.memory_space<vmem>>, vector<16xi32>,
            %add3A_477 = arith.constant 32 : i32
            %add3A_478 = arith.addi %and3A_453, %add3A_477 : i32
            %get3A_479 = arith.index_cast %add3A_478 : i32 to index
            %get3A_480 = tpu.vector_load %arg6[%get3A_479] {strides = array<i32>} : memref<8192xi32, #tpu.memory_space<vmem>>, vector<16xi32>,
            %swap3A_481 = arith.constant 32 : index
            %swap3A_482 = tpu.vector_load %arg10[%swap3A_481] {strides = array<i32>} : memref<512xi32, #tpu.memory_space<vmem>>, vector<16xi32>,
            tpu.vector_store %arg10[%swap3A_481], %get3A_480 {strides = array<i32>} : memref<512xi32, #tpu.memory_space<vmem>>, vector<16xi32>,
            %add3A_483 = arith.constant 32 : i32
            %add3A_484 = arith.addi %and3A_453, %add3A_483 : i32
            %get3A_485 = arith.index_cast %add3A_484 : i32 to index
            %get3A_486 = tpu.vector_load %arg7[%get3A_485] {strides = array<i32>} : memref<8192xi32, #tpu.memory_space<vmem>>, vector<16xi32>,
            %swap3A_487 = arith.constant 32 : index
            %swap3A_488 = tpu.vector_load %arg11[%swap3A_487] {strides = array<i32>} : memref<512xi32, #tpu.memory_space<vmem>>, vector<16xi32>,
            tpu.vector_store %arg11[%swap3A_487], %get3A_486 {strides = array<i32>} : memref<512xi32, #tpu.memory_space<vmem>>, vector<16xi32>,
            %add3A_489 = arith.constant 48 : i32
            %add3A_490 = arith.addi %and3A_453, %add3A_489 : i32
            %get3A_491 = arith.index_cast %add3A_490 : i32 to index
            %get3A_492 = tpu.vector_load %arg6[%get3A_491] {strides = array<i32>} : memref<8192xi32, #tpu.memory_space<vmem>>, vector<16xi32>,
            %swap3A_493 = arith.constant 48 : index
            %swap3A_494 = tpu.vector_load %arg10[%swap3A_493] {strides = array<i32>} : memref<512xi32, #tpu.memory_space<vmem>>, vector<16xi32>,
            tpu.vector_store %arg10[%swap3A_493], %get3A_492 {strides = array<i32>} : memref<512xi32, #tpu.memory_space<vmem>>, vector<16xi32>,
            %add3A_495 = arith.constant 48 : i32
            %add3A_496 = arith.addi %and3A_453, %add3A_495 : i32
            %get3A_497 = arith.index_cast %add3A_496 : i32 to index
            %get3A_498 = tpu.vector_load %arg7[%get3A_497] {strides = array<i32>} : memref<8192xi32, #tpu.memory_space<vmem>>, vector<16xi32>,
            %swap3A_499 = arith.constant 48 : index
            %swap3A_500 = tpu.vector_load %arg11[%swap3A_499] {strides = array<i32>} : memref<512xi32, #tpu.memory_space<vmem>>, vector<16xi32>,
            tpu.vector_store %arg11[%swap3A_499], %get3A_498 {strides = array<i32>} : memref<512xi32, #tpu.memory_space<vmem>>, vector<16xi32>,
            %add3A_501 = arith.constant 64 : i32
            %add3A_502 = arith.addi %and3A_453, %add3A_501 : i32
            %get3A_503 = arith.index_cast %add3A_502 : i32 to index
            %get3A_504 = tpu.vector_load %arg6[%get3A_503] {strides = array<i32>} : memref<8192xi32, #tpu.memory_space<vmem>>, vector<16xi32>,
            %swap3A_505 = arith.constant 64 : index
            %swap3A_506 = tpu.vector_load %arg10[%swap3A_505] {strides = array<i32>} : memref<512xi32, #tpu.memory_space<vmem>>, vector<16xi32>,
            tpu.vector_store %arg10[%swap3A_505], %get3A_504 {strides = array<i32>} : memref<512xi32, #tpu.memory_space<vmem>>, vector<16xi32>,
            %add3A_507 = arith.constant 64 : i32
            %add3A_508 = arith.addi %and3A_453, %add3A_507 : i32
            %get3A_509 = arith.index_cast %add3A_508 : i32 to index
            %get3A_510 = tpu.vector_load %arg7[%get3A_509] {strides = array<i32>} : memref<8192xi32, #tpu.memory_space<vmem>>, vector<16xi32>,
            %swap3A_511 = arith.constant 64 : index
            %swap3A_512 = tpu.vector_load %arg11[%swap3A_511] {strides = array<i32>} : memref<512xi32, #tpu.memory_space<vmem>>, vector<16xi32>,
            tpu.vector_store %arg11[%swap3A_511], %get3A_510 {strides = array<i32>} : memref<512xi32, #tpu.memory_space<vmem>>, vector<16xi32>,
            %add3A_513 = arith.constant 80 : i32
            %add3A_514 = arith.addi %and3A_453, %add3A_513 : i32
            %get3A_515 = arith.index_cast %add3A_514 : i32 to index
            %get3A_516 = tpu.vector_load %arg6[%get3A_515] {strides = array<i32>} : memref<8192xi32, #tpu.memory_space<vmem>>, vector<16xi32>,
            %swap3A_517 = arith.constant 80 : index
            %swap3A_518 = tpu.vector_load %arg10[%swap3A_517] {strides = array<i32>} : memref<512xi32, #tpu.memory_space<vmem>>, vector<16xi32>,
            tpu.vector_store %arg10[%swap3A_517], %get3A_516 {strides = array<i32>} : memref<512xi32, #tpu.memory_space<vmem>>, vector<16xi32>,
            %add3A_519 = arith.constant 80 : i32
            %add3A_520 = arith.addi %and3A_453, %add3A_519 : i32
            %get3A_521 = arith.index_cast %add3A_520 : i32 to index
            %get3A_522 = tpu.vector_load %arg7[%get3A_521] {strides = array<i32>} : memref<8192xi32, #tpu.memory_space<vmem>>, vector<16xi32>,
            %swap3A_523 = arith.constant 80 : index
            %swap3A_524 = tpu.vector_load %arg11[%swap3A_523] {strides = array<i32>} : memref<512xi32, #tpu.memory_space<vmem>>, vector<16xi32>,
            tpu.vector_store %arg11[%swap3A_523], %get3A_522 {strides = array<i32>} : memref<512xi32, #tpu.memory_space<vmem>>, vector<16xi32>,
            %add3A_525 = arith.constant 96 : i32
            %add3A_526 = arith.addi %and3A_453, %add3A_525 : i32
            %get3A_527 = arith.index_cast %add3A_526 : i32 to index
            %get3A_528 = tpu.vector_load %arg6[%get3A_527] {strides = array<i32>} : memref<8192xi32, #tpu.memory_space<vmem>>, vector<16xi32>,
            %swap3A_529 = arith.constant 96 : index
            %swap3A_530 = tpu.vector_load %arg10[%swap3A_529] {strides = array<i32>} : memref<512xi32, #tpu.memory_space<vmem>>, vector<16xi32>,
            tpu.vector_store %arg10[%swap3A_529], %get3A_528 {strides = array<i32>} : memref<512xi32, #tpu.memory_space<vmem>>, vector<16xi32>,
            %add3A_531 = arith.constant 96 : i32
            %add3A_532 = arith.addi %and3A_453, %add3A_531 : i32
            %get3A_533 = arith.index_cast %add3A_532 : i32 to index
            %get3A_534 = tpu.vector_load %arg7[%get3A_533] {strides = array<i32>} : memref<8192xi32, #tpu.memory_space<vmem>>, vector<16xi32>,
            %swap3A_535 = arith.constant 96 : index
            %swap3A_536 = tpu.vector_load %arg11[%swap3A_535] {strides = array<i32>} : memref<512xi32, #tpu.memory_space<vmem>>, vector<16xi32>,
            tpu.vector_store %arg11[%swap3A_535], %get3A_534 {strides = array<i32>} : memref<512xi32, #tpu.memory_space<vmem>>, vector<16xi32>,
            %add3A_537 = arith.constant 112 : i32
            %add3A_538 = arith.addi %and3A_453, %add3A_537 : i32
            %get3A_539 = arith.index_cast %add3A_538 : i32 to index
            %get3A_540 = tpu.vector_load %arg6[%get3A_539] {strides = array<i32>} : memref<8192xi32, #tpu.memory_space<vmem>>, vector<16xi32>,
            %swap3A_541 = arith.constant 112 : index
            %swap3A_542 = tpu.vector_load %arg10[%swap3A_541] {strides = array<i32>} : memref<512xi32, #tpu.memory_space<vmem>>, vector<16xi32>,
            tpu.vector_store %arg10[%swap3A_541], %get3A_540 {strides = array<i32>} : memref<512xi32, #tpu.memory_space<vmem>>, vector<16xi32>,
            %add3A_543 = arith.constant 112 : i32
            %add3A_544 = arith.addi %and3A_453, %add3A_543 : i32
            %get3A_545 = arith.index_cast %add3A_544 : i32 to index
            %get3A_546 = tpu.vector_load %arg7[%get3A_545] {strides = array<i32>} : memref<8192xi32, #tpu.memory_space<vmem>>, vector<16xi32>,
            %swap3A_547 = arith.constant 112 : index
            %swap3A_548 = tpu.vector_load %arg11[%swap3A_547] {strides = array<i32>} : memref<512xi32, #tpu.memory_space<vmem>>, vector<16xi32>,
            tpu.vector_store %arg11[%swap3A_547], %get3A_546 {strides = array<i32>} : memref<512xi32, #tpu.memory_space<vmem>>, vector<16xi32>,
            %add3A_549 = arith.constant 128 : i32
            %add3A_550 = arith.addi %and3A_453, %add3A_549 : i32
            %get3A_551 = arith.index_cast %add3A_550 : i32 to index
            %get3A_552 = tpu.vector_load %arg6[%get3A_551] {strides = array<i32>} : memref<8192xi32, #tpu.memory_space<vmem>>, vector<16xi32>,
            %swap3A_553 = arith.constant 128 : index
            %swap3A_554 = tpu.vector_load %arg10[%swap3A_553] {strides = array<i32>} : memref<512xi32, #tpu.memory_space<vmem>>, vector<16xi32>,
            tpu.vector_store %arg10[%swap3A_553], %get3A_552 {strides = array<i32>} : memref<512xi32, #tpu.memory_space<vmem>>, vector<16xi32>,
            %add3A_555 = arith.constant 128 : i32
            %add3A_556 = arith.addi %and3A_453, %add3A_555 : i32
            %get3A_557 = arith.index_cast %add3A_556 : i32 to index
            %get3A_558 = tpu.vector_load %arg7[%get3A_557] {strides = array<i32>} : memref<8192xi32, #tpu.memory_space<vmem>>, vector<16xi32>,
            %swap3A_559 = arith.constant 128 : index
            %swap3A_560 = tpu.vector_load %arg11[%swap3A_559] {strides = array<i32>} : memref<512xi32, #tpu.memory_space<vmem>>, vector<16xi32>,
            tpu.vector_store %arg11[%swap3A_559], %get3A_558 {strides = array<i32>} : memref<512xi32, #tpu.memory_space<vmem>>, vector<16xi32>,
            %add3A_561 = arith.constant 144 : i32
            %add3A_562 = arith.addi %and3A_453, %add3A_561 : i32
            %get3A_563 = arith.index_cast %add3A_562 : i32 to index
            %get3A_564 = tpu.vector_load %arg6[%get3A_563] {strides = array<i32>} : memref<8192xi32, #tpu.memory_space<vmem>>, vector<16xi32>,
            %swap3A_565 = arith.constant 144 : index
            %swap3A_566 = tpu.vector_load %arg10[%swap3A_565] {strides = array<i32>} : memref<512xi32, #tpu.memory_space<vmem>>, vector<16xi32>,
            tpu.vector_store %arg10[%swap3A_565], %get3A_564 {strides = array<i32>} : memref<512xi32, #tpu.memory_space<vmem>>, vector<16xi32>,
            %add3A_567 = arith.constant 144 : i32
            %add3A_568 = arith.addi %and3A_453, %add3A_567 : i32
            %get3A_569 = arith.index_cast %add3A_568 : i32 to index
            %get3A_570 = tpu.vector_load %arg7[%get3A_569] {strides = array<i32>} : memref<8192xi32, #tpu.memory_space<vmem>>, vector<16xi32>,
            %swap3A_571 = arith.constant 144 : index
            %swap3A_572 = tpu.vector_load %arg11[%swap3A_571] {strides = array<i32>} : memref<512xi32, #tpu.memory_space<vmem>>, vector<16xi32>,
            tpu.vector_store %arg11[%swap3A_571], %get3A_570 {strides = array<i32>} : memref<512xi32, #tpu.memory_space<vmem>>, vector<16xi32>,
            %add3A_573 = arith.constant 160 : i32
            %add3A_574 = arith.addi %and3A_453, %add3A_573 : i32
            %get3A_575 = arith.index_cast %add3A_574 : i32 to index
            %get3A_576 = tpu.vector_load %arg6[%get3A_575] {strides = array<i32>} : memref<8192xi32, #tpu.memory_space<vmem>>, vector<16xi32>,
            %swap3A_577 = arith.constant 160 : index
            %swap3A_578 = tpu.vector_load %arg10[%swap3A_577] {strides = array<i32>} : memref<512xi32, #tpu.memory_space<vmem>>, vector<16xi32>,
            tpu.vector_store %arg10[%swap3A_577], %get3A_576 {strides = array<i32>} : memref<512xi32, #tpu.memory_space<vmem>>, vector<16xi32>,
            %add3A_579 = arith.constant 160 : i32
            %add3A_580 = arith.addi %and3A_453, %add3A_579 : i32
            %get3A_581 = arith.index_cast %add3A_580 : i32 to index
            %get3A_582 = tpu.vector_load %arg7[%get3A_581] {strides = array<i32>} : memref<8192xi32, #tpu.memory_space<vmem>>, vector<16xi32>,
            %swap3A_583 = arith.constant 160 : index
            %swap3A_584 = tpu.vector_load %arg11[%swap3A_583] {strides = array<i32>} : memref<512xi32, #tpu.memory_space<vmem>>, vector<16xi32>,
            tpu.vector_store %arg11[%swap3A_583], %get3A_582 {strides = array<i32>} : memref<512xi32, #tpu.memory_space<vmem>>, vector<16xi32>,
            %add3A_585 = arith.constant 176 : i32
            %add3A_586 = arith.addi %and3A_453, %add3A_585 : i32
            %get3A_587 = arith.index_cast %add3A_586 : i32 to index
            %get3A_588 = tpu.vector_load %arg6[%get3A_587] {strides = array<i32>} : memref<8192xi32, #tpu.memory_space<vmem>>, vector<16xi32>,
            %swap3A_589 = arith.constant 176 : index
            %swap3A_590 = tpu.vector_load %arg10[%swap3A_589] {strides = array<i32>} : memref<512xi32, #tpu.memory_space<vmem>>, vector<16xi32>,
            tpu.vector_store %arg10[%swap3A_589], %get3A_588 {strides = array<i32>} : memref<512xi32, #tpu.memory_space<vmem>>, vector<16xi32>,
            %add3A_591 = arith.constant 176 : i32
            %add3A_592 = arith.addi %and3A_453, %add3A_591 : i32
            %get3A_593 = arith.index_cast %add3A_592 : i32 to index
            %get3A_594 = tpu.vector_load %arg7[%get3A_593] {strides = array<i32>} : memref<8192xi32, #tpu.memory_space<vmem>>, vector<16xi32>,
            %swap3A_595 = arith.constant 176 : index
            %swap3A_596 = tpu.vector_load %arg11[%swap3A_595] {strides = array<i32>} : memref<512xi32, #tpu.memory_space<vmem>>, vector<16xi32>,
            tpu.vector_store %arg11[%swap3A_595], %get3A_594 {strides = array<i32>} : memref<512xi32, #tpu.memory_space<vmem>>, vector<16xi32>,
            %add3A_597 = arith.constant 192 : i32
            %add3A_598 = arith.addi %and3A_453, %add3A_597 : i32
            %get3A_599 = arith.index_cast %add3A_598 : i32 to index
            %get3A_600 = tpu.vector_load %arg6[%get3A_599] {strides = array<i32>} : memref<8192xi32, #tpu.memory_space<vmem>>, vector<16xi32>,
            %swap3A_601 = arith.constant 192 : index
            %swap3A_602 = tpu.vector_load %arg10[%swap3A_601] {strides = array<i32>} : memref<512xi32, #tpu.memory_space<vmem>>, vector<16xi32>,
            tpu.vector_store %arg10[%swap3A_601], %get3A_600 {strides = array<i32>} : memref<512xi32, #tpu.memory_space<vmem>>, vector<16xi32>,
            %add3A_603 = arith.constant 192 : i32
            %add3A_604 = arith.addi %and3A_453, %add3A_603 : i32
            %get3A_605 = arith.index_cast %add3A_604 : i32 to index
            %get3A_606 = tpu.vector_load %arg7[%get3A_605] {strides = array<i32>} : memref<8192xi32, #tpu.memory_space<vmem>>, vector<16xi32>,
            %swap3A_607 = arith.constant 192 : index
            %swap3A_608 = tpu.vector_load %arg11[%swap3A_607] {strides = array<i32>} : memref<512xi32, #tpu.memory_space<vmem>>, vector<16xi32>,
            tpu.vector_store %arg11[%swap3A_607], %get3A_606 {strides = array<i32>} : memref<512xi32, #tpu.memory_space<vmem>>, vector<16xi32>,
            %add3A_609 = arith.constant 208 : i32
            %add3A_610 = arith.addi %and3A_453, %add3A_609 : i32
            %get3A_611 = arith.index_cast %add3A_610 : i32 to index
            %get3A_612 = tpu.vector_load %arg6[%get3A_611] {strides = array<i32>} : memref<8192xi32, #tpu.memory_space<vmem>>, vector<16xi32>,
            %swap3A_613 = arith.constant 208 : index
            %swap3A_614 = tpu.vector_load %arg10[%swap3A_613] {strides = array<i32>} : memref<512xi32, #tpu.memory_space<vmem>>, vector<16xi32>,
            tpu.vector_store %arg10[%swap3A_613], %get3A_612 {strides = array<i32>} : memref<512xi32, #tpu.memory_space<vmem>>, vector<16xi32>,
            %add3A_615 = arith.constant 208 : i32
            %add3A_616 = arith.addi %and3A_453, %add3A_615 : i32
            %get3A_617 = arith.index_cast %add3A_616 : i32 to index
            %get3A_618 = tpu.vector_load %arg7[%get3A_617] {strides = array<i32>} : memref<8192xi32, #tpu.memory_space<vmem>>, vector<16xi32>,
            %swap3A_619 = arith.constant 208 : index
            %swap3A_620 = tpu.vector_load %arg11[%swap3A_619] {strides = array<i32>} : memref<512xi32, #tpu.memory_space<vmem>>, vector<16xi32>,
            tpu.vector_store %arg11[%swap3A_619], %get3A_618 {strides = array<i32>} : memref<512xi32, #tpu.memory_space<vmem>>, vector<16xi32>,
            %add3A_621 = arith.constant 224 : i32
            %add3A_622 = arith.addi %and3A_453, %add3A_621 : i32
            %get3A_623 = arith.index_cast %add3A_622 : i32 to index
            %get3A_624 = tpu.vector_load %arg6[%get3A_623] {strides = array<i32>} : memref<8192xi32, #tpu.memory_space<vmem>>, vector<16xi32>,
            %swap3A_625 = arith.constant 224 : index
            %swap3A_626 = tpu.vector_load %arg10[%swap3A_625] {strides = array<i32>} : memref<512xi32, #tpu.memory_space<vmem>>, vector<16xi32>,
            tpu.vector_store %arg10[%swap3A_625], %get3A_624 {strides = array<i32>} : memref<512xi32, #tpu.memory_space<vmem>>, vector<16xi32>,
            %add3A_627 = arith.constant 224 : i32
            %add3A_628 = arith.addi %and3A_453, %add3A_627 : i32
            %get3A_629 = arith.index_cast %add3A_628 : i32 to index
            %get3A_630 = tpu.vector_load %arg7[%get3A_629] {strides = array<i32>} : memref<8192xi32, #tpu.memory_space<vmem>>, vector<16xi32>,
            %swap3A_631 = arith.constant 224 : index
            %swap3A_632 = tpu.vector_load %arg11[%swap3A_631] {strides = array<i32>} : memref<512xi32, #tpu.memory_space<vmem>>, vector<16xi32>,
            tpu.vector_store %arg11[%swap3A_631], %get3A_630 {strides = array<i32>} : memref<512xi32, #tpu.memory_space<vmem>>, vector<16xi32>,
            %add3A_633 = arith.constant 240 : i32
            %add3A_634 = arith.addi %and3A_453, %add3A_633 : i32
            %get3A_635 = arith.index_cast %add3A_634 : i32 to index
            %get3A_636 = tpu.vector_load %arg6[%get3A_635] {strides = array<i32>} : memref<8192xi32, #tpu.memory_space<vmem>>, vector<16xi32>,
            %swap3A_637 = arith.constant 240 : index
            %swap3A_638 = tpu.vector_load %arg10[%swap3A_637] {strides = array<i32>} : memref<512xi32, #tpu.memory_space<vmem>>, vector<16xi32>,
            tpu.vector_store %arg10[%swap3A_637], %get3A_636 {strides = array<i32>} : memref<512xi32, #tpu.memory_space<vmem>>, vector<16xi32>,
            %add3A_639 = arith.constant 240 : i32
            %add3A_640 = arith.addi %and3A_453, %add3A_639 : i32
            %get3A_641 = arith.index_cast %add3A_640 : i32 to index
            %get3A_642 = tpu.vector_load %arg7[%get3A_641] {strides = array<i32>} : memref<8192xi32, #tpu.memory_space<vmem>>, vector<16xi32>,
            %swap3A_643 = arith.constant 240 : index
            %swap3A_644 = tpu.vector_load %arg11[%swap3A_643] {strides = array<i32>} : memref<512xi32, #tpu.memory_space<vmem>>, vector<16xi32>,
            tpu.vector_store %arg11[%swap3A_643], %get3A_642 {strides = array<i32>} : memref<512xi32, #tpu.memory_space<vmem>>, vector<16xi32>,
            %add3A_645 = arith.constant 256 : i32
            %add3A_646 = arith.addi %and3A_453, %add3A_645 : i32
            %get3A_647 = arith.index_cast %add3A_646 : i32 to index
            %get3A_648 = tpu.vector_load %arg6[%get3A_647] {strides = array<i32>} : memref<8192xi32, #tpu.memory_space<vmem>>, vector<16xi32>,
            %swap3A_649 = arith.constant 256 : index
            %swap3A_650 = tpu.vector_load %arg10[%swap3A_649] {strides = array<i32>} : memref<512xi32, #tpu.memory_space<vmem>>, vector<16xi32>,
            tpu.vector_store %arg10[%swap3A_649], %get3A_648 {strides = array<i32>} : memref<512xi32, #tpu.memory_space<vmem>>, vector<16xi32>,
            %add3A_651 = arith.constant 256 : i32
            %add3A_652 = arith.addi %and3A_453, %add3A_651 : i32
            %get3A_653 = arith.index_cast %add3A_652 : i32 to index
            %get3A_654 = tpu.vector_load %arg7[%get3A_653] {strides = array<i32>} : memref<8192xi32, #tpu.memory_space<vmem>>, vector<16xi32>,
            %swap3A_655 = arith.constant 256 : index
            %swap3A_656 = tpu.vector_load %arg11[%swap3A_655] {strides = array<i32>} : memref<512xi32, #tpu.memory_space<vmem>>, vector<16xi32>,
            tpu.vector_store %arg11[%swap3A_655], %get3A_654 {strides = array<i32>} : memref<512xi32, #tpu.memory_space<vmem>>, vector<16xi32>,
            %add3A_657 = arith.constant 272 : i32
            %add3A_658 = arith.addi %and3A_453, %add3A_657 : i32
            %get3A_659 = arith.index_cast %add3A_658 : i32 to index
            %get3A_660 = tpu.vector_load %arg6[%get3A_659] {strides = array<i32>} : memref<8192xi32, #tpu.memory_space<vmem>>, vector<16xi32>,
            %swap3A_661 = arith.constant 272 : index
            %swap3A_662 = tpu.vector_load %arg10[%swap3A_661] {strides = array<i32>} : memref<512xi32, #tpu.memory_space<vmem>>, vector<16xi32>,
            tpu.vector_store %arg10[%swap3A_661], %get3A_660 {strides = array<i32>} : memref<512xi32, #tpu.memory_space<vmem>>, vector<16xi32>,
            %add3A_663 = arith.constant 272 : i32
            %add3A_664 = arith.addi %and3A_453, %add3A_663 : i32
            %get3A_665 = arith.index_cast %add3A_664 : i32 to index
            %get3A_666 = tpu.vector_load %arg7[%get3A_665] {strides = array<i32>} : memref<8192xi32, #tpu.memory_space<vmem>>, vector<16xi32>,
            %swap3A_667 = arith.constant 272 : index
            %swap3A_668 = tpu.vector_load %arg11[%swap3A_667] {strides = array<i32>} : memref<512xi32, #tpu.memory_space<vmem>>, vector<16xi32>,
            tpu.vector_store %arg11[%swap3A_667], %get3A_666 {strides = array<i32>} : memref<512xi32, #tpu.memory_space<vmem>>, vector<16xi32>,
            %add3A_669 = arith.constant 288 : i32
            %add3A_670 = arith.addi %and3A_453, %add3A_669 : i32
            %get3A_671 = arith.index_cast %add3A_670 : i32 to index
            %get3A_672 = tpu.vector_load %arg6[%get3A_671] {strides = array<i32>} : memref<8192xi32, #tpu.memory_space<vmem>>, vector<16xi32>,
            %swap3A_673 = arith.constant 288 : index
            %swap3A_674 = tpu.vector_load %arg10[%swap3A_673] {strides = array<i32>} : memref<512xi32, #tpu.memory_space<vmem>>, vector<16xi32>,
            tpu.vector_store %arg10[%swap3A_673], %get3A_672 {strides = array<i32>} : memref<512xi32, #tpu.memory_space<vmem>>, vector<16xi32>,
            %add3A_675 = arith.constant 288 : i32
            %add3A_676 = arith.addi %and3A_453, %add3A_675 : i32
            %get3A_677 = arith.index_cast %add3A_676 : i32 to index
            %get3A_678 = tpu.vector_load %arg7[%get3A_677] {strides = array<i32>} : memref<8192xi32, #tpu.memory_space<vmem>>, vector<16xi32>,
            %swap3A_679 = arith.constant 288 : index
            %swap3A_680 = tpu.vector_load %arg11[%swap3A_679] {strides = array<i32>} : memref<512xi32, #tpu.memory_space<vmem>>, vector<16xi32>,
            tpu.vector_store %arg11[%swap3A_679], %get3A_678 {strides = array<i32>} : memref<512xi32, #tpu.memory_space<vmem>>, vector<16xi32>,
            %add3A_681 = arith.constant 304 : i32
            %add3A_682 = arith.addi %and3A_453, %add3A_681 : i32
            %get3A_683 = arith.index_cast %add3A_682 : i32 to index
            %get3A_684 = tpu.vector_load %arg6[%get3A_683] {strides = array<i32>} : memref<8192xi32, #tpu.memory_space<vmem>>, vector<16xi32>,
            %swap3A_685 = arith.constant 304 : index
            %swap3A_686 = tpu.vector_load %arg10[%swap3A_685] {strides = array<i32>} : memref<512xi32, #tpu.memory_space<vmem>>, vector<16xi32>,
            tpu.vector_store %arg10[%swap3A_685], %get3A_684 {strides = array<i32>} : memref<512xi32, #tpu.memory_space<vmem>>, vector<16xi32>,
            %add3A_687 = arith.constant 304 : i32
            %add3A_688 = arith.addi %and3A_453, %add3A_687 : i32
            %get3A_689 = arith.index_cast %add3A_688 : i32 to index
            %get3A_690 = tpu.vector_load %arg7[%get3A_689] {strides = array<i32>} : memref<8192xi32, #tpu.memory_space<vmem>>, vector<16xi32>,
            %swap3A_691 = arith.constant 304 : index
            %swap3A_692 = tpu.vector_load %arg11[%swap3A_691] {strides = array<i32>} : memref<512xi32, #tpu.memory_space<vmem>>, vector<16xi32>,
            tpu.vector_store %arg11[%swap3A_691], %get3A_690 {strides = array<i32>} : memref<512xi32, #tpu.memory_space<vmem>>, vector<16xi32>,
            %add3A_693 = arith.constant 320 : i32
            %add3A_694 = arith.addi %and3A_453, %add3A_693 : i32
            %get3A_695 = arith.index_cast %add3A_694 : i32 to index
            %get3A_696 = tpu.vector_load %arg6[%get3A_695] {strides = array<i32>} : memref<8192xi32, #tpu.memory_space<vmem>>, vector<16xi32>,
            %swap3A_697 = arith.constant 320 : index
            %swap3A_698 = tpu.vector_load %arg10[%swap3A_697] {strides = array<i32>} : memref<512xi32, #tpu.memory_space<vmem>>, vector<16xi32>,
            tpu.vector_store %arg10[%swap3A_697], %get3A_696 {strides = array<i32>} : memref<512xi32, #tpu.memory_space<vmem>>, vector<16xi32>,
            %add3A_699 = arith.constant 320 : i32
            %add3A_700 = arith.addi %and3A_453, %add3A_699 : i32
            %get3A_701 = arith.index_cast %add3A_700 : i32 to index
            %get3A_702 = tpu.vector_load %arg7[%get3A_701] {strides = array<i32>} : memref<8192xi32, #tpu.memory_space<vmem>>, vector<16xi32>,
            %swap3A_703 = arith.constant 320 : index
            %swap3A_704 = tpu.vector_load %arg11[%swap3A_703] {strides = array<i32>} : memref<512xi32, #tpu.memory_space<vmem>>, vector<16xi32>,
            tpu.vector_store %arg11[%swap3A_703], %get3A_702 {strides = array<i32>} : memref<512xi32, #tpu.memory_space<vmem>>, vector<16xi32>,
            %add3A_705 = arith.constant 336 : i32
            %add3A_706 = arith.addi %and3A_453, %add3A_705 : i32
            %get3A_707 = arith.index_cast %add3A_706 : i32 to index
            %get3A_708 = tpu.vector_load %arg6[%get3A_707] {strides = array<i32>} : memref<8192xi32, #tpu.memory_space<vmem>>, vector<16xi32>,
            %swap3A_709 = arith.constant 336 : index
            %swap3A_710 = tpu.vector_load %arg10[%swap3A_709] {strides = array<i32>} : memref<512xi32, #tpu.memory_space<vmem>>, vector<16xi32>,
            tpu.vector_store %arg10[%swap3A_709], %get3A_708 {strides = array<i32>} : memref<512xi32, #tpu.memory_space<vmem>>, vector<16xi32>,
            %add3A_711 = arith.constant 336 : i32
            %add3A_712 = arith.addi %and3A_453, %add3A_711 : i32
            %get3A_713 = arith.index_cast %add3A_712 : i32 to index
            %get3A_714 = tpu.vector_load %arg7[%get3A_713] {strides = array<i32>} : memref<8192xi32, #tpu.memory_space<vmem>>, vector<16xi32>,
            %swap3A_715 = arith.constant 336 : index
            %swap3A_716 = tpu.vector_load %arg11[%swap3A_715] {strides = array<i32>} : memref<512xi32, #tpu.memory_space<vmem>>, vector<16xi32>,
            tpu.vector_store %arg11[%swap3A_715], %get3A_714 {strides = array<i32>} : memref<512xi32, #tpu.memory_space<vmem>>, vector<16xi32>,
            %add3A_717 = arith.constant 352 : i32
            %add3A_718 = arith.addi %and3A_453, %add3A_717 : i32
            %get3A_719 = arith.index_cast %add3A_718 : i32 to index
            %get3A_720 = tpu.vector_load %arg6[%get3A_719] {strides = array<i32>} : memref<8192xi32, #tpu.memory_space<vmem>>, vector<16xi32>,
            %swap3A_721 = arith.constant 352 : index
            %swap3A_722 = tpu.vector_load %arg10[%swap3A_721] {strides = array<i32>} : memref<512xi32, #tpu.memory_space<vmem>>, vector<16xi32>,
            tpu.vector_store %arg10[%swap3A_721], %get3A_720 {strides = array<i32>} : memref<512xi32, #tpu.memory_space<vmem>>, vector<16xi32>,
            %add3A_723 = arith.constant 352 : i32
            %add3A_724 = arith.addi %and3A_453, %add3A_723 : i32
            %get3A_725 = arith.index_cast %add3A_724 : i32 to index
            %get3A_726 = tpu.vector_load %arg7[%get3A_725] {strides = array<i32>} : memref<8192xi32, #tpu.memory_space<vmem>>, vector<16xi32>,
            %swap3A_727 = arith.constant 352 : index
            %swap3A_728 = tpu.vector_load %arg11[%swap3A_727] {strides = array<i32>} : memref<512xi32, #tpu.memory_space<vmem>>, vector<16xi32>,
            tpu.vector_store %arg11[%swap3A_727], %get3A_726 {strides = array<i32>} : memref<512xi32, #tpu.memory_space<vmem>>, vector<16xi32>,
            %add3A_729 = arith.constant 368 : i32
            %add3A_730 = arith.addi %and3A_453, %add3A_729 : i32
            %get3A_731 = arith.index_cast %add3A_730 : i32 to index
            %get3A_732 = tpu.vector_load %arg6[%get3A_731] {strides = array<i32>} : memref<8192xi32, #tpu.memory_space<vmem>>, vector<16xi32>,
            %swap3A_733 = arith.constant 368 : index
            %swap3A_734 = tpu.vector_load %arg10[%swap3A_733] {strides = array<i32>} : memref<512xi32, #tpu.memory_space<vmem>>, vector<16xi32>,
            tpu.vector_store %arg10[%swap3A_733], %get3A_732 {strides = array<i32>} : memref<512xi32, #tpu.memory_space<vmem>>, vector<16xi32>,
            %add3A_735 = arith.constant 368 : i32
            %add3A_736 = arith.addi %and3A_453, %add3A_735 : i32
            %get3A_737 = arith.index_cast %add3A_736 : i32 to index
            %get3A_738 = tpu.vector_load %arg7[%get3A_737] {strides = array<i32>} : memref<8192xi32, #tpu.memory_space<vmem>>, vector<16xi32>,
            %swap3A_739 = arith.constant 368 : index
            %swap3A_740 = tpu.vector_load %arg11[%swap3A_739] {strides = array<i32>} : memref<512xi32, #tpu.memory_space<vmem>>, vector<16xi32>,
            tpu.vector_store %arg11[%swap3A_739], %get3A_738 {strides = array<i32>} : memref<512xi32, #tpu.memory_space<vmem>>, vector<16xi32>,
            %add3A_741 = arith.constant 384 : i32
            %add3A_742 = arith.addi %and3A_453, %add3A_741 : i32
            %get3A_743 = arith.index_cast %add3A_742 : i32 to index
            %get3A_744 = tpu.vector_load %arg6[%get3A_743] {strides = array<i32>} : memref<8192xi32, #tpu.memory_space<vmem>>, vector<16xi32>,
            %swap3A_745 = arith.constant 384 : index
            %swap3A_746 = tpu.vector_load %arg10[%swap3A_745] {strides = array<i32>} : memref<512xi32, #tpu.memory_space<vmem>>, vector<16xi32>,
            tpu.vector_store %arg10[%swap3A_745], %get3A_744 {strides = array<i32>} : memref<512xi32, #tpu.memory_space<vmem>>, vector<16xi32>,
            %add3A_747 = arith.constant 384 : i32
            %add3A_748 = arith.addi %and3A_453, %add3A_747 : i32
            %get3A_749 = arith.index_cast %add3A_748 : i32 to index
            %get3A_750 = tpu.vector_load %arg7[%get3A_749] {strides = array<i32>} : memref<8192xi32, #tpu.memory_space<vmem>>, vector<16xi32>,
            %swap3A_751 = arith.constant 384 : index
            %swap3A_752 = tpu.vector_load %arg11[%swap3A_751] {strides = array<i32>} : memref<512xi32, #tpu.memory_space<vmem>>, vector<16xi32>,
            tpu.vector_store %arg11[%swap3A_751], %get3A_750 {strides = array<i32>} : memref<512xi32, #tpu.memory_space<vmem>>, vector<16xi32>,
            %add3A_753 = arith.constant 400 : i32
            %add3A_754 = arith.addi %and3A_453, %add3A_753 : i32
            %get3A_755 = arith.index_cast %add3A_754 : i32 to index
            %get3A_756 = tpu.vector_load %arg6[%get3A_755] {strides = array<i32>} : memref<8192xi32, #tpu.memory_space<vmem>>, vector<16xi32>,
            %swap3A_757 = arith.constant 400 : index
            %swap3A_758 = tpu.vector_load %arg10[%swap3A_757] {strides = array<i32>} : memref<512xi32, #tpu.memory_space<vmem>>, vector<16xi32>,
            tpu.vector_store %arg10[%swap3A_757], %get3A_756 {strides = array<i32>} : memref<512xi32, #tpu.memory_space<vmem>>, vector<16xi32>,
            %add3A_759 = arith.constant 400 : i32
            %add3A_760 = arith.addi %and3A_453, %add3A_759 : i32
            %get3A_761 = arith.index_cast %add3A_760 : i32 to index
            %get3A_762 = tpu.vector_load %arg7[%get3A_761] {strides = array<i32>} : memref<8192xi32, #tpu.memory_space<vmem>>, vector<16xi32>,
            %swap3A_763 = arith.constant 400 : index
            %swap3A_764 = tpu.vector_load %arg11[%swap3A_763] {strides = array<i32>} : memref<512xi32, #tpu.memory_space<vmem>>, vector<16xi32>,
            tpu.vector_store %arg11[%swap3A_763], %get3A_762 {strides = array<i32>} : memref<512xi32, #tpu.memory_space<vmem>>, vector<16xi32>,
            %add3A_765 = arith.constant 416 : i32
            %add3A_766 = arith.addi %and3A_453, %add3A_765 : i32
            %get3A_767 = arith.index_cast %add3A_766 : i32 to index
            %get3A_768 = tpu.vector_load %arg6[%get3A_767] {strides = array<i32>} : memref<8192xi32, #tpu.memory_space<vmem>>, vector<16xi32>,
            %swap3A_769 = arith.constant 416 : index
            %swap3A_770 = tpu.vector_load %arg10[%swap3A_769] {strides = array<i32>} : memref<512xi32, #tpu.memory_space<vmem>>, vector<16xi32>,
            tpu.vector_store %arg10[%swap3A_769], %get3A_768 {strides = array<i32>} : memref<512xi32, #tpu.memory_space<vmem>>, vector<16xi32>,
            %add3A_771 = arith.constant 416 : i32
            %add3A_772 = arith.addi %and3A_453, %add3A_771 : i32
            %get3A_773 = arith.index_cast %add3A_772 : i32 to index
            %get3A_774 = tpu.vector_load %arg7[%get3A_773] {strides = array<i32>} : memref<8192xi32, #tpu.memory_space<vmem>>, vector<16xi32>,
            %swap3A_775 = arith.constant 416 : index
            %swap3A_776 = tpu.vector_load %arg11[%swap3A_775] {strides = array<i32>} : memref<512xi32, #tpu.memory_space<vmem>>, vector<16xi32>,
            tpu.vector_store %arg11[%swap3A_775], %get3A_774 {strides = array<i32>} : memref<512xi32, #tpu.memory_space<vmem>>, vector<16xi32>,
            %add3A_777 = arith.constant 432 : i32
            %add3A_778 = arith.addi %and3A_453, %add3A_777 : i32
            %get3A_779 = arith.index_cast %add3A_778 : i32 to index
            %get3A_780 = tpu.vector_load %arg6[%get3A_779] {strides = array<i32>} : memref<8192xi32, #tpu.memory_space<vmem>>, vector<16xi32>,
            %swap3A_781 = arith.constant 432 : index
            %swap3A_782 = tpu.vector_load %arg10[%swap3A_781] {strides = array<i32>} : memref<512xi32, #tpu.memory_space<vmem>>, vector<16xi32>,
            tpu.vector_store %arg10[%swap3A_781], %get3A_780 {strides = array<i32>} : memref<512xi32, #tpu.memory_space<vmem>>, vector<16xi32>,
            %add3A_783 = arith.constant 432 : i32
            %add3A_784 = arith.addi %and3A_453, %add3A_783 : i32
            %get3A_785 = arith.index_cast %add3A_784 : i32 to index
            %get3A_786 = tpu.vector_load %arg7[%get3A_785] {strides = array<i32>} : memref<8192xi32, #tpu.memory_space<vmem>>, vector<16xi32>,
            %swap3A_787 = arith.constant 432 : index
            %swap3A_788 = tpu.vector_load %arg11[%swap3A_787] {strides = array<i32>} : memref<512xi32, #tpu.memory_space<vmem>>, vector<16xi32>,
            tpu.vector_store %arg11[%swap3A_787], %get3A_786 {strides = array<i32>} : memref<512xi32, #tpu.memory_space<vmem>>, vector<16xi32>,
            %add3A_789 = arith.constant 448 : i32
            %add3A_790 = arith.addi %and3A_453, %add3A_789 : i32
            %get3A_791 = arith.index_cast %add3A_790 : i32 to index
            %get3A_792 = tpu.vector_load %arg6[%get3A_791] {strides = array<i32>} : memref<8192xi32, #tpu.memory_space<vmem>>, vector<16xi32>,
            %swap3A_793 = arith.constant 448 : index
            %swap3A_794 = tpu.vector_load %arg10[%swap3A_793] {strides = array<i32>} : memref<512xi32, #tpu.memory_space<vmem>>, vector<16xi32>,
            tpu.vector_store %arg10[%swap3A_793], %get3A_792 {strides = array<i32>} : memref<512xi32, #tpu.memory_space<vmem>>, vector<16xi32>,
            %add3A_795 = arith.constant 448 : i32
            %add3A_796 = arith.addi %and3A_453, %add3A_795 : i32
            %get3A_797 = arith.index_cast %add3A_796 : i32 to index
            %get3A_798 = tpu.vector_load %arg7[%get3A_797] {strides = array<i32>} : memref<8192xi32, #tpu.memory_space<vmem>>, vector<16xi32>,
            %swap3A_799 = arith.constant 448 : index
            %swap3A_800 = tpu.vector_load %arg11[%swap3A_799] {strides = array<i32>} : memref<512xi32, #tpu.memory_space<vmem>>, vector<16xi32>,
            tpu.vector_store %arg11[%swap3A_799], %get3A_798 {strides = array<i32>} : memref<512xi32, #tpu.memory_space<vmem>>, vector<16xi32>,
            %add3A_801 = arith.constant 464 : i32
            %add3A_802 = arith.addi %and3A_453, %add3A_801 : i32
            %get3A_803 = arith.index_cast %add3A_802 : i32 to index
            %get3A_804 = tpu.vector_load %arg6[%get3A_803] {strides = array<i32>} : memref<8192xi32, #tpu.memory_space<vmem>>, vector<16xi32>,
            %swap3A_805 = arith.constant 464 : index
            %swap3A_806 = tpu.vector_load %arg10[%swap3A_805] {strides = array<i32>} : memref<512xi32, #tpu.memory_space<vmem>>, vector<16xi32>,
            tpu.vector_store %arg10[%swap3A_805], %get3A_804 {strides = array<i32>} : memref<512xi32, #tpu.memory_space<vmem>>, vector<16xi32>,
            %add3A_807 = arith.constant 464 : i32
            %add3A_808 = arith.addi %and3A_453, %add3A_807 : i32
            %get3A_809 = arith.index_cast %add3A_808 : i32 to index
            %get3A_810 = tpu.vector_load %arg7[%get3A_809] {strides = array<i32>} : memref<8192xi32, #tpu.memory_space<vmem>>, vector<16xi32>,
            %swap3A_811 = arith.constant 464 : index
            %swap3A_812 = tpu.vector_load %arg11[%swap3A_811] {strides = array<i32>} : memref<512xi32, #tpu.memory_space<vmem>>, vector<16xi32>,
            tpu.vector_store %arg11[%swap3A_811], %get3A_810 {strides = array<i32>} : memref<512xi32, #tpu.memory_space<vmem>>, vector<16xi32>,
            %add3A_813 = arith.constant 480 : i32
            %add3A_814 = arith.addi %and3A_453, %add3A_813 : i32
            %get3A_815 = arith.index_cast %add3A_814 : i32 to index
            %get3A_816 = tpu.vector_load %arg6[%get3A_815] {strides = array<i32>} : memref<8192xi32, #tpu.memory_space<vmem>>, vector<16xi32>,
            %swap3A_817 = arith.constant 480 : index
            %swap3A_818 = tpu.vector_load %arg10[%swap3A_817] {strides = array<i32>} : memref<512xi32, #tpu.memory_space<vmem>>, vector<16xi32>,
            tpu.vector_store %arg10[%swap3A_817], %get3A_816 {strides = array<i32>} : memref<512xi32, #tpu.memory_space<vmem>>, vector<16xi32>,
            %add3A_819 = arith.constant 480 : i32
            %add3A_820 = arith.addi %and3A_453, %add3A_819 : i32
            %get3A_821 = arith.index_cast %add3A_820 : i32 to index
            %get3A_822 = tpu.vector_load %arg7[%get3A_821] {strides = array<i32>} : memref<8192xi32, #tpu.memory_space<vmem>>, vector<16xi32>,
            %swap3A_823 = arith.constant 480 : index
            %swap3A_824 = tpu.vector_load %arg11[%swap3A_823] {strides = array<i32>} : memref<512xi32, #tpu.memory_space<vmem>>, vector<16xi32>,
            tpu.vector_store %arg11[%swap3A_823], %get3A_822 {strides = array<i32>} : memref<512xi32, #tpu.memory_space<vmem>>, vector<16xi32>,
            %add3A_825 = arith.constant 496 : i32
            %add3A_826 = arith.addi %and3A_453, %add3A_825 : i32
            %get3A_827 = arith.index_cast %add3A_826 : i32 to index
            %get3A_828 = tpu.vector_load %arg6[%get3A_827] {strides = array<i32>} : memref<8192xi32, #tpu.memory_space<vmem>>, vector<16xi32>,
            %swap3A_829 = arith.constant 496 : index
            %swap3A_830 = tpu.vector_load %arg10[%swap3A_829] {strides = array<i32>} : memref<512xi32, #tpu.memory_space<vmem>>, vector<16xi32>,
            tpu.vector_store %arg10[%swap3A_829], %get3A_828 {strides = array<i32>} : memref<512xi32, #tpu.memory_space<vmem>>, vector<16xi32>,
            %add3A_831 = arith.constant 496 : i32
            %add3A_832 = arith.addi %and3A_453, %add3A_831 : i32
            %get3A_833 = arith.index_cast %add3A_832 : i32 to index
            %get3A_834 = tpu.vector_load %arg7[%get3A_833] {strides = array<i32>} : memref<8192xi32, #tpu.memory_space<vmem>>, vector<16xi32>,
            %swap3A_835 = arith.constant 496 : index
            %swap3A_836 = tpu.vector_load %arg11[%swap3A_835] {strides = array<i32>} : memref<512xi32, #tpu.memory_space<vmem>>, vector<16xi32>,
            tpu.vector_store %arg11[%swap3A_835], %get3A_834 {strides = array<i32>} : memref<512xi32, #tpu.memory_space<vmem>>, vector<16xi32>,
            %dma_start3A_837 = arith.constant 0 : i32
            %dma_start3A_838 = arith.constant 0 : i32
            %dma_start3A_839 = tpu.memref_slice %arg3[%dma_start3A_837, %dma_start3A_838] : memref<400000x16xf32, #tpu.memory_space<hbm>> -> memref<400000x16xf32, #tpu.memory_space<hbm>>
            tpu.enqueue_indirect_dma source(%dma_start3A_839 : memref<400000x16xf32, #tpu.memory_space<hbm>>) target(%arg13 : memref<512x16xf32, #tpu.memory_space<vmem>>) offsets(%arg11 : memref<512xi32, #tpu.memory_space<vmem>>) semaphore(%arg22 : memref<!tpu.dma_semaphore, #tpu.memory_space<semaphore_mem>>)
          } else {
          }
          %gt3A_440 = arith.cmpi sgt, %while3A_396, %while3A_397 : i32
          %convert_element_type3A_441 = arith.extui %gt3A_440 : i1 to i32
          %cond3A_442 = arith.constant 0 : i32
          %cond3A_443 = arith.cmpi ne, %convert_element_type3A_441, %cond3A_442 : i32
          scf.if %cond3A_443 {
            %jit3A_450 = arith.constant 2 : i32
            %eq3A_451 = arith.constant 0 : i32
            %eq3A_452 = arith.cmpi eq, %jit3A_450, %eq3A_451 : i32
            %jit3A_453 = arith.constant 1 : i32
            %select_n3A_454 = arith.select %eq3A_452, %jit3A_453, %jit3A_450 : i32
            %rem3A_455 = arith.remsi %while3A_397, %select_n3A_454 : i32
            %ne3A_456 = arith.constant 0 : i32
            %ne3A_457 = arith.cmpi ne, %rem3A_455, %ne3A_456 : i32
            %lt3A_458 = arith.constant 0 : i32
            %lt3A_459 = arith.cmpi slt, %rem3A_455, %lt3A_458 : i32
            %lt3A_460 = arith.constant 0 : i32
            %lt3A_461 = arith.cmpi slt, %select_n3A_454, %lt3A_460 : i32
            %ne3A_462 = arith.xori %lt3A_459, %lt3A_461 : i1
            %and3A_463 = arith.andi %ne3A_462, %ne3A_457 : i1
            %add3A_464 = arith.addi %rem3A_455, %select_n3A_454 : i32
            %select_n3A_465 = arith.select %and3A_463, %add3A_464, %rem3A_455 : i32
            %eq3A_466 = arith.constant 0 : i32
            %eq3A_467 = arith.cmpi eq, %select_n3A_465, %eq3A_466 : i32
            %convert_element_type3A_468 = arith.extui %eq3A_467 : i1 to i32
            %cond3A_469 = arith.constant 0 : i32
            %cond3A_470 = arith.cmpi ne, %convert_element_type3A_468, %cond3A_469 : i32
            scf.if %cond3A_470 {
              %dma_wait3A_492 = arith.constant 0 : i32
              %dma_wait3A_493 = arith.constant 0 : i32
              %dma_wait3A_494 = tpu.memref_slice %arg3[%dma_wait3A_492, %dma_wait3A_493] : memref<400000x16xf32, #tpu.memory_space<hbm>> -> memref<400000x16xf32, #tpu.memory_space<hbm>>
              tpu.wait_indirect_dma semaphore(%arg22 : memref<!tpu.dma_semaphore, #tpu.memory_space<semaphore_mem>>) src(%dma_wait3A_494 : memref<400000x16xf32, #tpu.memory_space<hbm>>) dst(%arg12 : memref<512x16xf32, #tpu.memory_space<vmem>>)
              "tpu.region"() ({
                %run_scoped3A = tpu.sem_alloc : memref<!tpu.dma_semaphore, #tpu.memory_space<semaphore_mem>>
                %dma_start3A_495 = arith.constant 0 : i32
                %dma_start3A_496 = arith.constant 0 : i32
                %dma_start3A_497 = tpu.memref_slice %arg20[%dma_start3A_495, %dma_start3A_496] : memref<65552x16xf32, #tpu.memory_space<vmem_shared>> -> memref<65552x16xf32, #tpu.memory_space<vmem_shared>>
                tpu.enqueue_indirect_dma source(%arg12 : memref<512x16xf32, #tpu.memory_space<vmem>>) target(%dma_start3A_497 : memref<65552x16xf32, #tpu.memory_space<vmem_shared>>) offsets(%arg8 : memref<512xi32, #tpu.memory_space<vmem>>) semaphore(%run_scoped3A : memref<!tpu.dma_semaphore, #tpu.memory_space<semaphore_mem>>) {add = true}
                %dma_wait3A_498 = arith.constant 0 : i32
                %dma_wait3A_499 = arith.constant 0 : i32
                %dma_wait3A_500 = tpu.memref_slice %arg20[%dma_wait3A_498, %dma_wait3A_499] : memref<65552x16xf32, #tpu.memory_space<vmem_shared>> -> memref<65552x16xf32, #tpu.memory_space<vmem_shared>>
                tpu.wait_indirect_dma semaphore(%run_scoped3A : memref<!tpu.dma_semaphore, #tpu.memory_space<semaphore_mem>>) src(%arg12 : memref<512x16xf32, #tpu.memory_space<vmem>>) dst(%dma_wait3A_500 : memref<65552x16xf32, #tpu.memory_space<vmem_shared>>)
                tpu.yield
              }) : () -> ()
              "tpu.region"() ({
                %run_scoped3A = tpu.sem_alloc : memref<!tpu.dma_semaphore, #tpu.memory_space<semaphore_mem>>
                %dma_start3A_495 = arith.constant 0 : i32
                %dma_start3A_496 = tpu.memref_slice %arg21[%dma_start3A_495] : memref<65552xf32, #tpu.memory_space<vmem_shared>> -> memref<65552xf32, #tpu.memory_space<vmem_shared>>
                tpu.enqueue_indirect_dma source(%arg14 : memref<512xf32, #tpu.memory_space<vmem>>) target(%dma_start3A_496 : memref<65552xf32, #tpu.memory_space<vmem_shared>>) offsets(%arg8 : memref<512xi32, #tpu.memory_space<vmem>>) semaphore(%run_scoped3A : memref<!tpu.dma_semaphore, #tpu.memory_space<semaphore_mem>>) {add = true}
                %dma_wait3A_497 = arith.constant 0 : i32
                %dma_wait3A_498 = tpu.memref_slice %arg21[%dma_wait3A_497] : memref<65552xf32, #tpu.memory_space<vmem_shared>> -> memref<65552xf32, #tpu.memory_space<vmem_shared>>
                tpu.wait_indirect_dma semaphore(%run_scoped3A : memref<!tpu.dma_semaphore, #tpu.memory_space<semaphore_mem>>) src(%arg14 : memref<512xf32, #tpu.memory_space<vmem>>) dst(%dma_wait3A_498 : memref<65552xf32, #tpu.memory_space<vmem_shared>>)
                tpu.yield
              }) : () -> ()
            } else {
            }
            %jit3A_471 = arith.constant 2 : i32
            %eq3A_472 = arith.constant 0 : i32
            %eq3A_473 = arith.cmpi eq, %jit3A_471, %eq3A_472 : i32
            %jit3A_474 = arith.constant 1 : i32
            %select_n3A_475 = arith.select %eq3A_473, %jit3A_474, %jit3A_471 : i32
            %rem3A_476 = arith.remsi %while3A_397, %select_n3A_475 : i32
            %ne3A_477 = arith.constant 0 : i32
            %ne3A_478 = arith.cmpi ne, %rem3A_476, %ne3A_477 : i32
            %lt3A_479 = arith.constant 0 : i32
            %lt3A_480 = arith.cmpi slt, %rem3A_476, %lt3A_479 : i32
            %lt3A_481 = arith.constant 0 : i32
            %lt3A_482 = arith.cmpi slt, %select_n3A_475, %lt3A_481 : i32
            %ne3A_483 = arith.xori %lt3A_480, %lt3A_482 : i1
            %and3A_484 = arith.andi %ne3A_483, %ne3A_478 : i1
            %add3A_485 = arith.addi %rem3A_476, %select_n3A_475 : i32
            %select_n3A_486 = arith.select %and3A_484, %add3A_485, %rem3A_476 : i32
            %eq3A_487 = arith.constant 1 : i32
            %eq3A_488 = arith.cmpi eq, %select_n3A_486, %eq3A_487 : i32
            %convert_element_type3A_489 = arith.extui %eq3A_488 : i1 to i32
            %cond3A_490 = arith.constant 0 : i32
            %cond3A_491 = arith.cmpi ne, %convert_element_type3A_489, %cond3A_490 : i32
            scf.if %cond3A_491 {
              %dma_wait3A_492 = arith.constant 0 : i32
              %dma_wait3A_493 = arith.constant 0 : i32
              %dma_wait3A_494 = tpu.memref_slice %arg3[%dma_wait3A_492, %dma_wait3A_493] : memref<400000x16xf32, #tpu.memory_space<hbm>> -> memref<400000x16xf32, #tpu.memory_space<hbm>>
              tpu.wait_indirect_dma semaphore(%arg22 : memref<!tpu.dma_semaphore, #tpu.memory_space<semaphore_mem>>) src(%dma_wait3A_494 : memref<400000x16xf32, #tpu.memory_space<hbm>>) dst(%arg13 : memref<512x16xf32, #tpu.memory_space<vmem>>)
              "tpu.region"() ({
                %run_scoped3A = tpu.sem_alloc : memref<!tpu.dma_semaphore, #tpu.memory_space<semaphore_mem>>
                %dma_start3A_495 = arith.constant 0 : i32
                %dma_start3A_496 = arith.constant 0 : i32
                %dma_start3A_497 = tpu.memref_slice %arg20[%dma_start3A_495, %dma_start3A_496] : memref<65552x16xf32, #tpu.memory_space<vmem_shared>> -> memref<65552x16xf32, #tpu.memory_space<vmem_shared>>
                tpu.enqueue_indirect_dma source(%arg13 : memref<512x16xf32, #tpu.memory_space<vmem>>) target(%dma_start3A_497 : memref<65552x16xf32, #tpu.memory_space<vmem_shared>>) offsets(%arg10 : memref<512xi32, #tpu.memory_space<vmem>>) semaphore(%run_scoped3A : memref<!tpu.dma_semaphore, #tpu.memory_space<semaphore_mem>>) {add = true}
                %dma_wait3A_498 = arith.constant 0 : i32
                %dma_wait3A_499 = arith.constant 0 : i32
                %dma_wait3A_500 = tpu.memref_slice %arg20[%dma_wait3A_498, %dma_wait3A_499] : memref<65552x16xf32, #tpu.memory_space<vmem_shared>> -> memref<65552x16xf32, #tpu.memory_space<vmem_shared>>
                tpu.wait_indirect_dma semaphore(%run_scoped3A : memref<!tpu.dma_semaphore, #tpu.memory_space<semaphore_mem>>) src(%arg13 : memref<512x16xf32, #tpu.memory_space<vmem>>) dst(%dma_wait3A_500 : memref<65552x16xf32, #tpu.memory_space<vmem_shared>>)
                tpu.yield
              }) : () -> ()
              "tpu.region"() ({
                %run_scoped3A = tpu.sem_alloc : memref<!tpu.dma_semaphore, #tpu.memory_space<semaphore_mem>>
                %dma_start3A_495 = arith.constant 0 : i32
                %dma_start3A_496 = tpu.memref_slice %arg21[%dma_start3A_495] : memref<65552xf32, #tpu.memory_space<vmem_shared>> -> memref<65552xf32, #tpu.memory_space<vmem_shared>>
                tpu.enqueue_indirect_dma source(%arg14 : memref<512xf32, #tpu.memory_space<vmem>>) target(%dma_start3A_496 : memref<65552xf32, #tpu.memory_space<vmem_shared>>) offsets(%arg10 : memref<512xi32, #tpu.memory_space<vmem>>) semaphore(%run_scoped3A : memref<!tpu.dma_semaphore, #tpu.memory_space<semaphore_mem>>) {add = true}
                %dma_wait3A_497 = arith.constant 0 : i32
                %dma_wait3A_498 = tpu.memref_slice %arg21[%dma_wait3A_497] : memref<65552xf32, #tpu.memory_space<vmem_shared>> -> memref<65552xf32, #tpu.memory_space<vmem_shared>>
                tpu.wait_indirect_dma semaphore(%run_scoped3A : memref<!tpu.dma_semaphore, #tpu.memory_space<semaphore_mem>>) src(%arg14 : memref<512xf32, #tpu.memory_space<vmem>>) dst(%dma_wait3A_498 : memref<65552xf32, #tpu.memory_space<vmem_shared>>)
                tpu.yield
              }) : () -> ()
            } else {
            }
          } else {
          }
          %add3A_444 = arith.constant 1 : i32
          %add3A_445 = arith.addi %while3A_396, %add3A_444 : i32
          %gt3A_446 = arith.cmpi sgt, %while3A_396, %while3A_397 : i32
          %add3A_447 = arith.constant 1 : i32
          %add3A_448 = arith.addi %while3A_397, %add3A_447 : i32
          %select_n3A_449 = arith.select %gt3A_446, %add3A_448, %while3A_397 : i32
          scf.yield %add3A_445, %select_n3A_449 : i32, i32
        }
        %while3A_393 = arith.constant 1 : i32
        %while3A_394:2 = scf.for %while3A_395 = %while3A_390 to %while3A_386 step %while3A_393 iter_args(%while3A_396 = %while3A_392#0, %while3A_397 = %while3A_392#1) -> (i32, i32)  : i32 {
          %jit3A_398 = arith.constant 2 : i32
          %eq3A_399 = arith.constant 0 : i32
          %eq3A_400 = arith.cmpi eq, %jit3A_398, %eq3A_399 : i32
          %jit3A_401 = arith.constant 1 : i32
          %select_n3A_402 = arith.select %eq3A_400, %jit3A_401, %jit3A_398 : i32
          %rem3A_403 = arith.remsi %while3A_396, %select_n3A_402 : i32
          %ne3A_404 = arith.constant 0 : i32
          %ne3A_405 = arith.cmpi ne, %rem3A_403, %ne3A_404 : i32
          %lt3A_406 = arith.constant 0 : i32
          %lt3A_407 = arith.cmpi slt, %rem3A_403, %lt3A_406 : i32
          %lt3A_408 = arith.constant 0 : i32
          %lt3A_409 = arith.cmpi slt, %select_n3A_402, %lt3A_408 : i32
          %ne3A_410 = arith.xori %lt3A_407, %lt3A_409 : i1
          %and3A_411 = arith.andi %ne3A_410, %ne3A_405 : i1
          %add3A_412 = arith.addi %rem3A_403, %select_n3A_402 : i32
          %select_n3A_413 = arith.select %and3A_411, %add3A_412, %rem3A_403 : i32
          %eq3A_414 = arith.constant 0 : i32
          %eq3A_415 = arith.cmpi eq, %select_n3A_413, %eq3A_414 : i32
          %convert_element_type3A_416 = arith.extui %eq3A_415 : i1 to i32
          %cond3A_417 = arith.constant 0 : i32
          %cond3A_418 = arith.cmpi ne, %convert_element_type3A_416, %cond3A_417 : i32
          scf.if %cond3A_418 {
            %mul3A_450 = arith.constant 512 : i32
            %mul3A_451 = arith.muli %while3A_396, %mul3A_450 : i32
            %and3A_452 = arith.constant 8191 : i32
            %and3A_453 = arith.andi %mul3A_451, %and3A_452 : i32
            %add3A_454 = arith.constant 0 : i32
            %add3A_455 = arith.addi %and3A_453, %add3A_454 : i32
            %get3A = arith.index_cast %add3A_455 : i32 to index
            %get3A_456 = tpu.vector_load %arg6[%get3A] {strides = array<i32>} : memref<8192xi32, #tpu.memory_space<vmem>>, vector<16xi32>,
            %swap3A_457 = arith.constant 0 : index
            %swap3A_458 = tpu.vector_load %arg8[%swap3A_457] {strides = array<i32>} : memref<512xi32, #tpu.memory_space<vmem>>, vector<16xi32>,
            tpu.vector_store %arg8[%swap3A_457], %get3A_456 {strides = array<i32>} : memref<512xi32, #tpu.memory_space<vmem>>, vector<16xi32>,
            %add3A_459 = arith.constant 0 : i32
            %add3A_460 = arith.addi %and3A_453, %add3A_459 : i32
            %get3A_461 = arith.index_cast %add3A_460 : i32 to index
            %get3A_462 = tpu.vector_load %arg7[%get3A_461] {strides = array<i32>} : memref<8192xi32, #tpu.memory_space<vmem>>, vector<16xi32>,
            %swap3A_463 = arith.constant 0 : index
            %swap3A_464 = tpu.vector_load %arg9[%swap3A_463] {strides = array<i32>} : memref<512xi32, #tpu.memory_space<vmem>>, vector<16xi32>,
            tpu.vector_store %arg9[%swap3A_463], %get3A_462 {strides = array<i32>} : memref<512xi32, #tpu.memory_space<vmem>>, vector<16xi32>,
            %add3A_465 = arith.constant 16 : i32
            %add3A_466 = arith.addi %and3A_453, %add3A_465 : i32
            %get3A_467 = arith.index_cast %add3A_466 : i32 to index
            %get3A_468 = tpu.vector_load %arg6[%get3A_467] {strides = array<i32>} : memref<8192xi32, #tpu.memory_space<vmem>>, vector<16xi32>,
            %swap3A_469 = arith.constant 16 : index
            %swap3A_470 = tpu.vector_load %arg8[%swap3A_469] {strides = array<i32>} : memref<512xi32, #tpu.memory_space<vmem>>, vector<16xi32>,
            tpu.vector_store %arg8[%swap3A_469], %get3A_468 {strides = array<i32>} : memref<512xi32, #tpu.memory_space<vmem>>, vector<16xi32>,
            %add3A_471 = arith.constant 16 : i32
            %add3A_472 = arith.addi %and3A_453, %add3A_471 : i32
            %get3A_473 = arith.index_cast %add3A_472 : i32 to index
            %get3A_474 = tpu.vector_load %arg7[%get3A_473] {strides = array<i32>} : memref<8192xi32, #tpu.memory_space<vmem>>, vector<16xi32>,
            %swap3A_475 = arith.constant 16 : index
            %swap3A_476 = tpu.vector_load %arg9[%swap3A_475] {strides = array<i32>} : memref<512xi32, #tpu.memory_space<vmem>>, vector<16xi32>,
            tpu.vector_store %arg9[%swap3A_475], %get3A_474 {strides = array<i32>} : memref<512xi32, #tpu.memory_space<vmem>>, vector<16xi32>,
            %add3A_477 = arith.constant 32 : i32
            %add3A_478 = arith.addi %and3A_453, %add3A_477 : i32
            %get3A_479 = arith.index_cast %add3A_478 : i32 to index
            %get3A_480 = tpu.vector_load %arg6[%get3A_479] {strides = array<i32>} : memref<8192xi32, #tpu.memory_space<vmem>>, vector<16xi32>,
            %swap3A_481 = arith.constant 32 : index
            %swap3A_482 = tpu.vector_load %arg8[%swap3A_481] {strides = array<i32>} : memref<512xi32, #tpu.memory_space<vmem>>, vector<16xi32>,
            tpu.vector_store %arg8[%swap3A_481], %get3A_480 {strides = array<i32>} : memref<512xi32, #tpu.memory_space<vmem>>, vector<16xi32>,
            %add3A_483 = arith.constant 32 : i32
            %add3A_484 = arith.addi %and3A_453, %add3A_483 : i32
            %get3A_485 = arith.index_cast %add3A_484 : i32 to index
            %get3A_486 = tpu.vector_load %arg7[%get3A_485] {strides = array<i32>} : memref<8192xi32, #tpu.memory_space<vmem>>, vector<16xi32>,
            %swap3A_487 = arith.constant 32 : index
            %swap3A_488 = tpu.vector_load %arg9[%swap3A_487] {strides = array<i32>} : memref<512xi32, #tpu.memory_space<vmem>>, vector<16xi32>,
            tpu.vector_store %arg9[%swap3A_487], %get3A_486 {strides = array<i32>} : memref<512xi32, #tpu.memory_space<vmem>>, vector<16xi32>,
            %add3A_489 = arith.constant 48 : i32
            %add3A_490 = arith.addi %and3A_453, %add3A_489 : i32
            %get3A_491 = arith.index_cast %add3A_490 : i32 to index
            %get3A_492 = tpu.vector_load %arg6[%get3A_491] {strides = array<i32>} : memref<8192xi32, #tpu.memory_space<vmem>>, vector<16xi32>,
            %swap3A_493 = arith.constant 48 : index
            %swap3A_494 = tpu.vector_load %arg8[%swap3A_493] {strides = array<i32>} : memref<512xi32, #tpu.memory_space<vmem>>, vector<16xi32>,
            tpu.vector_store %arg8[%swap3A_493], %get3A_492 {strides = array<i32>} : memref<512xi32, #tpu.memory_space<vmem>>, vector<16xi32>,
            %add3A_495 = arith.constant 48 : i32
            %add3A_496 = arith.addi %and3A_453, %add3A_495 : i32
            %get3A_497 = arith.index_cast %add3A_496 : i32 to index
            %get3A_498 = tpu.vector_load %arg7[%get3A_497] {strides = array<i32>} : memref<8192xi32, #tpu.memory_space<vmem>>, vector<16xi32>,
            %swap3A_499 = arith.constant 48 : index
            %swap3A_500 = tpu.vector_load %arg9[%swap3A_499] {strides = array<i32>} : memref<512xi32, #tpu.memory_space<vmem>>, vector<16xi32>,
            tpu.vector_store %arg9[%swap3A_499], %get3A_498 {strides = array<i32>} : memref<512xi32, #tpu.memory_space<vmem>>, vector<16xi32>,
            %add3A_501 = arith.constant 64 : i32
            %add3A_502 = arith.addi %and3A_453, %add3A_501 : i32
            %get3A_503 = arith.index_cast %add3A_502 : i32 to index
            %get3A_504 = tpu.vector_load %arg6[%get3A_503] {strides = array<i32>} : memref<8192xi32, #tpu.memory_space<vmem>>, vector<16xi32>,
            %swap3A_505 = arith.constant 64 : index
            %swap3A_506 = tpu.vector_load %arg8[%swap3A_505] {strides = array<i32>} : memref<512xi32, #tpu.memory_space<vmem>>, vector<16xi32>,
            tpu.vector_store %arg8[%swap3A_505], %get3A_504 {strides = array<i32>} : memref<512xi32, #tpu.memory_space<vmem>>, vector<16xi32>,
            %add3A_507 = arith.constant 64 : i32
            %add3A_508 = arith.addi %and3A_453, %add3A_507 : i32
            %get3A_509 = arith.index_cast %add3A_508 : i32 to index
            %get3A_510 = tpu.vector_load %arg7[%get3A_509] {strides = array<i32>} : memref<8192xi32, #tpu.memory_space<vmem>>, vector<16xi32>,
            %swap3A_511 = arith.constant 64 : index
            %swap3A_512 = tpu.vector_load %arg9[%swap3A_511] {strides = array<i32>} : memref<512xi32, #tpu.memory_space<vmem>>, vector<16xi32>,
            tpu.vector_store %arg9[%swap3A_511], %get3A_510 {strides = array<i32>} : memref<512xi32, #tpu.memory_space<vmem>>, vector<16xi32>,
            %add3A_513 = arith.constant 80 : i32
            %add3A_514 = arith.addi %and3A_453, %add3A_513 : i32
            %get3A_515 = arith.index_cast %add3A_514 : i32 to index
            %get3A_516 = tpu.vector_load %arg6[%get3A_515] {strides = array<i32>} : memref<8192xi32, #tpu.memory_space<vmem>>, vector<16xi32>,
            %swap3A_517 = arith.constant 80 : index
            %swap3A_518 = tpu.vector_load %arg8[%swap3A_517] {strides = array<i32>} : memref<512xi32, #tpu.memory_space<vmem>>, vector<16xi32>,
            tpu.vector_store %arg8[%swap3A_517], %get3A_516 {strides = array<i32>} : memref<512xi32, #tpu.memory_space<vmem>>, vector<16xi32>,
            %add3A_519 = arith.constant 80 : i32
            %add3A_520 = arith.addi %and3A_453, %add3A_519 : i32
            %get3A_521 = arith.index_cast %add3A_520 : i32 to index
            %get3A_522 = tpu.vector_load %arg7[%get3A_521] {strides = array<i32>} : memref<8192xi32, #tpu.memory_space<vmem>>, vector<16xi32>,
            %swap3A_523 = arith.constant 80 : index
            %swap3A_524 = tpu.vector_load %arg9[%swap3A_523] {strides = array<i32>} : memref<512xi32, #tpu.memory_space<vmem>>, vector<16xi32>,
            tpu.vector_store %arg9[%swap3A_523], %get3A_522 {strides = array<i32>} : memref<512xi32, #tpu.memory_space<vmem>>, vector<16xi32>,
            %add3A_525 = arith.constant 96 : i32
            %add3A_526 = arith.addi %and3A_453, %add3A_525 : i32
            %get3A_527 = arith.index_cast %add3A_526 : i32 to index
            %get3A_528 = tpu.vector_load %arg6[%get3A_527] {strides = array<i32>} : memref<8192xi32, #tpu.memory_space<vmem>>, vector<16xi32>,
            %swap3A_529 = arith.constant 96 : index
            %swap3A_530 = tpu.vector_load %arg8[%swap3A_529] {strides = array<i32>} : memref<512xi32, #tpu.memory_space<vmem>>, vector<16xi32>,
            tpu.vector_store %arg8[%swap3A_529], %get3A_528 {strides = array<i32>} : memref<512xi32, #tpu.memory_space<vmem>>, vector<16xi32>,
            %add3A_531 = arith.constant 96 : i32
            %add3A_532 = arith.addi %and3A_453, %add3A_531 : i32
            %get3A_533 = arith.index_cast %add3A_532 : i32 to index
            %get3A_534 = tpu.vector_load %arg7[%get3A_533] {strides = array<i32>} : memref<8192xi32, #tpu.memory_space<vmem>>, vector<16xi32>,
            %swap3A_535 = arith.constant 96 : index
            %swap3A_536 = tpu.vector_load %arg9[%swap3A_535] {strides = array<i32>} : memref<512xi32, #tpu.memory_space<vmem>>, vector<16xi32>,
            tpu.vector_store %arg9[%swap3A_535], %get3A_534 {strides = array<i32>} : memref<512xi32, #tpu.memory_space<vmem>>, vector<16xi32>,
            %add3A_537 = arith.constant 112 : i32
            %add3A_538 = arith.addi %and3A_453, %add3A_537 : i32
            %get3A_539 = arith.index_cast %add3A_538 : i32 to index
            %get3A_540 = tpu.vector_load %arg6[%get3A_539] {strides = array<i32>} : memref<8192xi32, #tpu.memory_space<vmem>>, vector<16xi32>,
            %swap3A_541 = arith.constant 112 : index
            %swap3A_542 = tpu.vector_load %arg8[%swap3A_541] {strides = array<i32>} : memref<512xi32, #tpu.memory_space<vmem>>, vector<16xi32>,
            tpu.vector_store %arg8[%swap3A_541], %get3A_540 {strides = array<i32>} : memref<512xi32, #tpu.memory_space<vmem>>, vector<16xi32>,
            %add3A_543 = arith.constant 112 : i32
            %add3A_544 = arith.addi %and3A_453, %add3A_543 : i32
            %get3A_545 = arith.index_cast %add3A_544 : i32 to index
            %get3A_546 = tpu.vector_load %arg7[%get3A_545] {strides = array<i32>} : memref<8192xi32, #tpu.memory_space<vmem>>, vector<16xi32>,
            %swap3A_547 = arith.constant 112 : index
            %swap3A_548 = tpu.vector_load %arg9[%swap3A_547] {strides = array<i32>} : memref<512xi32, #tpu.memory_space<vmem>>, vector<16xi32>,
            tpu.vector_store %arg9[%swap3A_547], %get3A_546 {strides = array<i32>} : memref<512xi32, #tpu.memory_space<vmem>>, vector<16xi32>,
            %add3A_549 = arith.constant 128 : i32
            %add3A_550 = arith.addi %and3A_453, %add3A_549 : i32
            %get3A_551 = arith.index_cast %add3A_550 : i32 to index
            %get3A_552 = tpu.vector_load %arg6[%get3A_551] {strides = array<i32>} : memref<8192xi32, #tpu.memory_space<vmem>>, vector<16xi32>,
            %swap3A_553 = arith.constant 128 : index
            %swap3A_554 = tpu.vector_load %arg8[%swap3A_553] {strides = array<i32>} : memref<512xi32, #tpu.memory_space<vmem>>, vector<16xi32>,
            tpu.vector_store %arg8[%swap3A_553], %get3A_552 {strides = array<i32>} : memref<512xi32, #tpu.memory_space<vmem>>, vector<16xi32>,
            %add3A_555 = arith.constant 128 : i32
            %add3A_556 = arith.addi %and3A_453, %add3A_555 : i32
            %get3A_557 = arith.index_cast %add3A_556 : i32 to index
            %get3A_558 = tpu.vector_load %arg7[%get3A_557] {strides = array<i32>} : memref<8192xi32, #tpu.memory_space<vmem>>, vector<16xi32>,
            %swap3A_559 = arith.constant 128 : index
            %swap3A_560 = tpu.vector_load %arg9[%swap3A_559] {strides = array<i32>} : memref<512xi32, #tpu.memory_space<vmem>>, vector<16xi32>,
            tpu.vector_store %arg9[%swap3A_559], %get3A_558 {strides = array<i32>} : memref<512xi32, #tpu.memory_space<vmem>>, vector<16xi32>,
            %add3A_561 = arith.constant 144 : i32
            %add3A_562 = arith.addi %and3A_453, %add3A_561 : i32
            %get3A_563 = arith.index_cast %add3A_562 : i32 to index
            %get3A_564 = tpu.vector_load %arg6[%get3A_563] {strides = array<i32>} : memref<8192xi32, #tpu.memory_space<vmem>>, vector<16xi32>,
            %swap3A_565 = arith.constant 144 : index
            %swap3A_566 = tpu.vector_load %arg8[%swap3A_565] {strides = array<i32>} : memref<512xi32, #tpu.memory_space<vmem>>, vector<16xi32>,
            tpu.vector_store %arg8[%swap3A_565], %get3A_564 {strides = array<i32>} : memref<512xi32, #tpu.memory_space<vmem>>, vector<16xi32>,
            %add3A_567 = arith.constant 144 : i32
            %add3A_568 = arith.addi %and3A_453, %add3A_567 : i32
            %get3A_569 = arith.index_cast %add3A_568 : i32 to index
            %get3A_570 = tpu.vector_load %arg7[%get3A_569] {strides = array<i32>} : memref<8192xi32, #tpu.memory_space<vmem>>, vector<16xi32>,
            %swap3A_571 = arith.constant 144 : index
            %swap3A_572 = tpu.vector_load %arg9[%swap3A_571] {strides = array<i32>} : memref<512xi32, #tpu.memory_space<vmem>>, vector<16xi32>,
            tpu.vector_store %arg9[%swap3A_571], %get3A_570 {strides = array<i32>} : memref<512xi32, #tpu.memory_space<vmem>>, vector<16xi32>,
            %add3A_573 = arith.constant 160 : i32
            %add3A_574 = arith.addi %and3A_453, %add3A_573 : i32
            %get3A_575 = arith.index_cast %add3A_574 : i32 to index
            %get3A_576 = tpu.vector_load %arg6[%get3A_575] {strides = array<i32>} : memref<8192xi32, #tpu.memory_space<vmem>>, vector<16xi32>,
            %swap3A_577 = arith.constant 160 : index
            %swap3A_578 = tpu.vector_load %arg8[%swap3A_577] {strides = array<i32>} : memref<512xi32, #tpu.memory_space<vmem>>, vector<16xi32>,
            tpu.vector_store %arg8[%swap3A_577], %get3A_576 {strides = array<i32>} : memref<512xi32, #tpu.memory_space<vmem>>, vector<16xi32>,
            %add3A_579 = arith.constant 160 : i32
            %add3A_580 = arith.addi %and3A_453, %add3A_579 : i32
            %get3A_581 = arith.index_cast %add3A_580 : i32 to index
            %get3A_582 = tpu.vector_load %arg7[%get3A_581] {strides = array<i32>} : memref<8192xi32, #tpu.memory_space<vmem>>, vector<16xi32>,
            %swap3A_583 = arith.constant 160 : index
            %swap3A_584 = tpu.vector_load %arg9[%swap3A_583] {strides = array<i32>} : memref<512xi32, #tpu.memory_space<vmem>>, vector<16xi32>,
            tpu.vector_store %arg9[%swap3A_583], %get3A_582 {strides = array<i32>} : memref<512xi32, #tpu.memory_space<vmem>>, vector<16xi32>,
            %add3A_585 = arith.constant 176 : i32
            %add3A_586 = arith.addi %and3A_453, %add3A_585 : i32
            %get3A_587 = arith.index_cast %add3A_586 : i32 to index
            %get3A_588 = tpu.vector_load %arg6[%get3A_587] {strides = array<i32>} : memref<8192xi32, #tpu.memory_space<vmem>>, vector<16xi32>,
            %swap3A_589 = arith.constant 176 : index
            %swap3A_590 = tpu.vector_load %arg8[%swap3A_589] {strides = array<i32>} : memref<512xi32, #tpu.memory_space<vmem>>, vector<16xi32>,
            tpu.vector_store %arg8[%swap3A_589], %get3A_588 {strides = array<i32>} : memref<512xi32, #tpu.memory_space<vmem>>, vector<16xi32>,
            %add3A_591 = arith.constant 176 : i32
            %add3A_592 = arith.addi %and3A_453, %add3A_591 : i32
            %get3A_593 = arith.index_cast %add3A_592 : i32 to index
            %get3A_594 = tpu.vector_load %arg7[%get3A_593] {strides = array<i32>} : memref<8192xi32, #tpu.memory_space<vmem>>, vector<16xi32>,
            %swap3A_595 = arith.constant 176 : index
            %swap3A_596 = tpu.vector_load %arg9[%swap3A_595] {strides = array<i32>} : memref<512xi32, #tpu.memory_space<vmem>>, vector<16xi32>,
            tpu.vector_store %arg9[%swap3A_595], %get3A_594 {strides = array<i32>} : memref<512xi32, #tpu.memory_space<vmem>>, vector<16xi32>,
            %add3A_597 = arith.constant 192 : i32
            %add3A_598 = arith.addi %and3A_453, %add3A_597 : i32
            %get3A_599 = arith.index_cast %add3A_598 : i32 to index
            %get3A_600 = tpu.vector_load %arg6[%get3A_599] {strides = array<i32>} : memref<8192xi32, #tpu.memory_space<vmem>>, vector<16xi32>,
            %swap3A_601 = arith.constant 192 : index
            %swap3A_602 = tpu.vector_load %arg8[%swap3A_601] {strides = array<i32>} : memref<512xi32, #tpu.memory_space<vmem>>, vector<16xi32>,
            tpu.vector_store %arg8[%swap3A_601], %get3A_600 {strides = array<i32>} : memref<512xi32, #tpu.memory_space<vmem>>, vector<16xi32>,
            %add3A_603 = arith.constant 192 : i32
            %add3A_604 = arith.addi %and3A_453, %add3A_603 : i32
            %get3A_605 = arith.index_cast %add3A_604 : i32 to index
            %get3A_606 = tpu.vector_load %arg7[%get3A_605] {strides = array<i32>} : memref<8192xi32, #tpu.memory_space<vmem>>, vector<16xi32>,
            %swap3A_607 = arith.constant 192 : index
            %swap3A_608 = tpu.vector_load %arg9[%swap3A_607] {strides = array<i32>} : memref<512xi32, #tpu.memory_space<vmem>>, vector<16xi32>,
            tpu.vector_store %arg9[%swap3A_607], %get3A_606 {strides = array<i32>} : memref<512xi32, #tpu.memory_space<vmem>>, vector<16xi32>,
            %add3A_609 = arith.constant 208 : i32
            %add3A_610 = arith.addi %and3A_453, %add3A_609 : i32
            %get3A_611 = arith.index_cast %add3A_610 : i32 to index
            %get3A_612 = tpu.vector_load %arg6[%get3A_611] {strides = array<i32>} : memref<8192xi32, #tpu.memory_space<vmem>>, vector<16xi32>,
            %swap3A_613 = arith.constant 208 : index
            %swap3A_614 = tpu.vector_load %arg8[%swap3A_613] {strides = array<i32>} : memref<512xi32, #tpu.memory_space<vmem>>, vector<16xi32>,
            tpu.vector_store %arg8[%swap3A_613], %get3A_612 {strides = array<i32>} : memref<512xi32, #tpu.memory_space<vmem>>, vector<16xi32>,
            %add3A_615 = arith.constant 208 : i32
            %add3A_616 = arith.addi %and3A_453, %add3A_615 : i32
            %get3A_617 = arith.index_cast %add3A_616 : i32 to index
            %get3A_618 = tpu.vector_load %arg7[%get3A_617] {strides = array<i32>} : memref<8192xi32, #tpu.memory_space<vmem>>, vector<16xi32>,
            %swap3A_619 = arith.constant 208 : index
            %swap3A_620 = tpu.vector_load %arg9[%swap3A_619] {strides = array<i32>} : memref<512xi32, #tpu.memory_space<vmem>>, vector<16xi32>,
            tpu.vector_store %arg9[%swap3A_619], %get3A_618 {strides = array<i32>} : memref<512xi32, #tpu.memory_space<vmem>>, vector<16xi32>,
            %add3A_621 = arith.constant 224 : i32
            %add3A_622 = arith.addi %and3A_453, %add3A_621 : i32
            %get3A_623 = arith.index_cast %add3A_622 : i32 to index
            %get3A_624 = tpu.vector_load %arg6[%get3A_623] {strides = array<i32>} : memref<8192xi32, #tpu.memory_space<vmem>>, vector<16xi32>,
            %swap3A_625 = arith.constant 224 : index
            %swap3A_626 = tpu.vector_load %arg8[%swap3A_625] {strides = array<i32>} : memref<512xi32, #tpu.memory_space<vmem>>, vector<16xi32>,
            tpu.vector_store %arg8[%swap3A_625], %get3A_624 {strides = array<i32>} : memref<512xi32, #tpu.memory_space<vmem>>, vector<16xi32>,
            %add3A_627 = arith.constant 224 : i32
            %add3A_628 = arith.addi %and3A_453, %add3A_627 : i32
            %get3A_629 = arith.index_cast %add3A_628 : i32 to index
            %get3A_630 = tpu.vector_load %arg7[%get3A_629] {strides = array<i32>} : memref<8192xi32, #tpu.memory_space<vmem>>, vector<16xi32>,
            %swap3A_631 = arith.constant 224 : index
            %swap3A_632 = tpu.vector_load %arg9[%swap3A_631] {strides = array<i32>} : memref<512xi32, #tpu.memory_space<vmem>>, vector<16xi32>,
            tpu.vector_store %arg9[%swap3A_631], %get3A_630 {strides = array<i32>} : memref<512xi32, #tpu.memory_space<vmem>>, vector<16xi32>,
            %add3A_633 = arith.constant 240 : i32
            %add3A_634 = arith.addi %and3A_453, %add3A_633 : i32
            %get3A_635 = arith.index_cast %add3A_634 : i32 to index
            %get3A_636 = tpu.vector_load %arg6[%get3A_635] {strides = array<i32>} : memref<8192xi32, #tpu.memory_space<vmem>>, vector<16xi32>,
            %swap3A_637 = arith.constant 240 : index
            %swap3A_638 = tpu.vector_load %arg8[%swap3A_637] {strides = array<i32>} : memref<512xi32, #tpu.memory_space<vmem>>, vector<16xi32>,
            tpu.vector_store %arg8[%swap3A_637], %get3A_636 {strides = array<i32>} : memref<512xi32, #tpu.memory_space<vmem>>, vector<16xi32>,
            %add3A_639 = arith.constant 240 : i32
            %add3A_640 = arith.addi %and3A_453, %add3A_639 : i32
            %get3A_641 = arith.index_cast %add3A_640 : i32 to index
            %get3A_642 = tpu.vector_load %arg7[%get3A_641] {strides = array<i32>} : memref<8192xi32, #tpu.memory_space<vmem>>, vector<16xi32>,
            %swap3A_643 = arith.constant 240 : index
            %swap3A_644 = tpu.vector_load %arg9[%swap3A_643] {strides = array<i32>} : memref<512xi32, #tpu.memory_space<vmem>>, vector<16xi32>,
            tpu.vector_store %arg9[%swap3A_643], %get3A_642 {strides = array<i32>} : memref<512xi32, #tpu.memory_space<vmem>>, vector<16xi32>,
            %add3A_645 = arith.constant 256 : i32
            %add3A_646 = arith.addi %and3A_453, %add3A_645 : i32
            %get3A_647 = arith.index_cast %add3A_646 : i32 to index
            %get3A_648 = tpu.vector_load %arg6[%get3A_647] {strides = array<i32>} : memref<8192xi32, #tpu.memory_space<vmem>>, vector<16xi32>,
            %swap3A_649 = arith.constant 256 : index
            %swap3A_650 = tpu.vector_load %arg8[%swap3A_649] {strides = array<i32>} : memref<512xi32, #tpu.memory_space<vmem>>, vector<16xi32>,
            tpu.vector_store %arg8[%swap3A_649], %get3A_648 {strides = array<i32>} : memref<512xi32, #tpu.memory_space<vmem>>, vector<16xi32>,
            %add3A_651 = arith.constant 256 : i32
            %add3A_652 = arith.addi %and3A_453, %add3A_651 : i32
            %get3A_653 = arith.index_cast %add3A_652 : i32 to index
            %get3A_654 = tpu.vector_load %arg7[%get3A_653] {strides = array<i32>} : memref<8192xi32, #tpu.memory_space<vmem>>, vector<16xi32>,
            %swap3A_655 = arith.constant 256 : index
            %swap3A_656 = tpu.vector_load %arg9[%swap3A_655] {strides = array<i32>} : memref<512xi32, #tpu.memory_space<vmem>>, vector<16xi32>,
            tpu.vector_store %arg9[%swap3A_655], %get3A_654 {strides = array<i32>} : memref<512xi32, #tpu.memory_space<vmem>>, vector<16xi32>,
            %add3A_657 = arith.constant 272 : i32
            %add3A_658 = arith.addi %and3A_453, %add3A_657 : i32
            %get3A_659 = arith.index_cast %add3A_658 : i32 to index
            %get3A_660 = tpu.vector_load %arg6[%get3A_659] {strides = array<i32>} : memref<8192xi32, #tpu.memory_space<vmem>>, vector<16xi32>,
            %swap3A_661 = arith.constant 272 : index
            %swap3A_662 = tpu.vector_load %arg8[%swap3A_661] {strides = array<i32>} : memref<512xi32, #tpu.memory_space<vmem>>, vector<16xi32>,
            tpu.vector_store %arg8[%swap3A_661], %get3A_660 {strides = array<i32>} : memref<512xi32, #tpu.memory_space<vmem>>, vector<16xi32>,
            %add3A_663 = arith.constant 272 : i32
            %add3A_664 = arith.addi %and3A_453, %add3A_663 : i32
            %get3A_665 = arith.index_cast %add3A_664 : i32 to index
            %get3A_666 = tpu.vector_load %arg7[%get3A_665] {strides = array<i32>} : memref<8192xi32, #tpu.memory_space<vmem>>, vector<16xi32>,
            %swap3A_667 = arith.constant 272 : index
            %swap3A_668 = tpu.vector_load %arg9[%swap3A_667] {strides = array<i32>} : memref<512xi32, #tpu.memory_space<vmem>>, vector<16xi32>,
            tpu.vector_store %arg9[%swap3A_667], %get3A_666 {strides = array<i32>} : memref<512xi32, #tpu.memory_space<vmem>>, vector<16xi32>,
            %add3A_669 = arith.constant 288 : i32
            %add3A_670 = arith.addi %and3A_453, %add3A_669 : i32
            %get3A_671 = arith.index_cast %add3A_670 : i32 to index
            %get3A_672 = tpu.vector_load %arg6[%get3A_671] {strides = array<i32>} : memref<8192xi32, #tpu.memory_space<vmem>>, vector<16xi32>,
            %swap3A_673 = arith.constant 288 : index
            %swap3A_674 = tpu.vector_load %arg8[%swap3A_673] {strides = array<i32>} : memref<512xi32, #tpu.memory_space<vmem>>, vector<16xi32>,
            tpu.vector_store %arg8[%swap3A_673], %get3A_672 {strides = array<i32>} : memref<512xi32, #tpu.memory_space<vmem>>, vector<16xi32>,
            %add3A_675 = arith.constant 288 : i32
            %add3A_676 = arith.addi %and3A_453, %add3A_675 : i32
            %get3A_677 = arith.index_cast %add3A_676 : i32 to index
            %get3A_678 = tpu.vector_load %arg7[%get3A_677] {strides = array<i32>} : memref<8192xi32, #tpu.memory_space<vmem>>, vector<16xi32>,
            %swap3A_679 = arith.constant 288 : index
            %swap3A_680 = tpu.vector_load %arg9[%swap3A_679] {strides = array<i32>} : memref<512xi32, #tpu.memory_space<vmem>>, vector<16xi32>,
            tpu.vector_store %arg9[%swap3A_679], %get3A_678 {strides = array<i32>} : memref<512xi32, #tpu.memory_space<vmem>>, vector<16xi32>,
            %add3A_681 = arith.constant 304 : i32
            %add3A_682 = arith.addi %and3A_453, %add3A_681 : i32
            %get3A_683 = arith.index_cast %add3A_682 : i32 to index
            %get3A_684 = tpu.vector_load %arg6[%get3A_683] {strides = array<i32>} : memref<8192xi32, #tpu.memory_space<vmem>>, vector<16xi32>,
            %swap3A_685 = arith.constant 304 : index
            %swap3A_686 = tpu.vector_load %arg8[%swap3A_685] {strides = array<i32>} : memref<512xi32, #tpu.memory_space<vmem>>, vector<16xi32>,
            tpu.vector_store %arg8[%swap3A_685], %get3A_684 {strides = array<i32>} : memref<512xi32, #tpu.memory_space<vmem>>, vector<16xi32>,
            %add3A_687 = arith.constant 304 : i32
            %add3A_688 = arith.addi %and3A_453, %add3A_687 : i32
            %get3A_689 = arith.index_cast %add3A_688 : i32 to index
            %get3A_690 = tpu.vector_load %arg7[%get3A_689] {strides = array<i32>} : memref<8192xi32, #tpu.memory_space<vmem>>, vector<16xi32>,
            %swap3A_691 = arith.constant 304 : index
            %swap3A_692 = tpu.vector_load %arg9[%swap3A_691] {strides = array<i32>} : memref<512xi32, #tpu.memory_space<vmem>>, vector<16xi32>,
            tpu.vector_store %arg9[%swap3A_691], %get3A_690 {strides = array<i32>} : memref<512xi32, #tpu.memory_space<vmem>>, vector<16xi32>,
            %add3A_693 = arith.constant 320 : i32
            %add3A_694 = arith.addi %and3A_453, %add3A_693 : i32
            %get3A_695 = arith.index_cast %add3A_694 : i32 to index
            %get3A_696 = tpu.vector_load %arg6[%get3A_695] {strides = array<i32>} : memref<8192xi32, #tpu.memory_space<vmem>>, vector<16xi32>,
            %swap3A_697 = arith.constant 320 : index
            %swap3A_698 = tpu.vector_load %arg8[%swap3A_697] {strides = array<i32>} : memref<512xi32, #tpu.memory_space<vmem>>, vector<16xi32>,
            tpu.vector_store %arg8[%swap3A_697], %get3A_696 {strides = array<i32>} : memref<512xi32, #tpu.memory_space<vmem>>, vector<16xi32>,
            %add3A_699 = arith.constant 320 : i32
            %add3A_700 = arith.addi %and3A_453, %add3A_699 : i32
            %get3A_701 = arith.index_cast %add3A_700 : i32 to index
            %get3A_702 = tpu.vector_load %arg7[%get3A_701] {strides = array<i32>} : memref<8192xi32, #tpu.memory_space<vmem>>, vector<16xi32>,
            %swap3A_703 = arith.constant 320 : index
            %swap3A_704 = tpu.vector_load %arg9[%swap3A_703] {strides = array<i32>} : memref<512xi32, #tpu.memory_space<vmem>>, vector<16xi32>,
            tpu.vector_store %arg9[%swap3A_703], %get3A_702 {strides = array<i32>} : memref<512xi32, #tpu.memory_space<vmem>>, vector<16xi32>,
            %add3A_705 = arith.constant 336 : i32
            %add3A_706 = arith.addi %and3A_453, %add3A_705 : i32
            %get3A_707 = arith.index_cast %add3A_706 : i32 to index
            %get3A_708 = tpu.vector_load %arg6[%get3A_707] {strides = array<i32>} : memref<8192xi32, #tpu.memory_space<vmem>>, vector<16xi32>,
            %swap3A_709 = arith.constant 336 : index
            %swap3A_710 = tpu.vector_load %arg8[%swap3A_709] {strides = array<i32>} : memref<512xi32, #tpu.memory_space<vmem>>, vector<16xi32>,
            tpu.vector_store %arg8[%swap3A_709], %get3A_708 {strides = array<i32>} : memref<512xi32, #tpu.memory_space<vmem>>, vector<16xi32>,
            %add3A_711 = arith.constant 336 : i32
            %add3A_712 = arith.addi %and3A_453, %add3A_711 : i32
            %get3A_713 = arith.index_cast %add3A_712 : i32 to index
            %get3A_714 = tpu.vector_load %arg7[%get3A_713] {strides = array<i32>} : memref<8192xi32, #tpu.memory_space<vmem>>, vector<16xi32>,
            %swap3A_715 = arith.constant 336 : index
            %swap3A_716 = tpu.vector_load %arg9[%swap3A_715] {strides = array<i32>} : memref<512xi32, #tpu.memory_space<vmem>>, vector<16xi32>,
            tpu.vector_store %arg9[%swap3A_715], %get3A_714 {strides = array<i32>} : memref<512xi32, #tpu.memory_space<vmem>>, vector<16xi32>,
            %add3A_717 = arith.constant 352 : i32
            %add3A_718 = arith.addi %and3A_453, %add3A_717 : i32
            %get3A_719 = arith.index_cast %add3A_718 : i32 to index
            %get3A_720 = tpu.vector_load %arg6[%get3A_719] {strides = array<i32>} : memref<8192xi32, #tpu.memory_space<vmem>>, vector<16xi32>,
            %swap3A_721 = arith.constant 352 : index
            %swap3A_722 = tpu.vector_load %arg8[%swap3A_721] {strides = array<i32>} : memref<512xi32, #tpu.memory_space<vmem>>, vector<16xi32>,
            tpu.vector_store %arg8[%swap3A_721], %get3A_720 {strides = array<i32>} : memref<512xi32, #tpu.memory_space<vmem>>, vector<16xi32>,
            %add3A_723 = arith.constant 352 : i32
            %add3A_724 = arith.addi %and3A_453, %add3A_723 : i32
            %get3A_725 = arith.index_cast %add3A_724 : i32 to index
            %get3A_726 = tpu.vector_load %arg7[%get3A_725] {strides = array<i32>} : memref<8192xi32, #tpu.memory_space<vmem>>, vector<16xi32>,
            %swap3A_727 = arith.constant 352 : index
            %swap3A_728 = tpu.vector_load %arg9[%swap3A_727] {strides = array<i32>} : memref<512xi32, #tpu.memory_space<vmem>>, vector<16xi32>,
            tpu.vector_store %arg9[%swap3A_727], %get3A_726 {strides = array<i32>} : memref<512xi32, #tpu.memory_space<vmem>>, vector<16xi32>,
            %add3A_729 = arith.constant 368 : i32
            %add3A_730 = arith.addi %and3A_453, %add3A_729 : i32
            %get3A_731 = arith.index_cast %add3A_730 : i32 to index
            %get3A_732 = tpu.vector_load %arg6[%get3A_731] {strides = array<i32>} : memref<8192xi32, #tpu.memory_space<vmem>>, vector<16xi32>,
            %swap3A_733 = arith.constant 368 : index
            %swap3A_734 = tpu.vector_load %arg8[%swap3A_733] {strides = array<i32>} : memref<512xi32, #tpu.memory_space<vmem>>, vector<16xi32>,
            tpu.vector_store %arg8[%swap3A_733], %get3A_732 {strides = array<i32>} : memref<512xi32, #tpu.memory_space<vmem>>, vector<16xi32>,
            %add3A_735 = arith.constant 368 : i32
            %add3A_736 = arith.addi %and3A_453, %add3A_735 : i32
            %get3A_737 = arith.index_cast %add3A_736 : i32 to index
            %get3A_738 = tpu.vector_load %arg7[%get3A_737] {strides = array<i32>} : memref<8192xi32, #tpu.memory_space<vmem>>, vector<16xi32>,
            %swap3A_739 = arith.constant 368 : index
            %swap3A_740 = tpu.vector_load %arg9[%swap3A_739] {strides = array<i32>} : memref<512xi32, #tpu.memory_space<vmem>>, vector<16xi32>,
            tpu.vector_store %arg9[%swap3A_739], %get3A_738 {strides = array<i32>} : memref<512xi32, #tpu.memory_space<vmem>>, vector<16xi32>,
            %add3A_741 = arith.constant 384 : i32
            %add3A_742 = arith.addi %and3A_453, %add3A_741 : i32
            %get3A_743 = arith.index_cast %add3A_742 : i32 to index
            %get3A_744 = tpu.vector_load %arg6[%get3A_743] {strides = array<i32>} : memref<8192xi32, #tpu.memory_space<vmem>>, vector<16xi32>,
            %swap3A_745 = arith.constant 384 : index
            %swap3A_746 = tpu.vector_load %arg8[%swap3A_745] {strides = array<i32>} : memref<512xi32, #tpu.memory_space<vmem>>, vector<16xi32>,
            tpu.vector_store %arg8[%swap3A_745], %get3A_744 {strides = array<i32>} : memref<512xi32, #tpu.memory_space<vmem>>, vector<16xi32>,
            %add3A_747 = arith.constant 384 : i32
            %add3A_748 = arith.addi %and3A_453, %add3A_747 : i32
            %get3A_749 = arith.index_cast %add3A_748 : i32 to index
            %get3A_750 = tpu.vector_load %arg7[%get3A_749] {strides = array<i32>} : memref<8192xi32, #tpu.memory_space<vmem>>, vector<16xi32>,
            %swap3A_751 = arith.constant 384 : index
            %swap3A_752 = tpu.vector_load %arg9[%swap3A_751] {strides = array<i32>} : memref<512xi32, #tpu.memory_space<vmem>>, vector<16xi32>,
            tpu.vector_store %arg9[%swap3A_751], %get3A_750 {strides = array<i32>} : memref<512xi32, #tpu.memory_space<vmem>>, vector<16xi32>,
            %add3A_753 = arith.constant 400 : i32
            %add3A_754 = arith.addi %and3A_453, %add3A_753 : i32
            %get3A_755 = arith.index_cast %add3A_754 : i32 to index
            %get3A_756 = tpu.vector_load %arg6[%get3A_755] {strides = array<i32>} : memref<8192xi32, #tpu.memory_space<vmem>>, vector<16xi32>,
            %swap3A_757 = arith.constant 400 : index
            %swap3A_758 = tpu.vector_load %arg8[%swap3A_757] {strides = array<i32>} : memref<512xi32, #tpu.memory_space<vmem>>, vector<16xi32>,
            tpu.vector_store %arg8[%swap3A_757], %get3A_756 {strides = array<i32>} : memref<512xi32, #tpu.memory_space<vmem>>, vector<16xi32>,
            %add3A_759 = arith.constant 400 : i32
            %add3A_760 = arith.addi %and3A_453, %add3A_759 : i32
            %get3A_761 = arith.index_cast %add3A_760 : i32 to index
            %get3A_762 = tpu.vector_load %arg7[%get3A_761] {strides = array<i32>} : memref<8192xi32, #tpu.memory_space<vmem>>, vector<16xi32>,
            %swap3A_763 = arith.constant 400 : index
            %swap3A_764 = tpu.vector_load %arg9[%swap3A_763] {strides = array<i32>} : memref<512xi32, #tpu.memory_space<vmem>>, vector<16xi32>,
            tpu.vector_store %arg9[%swap3A_763], %get3A_762 {strides = array<i32>} : memref<512xi32, #tpu.memory_space<vmem>>, vector<16xi32>,
            %add3A_765 = arith.constant 416 : i32
            %add3A_766 = arith.addi %and3A_453, %add3A_765 : i32
            %get3A_767 = arith.index_cast %add3A_766 : i32 to index
            %get3A_768 = tpu.vector_load %arg6[%get3A_767] {strides = array<i32>} : memref<8192xi32, #tpu.memory_space<vmem>>, vector<16xi32>,
            %swap3A_769 = arith.constant 416 : index
            %swap3A_770 = tpu.vector_load %arg8[%swap3A_769] {strides = array<i32>} : memref<512xi32, #tpu.memory_space<vmem>>, vector<16xi32>,
            tpu.vector_store %arg8[%swap3A_769], %get3A_768 {strides = array<i32>} : memref<512xi32, #tpu.memory_space<vmem>>, vector<16xi32>,
            %add3A_771 = arith.constant 416 : i32
            %add3A_772 = arith.addi %and3A_453, %add3A_771 : i32
            %get3A_773 = arith.index_cast %add3A_772 : i32 to index
            %get3A_774 = tpu.vector_load %arg7[%get3A_773] {strides = array<i32>} : memref<8192xi32, #tpu.memory_space<vmem>>, vector<16xi32>,
            %swap3A_775 = arith.constant 416 : index
            %swap3A_776 = tpu.vector_load %arg9[%swap3A_775] {strides = array<i32>} : memref<512xi32, #tpu.memory_space<vmem>>, vector<16xi32>,
            tpu.vector_store %arg9[%swap3A_775], %get3A_774 {strides = array<i32>} : memref<512xi32, #tpu.memory_space<vmem>>, vector<16xi32>,
            %add3A_777 = arith.constant 432 : i32
            %add3A_778 = arith.addi %and3A_453, %add3A_777 : i32
            %get3A_779 = arith.index_cast %add3A_778 : i32 to index
            %get3A_780 = tpu.vector_load %arg6[%get3A_779] {strides = array<i32>} : memref<8192xi32, #tpu.memory_space<vmem>>, vector<16xi32>,
            %swap3A_781 = arith.constant 432 : index
            %swap3A_782 = tpu.vector_load %arg8[%swap3A_781] {strides = array<i32>} : memref<512xi32, #tpu.memory_space<vmem>>, vector<16xi32>,
            tpu.vector_store %arg8[%swap3A_781], %get3A_780 {strides = array<i32>} : memref<512xi32, #tpu.memory_space<vmem>>, vector<16xi32>,
            %add3A_783 = arith.constant 432 : i32
            %add3A_784 = arith.addi %and3A_453, %add3A_783 : i32
            %get3A_785 = arith.index_cast %add3A_784 : i32 to index
            %get3A_786 = tpu.vector_load %arg7[%get3A_785] {strides = array<i32>} : memref<8192xi32, #tpu.memory_space<vmem>>, vector<16xi32>,
            %swap3A_787 = arith.constant 432 : index
            %swap3A_788 = tpu.vector_load %arg9[%swap3A_787] {strides = array<i32>} : memref<512xi32, #tpu.memory_space<vmem>>, vector<16xi32>,
            tpu.vector_store %arg9[%swap3A_787], %get3A_786 {strides = array<i32>} : memref<512xi32, #tpu.memory_space<vmem>>, vector<16xi32>,
            %add3A_789 = arith.constant 448 : i32
            %add3A_790 = arith.addi %and3A_453, %add3A_789 : i32
            %get3A_791 = arith.index_cast %add3A_790 : i32 to index
            %get3A_792 = tpu.vector_load %arg6[%get3A_791] {strides = array<i32>} : memref<8192xi32, #tpu.memory_space<vmem>>, vector<16xi32>,
            %swap3A_793 = arith.constant 448 : index
            %swap3A_794 = tpu.vector_load %arg8[%swap3A_793] {strides = array<i32>} : memref<512xi32, #tpu.memory_space<vmem>>, vector<16xi32>,
            tpu.vector_store %arg8[%swap3A_793], %get3A_792 {strides = array<i32>} : memref<512xi32, #tpu.memory_space<vmem>>, vector<16xi32>,
            %add3A_795 = arith.constant 448 : i32
            %add3A_796 = arith.addi %and3A_453, %add3A_795 : i32
            %get3A_797 = arith.index_cast %add3A_796 : i32 to index
            %get3A_798 = tpu.vector_load %arg7[%get3A_797] {strides = array<i32>} : memref<8192xi32, #tpu.memory_space<vmem>>, vector<16xi32>,
            %swap3A_799 = arith.constant 448 : index
            %swap3A_800 = tpu.vector_load %arg9[%swap3A_799] {strides = array<i32>} : memref<512xi32, #tpu.memory_space<vmem>>, vector<16xi32>,
            tpu.vector_store %arg9[%swap3A_799], %get3A_798 {strides = array<i32>} : memref<512xi32, #tpu.memory_space<vmem>>, vector<16xi32>,
            %add3A_801 = arith.constant 464 : i32
            %add3A_802 = arith.addi %and3A_453, %add3A_801 : i32
            %get3A_803 = arith.index_cast %add3A_802 : i32 to index
            %get3A_804 = tpu.vector_load %arg6[%get3A_803] {strides = array<i32>} : memref<8192xi32, #tpu.memory_space<vmem>>, vector<16xi32>,
            %swap3A_805 = arith.constant 464 : index
            %swap3A_806 = tpu.vector_load %arg8[%swap3A_805] {strides = array<i32>} : memref<512xi32, #tpu.memory_space<vmem>>, vector<16xi32>,
            tpu.vector_store %arg8[%swap3A_805], %get3A_804 {strides = array<i32>} : memref<512xi32, #tpu.memory_space<vmem>>, vector<16xi32>,
            %add3A_807 = arith.constant 464 : i32
            %add3A_808 = arith.addi %and3A_453, %add3A_807 : i32
            %get3A_809 = arith.index_cast %add3A_808 : i32 to index
            %get3A_810 = tpu.vector_load %arg7[%get3A_809] {strides = array<i32>} : memref<8192xi32, #tpu.memory_space<vmem>>, vector<16xi32>,
            %swap3A_811 = arith.constant 464 : index
            %swap3A_812 = tpu.vector_load %arg9[%swap3A_811] {strides = array<i32>} : memref<512xi32, #tpu.memory_space<vmem>>, vector<16xi32>,
            tpu.vector_store %arg9[%swap3A_811], %get3A_810 {strides = array<i32>} : memref<512xi32, #tpu.memory_space<vmem>>, vector<16xi32>,
            %add3A_813 = arith.constant 480 : i32
            %add3A_814 = arith.addi %and3A_453, %add3A_813 : i32
            %get3A_815 = arith.index_cast %add3A_814 : i32 to index
            %get3A_816 = tpu.vector_load %arg6[%get3A_815] {strides = array<i32>} : memref<8192xi32, #tpu.memory_space<vmem>>, vector<16xi32>,
            %swap3A_817 = arith.constant 480 : index
            %swap3A_818 = tpu.vector_load %arg8[%swap3A_817] {strides = array<i32>} : memref<512xi32, #tpu.memory_space<vmem>>, vector<16xi32>,
            tpu.vector_store %arg8[%swap3A_817], %get3A_816 {strides = array<i32>} : memref<512xi32, #tpu.memory_space<vmem>>, vector<16xi32>,
            %add3A_819 = arith.constant 480 : i32
            %add3A_820 = arith.addi %and3A_453, %add3A_819 : i32
            %get3A_821 = arith.index_cast %add3A_820 : i32 to index
            %get3A_822 = tpu.vector_load %arg7[%get3A_821] {strides = array<i32>} : memref<8192xi32, #tpu.memory_space<vmem>>, vector<16xi32>,
            %swap3A_823 = arith.constant 480 : index
            %swap3A_824 = tpu.vector_load %arg9[%swap3A_823] {strides = array<i32>} : memref<512xi32, #tpu.memory_space<vmem>>, vector<16xi32>,
            tpu.vector_store %arg9[%swap3A_823], %get3A_822 {strides = array<i32>} : memref<512xi32, #tpu.memory_space<vmem>>, vector<16xi32>,
            %add3A_825 = arith.constant 496 : i32
            %add3A_826 = arith.addi %and3A_453, %add3A_825 : i32
            %get3A_827 = arith.index_cast %add3A_826 : i32 to index
            %get3A_828 = tpu.vector_load %arg6[%get3A_827] {strides = array<i32>} : memref<8192xi32, #tpu.memory_space<vmem>>, vector<16xi32>,
            %swap3A_829 = arith.constant 496 : index
            %swap3A_830 = tpu.vector_load %arg8[%swap3A_829] {strides = array<i32>} : memref<512xi32, #tpu.memory_space<vmem>>, vector<16xi32>,
            tpu.vector_store %arg8[%swap3A_829], %get3A_828 {strides = array<i32>} : memref<512xi32, #tpu.memory_space<vmem>>, vector<16xi32>,
            %add3A_831 = arith.constant 496 : i32
            %add3A_832 = arith.addi %and3A_453, %add3A_831 : i32
            %get3A_833 = arith.index_cast %add3A_832 : i32 to index
            %get3A_834 = tpu.vector_load %arg7[%get3A_833] {strides = array<i32>} : memref<8192xi32, #tpu.memory_space<vmem>>, vector<16xi32>,
            %swap3A_835 = arith.constant 496 : index
            %swap3A_836 = tpu.vector_load %arg9[%swap3A_835] {strides = array<i32>} : memref<512xi32, #tpu.memory_space<vmem>>, vector<16xi32>,
            tpu.vector_store %arg9[%swap3A_835], %get3A_834 {strides = array<i32>} : memref<512xi32, #tpu.memory_space<vmem>>, vector<16xi32>,
            %dma_start3A_837 = arith.constant 0 : i32
            %dma_start3A_838 = arith.constant 0 : i32
            %dma_start3A_839 = tpu.memref_slice %arg3[%dma_start3A_837, %dma_start3A_838] : memref<400000x16xf32, #tpu.memory_space<hbm>> -> memref<400000x16xf32, #tpu.memory_space<hbm>>
            tpu.enqueue_indirect_dma source(%dma_start3A_839 : memref<400000x16xf32, #tpu.memory_space<hbm>>) target(%arg12 : memref<512x16xf32, #tpu.memory_space<vmem>>) offsets(%arg9 : memref<512xi32, #tpu.memory_space<vmem>>) semaphore(%arg22 : memref<!tpu.dma_semaphore, #tpu.memory_space<semaphore_mem>>)
          } else {
          }
          %jit3A_419 = arith.constant 2 : i32
          %eq3A_420 = arith.constant 0 : i32
          %eq3A_421 = arith.cmpi eq, %jit3A_419, %eq3A_420 : i32
          %jit3A_422 = arith.constant 1 : i32
          %select_n3A_423 = arith.select %eq3A_421, %jit3A_422, %jit3A_419 : i32
          %rem3A_424 = arith.remsi %while3A_396, %select_n3A_423 : i32
          %ne3A_425 = arith.constant 0 : i32
          %ne3A_426 = arith.cmpi ne, %rem3A_424, %ne3A_425 : i32
          %lt3A_427 = arith.constant 0 : i32
          %lt3A_428 = arith.cmpi slt, %rem3A_424, %lt3A_427 : i32
          %lt3A_429 = arith.constant 0 : i32
          %lt3A_430 = arith.cmpi slt, %select_n3A_423, %lt3A_429 : i32
          %ne3A_431 = arith.xori %lt3A_428, %lt3A_430 : i1
          %and3A_432 = arith.andi %ne3A_431, %ne3A_426 : i1
          %add3A_433 = arith.addi %rem3A_424, %select_n3A_423 : i32
          %select_n3A_434 = arith.select %and3A_432, %add3A_433, %rem3A_424 : i32
          %eq3A_435 = arith.constant 1 : i32
          %eq3A_436 = arith.cmpi eq, %select_n3A_434, %eq3A_435 : i32
          %convert_element_type3A_437 = arith.extui %eq3A_436 : i1 to i32
          %cond3A_438 = arith.constant 0 : i32
          %cond3A_439 = arith.cmpi ne, %convert_element_type3A_437, %cond3A_438 : i32
          scf.if %cond3A_439 {
            %mul3A_450 = arith.constant 512 : i32
            %mul3A_451 = arith.muli %while3A_396, %mul3A_450 : i32
            %and3A_452 = arith.constant 8191 : i32
            %and3A_453 = arith.andi %mul3A_451, %and3A_452 : i32
            %add3A_454 = arith.constant 0 : i32
            %add3A_455 = arith.addi %and3A_453, %add3A_454 : i32
            %get3A = arith.index_cast %add3A_455 : i32 to index
            %get3A_456 = tpu.vector_load %arg6[%get3A] {strides = array<i32>} : memref<8192xi32, #tpu.memory_space<vmem>>, vector<16xi32>,
            %swap3A_457 = arith.constant 0 : index
            %swap3A_458 = tpu.vector_load %arg10[%swap3A_457] {strides = array<i32>} : memref<512xi32, #tpu.memory_space<vmem>>, vector<16xi32>,
            tpu.vector_store %arg10[%swap3A_457], %get3A_456 {strides = array<i32>} : memref<512xi32, #tpu.memory_space<vmem>>, vector<16xi32>,
            %add3A_459 = arith.constant 0 : i32
            %add3A_460 = arith.addi %and3A_453, %add3A_459 : i32
            %get3A_461 = arith.index_cast %add3A_460 : i32 to index
            %get3A_462 = tpu.vector_load %arg7[%get3A_461] {strides = array<i32>} : memref<8192xi32, #tpu.memory_space<vmem>>, vector<16xi32>,
            %swap3A_463 = arith.constant 0 : index
            %swap3A_464 = tpu.vector_load %arg11[%swap3A_463] {strides = array<i32>} : memref<512xi32, #tpu.memory_space<vmem>>, vector<16xi32>,
            tpu.vector_store %arg11[%swap3A_463], %get3A_462 {strides = array<i32>} : memref<512xi32, #tpu.memory_space<vmem>>, vector<16xi32>,
            %add3A_465 = arith.constant 16 : i32
            %add3A_466 = arith.addi %and3A_453, %add3A_465 : i32
            %get3A_467 = arith.index_cast %add3A_466 : i32 to index
            %get3A_468 = tpu.vector_load %arg6[%get3A_467] {strides = array<i32>} : memref<8192xi32, #tpu.memory_space<vmem>>, vector<16xi32>,
            %swap3A_469 = arith.constant 16 : index
            %swap3A_470 = tpu.vector_load %arg10[%swap3A_469] {strides = array<i32>} : memref<512xi32, #tpu.memory_space<vmem>>, vector<16xi32>,
            tpu.vector_store %arg10[%swap3A_469], %get3A_468 {strides = array<i32>} : memref<512xi32, #tpu.memory_space<vmem>>, vector<16xi32>,
            %add3A_471 = arith.constant 16 : i32
            %add3A_472 = arith.addi %and3A_453, %add3A_471 : i32
            %get3A_473 = arith.index_cast %add3A_472 : i32 to index
            %get3A_474 = tpu.vector_load %arg7[%get3A_473] {strides = array<i32>} : memref<8192xi32, #tpu.memory_space<vmem>>, vector<16xi32>,
            %swap3A_475 = arith.constant 16 : index
            %swap3A_476 = tpu.vector_load %arg11[%swap3A_475] {strides = array<i32>} : memref<512xi32, #tpu.memory_space<vmem>>, vector<16xi32>,
            tpu.vector_store %arg11[%swap3A_475], %get3A_474 {strides = array<i32>} : memref<512xi32, #tpu.memory_space<vmem>>, vector<16xi32>,
            %add3A_477 = arith.constant 32 : i32
            %add3A_478 = arith.addi %and3A_453, %add3A_477 : i32
            %get3A_479 = arith.index_cast %add3A_478 : i32 to index
            %get3A_480 = tpu.vector_load %arg6[%get3A_479] {strides = array<i32>} : memref<8192xi32, #tpu.memory_space<vmem>>, vector<16xi32>,
            %swap3A_481 = arith.constant 32 : index
            %swap3A_482 = tpu.vector_load %arg10[%swap3A_481] {strides = array<i32>} : memref<512xi32, #tpu.memory_space<vmem>>, vector<16xi32>,
            tpu.vector_store %arg10[%swap3A_481], %get3A_480 {strides = array<i32>} : memref<512xi32, #tpu.memory_space<vmem>>, vector<16xi32>,
            %add3A_483 = arith.constant 32 : i32
            %add3A_484 = arith.addi %and3A_453, %add3A_483 : i32
            %get3A_485 = arith.index_cast %add3A_484 : i32 to index
            %get3A_486 = tpu.vector_load %arg7[%get3A_485] {strides = array<i32>} : memref<8192xi32, #tpu.memory_space<vmem>>, vector<16xi32>,
            %swap3A_487 = arith.constant 32 : index
            %swap3A_488 = tpu.vector_load %arg11[%swap3A_487] {strides = array<i32>} : memref<512xi32, #tpu.memory_space<vmem>>, vector<16xi32>,
            tpu.vector_store %arg11[%swap3A_487], %get3A_486 {strides = array<i32>} : memref<512xi32, #tpu.memory_space<vmem>>, vector<16xi32>,
            %add3A_489 = arith.constant 48 : i32
            %add3A_490 = arith.addi %and3A_453, %add3A_489 : i32
            %get3A_491 = arith.index_cast %add3A_490 : i32 to index
            %get3A_492 = tpu.vector_load %arg6[%get3A_491] {strides = array<i32>} : memref<8192xi32, #tpu.memory_space<vmem>>, vector<16xi32>,
            %swap3A_493 = arith.constant 48 : index
            %swap3A_494 = tpu.vector_load %arg10[%swap3A_493] {strides = array<i32>} : memref<512xi32, #tpu.memory_space<vmem>>, vector<16xi32>,
            tpu.vector_store %arg10[%swap3A_493], %get3A_492 {strides = array<i32>} : memref<512xi32, #tpu.memory_space<vmem>>, vector<16xi32>,
            %add3A_495 = arith.constant 48 : i32
            %add3A_496 = arith.addi %and3A_453, %add3A_495 : i32
            %get3A_497 = arith.index_cast %add3A_496 : i32 to index
            %get3A_498 = tpu.vector_load %arg7[%get3A_497] {strides = array<i32>} : memref<8192xi32, #tpu.memory_space<vmem>>, vector<16xi32>,
            %swap3A_499 = arith.constant 48 : index
            %swap3A_500 = tpu.vector_load %arg11[%swap3A_499] {strides = array<i32>} : memref<512xi32, #tpu.memory_space<vmem>>, vector<16xi32>,
            tpu.vector_store %arg11[%swap3A_499], %get3A_498 {strides = array<i32>} : memref<512xi32, #tpu.memory_space<vmem>>, vector<16xi32>,
            %add3A_501 = arith.constant 64 : i32
            %add3A_502 = arith.addi %and3A_453, %add3A_501 : i32
            %get3A_503 = arith.index_cast %add3A_502 : i32 to index
            %get3A_504 = tpu.vector_load %arg6[%get3A_503] {strides = array<i32>} : memref<8192xi32, #tpu.memory_space<vmem>>, vector<16xi32>,
            %swap3A_505 = arith.constant 64 : index
            %swap3A_506 = tpu.vector_load %arg10[%swap3A_505] {strides = array<i32>} : memref<512xi32, #tpu.memory_space<vmem>>, vector<16xi32>,
            tpu.vector_store %arg10[%swap3A_505], %get3A_504 {strides = array<i32>} : memref<512xi32, #tpu.memory_space<vmem>>, vector<16xi32>,
            %add3A_507 = arith.constant 64 : i32
            %add3A_508 = arith.addi %and3A_453, %add3A_507 : i32
            %get3A_509 = arith.index_cast %add3A_508 : i32 to index
            %get3A_510 = tpu.vector_load %arg7[%get3A_509] {strides = array<i32>} : memref<8192xi32, #tpu.memory_space<vmem>>, vector<16xi32>,
            %swap3A_511 = arith.constant 64 : index
            %swap3A_512 = tpu.vector_load %arg11[%swap3A_511] {strides = array<i32>} : memref<512xi32, #tpu.memory_space<vmem>>, vector<16xi32>,
            tpu.vector_store %arg11[%swap3A_511], %get3A_510 {strides = array<i32>} : memref<512xi32, #tpu.memory_space<vmem>>, vector<16xi32>,
            %add3A_513 = arith.constant 80 : i32
            %add3A_514 = arith.addi %and3A_453, %add3A_513 : i32
            %get3A_515 = arith.index_cast %add3A_514 : i32 to index
            %get3A_516 = tpu.vector_load %arg6[%get3A_515] {strides = array<i32>} : memref<8192xi32, #tpu.memory_space<vmem>>, vector<16xi32>,
            %swap3A_517 = arith.constant 80 : index
            %swap3A_518 = tpu.vector_load %arg10[%swap3A_517] {strides = array<i32>} : memref<512xi32, #tpu.memory_space<vmem>>, vector<16xi32>,
            tpu.vector_store %arg10[%swap3A_517], %get3A_516 {strides = array<i32>} : memref<512xi32, #tpu.memory_space<vmem>>, vector<16xi32>,
            %add3A_519 = arith.constant 80 : i32
            %add3A_520 = arith.addi %and3A_453, %add3A_519 : i32
            %get3A_521 = arith.index_cast %add3A_520 : i32 to index
            %get3A_522 = tpu.vector_load %arg7[%get3A_521] {strides = array<i32>} : memref<8192xi32, #tpu.memory_space<vmem>>, vector<16xi32>,
            %swap3A_523 = arith.constant 80 : index
            %swap3A_524 = tpu.vector_load %arg11[%swap3A_523] {strides = array<i32>} : memref<512xi32, #tpu.memory_space<vmem>>, vector<16xi32>,
            tpu.vector_store %arg11[%swap3A_523], %get3A_522 {strides = array<i32>} : memref<512xi32, #tpu.memory_space<vmem>>, vector<16xi32>,
            %add3A_525 = arith.constant 96 : i32
            %add3A_526 = arith.addi %and3A_453, %add3A_525 : i32
            %get3A_527 = arith.index_cast %add3A_526 : i32 to index
            %get3A_528 = tpu.vector_load %arg6[%get3A_527] {strides = array<i32>} : memref<8192xi32, #tpu.memory_space<vmem>>, vector<16xi32>,
            %swap3A_529 = arith.constant 96 : index
            %swap3A_530 = tpu.vector_load %arg10[%swap3A_529] {strides = array<i32>} : memref<512xi32, #tpu.memory_space<vmem>>, vector<16xi32>,
            tpu.vector_store %arg10[%swap3A_529], %get3A_528 {strides = array<i32>} : memref<512xi32, #tpu.memory_space<vmem>>, vector<16xi32>,
            %add3A_531 = arith.constant 96 : i32
            %add3A_532 = arith.addi %and3A_453, %add3A_531 : i32
            %get3A_533 = arith.index_cast %add3A_532 : i32 to index
            %get3A_534 = tpu.vector_load %arg7[%get3A_533] {strides = array<i32>} : memref<8192xi32, #tpu.memory_space<vmem>>, vector<16xi32>,
            %swap3A_535 = arith.constant 96 : index
            %swap3A_536 = tpu.vector_load %arg11[%swap3A_535] {strides = array<i32>} : memref<512xi32, #tpu.memory_space<vmem>>, vector<16xi32>,
            tpu.vector_store %arg11[%swap3A_535], %get3A_534 {strides = array<i32>} : memref<512xi32, #tpu.memory_space<vmem>>, vector<16xi32>,
            %add3A_537 = arith.constant 112 : i32
            %add3A_538 = arith.addi %and3A_453, %add3A_537 : i32
            %get3A_539 = arith.index_cast %add3A_538 : i32 to index
            %get3A_540 = tpu.vector_load %arg6[%get3A_539] {strides = array<i32>} : memref<8192xi32, #tpu.memory_space<vmem>>, vector<16xi32>,
            %swap3A_541 = arith.constant 112 : index
            %swap3A_542 = tpu.vector_load %arg10[%swap3A_541] {strides = array<i32>} : memref<512xi32, #tpu.memory_space<vmem>>, vector<16xi32>,
            tpu.vector_store %arg10[%swap3A_541], %get3A_540 {strides = array<i32>} : memref<512xi32, #tpu.memory_space<vmem>>, vector<16xi32>,
            %add3A_543 = arith.constant 112 : i32
            %add3A_544 = arith.addi %and3A_453, %add3A_543 : i32
            %get3A_545 = arith.index_cast %add3A_544 : i32 to index
            %get3A_546 = tpu.vector_load %arg7[%get3A_545] {strides = array<i32>} : memref<8192xi32, #tpu.memory_space<vmem>>, vector<16xi32>,
            %swap3A_547 = arith.constant 112 : index
            %swap3A_548 = tpu.vector_load %arg11[%swap3A_547] {strides = array<i32>} : memref<512xi32, #tpu.memory_space<vmem>>, vector<16xi32>,
            tpu.vector_store %arg11[%swap3A_547], %get3A_546 {strides = array<i32>} : memref<512xi32, #tpu.memory_space<vmem>>, vector<16xi32>,
            %add3A_549 = arith.constant 128 : i32
            %add3A_550 = arith.addi %and3A_453, %add3A_549 : i32
            %get3A_551 = arith.index_cast %add3A_550 : i32 to index
            %get3A_552 = tpu.vector_load %arg6[%get3A_551] {strides = array<i32>} : memref<8192xi32, #tpu.memory_space<vmem>>, vector<16xi32>,
            %swap3A_553 = arith.constant 128 : index
            %swap3A_554 = tpu.vector_load %arg10[%swap3A_553] {strides = array<i32>} : memref<512xi32, #tpu.memory_space<vmem>>, vector<16xi32>,
            tpu.vector_store %arg10[%swap3A_553], %get3A_552 {strides = array<i32>} : memref<512xi32, #tpu.memory_space<vmem>>, vector<16xi32>,
            %add3A_555 = arith.constant 128 : i32
            %add3A_556 = arith.addi %and3A_453, %add3A_555 : i32
            %get3A_557 = arith.index_cast %add3A_556 : i32 to index
            %get3A_558 = tpu.vector_load %arg7[%get3A_557] {strides = array<i32>} : memref<8192xi32, #tpu.memory_space<vmem>>, vector<16xi32>,
            %swap3A_559 = arith.constant 128 : index
            %swap3A_560 = tpu.vector_load %arg11[%swap3A_559] {strides = array<i32>} : memref<512xi32, #tpu.memory_space<vmem>>, vector<16xi32>,
            tpu.vector_store %arg11[%swap3A_559], %get3A_558 {strides = array<i32>} : memref<512xi32, #tpu.memory_space<vmem>>, vector<16xi32>,
            %add3A_561 = arith.constant 144 : i32
            %add3A_562 = arith.addi %and3A_453, %add3A_561 : i32
            %get3A_563 = arith.index_cast %add3A_562 : i32 to index
            %get3A_564 = tpu.vector_load %arg6[%get3A_563] {strides = array<i32>} : memref<8192xi32, #tpu.memory_space<vmem>>, vector<16xi32>,
            %swap3A_565 = arith.constant 144 : index
            %swap3A_566 = tpu.vector_load %arg10[%swap3A_565] {strides = array<i32>} : memref<512xi32, #tpu.memory_space<vmem>>, vector<16xi32>,
            tpu.vector_store %arg10[%swap3A_565], %get3A_564 {strides = array<i32>} : memref<512xi32, #tpu.memory_space<vmem>>, vector<16xi32>,
            %add3A_567 = arith.constant 144 : i32
            %add3A_568 = arith.addi %and3A_453, %add3A_567 : i32
            %get3A_569 = arith.index_cast %add3A_568 : i32 to index
            %get3A_570 = tpu.vector_load %arg7[%get3A_569] {strides = array<i32>} : memref<8192xi32, #tpu.memory_space<vmem>>, vector<16xi32>,
            %swap3A_571 = arith.constant 144 : index
            %swap3A_572 = tpu.vector_load %arg11[%swap3A_571] {strides = array<i32>} : memref<512xi32, #tpu.memory_space<vmem>>, vector<16xi32>,
            tpu.vector_store %arg11[%swap3A_571], %get3A_570 {strides = array<i32>} : memref<512xi32, #tpu.memory_space<vmem>>, vector<16xi32>,
            %add3A_573 = arith.constant 160 : i32
            %add3A_574 = arith.addi %and3A_453, %add3A_573 : i32
            %get3A_575 = arith.index_cast %add3A_574 : i32 to index
            %get3A_576 = tpu.vector_load %arg6[%get3A_575] {strides = array<i32>} : memref<8192xi32, #tpu.memory_space<vmem>>, vector<16xi32>,
            %swap3A_577 = arith.constant 160 : index
            %swap3A_578 = tpu.vector_load %arg10[%swap3A_577] {strides = array<i32>} : memref<512xi32, #tpu.memory_space<vmem>>, vector<16xi32>,
            tpu.vector_store %arg10[%swap3A_577], %get3A_576 {strides = array<i32>} : memref<512xi32, #tpu.memory_space<vmem>>, vector<16xi32>,
            %add3A_579 = arith.constant 160 : i32
            %add3A_580 = arith.addi %and3A_453, %add3A_579 : i32
            %get3A_581 = arith.index_cast %add3A_580 : i32 to index
            %get3A_582 = tpu.vector_load %arg7[%get3A_581] {strides = array<i32>} : memref<8192xi32, #tpu.memory_space<vmem>>, vector<16xi32>,
            %swap3A_583 = arith.constant 160 : index
            %swap3A_584 = tpu.vector_load %arg11[%swap3A_583] {strides = array<i32>} : memref<512xi32, #tpu.memory_space<vmem>>, vector<16xi32>,
            tpu.vector_store %arg11[%swap3A_583], %get3A_582 {strides = array<i32>} : memref<512xi32, #tpu.memory_space<vmem>>, vector<16xi32>,
            %add3A_585 = arith.constant 176 : i32
            %add3A_586 = arith.addi %and3A_453, %add3A_585 : i32
            %get3A_587 = arith.index_cast %add3A_586 : i32 to index
            %get3A_588 = tpu.vector_load %arg6[%get3A_587] {strides = array<i32>} : memref<8192xi32, #tpu.memory_space<vmem>>, vector<16xi32>,
            %swap3A_589 = arith.constant 176 : index
            %swap3A_590 = tpu.vector_load %arg10[%swap3A_589] {strides = array<i32>} : memref<512xi32, #tpu.memory_space<vmem>>, vector<16xi32>,
            tpu.vector_store %arg10[%swap3A_589], %get3A_588 {strides = array<i32>} : memref<512xi32, #tpu.memory_space<vmem>>, vector<16xi32>,
            %add3A_591 = arith.constant 176 : i32
            %add3A_592 = arith.addi %and3A_453, %add3A_591 : i32
            %get3A_593 = arith.index_cast %add3A_592 : i32 to index
            %get3A_594 = tpu.vector_load %arg7[%get3A_593] {strides = array<i32>} : memref<8192xi32, #tpu.memory_space<vmem>>, vector<16xi32>,
            %swap3A_595 = arith.constant 176 : index
            %swap3A_596 = tpu.vector_load %arg11[%swap3A_595] {strides = array<i32>} : memref<512xi32, #tpu.memory_space<vmem>>, vector<16xi32>,
            tpu.vector_store %arg11[%swap3A_595], %get3A_594 {strides = array<i32>} : memref<512xi32, #tpu.memory_space<vmem>>, vector<16xi32>,
            %add3A_597 = arith.constant 192 : i32
            %add3A_598 = arith.addi %and3A_453, %add3A_597 : i32
            %get3A_599 = arith.index_cast %add3A_598 : i32 to index
            %get3A_600 = tpu.vector_load %arg6[%get3A_599] {strides = array<i32>} : memref<8192xi32, #tpu.memory_space<vmem>>, vector<16xi32>,
            %swap3A_601 = arith.constant 192 : index
            %swap3A_602 = tpu.vector_load %arg10[%swap3A_601] {strides = array<i32>} : memref<512xi32, #tpu.memory_space<vmem>>, vector<16xi32>,
            tpu.vector_store %arg10[%swap3A_601], %get3A_600 {strides = array<i32>} : memref<512xi32, #tpu.memory_space<vmem>>, vector<16xi32>,
            %add3A_603 = arith.constant 192 : i32
            %add3A_604 = arith.addi %and3A_453, %add3A_603 : i32
            %get3A_605 = arith.index_cast %add3A_604 : i32 to index
            %get3A_606 = tpu.vector_load %arg7[%get3A_605] {strides = array<i32>} : memref<8192xi32, #tpu.memory_space<vmem>>, vector<16xi32>,
            %swap3A_607 = arith.constant 192 : index
            %swap3A_608 = tpu.vector_load %arg11[%swap3A_607] {strides = array<i32>} : memref<512xi32, #tpu.memory_space<vmem>>, vector<16xi32>,
            tpu.vector_store %arg11[%swap3A_607], %get3A_606 {strides = array<i32>} : memref<512xi32, #tpu.memory_space<vmem>>, vector<16xi32>,
            %add3A_609 = arith.constant 208 : i32
            %add3A_610 = arith.addi %and3A_453, %add3A_609 : i32
            %get3A_611 = arith.index_cast %add3A_610 : i32 to index
            %get3A_612 = tpu.vector_load %arg6[%get3A_611] {strides = array<i32>} : memref<8192xi32, #tpu.memory_space<vmem>>, vector<16xi32>,
            %swap3A_613 = arith.constant 208 : index
            %swap3A_614 = tpu.vector_load %arg10[%swap3A_613] {strides = array<i32>} : memref<512xi32, #tpu.memory_space<vmem>>, vector<16xi32>,
            tpu.vector_store %arg10[%swap3A_613], %get3A_612 {strides = array<i32>} : memref<512xi32, #tpu.memory_space<vmem>>, vector<16xi32>,
            %add3A_615 = arith.constant 208 : i32
            %add3A_616 = arith.addi %and3A_453, %add3A_615 : i32
            %get3A_617 = arith.index_cast %add3A_616 : i32 to index
            %get3A_618 = tpu.vector_load %arg7[%get3A_617] {strides = array<i32>} : memref<8192xi32, #tpu.memory_space<vmem>>, vector<16xi32>,
            %swap3A_619 = arith.constant 208 : index
            %swap3A_620 = tpu.vector_load %arg11[%swap3A_619] {strides = array<i32>} : memref<512xi32, #tpu.memory_space<vmem>>, vector<16xi32>,
            tpu.vector_store %arg11[%swap3A_619], %get3A_618 {strides = array<i32>} : memref<512xi32, #tpu.memory_space<vmem>>, vector<16xi32>,
            %add3A_621 = arith.constant 224 : i32
            %add3A_622 = arith.addi %and3A_453, %add3A_621 : i32
            %get3A_623 = arith.index_cast %add3A_622 : i32 to index
            %get3A_624 = tpu.vector_load %arg6[%get3A_623] {strides = array<i32>} : memref<8192xi32, #tpu.memory_space<vmem>>, vector<16xi32>,
            %swap3A_625 = arith.constant 224 : index
            %swap3A_626 = tpu.vector_load %arg10[%swap3A_625] {strides = array<i32>} : memref<512xi32, #tpu.memory_space<vmem>>, vector<16xi32>,
            tpu.vector_store %arg10[%swap3A_625], %get3A_624 {strides = array<i32>} : memref<512xi32, #tpu.memory_space<vmem>>, vector<16xi32>,
            %add3A_627 = arith.constant 224 : i32
            %add3A_628 = arith.addi %and3A_453, %add3A_627 : i32
            %get3A_629 = arith.index_cast %add3A_628 : i32 to index
            %get3A_630 = tpu.vector_load %arg7[%get3A_629] {strides = array<i32>} : memref<8192xi32, #tpu.memory_space<vmem>>, vector<16xi32>,
            %swap3A_631 = arith.constant 224 : index
            %swap3A_632 = tpu.vector_load %arg11[%swap3A_631] {strides = array<i32>} : memref<512xi32, #tpu.memory_space<vmem>>, vector<16xi32>,
            tpu.vector_store %arg11[%swap3A_631], %get3A_630 {strides = array<i32>} : memref<512xi32, #tpu.memory_space<vmem>>, vector<16xi32>,
            %add3A_633 = arith.constant 240 : i32
            %add3A_634 = arith.addi %and3A_453, %add3A_633 : i32
            %get3A_635 = arith.index_cast %add3A_634 : i32 to index
            %get3A_636 = tpu.vector_load %arg6[%get3A_635] {strides = array<i32>} : memref<8192xi32, #tpu.memory_space<vmem>>, vector<16xi32>,
            %swap3A_637 = arith.constant 240 : index
            %swap3A_638 = tpu.vector_load %arg10[%swap3A_637] {strides = array<i32>} : memref<512xi32, #tpu.memory_space<vmem>>, vector<16xi32>,
            tpu.vector_store %arg10[%swap3A_637], %get3A_636 {strides = array<i32>} : memref<512xi32, #tpu.memory_space<vmem>>, vector<16xi32>,
            %add3A_639 = arith.constant 240 : i32
            %add3A_640 = arith.addi %and3A_453, %add3A_639 : i32
            %get3A_641 = arith.index_cast %add3A_640 : i32 to index
            %get3A_642 = tpu.vector_load %arg7[%get3A_641] {strides = array<i32>} : memref<8192xi32, #tpu.memory_space<vmem>>, vector<16xi32>,
            %swap3A_643 = arith.constant 240 : index
            %swap3A_644 = tpu.vector_load %arg11[%swap3A_643] {strides = array<i32>} : memref<512xi32, #tpu.memory_space<vmem>>, vector<16xi32>,
            tpu.vector_store %arg11[%swap3A_643], %get3A_642 {strides = array<i32>} : memref<512xi32, #tpu.memory_space<vmem>>, vector<16xi32>,
            %add3A_645 = arith.constant 256 : i32
            %add3A_646 = arith.addi %and3A_453, %add3A_645 : i32
            %get3A_647 = arith.index_cast %add3A_646 : i32 to index
            %get3A_648 = tpu.vector_load %arg6[%get3A_647] {strides = array<i32>} : memref<8192xi32, #tpu.memory_space<vmem>>, vector<16xi32>,
            %swap3A_649 = arith.constant 256 : index
            %swap3A_650 = tpu.vector_load %arg10[%swap3A_649] {strides = array<i32>} : memref<512xi32, #tpu.memory_space<vmem>>, vector<16xi32>,
            tpu.vector_store %arg10[%swap3A_649], %get3A_648 {strides = array<i32>} : memref<512xi32, #tpu.memory_space<vmem>>, vector<16xi32>,
            %add3A_651 = arith.constant 256 : i32
            %add3A_652 = arith.addi %and3A_453, %add3A_651 : i32
            %get3A_653 = arith.index_cast %add3A_652 : i32 to index
            %get3A_654 = tpu.vector_load %arg7[%get3A_653] {strides = array<i32>} : memref<8192xi32, #tpu.memory_space<vmem>>, vector<16xi32>,
            %swap3A_655 = arith.constant 256 : index
            %swap3A_656 = tpu.vector_load %arg11[%swap3A_655] {strides = array<i32>} : memref<512xi32, #tpu.memory_space<vmem>>, vector<16xi32>,
            tpu.vector_store %arg11[%swap3A_655], %get3A_654 {strides = array<i32>} : memref<512xi32, #tpu.memory_space<vmem>>, vector<16xi32>,
            %add3A_657 = arith.constant 272 : i32
            %add3A_658 = arith.addi %and3A_453, %add3A_657 : i32
            %get3A_659 = arith.index_cast %add3A_658 : i32 to index
            %get3A_660 = tpu.vector_load %arg6[%get3A_659] {strides = array<i32>} : memref<8192xi32, #tpu.memory_space<vmem>>, vector<16xi32>,
            %swap3A_661 = arith.constant 272 : index
            %swap3A_662 = tpu.vector_load %arg10[%swap3A_661] {strides = array<i32>} : memref<512xi32, #tpu.memory_space<vmem>>, vector<16xi32>,
            tpu.vector_store %arg10[%swap3A_661], %get3A_660 {strides = array<i32>} : memref<512xi32, #tpu.memory_space<vmem>>, vector<16xi32>,
            %add3A_663 = arith.constant 272 : i32
            %add3A_664 = arith.addi %and3A_453, %add3A_663 : i32
            %get3A_665 = arith.index_cast %add3A_664 : i32 to index
            %get3A_666 = tpu.vector_load %arg7[%get3A_665] {strides = array<i32>} : memref<8192xi32, #tpu.memory_space<vmem>>, vector<16xi32>,
            %swap3A_667 = arith.constant 272 : index
            %swap3A_668 = tpu.vector_load %arg11[%swap3A_667] {strides = array<i32>} : memref<512xi32, #tpu.memory_space<vmem>>, vector<16xi32>,
            tpu.vector_store %arg11[%swap3A_667], %get3A_666 {strides = array<i32>} : memref<512xi32, #tpu.memory_space<vmem>>, vector<16xi32>,
            %add3A_669 = arith.constant 288 : i32
            %add3A_670 = arith.addi %and3A_453, %add3A_669 : i32
            %get3A_671 = arith.index_cast %add3A_670 : i32 to index
            %get3A_672 = tpu.vector_load %arg6[%get3A_671] {strides = array<i32>} : memref<8192xi32, #tpu.memory_space<vmem>>, vector<16xi32>,
            %swap3A_673 = arith.constant 288 : index
            %swap3A_674 = tpu.vector_load %arg10[%swap3A_673] {strides = array<i32>} : memref<512xi32, #tpu.memory_space<vmem>>, vector<16xi32>,
            tpu.vector_store %arg10[%swap3A_673], %get3A_672 {strides = array<i32>} : memref<512xi32, #tpu.memory_space<vmem>>, vector<16xi32>,
            %add3A_675 = arith.constant 288 : i32
            %add3A_676 = arith.addi %and3A_453, %add3A_675 : i32
            %get3A_677 = arith.index_cast %add3A_676 : i32 to index
            %get3A_678 = tpu.vector_load %arg7[%get3A_677] {strides = array<i32>} : memref<8192xi32, #tpu.memory_space<vmem>>, vector<16xi32>,
            %swap3A_679 = arith.constant 288 : index
            %swap3A_680 = tpu.vector_load %arg11[%swap3A_679] {strides = array<i32>} : memref<512xi32, #tpu.memory_space<vmem>>, vector<16xi32>,
            tpu.vector_store %arg11[%swap3A_679], %get3A_678 {strides = array<i32>} : memref<512xi32, #tpu.memory_space<vmem>>, vector<16xi32>,
            %add3A_681 = arith.constant 304 : i32
            %add3A_682 = arith.addi %and3A_453, %add3A_681 : i32
            %get3A_683 = arith.index_cast %add3A_682 : i32 to index
            %get3A_684 = tpu.vector_load %arg6[%get3A_683] {strides = array<i32>} : memref<8192xi32, #tpu.memory_space<vmem>>, vector<16xi32>,
            %swap3A_685 = arith.constant 304 : index
            %swap3A_686 = tpu.vector_load %arg10[%swap3A_685] {strides = array<i32>} : memref<512xi32, #tpu.memory_space<vmem>>, vector<16xi32>,
            tpu.vector_store %arg10[%swap3A_685], %get3A_684 {strides = array<i32>} : memref<512xi32, #tpu.memory_space<vmem>>, vector<16xi32>,
            %add3A_687 = arith.constant 304 : i32
            %add3A_688 = arith.addi %and3A_453, %add3A_687 : i32
            %get3A_689 = arith.index_cast %add3A_688 : i32 to index
            %get3A_690 = tpu.vector_load %arg7[%get3A_689] {strides = array<i32>} : memref<8192xi32, #tpu.memory_space<vmem>>, vector<16xi32>,
            %swap3A_691 = arith.constant 304 : index
            %swap3A_692 = tpu.vector_load %arg11[%swap3A_691] {strides = array<i32>} : memref<512xi32, #tpu.memory_space<vmem>>, vector<16xi32>,
            tpu.vector_store %arg11[%swap3A_691], %get3A_690 {strides = array<i32>} : memref<512xi32, #tpu.memory_space<vmem>>, vector<16xi32>,
            %add3A_693 = arith.constant 320 : i32
            %add3A_694 = arith.addi %and3A_453, %add3A_693 : i32
            %get3A_695 = arith.index_cast %add3A_694 : i32 to index
            %get3A_696 = tpu.vector_load %arg6[%get3A_695] {strides = array<i32>} : memref<8192xi32, #tpu.memory_space<vmem>>, vector<16xi32>,
            %swap3A_697 = arith.constant 320 : index
            %swap3A_698 = tpu.vector_load %arg10[%swap3A_697] {strides = array<i32>} : memref<512xi32, #tpu.memory_space<vmem>>, vector<16xi32>,
            tpu.vector_store %arg10[%swap3A_697], %get3A_696 {strides = array<i32>} : memref<512xi32, #tpu.memory_space<vmem>>, vector<16xi32>,
            %add3A_699 = arith.constant 320 : i32
            %add3A_700 = arith.addi %and3A_453, %add3A_699 : i32
            %get3A_701 = arith.index_cast %add3A_700 : i32 to index
            %get3A_702 = tpu.vector_load %arg7[%get3A_701] {strides = array<i32>} : memref<8192xi32, #tpu.memory_space<vmem>>, vector<16xi32>,
            %swap3A_703 = arith.constant 320 : index
            %swap3A_704 = tpu.vector_load %arg11[%swap3A_703] {strides = array<i32>} : memref<512xi32, #tpu.memory_space<vmem>>, vector<16xi32>,
            tpu.vector_store %arg11[%swap3A_703], %get3A_702 {strides = array<i32>} : memref<512xi32, #tpu.memory_space<vmem>>, vector<16xi32>,
            %add3A_705 = arith.constant 336 : i32
            %add3A_706 = arith.addi %and3A_453, %add3A_705 : i32
            %get3A_707 = arith.index_cast %add3A_706 : i32 to index
            %get3A_708 = tpu.vector_load %arg6[%get3A_707] {strides = array<i32>} : memref<8192xi32, #tpu.memory_space<vmem>>, vector<16xi32>,
            %swap3A_709 = arith.constant 336 : index
            %swap3A_710 = tpu.vector_load %arg10[%swap3A_709] {strides = array<i32>} : memref<512xi32, #tpu.memory_space<vmem>>, vector<16xi32>,
            tpu.vector_store %arg10[%swap3A_709], %get3A_708 {strides = array<i32>} : memref<512xi32, #tpu.memory_space<vmem>>, vector<16xi32>,
            %add3A_711 = arith.constant 336 : i32
            %add3A_712 = arith.addi %and3A_453, %add3A_711 : i32
            %get3A_713 = arith.index_cast %add3A_712 : i32 to index
            %get3A_714 = tpu.vector_load %arg7[%get3A_713] {strides = array<i32>} : memref<8192xi32, #tpu.memory_space<vmem>>, vector<16xi32>,
            %swap3A_715 = arith.constant 336 : index
            %swap3A_716 = tpu.vector_load %arg11[%swap3A_715] {strides = array<i32>} : memref<512xi32, #tpu.memory_space<vmem>>, vector<16xi32>,
            tpu.vector_store %arg11[%swap3A_715], %get3A_714 {strides = array<i32>} : memref<512xi32, #tpu.memory_space<vmem>>, vector<16xi32>,
            %add3A_717 = arith.constant 352 : i32
            %add3A_718 = arith.addi %and3A_453, %add3A_717 : i32
            %get3A_719 = arith.index_cast %add3A_718 : i32 to index
            %get3A_720 = tpu.vector_load %arg6[%get3A_719] {strides = array<i32>} : memref<8192xi32, #tpu.memory_space<vmem>>, vector<16xi32>,
            %swap3A_721 = arith.constant 352 : index
            %swap3A_722 = tpu.vector_load %arg10[%swap3A_721] {strides = array<i32>} : memref<512xi32, #tpu.memory_space<vmem>>, vector<16xi32>,
            tpu.vector_store %arg10[%swap3A_721], %get3A_720 {strides = array<i32>} : memref<512xi32, #tpu.memory_space<vmem>>, vector<16xi32>,
            %add3A_723 = arith.constant 352 : i32
            %add3A_724 = arith.addi %and3A_453, %add3A_723 : i32
            %get3A_725 = arith.index_cast %add3A_724 : i32 to index
            %get3A_726 = tpu.vector_load %arg7[%get3A_725] {strides = array<i32>} : memref<8192xi32, #tpu.memory_space<vmem>>, vector<16xi32>,
            %swap3A_727 = arith.constant 352 : index
            %swap3A_728 = tpu.vector_load %arg11[%swap3A_727] {strides = array<i32>} : memref<512xi32, #tpu.memory_space<vmem>>, vector<16xi32>,
            tpu.vector_store %arg11[%swap3A_727], %get3A_726 {strides = array<i32>} : memref<512xi32, #tpu.memory_space<vmem>>, vector<16xi32>,
            %add3A_729 = arith.constant 368 : i32
            %add3A_730 = arith.addi %and3A_453, %add3A_729 : i32
            %get3A_731 = arith.index_cast %add3A_730 : i32 to index
            %get3A_732 = tpu.vector_load %arg6[%get3A_731] {strides = array<i32>} : memref<8192xi32, #tpu.memory_space<vmem>>, vector<16xi32>,
            %swap3A_733 = arith.constant 368 : index
            %swap3A_734 = tpu.vector_load %arg10[%swap3A_733] {strides = array<i32>} : memref<512xi32, #tpu.memory_space<vmem>>, vector<16xi32>,
            tpu.vector_store %arg10[%swap3A_733], %get3A_732 {strides = array<i32>} : memref<512xi32, #tpu.memory_space<vmem>>, vector<16xi32>,
            %add3A_735 = arith.constant 368 : i32
            %add3A_736 = arith.addi %and3A_453, %add3A_735 : i32
            %get3A_737 = arith.index_cast %add3A_736 : i32 to index
            %get3A_738 = tpu.vector_load %arg7[%get3A_737] {strides = array<i32>} : memref<8192xi32, #tpu.memory_space<vmem>>, vector<16xi32>,
            %swap3A_739 = arith.constant 368 : index
            %swap3A_740 = tpu.vector_load %arg11[%swap3A_739] {strides = array<i32>} : memref<512xi32, #tpu.memory_space<vmem>>, vector<16xi32>,
            tpu.vector_store %arg11[%swap3A_739], %get3A_738 {strides = array<i32>} : memref<512xi32, #tpu.memory_space<vmem>>, vector<16xi32>,
            %add3A_741 = arith.constant 384 : i32
            %add3A_742 = arith.addi %and3A_453, %add3A_741 : i32
            %get3A_743 = arith.index_cast %add3A_742 : i32 to index
            %get3A_744 = tpu.vector_load %arg6[%get3A_743] {strides = array<i32>} : memref<8192xi32, #tpu.memory_space<vmem>>, vector<16xi32>,
            %swap3A_745 = arith.constant 384 : index
            %swap3A_746 = tpu.vector_load %arg10[%swap3A_745] {strides = array<i32>} : memref<512xi32, #tpu.memory_space<vmem>>, vector<16xi32>,
            tpu.vector_store %arg10[%swap3A_745], %get3A_744 {strides = array<i32>} : memref<512xi32, #tpu.memory_space<vmem>>, vector<16xi32>,
            %add3A_747 = arith.constant 384 : i32
            %add3A_748 = arith.addi %and3A_453, %add3A_747 : i32
            %get3A_749 = arith.index_cast %add3A_748 : i32 to index
            %get3A_750 = tpu.vector_load %arg7[%get3A_749] {strides = array<i32>} : memref<8192xi32, #tpu.memory_space<vmem>>, vector<16xi32>,
            %swap3A_751 = arith.constant 384 : index
            %swap3A_752 = tpu.vector_load %arg11[%swap3A_751] {strides = array<i32>} : memref<512xi32, #tpu.memory_space<vmem>>, vector<16xi32>,
            tpu.vector_store %arg11[%swap3A_751], %get3A_750 {strides = array<i32>} : memref<512xi32, #tpu.memory_space<vmem>>, vector<16xi32>,
            %add3A_753 = arith.constant 400 : i32
            %add3A_754 = arith.addi %and3A_453, %add3A_753 : i32
            %get3A_755 = arith.index_cast %add3A_754 : i32 to index
            %get3A_756 = tpu.vector_load %arg6[%get3A_755] {strides = array<i32>} : memref<8192xi32, #tpu.memory_space<vmem>>, vector<16xi32>,
            %swap3A_757 = arith.constant 400 : index
            %swap3A_758 = tpu.vector_load %arg10[%swap3A_757] {strides = array<i32>} : memref<512xi32, #tpu.memory_space<vmem>>, vector<16xi32>,
            tpu.vector_store %arg10[%swap3A_757], %get3A_756 {strides = array<i32>} : memref<512xi32, #tpu.memory_space<vmem>>, vector<16xi32>,
            %add3A_759 = arith.constant 400 : i32
            %add3A_760 = arith.addi %and3A_453, %add3A_759 : i32
            %get3A_761 = arith.index_cast %add3A_760 : i32 to index
            %get3A_762 = tpu.vector_load %arg7[%get3A_761] {strides = array<i32>} : memref<8192xi32, #tpu.memory_space<vmem>>, vector<16xi32>,
            %swap3A_763 = arith.constant 400 : index
            %swap3A_764 = tpu.vector_load %arg11[%swap3A_763] {strides = array<i32>} : memref<512xi32, #tpu.memory_space<vmem>>, vector<16xi32>,
            tpu.vector_store %arg11[%swap3A_763], %get3A_762 {strides = array<i32>} : memref<512xi32, #tpu.memory_space<vmem>>, vector<16xi32>,
            %add3A_765 = arith.constant 416 : i32
            %add3A_766 = arith.addi %and3A_453, %add3A_765 : i32
            %get3A_767 = arith.index_cast %add3A_766 : i32 to index
            %get3A_768 = tpu.vector_load %arg6[%get3A_767] {strides = array<i32>} : memref<8192xi32, #tpu.memory_space<vmem>>, vector<16xi32>,
            %swap3A_769 = arith.constant 416 : index
            %swap3A_770 = tpu.vector_load %arg10[%swap3A_769] {strides = array<i32>} : memref<512xi32, #tpu.memory_space<vmem>>, vector<16xi32>,
            tpu.vector_store %arg10[%swap3A_769], %get3A_768 {strides = array<i32>} : memref<512xi32, #tpu.memory_space<vmem>>, vector<16xi32>,
            %add3A_771 = arith.constant 416 : i32
            %add3A_772 = arith.addi %and3A_453, %add3A_771 : i32
            %get3A_773 = arith.index_cast %add3A_772 : i32 to index
            %get3A_774 = tpu.vector_load %arg7[%get3A_773] {strides = array<i32>} : memref<8192xi32, #tpu.memory_space<vmem>>, vector<16xi32>,
            %swap3A_775 = arith.constant 416 : index
            %swap3A_776 = tpu.vector_load %arg11[%swap3A_775] {strides = array<i32>} : memref<512xi32, #tpu.memory_space<vmem>>, vector<16xi32>,
            tpu.vector_store %arg11[%swap3A_775], %get3A_774 {strides = array<i32>} : memref<512xi32, #tpu.memory_space<vmem>>, vector<16xi32>,
            %add3A_777 = arith.constant 432 : i32
            %add3A_778 = arith.addi %and3A_453, %add3A_777 : i32
            %get3A_779 = arith.index_cast %add3A_778 : i32 to index
            %get3A_780 = tpu.vector_load %arg6[%get3A_779] {strides = array<i32>} : memref<8192xi32, #tpu.memory_space<vmem>>, vector<16xi32>,
            %swap3A_781 = arith.constant 432 : index
            %swap3A_782 = tpu.vector_load %arg10[%swap3A_781] {strides = array<i32>} : memref<512xi32, #tpu.memory_space<vmem>>, vector<16xi32>,
            tpu.vector_store %arg10[%swap3A_781], %get3A_780 {strides = array<i32>} : memref<512xi32, #tpu.memory_space<vmem>>, vector<16xi32>,
            %add3A_783 = arith.constant 432 : i32
            %add3A_784 = arith.addi %and3A_453, %add3A_783 : i32
            %get3A_785 = arith.index_cast %add3A_784 : i32 to index
            %get3A_786 = tpu.vector_load %arg7[%get3A_785] {strides = array<i32>} : memref<8192xi32, #tpu.memory_space<vmem>>, vector<16xi32>,
            %swap3A_787 = arith.constant 432 : index
            %swap3A_788 = tpu.vector_load %arg11[%swap3A_787] {strides = array<i32>} : memref<512xi32, #tpu.memory_space<vmem>>, vector<16xi32>,
            tpu.vector_store %arg11[%swap3A_787], %get3A_786 {strides = array<i32>} : memref<512xi32, #tpu.memory_space<vmem>>, vector<16xi32>,
            %add3A_789 = arith.constant 448 : i32
            %add3A_790 = arith.addi %and3A_453, %add3A_789 : i32
            %get3A_791 = arith.index_cast %add3A_790 : i32 to index
            %get3A_792 = tpu.vector_load %arg6[%get3A_791] {strides = array<i32>} : memref<8192xi32, #tpu.memory_space<vmem>>, vector<16xi32>,
            %swap3A_793 = arith.constant 448 : index
            %swap3A_794 = tpu.vector_load %arg10[%swap3A_793] {strides = array<i32>} : memref<512xi32, #tpu.memory_space<vmem>>, vector<16xi32>,
            tpu.vector_store %arg10[%swap3A_793], %get3A_792 {strides = array<i32>} : memref<512xi32, #tpu.memory_space<vmem>>, vector<16xi32>,
            %add3A_795 = arith.constant 448 : i32
            %add3A_796 = arith.addi %and3A_453, %add3A_795 : i32
            %get3A_797 = arith.index_cast %add3A_796 : i32 to index
            %get3A_798 = tpu.vector_load %arg7[%get3A_797] {strides = array<i32>} : memref<8192xi32, #tpu.memory_space<vmem>>, vector<16xi32>,
            %swap3A_799 = arith.constant 448 : index
            %swap3A_800 = tpu.vector_load %arg11[%swap3A_799] {strides = array<i32>} : memref<512xi32, #tpu.memory_space<vmem>>, vector<16xi32>,
            tpu.vector_store %arg11[%swap3A_799], %get3A_798 {strides = array<i32>} : memref<512xi32, #tpu.memory_space<vmem>>, vector<16xi32>,
            %add3A_801 = arith.constant 464 : i32
            %add3A_802 = arith.addi %and3A_453, %add3A_801 : i32
            %get3A_803 = arith.index_cast %add3A_802 : i32 to index
            %get3A_804 = tpu.vector_load %arg6[%get3A_803] {strides = array<i32>} : memref<8192xi32, #tpu.memory_space<vmem>>, vector<16xi32>,
            %swap3A_805 = arith.constant 464 : index
            %swap3A_806 = tpu.vector_load %arg10[%swap3A_805] {strides = array<i32>} : memref<512xi32, #tpu.memory_space<vmem>>, vector<16xi32>,
            tpu.vector_store %arg10[%swap3A_805], %get3A_804 {strides = array<i32>} : memref<512xi32, #tpu.memory_space<vmem>>, vector<16xi32>,
            %add3A_807 = arith.constant 464 : i32
            %add3A_808 = arith.addi %and3A_453, %add3A_807 : i32
            %get3A_809 = arith.index_cast %add3A_808 : i32 to index
            %get3A_810 = tpu.vector_load %arg7[%get3A_809] {strides = array<i32>} : memref<8192xi32, #tpu.memory_space<vmem>>, vector<16xi32>,
            %swap3A_811 = arith.constant 464 : index
            %swap3A_812 = tpu.vector_load %arg11[%swap3A_811] {strides = array<i32>} : memref<512xi32, #tpu.memory_space<vmem>>, vector<16xi32>,
            tpu.vector_store %arg11[%swap3A_811], %get3A_810 {strides = array<i32>} : memref<512xi32, #tpu.memory_space<vmem>>, vector<16xi32>,
            %add3A_813 = arith.constant 480 : i32
            %add3A_814 = arith.addi %and3A_453, %add3A_813 : i32
            %get3A_815 = arith.index_cast %add3A_814 : i32 to index
            %get3A_816 = tpu.vector_load %arg6[%get3A_815] {strides = array<i32>} : memref<8192xi32, #tpu.memory_space<vmem>>, vector<16xi32>,
            %swap3A_817 = arith.constant 480 : index
            %swap3A_818 = tpu.vector_load %arg10[%swap3A_817] {strides = array<i32>} : memref<512xi32, #tpu.memory_space<vmem>>, vector<16xi32>,
            tpu.vector_store %arg10[%swap3A_817], %get3A_816 {strides = array<i32>} : memref<512xi32, #tpu.memory_space<vmem>>, vector<16xi32>,
            %add3A_819 = arith.constant 480 : i32
            %add3A_820 = arith.addi %and3A_453, %add3A_819 : i32
            %get3A_821 = arith.index_cast %add3A_820 : i32 to index
            %get3A_822 = tpu.vector_load %arg7[%get3A_821] {strides = array<i32>} : memref<8192xi32, #tpu.memory_space<vmem>>, vector<16xi32>,
            %swap3A_823 = arith.constant 480 : index
            %swap3A_824 = tpu.vector_load %arg11[%swap3A_823] {strides = array<i32>} : memref<512xi32, #tpu.memory_space<vmem>>, vector<16xi32>,
            tpu.vector_store %arg11[%swap3A_823], %get3A_822 {strides = array<i32>} : memref<512xi32, #tpu.memory_space<vmem>>, vector<16xi32>,
            %add3A_825 = arith.constant 496 : i32
            %add3A_826 = arith.addi %and3A_453, %add3A_825 : i32
            %get3A_827 = arith.index_cast %add3A_826 : i32 to index
            %get3A_828 = tpu.vector_load %arg6[%get3A_827] {strides = array<i32>} : memref<8192xi32, #tpu.memory_space<vmem>>, vector<16xi32>,
            %swap3A_829 = arith.constant 496 : index
            %swap3A_830 = tpu.vector_load %arg10[%swap3A_829] {strides = array<i32>} : memref<512xi32, #tpu.memory_space<vmem>>, vector<16xi32>,
            tpu.vector_store %arg10[%swap3A_829], %get3A_828 {strides = array<i32>} : memref<512xi32, #tpu.memory_space<vmem>>, vector<16xi32>,
            %add3A_831 = arith.constant 496 : i32
            %add3A_832 = arith.addi %and3A_453, %add3A_831 : i32
            %get3A_833 = arith.index_cast %add3A_832 : i32 to index
            %get3A_834 = tpu.vector_load %arg7[%get3A_833] {strides = array<i32>} : memref<8192xi32, #tpu.memory_space<vmem>>, vector<16xi32>,
            %swap3A_835 = arith.constant 496 : index
            %swap3A_836 = tpu.vector_load %arg11[%swap3A_835] {strides = array<i32>} : memref<512xi32, #tpu.memory_space<vmem>>, vector<16xi32>,
            tpu.vector_store %arg11[%swap3A_835], %get3A_834 {strides = array<i32>} : memref<512xi32, #tpu.memory_space<vmem>>, vector<16xi32>,
            %dma_start3A_837 = arith.constant 0 : i32
            %dma_start3A_838 = arith.constant 0 : i32
            %dma_start3A_839 = tpu.memref_slice %arg3[%dma_start3A_837, %dma_start3A_838] : memref<400000x16xf32, #tpu.memory_space<hbm>> -> memref<400000x16xf32, #tpu.memory_space<hbm>>
            tpu.enqueue_indirect_dma source(%dma_start3A_839 : memref<400000x16xf32, #tpu.memory_space<hbm>>) target(%arg13 : memref<512x16xf32, #tpu.memory_space<vmem>>) offsets(%arg11 : memref<512xi32, #tpu.memory_space<vmem>>) semaphore(%arg22 : memref<!tpu.dma_semaphore, #tpu.memory_space<semaphore_mem>>)
          } else {
          }
          %gt3A_440 = arith.cmpi sgt, %while3A_396, %while3A_397 : i32
          %convert_element_type3A_441 = arith.extui %gt3A_440 : i1 to i32
          %cond3A_442 = arith.constant 0 : i32
          %cond3A_443 = arith.cmpi ne, %convert_element_type3A_441, %cond3A_442 : i32
          scf.if %cond3A_443 {
            %jit3A_450 = arith.constant 2 : i32
            %eq3A_451 = arith.constant 0 : i32
            %eq3A_452 = arith.cmpi eq, %jit3A_450, %eq3A_451 : i32
            %jit3A_453 = arith.constant 1 : i32
            %select_n3A_454 = arith.select %eq3A_452, %jit3A_453, %jit3A_450 : i32
            %rem3A_455 = arith.remsi %while3A_397, %select_n3A_454 : i32
            %ne3A_456 = arith.constant 0 : i32
            %ne3A_457 = arith.cmpi ne, %rem3A_455, %ne3A_456 : i32
            %lt3A_458 = arith.constant 0 : i32
            %lt3A_459 = arith.cmpi slt, %rem3A_455, %lt3A_458 : i32
            %lt3A_460 = arith.constant 0 : i32
            %lt3A_461 = arith.cmpi slt, %select_n3A_454, %lt3A_460 : i32
            %ne3A_462 = arith.xori %lt3A_459, %lt3A_461 : i1
            %and3A_463 = arith.andi %ne3A_462, %ne3A_457 : i1
            %add3A_464 = arith.addi %rem3A_455, %select_n3A_454 : i32
            %select_n3A_465 = arith.select %and3A_463, %add3A_464, %rem3A_455 : i32
            %eq3A_466 = arith.constant 0 : i32
            %eq3A_467 = arith.cmpi eq, %select_n3A_465, %eq3A_466 : i32
            %convert_element_type3A_468 = arith.extui %eq3A_467 : i1 to i32
            %cond3A_469 = arith.constant 0 : i32
            %cond3A_470 = arith.cmpi ne, %convert_element_type3A_468, %cond3A_469 : i32
            scf.if %cond3A_470 {
              %dma_wait3A_492 = arith.constant 0 : i32
              %dma_wait3A_493 = arith.constant 0 : i32
              %dma_wait3A_494 = tpu.memref_slice %arg3[%dma_wait3A_492, %dma_wait3A_493] : memref<400000x16xf32, #tpu.memory_space<hbm>> -> memref<400000x16xf32, #tpu.memory_space<hbm>>
              tpu.wait_indirect_dma semaphore(%arg22 : memref<!tpu.dma_semaphore, #tpu.memory_space<semaphore_mem>>) src(%dma_wait3A_494 : memref<400000x16xf32, #tpu.memory_space<hbm>>) dst(%arg12 : memref<512x16xf32, #tpu.memory_space<vmem>>)
              "tpu.region"() ({
                %run_scoped3A = tpu.sem_alloc : memref<!tpu.dma_semaphore, #tpu.memory_space<semaphore_mem>>
                %dma_start3A_495 = arith.constant 0 : i32
                %dma_start3A_496 = arith.constant 0 : i32
                %dma_start3A_497 = tpu.memref_slice %arg20[%dma_start3A_495, %dma_start3A_496] : memref<65552x16xf32, #tpu.memory_space<vmem_shared>> -> memref<65552x16xf32, #tpu.memory_space<vmem_shared>>
                tpu.enqueue_indirect_dma source(%arg12 : memref<512x16xf32, #tpu.memory_space<vmem>>) target(%dma_start3A_497 : memref<65552x16xf32, #tpu.memory_space<vmem_shared>>) offsets(%arg8 : memref<512xi32, #tpu.memory_space<vmem>>) semaphore(%run_scoped3A : memref<!tpu.dma_semaphore, #tpu.memory_space<semaphore_mem>>) {add = true}
                %dma_wait3A_498 = arith.constant 0 : i32
                %dma_wait3A_499 = arith.constant 0 : i32
                %dma_wait3A_500 = tpu.memref_slice %arg20[%dma_wait3A_498, %dma_wait3A_499] : memref<65552x16xf32, #tpu.memory_space<vmem_shared>> -> memref<65552x16xf32, #tpu.memory_space<vmem_shared>>
                tpu.wait_indirect_dma semaphore(%run_scoped3A : memref<!tpu.dma_semaphore, #tpu.memory_space<semaphore_mem>>) src(%arg12 : memref<512x16xf32, #tpu.memory_space<vmem>>) dst(%dma_wait3A_500 : memref<65552x16xf32, #tpu.memory_space<vmem_shared>>)
                tpu.yield
              }) : () -> ()
              "tpu.region"() ({
                %run_scoped3A = tpu.sem_alloc : memref<!tpu.dma_semaphore, #tpu.memory_space<semaphore_mem>>
                %dma_start3A_495 = arith.constant 0 : i32
                %dma_start3A_496 = tpu.memref_slice %arg21[%dma_start3A_495] : memref<65552xf32, #tpu.memory_space<vmem_shared>> -> memref<65552xf32, #tpu.memory_space<vmem_shared>>
                tpu.enqueue_indirect_dma source(%arg14 : memref<512xf32, #tpu.memory_space<vmem>>) target(%dma_start3A_496 : memref<65552xf32, #tpu.memory_space<vmem_shared>>) offsets(%arg8 : memref<512xi32, #tpu.memory_space<vmem>>) semaphore(%run_scoped3A : memref<!tpu.dma_semaphore, #tpu.memory_space<semaphore_mem>>) {add = true}
                %dma_wait3A_497 = arith.constant 0 : i32
                %dma_wait3A_498 = tpu.memref_slice %arg21[%dma_wait3A_497] : memref<65552xf32, #tpu.memory_space<vmem_shared>> -> memref<65552xf32, #tpu.memory_space<vmem_shared>>
                tpu.wait_indirect_dma semaphore(%run_scoped3A : memref<!tpu.dma_semaphore, #tpu.memory_space<semaphore_mem>>) src(%arg14 : memref<512xf32, #tpu.memory_space<vmem>>) dst(%dma_wait3A_498 : memref<65552xf32, #tpu.memory_space<vmem_shared>>)
                tpu.yield
              }) : () -> ()
            } else {
            }
            %jit3A_471 = arith.constant 2 : i32
            %eq3A_472 = arith.constant 0 : i32
            %eq3A_473 = arith.cmpi eq, %jit3A_471, %eq3A_472 : i32
            %jit3A_474 = arith.constant 1 : i32
            %select_n3A_475 = arith.select %eq3A_473, %jit3A_474, %jit3A_471 : i32
            %rem3A_476 = arith.remsi %while3A_397, %select_n3A_475 : i32
            %ne3A_477 = arith.constant 0 : i32
            %ne3A_478 = arith.cmpi ne, %rem3A_476, %ne3A_477 : i32
            %lt3A_479 = arith.constant 0 : i32
            %lt3A_480 = arith.cmpi slt, %rem3A_476, %lt3A_479 : i32
            %lt3A_481 = arith.constant 0 : i32
            %lt3A_482 = arith.cmpi slt, %select_n3A_475, %lt3A_481 : i32
            %ne3A_483 = arith.xori %lt3A_480, %lt3A_482 : i1
            %and3A_484 = arith.andi %ne3A_483, %ne3A_478 : i1
            %add3A_485 = arith.addi %rem3A_476, %select_n3A_475 : i32
            %select_n3A_486 = arith.select %and3A_484, %add3A_485, %rem3A_476 : i32
            %eq3A_487 = arith.constant 1 : i32
            %eq3A_488 = arith.cmpi eq, %select_n3A_486, %eq3A_487 : i32
            %convert_element_type3A_489 = arith.extui %eq3A_488 : i1 to i32
            %cond3A_490 = arith.constant 0 : i32
            %cond3A_491 = arith.cmpi ne, %convert_element_type3A_489, %cond3A_490 : i32
            scf.if %cond3A_491 {
              %dma_wait3A_492 = arith.constant 0 : i32
              %dma_wait3A_493 = arith.constant 0 : i32
              %dma_wait3A_494 = tpu.memref_slice %arg3[%dma_wait3A_492, %dma_wait3A_493] : memref<400000x16xf32, #tpu.memory_space<hbm>> -> memref<400000x16xf32, #tpu.memory_space<hbm>>
              tpu.wait_indirect_dma semaphore(%arg22 : memref<!tpu.dma_semaphore, #tpu.memory_space<semaphore_mem>>) src(%dma_wait3A_494 : memref<400000x16xf32, #tpu.memory_space<hbm>>) dst(%arg13 : memref<512x16xf32, #tpu.memory_space<vmem>>)
              "tpu.region"() ({
                %run_scoped3A = tpu.sem_alloc : memref<!tpu.dma_semaphore, #tpu.memory_space<semaphore_mem>>
                %dma_start3A_495 = arith.constant 0 : i32
                %dma_start3A_496 = arith.constant 0 : i32
                %dma_start3A_497 = tpu.memref_slice %arg20[%dma_start3A_495, %dma_start3A_496] : memref<65552x16xf32, #tpu.memory_space<vmem_shared>> -> memref<65552x16xf32, #tpu.memory_space<vmem_shared>>
                tpu.enqueue_indirect_dma source(%arg13 : memref<512x16xf32, #tpu.memory_space<vmem>>) target(%dma_start3A_497 : memref<65552x16xf32, #tpu.memory_space<vmem_shared>>) offsets(%arg10 : memref<512xi32, #tpu.memory_space<vmem>>) semaphore(%run_scoped3A : memref<!tpu.dma_semaphore, #tpu.memory_space<semaphore_mem>>) {add = true}
                %dma_wait3A_498 = arith.constant 0 : i32
                %dma_wait3A_499 = arith.constant 0 : i32
                %dma_wait3A_500 = tpu.memref_slice %arg20[%dma_wait3A_498, %dma_wait3A_499] : memref<65552x16xf32, #tpu.memory_space<vmem_shared>> -> memref<65552x16xf32, #tpu.memory_space<vmem_shared>>
                tpu.wait_indirect_dma semaphore(%run_scoped3A : memref<!tpu.dma_semaphore, #tpu.memory_space<semaphore_mem>>) src(%arg13 : memref<512x16xf32, #tpu.memory_space<vmem>>) dst(%dma_wait3A_500 : memref<65552x16xf32, #tpu.memory_space<vmem_shared>>)
                tpu.yield
              }) : () -> ()
              "tpu.region"() ({
                %run_scoped3A = tpu.sem_alloc : memref<!tpu.dma_semaphore, #tpu.memory_space<semaphore_mem>>
                %dma_start3A_495 = arith.constant 0 : i32
                %dma_start3A_496 = tpu.memref_slice %arg21[%dma_start3A_495] : memref<65552xf32, #tpu.memory_space<vmem_shared>> -> memref<65552xf32, #tpu.memory_space<vmem_shared>>
                tpu.enqueue_indirect_dma source(%arg14 : memref<512xf32, #tpu.memory_space<vmem>>) target(%dma_start3A_496 : memref<65552xf32, #tpu.memory_space<vmem_shared>>) offsets(%arg10 : memref<512xi32, #tpu.memory_space<vmem>>) semaphore(%run_scoped3A : memref<!tpu.dma_semaphore, #tpu.memory_space<semaphore_mem>>) {add = true}
                %dma_wait3A_497 = arith.constant 0 : i32
                %dma_wait3A_498 = tpu.memref_slice %arg21[%dma_wait3A_497] : memref<65552xf32, #tpu.memory_space<vmem_shared>> -> memref<65552xf32, #tpu.memory_space<vmem_shared>>
                tpu.wait_indirect_dma semaphore(%run_scoped3A : memref<!tpu.dma_semaphore, #tpu.memory_space<semaphore_mem>>) src(%arg14 : memref<512xf32, #tpu.memory_space<vmem>>) dst(%dma_wait3A_498 : memref<65552xf32, #tpu.memory_space<vmem_shared>>)
                tpu.yield
              }) : () -> ()
            } else {
            }
          } else {
          }
          %add3A_444 = arith.constant 1 : i32
          %add3A_445 = arith.addi %while3A_396, %add3A_444 : i32
          %gt3A_446 = arith.cmpi sgt, %while3A_396, %while3A_397 : i32
          %add3A_447 = arith.constant 1 : i32
          %add3A_448 = arith.addi %while3A_397, %add3A_447 : i32
          %select_n3A_449 = arith.select %gt3A_446, %add3A_448, %while3A_397 : i32
          scf.yield %add3A_445, %select_n3A_449 : i32, i32
        }
        scf.yield %scan3A_358, %while3A_394#0, %while3A_394#1 : i32, i32, i32
      }
      %scan3A_207 = arith.constant 8 : i32
      %gt3A = arith.cmpi sgt, %scan3A_206#1, %scan3A_206#2 : i32
      %convert_element_type3A = arith.extui %gt3A : i1 to i32
      %cond3A = arith.constant 0 : i32
      %cond3A_208 = arith.cmpi ne, %convert_element_type3A, %cond3A : i32
      scf.if %cond3A_208 {
        %jit3A_298 = arith.constant 2 : i32
        %eq3A_299 = arith.constant 0 : i32
        %eq3A_300 = arith.cmpi eq, %jit3A_298, %eq3A_299 : i32
        %jit3A_301 = arith.constant 1 : i32
        %select_n3A_302 = arith.select %eq3A_300, %jit3A_301, %jit3A_298 : i32
        %rem3A_303 = arith.remsi %scan3A_206#2, %select_n3A_302 : i32
        %ne3A_304 = arith.constant 0 : i32
        %ne3A_305 = arith.cmpi ne, %rem3A_303, %ne3A_304 : i32
        %lt3A_306 = arith.constant 0 : i32
        %lt3A_307 = arith.cmpi slt, %rem3A_303, %lt3A_306 : i32
        %lt3A_308 = arith.constant 0 : i32
        %lt3A_309 = arith.cmpi slt, %select_n3A_302, %lt3A_308 : i32
        %ne3A_310 = arith.xori %lt3A_307, %lt3A_309 : i1
        %and3A_311 = arith.andi %ne3A_310, %ne3A_305 : i1
        %add3A_312 = arith.addi %rem3A_303, %select_n3A_302 : i32
        %select_n3A_313 = arith.select %and3A_311, %add3A_312, %rem3A_303 : i32
        %eq3A_314 = arith.constant 0 : i32
        %eq3A_315 = arith.cmpi eq, %select_n3A_313, %eq3A_314 : i32
        %convert_element_type3A_316 = arith.extui %eq3A_315 : i1 to i32
        %cond3A_317 = arith.constant 0 : i32
        %cond3A_318 = arith.cmpi ne, %convert_element_type3A_316, %cond3A_317 : i32
        scf.if %cond3A_318 {
          %dma_wait3A = arith.constant 0 : i32
          %dma_wait3A_340 = arith.constant 0 : i32
          %dma_wait3A_341 = tpu.memref_slice %arg3[%dma_wait3A, %dma_wait3A_340] : memref<400000x16xf32, #tpu.memory_space<hbm>> -> memref<400000x16xf32, #tpu.memory_space<hbm>>
          tpu.wait_indirect_dma semaphore(%arg22 : memref<!tpu.dma_semaphore, #tpu.memory_space<semaphore_mem>>) src(%dma_wait3A_341 : memref<400000x16xf32, #tpu.memory_space<hbm>>) dst(%arg12 : memref<512x16xf32, #tpu.memory_space<vmem>>)
          "tpu.region"() ({
            %run_scoped3A = tpu.sem_alloc : memref<!tpu.dma_semaphore, #tpu.memory_space<semaphore_mem>>
            %dma_start3A_342 = arith.constant 0 : i32
            %dma_start3A_343 = arith.constant 0 : i32
            %dma_start3A_344 = tpu.memref_slice %arg20[%dma_start3A_342, %dma_start3A_343] : memref<65552x16xf32, #tpu.memory_space<vmem_shared>> -> memref<65552x16xf32, #tpu.memory_space<vmem_shared>>
            tpu.enqueue_indirect_dma source(%arg12 : memref<512x16xf32, #tpu.memory_space<vmem>>) target(%dma_start3A_344 : memref<65552x16xf32, #tpu.memory_space<vmem_shared>>) offsets(%arg8 : memref<512xi32, #tpu.memory_space<vmem>>) semaphore(%run_scoped3A : memref<!tpu.dma_semaphore, #tpu.memory_space<semaphore_mem>>) {add = true}
            %dma_wait3A_345 = arith.constant 0 : i32
            %dma_wait3A_346 = arith.constant 0 : i32
            %dma_wait3A_347 = tpu.memref_slice %arg20[%dma_wait3A_345, %dma_wait3A_346] : memref<65552x16xf32, #tpu.memory_space<vmem_shared>> -> memref<65552x16xf32, #tpu.memory_space<vmem_shared>>
            tpu.wait_indirect_dma semaphore(%run_scoped3A : memref<!tpu.dma_semaphore, #tpu.memory_space<semaphore_mem>>) src(%arg12 : memref<512x16xf32, #tpu.memory_space<vmem>>) dst(%dma_wait3A_347 : memref<65552x16xf32, #tpu.memory_space<vmem_shared>>)
            tpu.yield
          }) : () -> ()
          "tpu.region"() ({
            %run_scoped3A = tpu.sem_alloc : memref<!tpu.dma_semaphore, #tpu.memory_space<semaphore_mem>>
            %dma_start3A_342 = arith.constant 0 : i32
            %dma_start3A_343 = tpu.memref_slice %arg21[%dma_start3A_342] : memref<65552xf32, #tpu.memory_space<vmem_shared>> -> memref<65552xf32, #tpu.memory_space<vmem_shared>>
            tpu.enqueue_indirect_dma source(%arg14 : memref<512xf32, #tpu.memory_space<vmem>>) target(%dma_start3A_343 : memref<65552xf32, #tpu.memory_space<vmem_shared>>) offsets(%arg8 : memref<512xi32, #tpu.memory_space<vmem>>) semaphore(%run_scoped3A : memref<!tpu.dma_semaphore, #tpu.memory_space<semaphore_mem>>) {add = true}
            %dma_wait3A_344 = arith.constant 0 : i32
            %dma_wait3A_345 = tpu.memref_slice %arg21[%dma_wait3A_344] : memref<65552xf32, #tpu.memory_space<vmem_shared>> -> memref<65552xf32, #tpu.memory_space<vmem_shared>>
            tpu.wait_indirect_dma semaphore(%run_scoped3A : memref<!tpu.dma_semaphore, #tpu.memory_space<semaphore_mem>>) src(%arg14 : memref<512xf32, #tpu.memory_space<vmem>>) dst(%dma_wait3A_345 : memref<65552xf32, #tpu.memory_space<vmem_shared>>)
            tpu.yield
          }) : () -> ()
        } else {
        }
        %jit3A_319 = arith.constant 2 : i32
        %eq3A_320 = arith.constant 0 : i32
        %eq3A_321 = arith.cmpi eq, %jit3A_319, %eq3A_320 : i32
        %jit3A_322 = arith.constant 1 : i32
        %select_n3A_323 = arith.select %eq3A_321, %jit3A_322, %jit3A_319 : i32
        %rem3A_324 = arith.remsi %scan3A_206#2, %select_n3A_323 : i32
        %ne3A_325 = arith.constant 0 : i32
        %ne3A_326 = arith.cmpi ne, %rem3A_324, %ne3A_325 : i32
        %lt3A_327 = arith.constant 0 : i32
        %lt3A_328 = arith.cmpi slt, %rem3A_324, %lt3A_327 : i32
        %lt3A_329 = arith.constant 0 : i32
        %lt3A_330 = arith.cmpi slt, %select_n3A_323, %lt3A_329 : i32
        %ne3A_331 = arith.xori %lt3A_328, %lt3A_330 : i1
        %and3A_332 = arith.andi %ne3A_331, %ne3A_326 : i1
        %add3A_333 = arith.addi %rem3A_324, %select_n3A_323 : i32
        %select_n3A_334 = arith.select %and3A_332, %add3A_333, %rem3A_324 : i32
        %eq3A_335 = arith.constant 1 : i32
        %eq3A_336 = arith.cmpi eq, %select_n3A_334, %eq3A_335 : i32
        %convert_element_type3A_337 = arith.extui %eq3A_336 : i1 to i32
        %cond3A_338 = arith.constant 0 : i32
        %cond3A_339 = arith.cmpi ne, %convert_element_type3A_337, %cond3A_338 : i32
        scf.if %cond3A_339 {
          %dma_wait3A = arith.constant 0 : i32
          %dma_wait3A_340 = arith.constant 0 : i32
          %dma_wait3A_341 = tpu.memref_slice %arg3[%dma_wait3A, %dma_wait3A_340] : memref<400000x16xf32, #tpu.memory_space<hbm>> -> memref<400000x16xf32, #tpu.memory_space<hbm>>
          tpu.wait_indirect_dma semaphore(%arg22 : memref<!tpu.dma_semaphore, #tpu.memory_space<semaphore_mem>>) src(%dma_wait3A_341 : memref<400000x16xf32, #tpu.memory_space<hbm>>) dst(%arg13 : memref<512x16xf32, #tpu.memory_space<vmem>>)
          "tpu.region"() ({
            %run_scoped3A = tpu.sem_alloc : memref<!tpu.dma_semaphore, #tpu.memory_space<semaphore_mem>>
            %dma_start3A_342 = arith.constant 0 : i32
            %dma_start3A_343 = arith.constant 0 : i32
            %dma_start3A_344 = tpu.memref_slice %arg20[%dma_start3A_342, %dma_start3A_343] : memref<65552x16xf32, #tpu.memory_space<vmem_shared>> -> memref<65552x16xf32, #tpu.memory_space<vmem_shared>>
            tpu.enqueue_indirect_dma source(%arg13 : memref<512x16xf32, #tpu.memory_space<vmem>>) target(%dma_start3A_344 : memref<65552x16xf32, #tpu.memory_space<vmem_shared>>) offsets(%arg10 : memref<512xi32, #tpu.memory_space<vmem>>) semaphore(%run_scoped3A : memref<!tpu.dma_semaphore, #tpu.memory_space<semaphore_mem>>) {add = true}
            %dma_wait3A_345 = arith.constant 0 : i32
            %dma_wait3A_346 = arith.constant 0 : i32
            %dma_wait3A_347 = tpu.memref_slice %arg20[%dma_wait3A_345, %dma_wait3A_346] : memref<65552x16xf32, #tpu.memory_space<vmem_shared>> -> memref<65552x16xf32, #tpu.memory_space<vmem_shared>>
            tpu.wait_indirect_dma semaphore(%run_scoped3A : memref<!tpu.dma_semaphore, #tpu.memory_space<semaphore_mem>>) src(%arg13 : memref<512x16xf32, #tpu.memory_space<vmem>>) dst(%dma_wait3A_347 : memref<65552x16xf32, #tpu.memory_space<vmem_shared>>)
            tpu.yield
          }) : () -> ()
          "tpu.region"() ({
            %run_scoped3A = tpu.sem_alloc : memref<!tpu.dma_semaphore, #tpu.memory_space<semaphore_mem>>
            %dma_start3A_342 = arith.constant 0 : i32
            %dma_start3A_343 = tpu.memref_slice %arg21[%dma_start3A_342] : memref<65552xf32, #tpu.memory_space<vmem_shared>> -> memref<65552xf32, #tpu.memory_space<vmem_shared>>
            tpu.enqueue_indirect_dma source(%arg14 : memref<512xf32, #tpu.memory_space<vmem>>) target(%dma_start3A_343 : memref<65552xf32, #tpu.memory_space<vmem_shared>>) offsets(%arg10 : memref<512xi32, #tpu.memory_space<vmem>>) semaphore(%run_scoped3A : memref<!tpu.dma_semaphore, #tpu.memory_space<semaphore_mem>>) {add = true}
            %dma_wait3A_344 = arith.constant 0 : i32
            %dma_wait3A_345 = tpu.memref_slice %arg21[%dma_wait3A_344] : memref<65552xf32, #tpu.memory_space<vmem_shared>> -> memref<65552xf32, #tpu.memory_space<vmem_shared>>
            tpu.wait_indirect_dma semaphore(%run_scoped3A : memref<!tpu.dma_semaphore, #tpu.memory_space<semaphore_mem>>) src(%arg14 : memref<512xf32, #tpu.memory_space<vmem>>) dst(%dma_wait3A_345 : memref<65552xf32, #tpu.memory_space<vmem_shared>>)
            tpu.yield
          }) : () -> ()
        } else {
        }
      } else {
      }
      %mul3A_209 = arith.constant 512 : i32
      %mul3A_210 = arith.muli %scan3A_206#1, %mul3A_209 : i32
      %gt3A_211 = arith.cmpi sgt, %scan3A_206#0, %mul3A_210 : i32
      %convert_element_type3A_212 = arith.extui %gt3A_211 : i1 to i32
      %cond3A_213 = arith.constant 0 : i32
      %cond3A_214 = arith.cmpi ne, %convert_element_type3A_212, %cond3A_213 : i32
      scf.if %cond3A_214 {
        %broadcast_in_dim3A_298 = arith.constant 65536 : i32
        %broadcast_in_dim3A_299 = vector.broadcast %broadcast_in_dim3A_298 : i32 to vector<16xi32>
        %broadcast_in_dim3A_300 = arith.constant 0 : i32
        %broadcast_in_dim3A_301 = vector.broadcast %broadcast_in_dim3A_300 : i32 to vector<16xi32>
        %add3A_302 = arith.constant 0 : i32
        %add3A_303 = arith.addi %scan3A_206#0, %add3A_302 : i32
        %broadcast_in_dim3A_304 = vector.broadcast %add3A_303 : i32 to vector<16xi32>
        %add3A_305 = arith.addi %broadcast_in_dim3A_304, %iota3A : vector<16xi32>
        %and3A_306 = arith.andi %add3A_305, %broadcast_in_dim3A_188 : vector<16xi32>
        tpu.vector_store_idx %arg6[%and3A_306], %broadcast_in_dim3A_299 : memref<8192xi32, #tpu.memory_space<vmem>>[vector<16xi32>], vector<16xi32>,
        tpu.vector_store_idx %arg7[%and3A_306], %broadcast_in_dim3A_301 : memref<8192xi32, #tpu.memory_space<vmem>>[vector<16xi32>], vector<16xi32>,
        %add3A_307 = arith.constant 16 : i32
        %add3A_308 = arith.addi %scan3A_206#0, %add3A_307 : i32
        %broadcast_in_dim3A_309 = vector.broadcast %add3A_308 : i32 to vector<16xi32>
        %add3A_310 = arith.addi %broadcast_in_dim3A_309, %iota3A : vector<16xi32>
        %and3A_311 = arith.andi %add3A_310, %broadcast_in_dim3A_188 : vector<16xi32>
        tpu.vector_store_idx %arg6[%and3A_311], %broadcast_in_dim3A_299 : memref<8192xi32, #tpu.memory_space<vmem>>[vector<16xi32>], vector<16xi32>,
        tpu.vector_store_idx %arg7[%and3A_311], %broadcast_in_dim3A_301 : memref<8192xi32, #tpu.memory_space<vmem>>[vector<16xi32>], vector<16xi32>,
        %add3A_312 = arith.constant 32 : i32
        %add3A_313 = arith.addi %scan3A_206#0, %add3A_312 : i32
        %broadcast_in_dim3A_314 = vector.broadcast %add3A_313 : i32 to vector<16xi32>
        %add3A_315 = arith.addi %broadcast_in_dim3A_314, %iota3A : vector<16xi32>
        %and3A_316 = arith.andi %add3A_315, %broadcast_in_dim3A_188 : vector<16xi32>
        tpu.vector_store_idx %arg6[%and3A_316], %broadcast_in_dim3A_299 : memref<8192xi32, #tpu.memory_space<vmem>>[vector<16xi32>], vector<16xi32>,
        tpu.vector_store_idx %arg7[%and3A_316], %broadcast_in_dim3A_301 : memref<8192xi32, #tpu.memory_space<vmem>>[vector<16xi32>], vector<16xi32>,
        %add3A_317 = arith.constant 48 : i32
        %add3A_318 = arith.addi %scan3A_206#0, %add3A_317 : i32
        %broadcast_in_dim3A_319 = vector.broadcast %add3A_318 : i32 to vector<16xi32>
        %add3A_320 = arith.addi %broadcast_in_dim3A_319, %iota3A : vector<16xi32>
        %and3A_321 = arith.andi %add3A_320, %broadcast_in_dim3A_188 : vector<16xi32>
        tpu.vector_store_idx %arg6[%and3A_321], %broadcast_in_dim3A_299 : memref<8192xi32, #tpu.memory_space<vmem>>[vector<16xi32>], vector<16xi32>,
        tpu.vector_store_idx %arg7[%and3A_321], %broadcast_in_dim3A_301 : memref<8192xi32, #tpu.memory_space<vmem>>[vector<16xi32>], vector<16xi32>,
        %add3A_322 = arith.constant 64 : i32
        %add3A_323 = arith.addi %scan3A_206#0, %add3A_322 : i32
        %broadcast_in_dim3A_324 = vector.broadcast %add3A_323 : i32 to vector<16xi32>
        %add3A_325 = arith.addi %broadcast_in_dim3A_324, %iota3A : vector<16xi32>
        %and3A_326 = arith.andi %add3A_325, %broadcast_in_dim3A_188 : vector<16xi32>
        tpu.vector_store_idx %arg6[%and3A_326], %broadcast_in_dim3A_299 : memref<8192xi32, #tpu.memory_space<vmem>>[vector<16xi32>], vector<16xi32>,
        tpu.vector_store_idx %arg7[%and3A_326], %broadcast_in_dim3A_301 : memref<8192xi32, #tpu.memory_space<vmem>>[vector<16xi32>], vector<16xi32>,
        %add3A_327 = arith.constant 80 : i32
        %add3A_328 = arith.addi %scan3A_206#0, %add3A_327 : i32
        %broadcast_in_dim3A_329 = vector.broadcast %add3A_328 : i32 to vector<16xi32>
        %add3A_330 = arith.addi %broadcast_in_dim3A_329, %iota3A : vector<16xi32>
        %and3A_331 = arith.andi %add3A_330, %broadcast_in_dim3A_188 : vector<16xi32>
        tpu.vector_store_idx %arg6[%and3A_331], %broadcast_in_dim3A_299 : memref<8192xi32, #tpu.memory_space<vmem>>[vector<16xi32>], vector<16xi32>,
        tpu.vector_store_idx %arg7[%and3A_331], %broadcast_in_dim3A_301 : memref<8192xi32, #tpu.memory_space<vmem>>[vector<16xi32>], vector<16xi32>,
        %add3A_332 = arith.constant 96 : i32
        %add3A_333 = arith.addi %scan3A_206#0, %add3A_332 : i32
        %broadcast_in_dim3A_334 = vector.broadcast %add3A_333 : i32 to vector<16xi32>
        %add3A_335 = arith.addi %broadcast_in_dim3A_334, %iota3A : vector<16xi32>
        %and3A_336 = arith.andi %add3A_335, %broadcast_in_dim3A_188 : vector<16xi32>
        tpu.vector_store_idx %arg6[%and3A_336], %broadcast_in_dim3A_299 : memref<8192xi32, #tpu.memory_space<vmem>>[vector<16xi32>], vector<16xi32>,
        tpu.vector_store_idx %arg7[%and3A_336], %broadcast_in_dim3A_301 : memref<8192xi32, #tpu.memory_space<vmem>>[vector<16xi32>], vector<16xi32>,
        %add3A_337 = arith.constant 112 : i32
        %add3A_338 = arith.addi %scan3A_206#0, %add3A_337 : i32
        %broadcast_in_dim3A_339 = vector.broadcast %add3A_338 : i32 to vector<16xi32>
        %add3A_340 = arith.addi %broadcast_in_dim3A_339, %iota3A : vector<16xi32>
        %and3A_341 = arith.andi %add3A_340, %broadcast_in_dim3A_188 : vector<16xi32>
        tpu.vector_store_idx %arg6[%and3A_341], %broadcast_in_dim3A_299 : memref<8192xi32, #tpu.memory_space<vmem>>[vector<16xi32>], vector<16xi32>,
        tpu.vector_store_idx %arg7[%and3A_341], %broadcast_in_dim3A_301 : memref<8192xi32, #tpu.memory_space<vmem>>[vector<16xi32>], vector<16xi32>,
        %add3A_342 = arith.constant 128 : i32
        %add3A_343 = arith.addi %scan3A_206#0, %add3A_342 : i32
        %broadcast_in_dim3A_344 = vector.broadcast %add3A_343 : i32 to vector<16xi32>
        %add3A_345 = arith.addi %broadcast_in_dim3A_344, %iota3A : vector<16xi32>
        %and3A_346 = arith.andi %add3A_345, %broadcast_in_dim3A_188 : vector<16xi32>
        tpu.vector_store_idx %arg6[%and3A_346], %broadcast_in_dim3A_299 : memref<8192xi32, #tpu.memory_space<vmem>>[vector<16xi32>], vector<16xi32>,
        tpu.vector_store_idx %arg7[%and3A_346], %broadcast_in_dim3A_301 : memref<8192xi32, #tpu.memory_space<vmem>>[vector<16xi32>], vector<16xi32>,
        %add3A_347 = arith.constant 144 : i32
        %add3A_348 = arith.addi %scan3A_206#0, %add3A_347 : i32
        %broadcast_in_dim3A_349 = vector.broadcast %add3A_348 : i32 to vector<16xi32>
        %add3A_350 = arith.addi %broadcast_in_dim3A_349, %iota3A : vector<16xi32>
        %and3A_351 = arith.andi %add3A_350, %broadcast_in_dim3A_188 : vector<16xi32>
        tpu.vector_store_idx %arg6[%and3A_351], %broadcast_in_dim3A_299 : memref<8192xi32, #tpu.memory_space<vmem>>[vector<16xi32>], vector<16xi32>,
        tpu.vector_store_idx %arg7[%and3A_351], %broadcast_in_dim3A_301 : memref<8192xi32, #tpu.memory_space<vmem>>[vector<16xi32>], vector<16xi32>,
        %add3A_352 = arith.constant 160 : i32
        %add3A_353 = arith.addi %scan3A_206#0, %add3A_352 : i32
        %broadcast_in_dim3A_354 = vector.broadcast %add3A_353 : i32 to vector<16xi32>
        %add3A_355 = arith.addi %broadcast_in_dim3A_354, %iota3A : vector<16xi32>
        %and3A_356 = arith.andi %add3A_355, %broadcast_in_dim3A_188 : vector<16xi32>
        tpu.vector_store_idx %arg6[%and3A_356], %broadcast_in_dim3A_299 : memref<8192xi32, #tpu.memory_space<vmem>>[vector<16xi32>], vector<16xi32>,
        tpu.vector_store_idx %arg7[%and3A_356], %broadcast_in_dim3A_301 : memref<8192xi32, #tpu.memory_space<vmem>>[vector<16xi32>], vector<16xi32>,
        %add3A_357 = arith.constant 176 : i32
        %add3A_358 = arith.addi %scan3A_206#0, %add3A_357 : i32
        %broadcast_in_dim3A_359 = vector.broadcast %add3A_358 : i32 to vector<16xi32>
        %add3A_360 = arith.addi %broadcast_in_dim3A_359, %iota3A : vector<16xi32>
        %and3A_361 = arith.andi %add3A_360, %broadcast_in_dim3A_188 : vector<16xi32>
        tpu.vector_store_idx %arg6[%and3A_361], %broadcast_in_dim3A_299 : memref<8192xi32, #tpu.memory_space<vmem>>[vector<16xi32>], vector<16xi32>,
        tpu.vector_store_idx %arg7[%and3A_361], %broadcast_in_dim3A_301 : memref<8192xi32, #tpu.memory_space<vmem>>[vector<16xi32>], vector<16xi32>,
        %add3A_362 = arith.constant 192 : i32
        %add3A_363 = arith.addi %scan3A_206#0, %add3A_362 : i32
        %broadcast_in_dim3A_364 = vector.broadcast %add3A_363 : i32 to vector<16xi32>
        %add3A_365 = arith.addi %broadcast_in_dim3A_364, %iota3A : vector<16xi32>
        %and3A_366 = arith.andi %add3A_365, %broadcast_in_dim3A_188 : vector<16xi32>
        tpu.vector_store_idx %arg6[%and3A_366], %broadcast_in_dim3A_299 : memref<8192xi32, #tpu.memory_space<vmem>>[vector<16xi32>], vector<16xi32>,
        tpu.vector_store_idx %arg7[%and3A_366], %broadcast_in_dim3A_301 : memref<8192xi32, #tpu.memory_space<vmem>>[vector<16xi32>], vector<16xi32>,
        %add3A_367 = arith.constant 208 : i32
        %add3A_368 = arith.addi %scan3A_206#0, %add3A_367 : i32
        %broadcast_in_dim3A_369 = vector.broadcast %add3A_368 : i32 to vector<16xi32>
        %add3A_370 = arith.addi %broadcast_in_dim3A_369, %iota3A : vector<16xi32>
        %and3A_371 = arith.andi %add3A_370, %broadcast_in_dim3A_188 : vector<16xi32>
        tpu.vector_store_idx %arg6[%and3A_371], %broadcast_in_dim3A_299 : memref<8192xi32, #tpu.memory_space<vmem>>[vector<16xi32>], vector<16xi32>,
        tpu.vector_store_idx %arg7[%and3A_371], %broadcast_in_dim3A_301 : memref<8192xi32, #tpu.memory_space<vmem>>[vector<16xi32>], vector<16xi32>,
        %add3A_372 = arith.constant 224 : i32
        %add3A_373 = arith.addi %scan3A_206#0, %add3A_372 : i32
        %broadcast_in_dim3A_374 = vector.broadcast %add3A_373 : i32 to vector<16xi32>
        %add3A_375 = arith.addi %broadcast_in_dim3A_374, %iota3A : vector<16xi32>
        %and3A_376 = arith.andi %add3A_375, %broadcast_in_dim3A_188 : vector<16xi32>
        tpu.vector_store_idx %arg6[%and3A_376], %broadcast_in_dim3A_299 : memref<8192xi32, #tpu.memory_space<vmem>>[vector<16xi32>], vector<16xi32>,
        tpu.vector_store_idx %arg7[%and3A_376], %broadcast_in_dim3A_301 : memref<8192xi32, #tpu.memory_space<vmem>>[vector<16xi32>], vector<16xi32>,
        %add3A_377 = arith.constant 240 : i32
        %add3A_378 = arith.addi %scan3A_206#0, %add3A_377 : i32
        %broadcast_in_dim3A_379 = vector.broadcast %add3A_378 : i32 to vector<16xi32>
        %add3A_380 = arith.addi %broadcast_in_dim3A_379, %iota3A : vector<16xi32>
        %and3A_381 = arith.andi %add3A_380, %broadcast_in_dim3A_188 : vector<16xi32>
        tpu.vector_store_idx %arg6[%and3A_381], %broadcast_in_dim3A_299 : memref<8192xi32, #tpu.memory_space<vmem>>[vector<16xi32>], vector<16xi32>,
        tpu.vector_store_idx %arg7[%and3A_381], %broadcast_in_dim3A_301 : memref<8192xi32, #tpu.memory_space<vmem>>[vector<16xi32>], vector<16xi32>,
        %add3A_382 = arith.constant 256 : i32
        %add3A_383 = arith.addi %scan3A_206#0, %add3A_382 : i32
        %broadcast_in_dim3A_384 = vector.broadcast %add3A_383 : i32 to vector<16xi32>
        %add3A_385 = arith.addi %broadcast_in_dim3A_384, %iota3A : vector<16xi32>
        %and3A_386 = arith.andi %add3A_385, %broadcast_in_dim3A_188 : vector<16xi32>
        tpu.vector_store_idx %arg6[%and3A_386], %broadcast_in_dim3A_299 : memref<8192xi32, #tpu.memory_space<vmem>>[vector<16xi32>], vector<16xi32>,
        tpu.vector_store_idx %arg7[%and3A_386], %broadcast_in_dim3A_301 : memref<8192xi32, #tpu.memory_space<vmem>>[vector<16xi32>], vector<16xi32>,
        %add3A_387 = arith.constant 272 : i32
        %add3A_388 = arith.addi %scan3A_206#0, %add3A_387 : i32
        %broadcast_in_dim3A_389 = vector.broadcast %add3A_388 : i32 to vector<16xi32>
        %add3A_390 = arith.addi %broadcast_in_dim3A_389, %iota3A : vector<16xi32>
        %and3A_391 = arith.andi %add3A_390, %broadcast_in_dim3A_188 : vector<16xi32>
        tpu.vector_store_idx %arg6[%and3A_391], %broadcast_in_dim3A_299 : memref<8192xi32, #tpu.memory_space<vmem>>[vector<16xi32>], vector<16xi32>,
        tpu.vector_store_idx %arg7[%and3A_391], %broadcast_in_dim3A_301 : memref<8192xi32, #tpu.memory_space<vmem>>[vector<16xi32>], vector<16xi32>,
        %add3A_392 = arith.constant 288 : i32
        %add3A_393 = arith.addi %scan3A_206#0, %add3A_392 : i32
        %broadcast_in_dim3A_394 = vector.broadcast %add3A_393 : i32 to vector<16xi32>
        %add3A_395 = arith.addi %broadcast_in_dim3A_394, %iota3A : vector<16xi32>
        %and3A_396 = arith.andi %add3A_395, %broadcast_in_dim3A_188 : vector<16xi32>
        tpu.vector_store_idx %arg6[%and3A_396], %broadcast_in_dim3A_299 : memref<8192xi32, #tpu.memory_space<vmem>>[vector<16xi32>], vector<16xi32>,
        tpu.vector_store_idx %arg7[%and3A_396], %broadcast_in_dim3A_301 : memref<8192xi32, #tpu.memory_space<vmem>>[vector<16xi32>], vector<16xi32>,
        %add3A_397 = arith.constant 304 : i32
        %add3A_398 = arith.addi %scan3A_206#0, %add3A_397 : i32
        %broadcast_in_dim3A_399 = vector.broadcast %add3A_398 : i32 to vector<16xi32>
        %add3A_400 = arith.addi %broadcast_in_dim3A_399, %iota3A : vector<16xi32>
        %and3A_401 = arith.andi %add3A_400, %broadcast_in_dim3A_188 : vector<16xi32>
        tpu.vector_store_idx %arg6[%and3A_401], %broadcast_in_dim3A_299 : memref<8192xi32, #tpu.memory_space<vmem>>[vector<16xi32>], vector<16xi32>,
        tpu.vector_store_idx %arg7[%and3A_401], %broadcast_in_dim3A_301 : memref<8192xi32, #tpu.memory_space<vmem>>[vector<16xi32>], vector<16xi32>,
        %add3A_402 = arith.constant 320 : i32
        %add3A_403 = arith.addi %scan3A_206#0, %add3A_402 : i32
        %broadcast_in_dim3A_404 = vector.broadcast %add3A_403 : i32 to vector<16xi32>
        %add3A_405 = arith.addi %broadcast_in_dim3A_404, %iota3A : vector<16xi32>
        %and3A_406 = arith.andi %add3A_405, %broadcast_in_dim3A_188 : vector<16xi32>
        tpu.vector_store_idx %arg6[%and3A_406], %broadcast_in_dim3A_299 : memref<8192xi32, #tpu.memory_space<vmem>>[vector<16xi32>], vector<16xi32>,
        tpu.vector_store_idx %arg7[%and3A_406], %broadcast_in_dim3A_301 : memref<8192xi32, #tpu.memory_space<vmem>>[vector<16xi32>], vector<16xi32>,
        %add3A_407 = arith.constant 336 : i32
        %add3A_408 = arith.addi %scan3A_206#0, %add3A_407 : i32
        %broadcast_in_dim3A_409 = vector.broadcast %add3A_408 : i32 to vector<16xi32>
        %add3A_410 = arith.addi %broadcast_in_dim3A_409, %iota3A : vector<16xi32>
        %and3A_411 = arith.andi %add3A_410, %broadcast_in_dim3A_188 : vector<16xi32>
        tpu.vector_store_idx %arg6[%and3A_411], %broadcast_in_dim3A_299 : memref<8192xi32, #tpu.memory_space<vmem>>[vector<16xi32>], vector<16xi32>,
        tpu.vector_store_idx %arg7[%and3A_411], %broadcast_in_dim3A_301 : memref<8192xi32, #tpu.memory_space<vmem>>[vector<16xi32>], vector<16xi32>,
        %add3A_412 = arith.constant 352 : i32
        %add3A_413 = arith.addi %scan3A_206#0, %add3A_412 : i32
        %broadcast_in_dim3A_414 = vector.broadcast %add3A_413 : i32 to vector<16xi32>
        %add3A_415 = arith.addi %broadcast_in_dim3A_414, %iota3A : vector<16xi32>
        %and3A_416 = arith.andi %add3A_415, %broadcast_in_dim3A_188 : vector<16xi32>
        tpu.vector_store_idx %arg6[%and3A_416], %broadcast_in_dim3A_299 : memref<8192xi32, #tpu.memory_space<vmem>>[vector<16xi32>], vector<16xi32>,
        tpu.vector_store_idx %arg7[%and3A_416], %broadcast_in_dim3A_301 : memref<8192xi32, #tpu.memory_space<vmem>>[vector<16xi32>], vector<16xi32>,
        %add3A_417 = arith.constant 368 : i32
        %add3A_418 = arith.addi %scan3A_206#0, %add3A_417 : i32
        %broadcast_in_dim3A_419 = vector.broadcast %add3A_418 : i32 to vector<16xi32>
        %add3A_420 = arith.addi %broadcast_in_dim3A_419, %iota3A : vector<16xi32>
        %and3A_421 = arith.andi %add3A_420, %broadcast_in_dim3A_188 : vector<16xi32>
        tpu.vector_store_idx %arg6[%and3A_421], %broadcast_in_dim3A_299 : memref<8192xi32, #tpu.memory_space<vmem>>[vector<16xi32>], vector<16xi32>,
        tpu.vector_store_idx %arg7[%and3A_421], %broadcast_in_dim3A_301 : memref<8192xi32, #tpu.memory_space<vmem>>[vector<16xi32>], vector<16xi32>,
        %add3A_422 = arith.constant 384 : i32
        %add3A_423 = arith.addi %scan3A_206#0, %add3A_422 : i32
        %broadcast_in_dim3A_424 = vector.broadcast %add3A_423 : i32 to vector<16xi32>
        %add3A_425 = arith.addi %broadcast_in_dim3A_424, %iota3A : vector<16xi32>
        %and3A_426 = arith.andi %add3A_425, %broadcast_in_dim3A_188 : vector<16xi32>
        tpu.vector_store_idx %arg6[%and3A_426], %broadcast_in_dim3A_299 : memref<8192xi32, #tpu.memory_space<vmem>>[vector<16xi32>], vector<16xi32>,
        tpu.vector_store_idx %arg7[%and3A_426], %broadcast_in_dim3A_301 : memref<8192xi32, #tpu.memory_space<vmem>>[vector<16xi32>], vector<16xi32>,
        %add3A_427 = arith.constant 400 : i32
        %add3A_428 = arith.addi %scan3A_206#0, %add3A_427 : i32
        %broadcast_in_dim3A_429 = vector.broadcast %add3A_428 : i32 to vector<16xi32>
        %add3A_430 = arith.addi %broadcast_in_dim3A_429, %iota3A : vector<16xi32>
        %and3A_431 = arith.andi %add3A_430, %broadcast_in_dim3A_188 : vector<16xi32>
        tpu.vector_store_idx %arg6[%and3A_431], %broadcast_in_dim3A_299 : memref<8192xi32, #tpu.memory_space<vmem>>[vector<16xi32>], vector<16xi32>,
        tpu.vector_store_idx %arg7[%and3A_431], %broadcast_in_dim3A_301 : memref<8192xi32, #tpu.memory_space<vmem>>[vector<16xi32>], vector<16xi32>,
        %add3A_432 = arith.constant 416 : i32
        %add3A_433 = arith.addi %scan3A_206#0, %add3A_432 : i32
        %broadcast_in_dim3A_434 = vector.broadcast %add3A_433 : i32 to vector<16xi32>
        %add3A_435 = arith.addi %broadcast_in_dim3A_434, %iota3A : vector<16xi32>
        %and3A_436 = arith.andi %add3A_435, %broadcast_in_dim3A_188 : vector<16xi32>
        tpu.vector_store_idx %arg6[%and3A_436], %broadcast_in_dim3A_299 : memref<8192xi32, #tpu.memory_space<vmem>>[vector<16xi32>], vector<16xi32>,
        tpu.vector_store_idx %arg7[%and3A_436], %broadcast_in_dim3A_301 : memref<8192xi32, #tpu.memory_space<vmem>>[vector<16xi32>], vector<16xi32>,
        %add3A_437 = arith.constant 432 : i32
        %add3A_438 = arith.addi %scan3A_206#0, %add3A_437 : i32
        %broadcast_in_dim3A_439 = vector.broadcast %add3A_438 : i32 to vector<16xi32>
        %add3A_440 = arith.addi %broadcast_in_dim3A_439, %iota3A : vector<16xi32>
        %and3A_441 = arith.andi %add3A_440, %broadcast_in_dim3A_188 : vector<16xi32>
        tpu.vector_store_idx %arg6[%and3A_441], %broadcast_in_dim3A_299 : memref<8192xi32, #tpu.memory_space<vmem>>[vector<16xi32>], vector<16xi32>,
        tpu.vector_store_idx %arg7[%and3A_441], %broadcast_in_dim3A_301 : memref<8192xi32, #tpu.memory_space<vmem>>[vector<16xi32>], vector<16xi32>,
        %add3A_442 = arith.constant 448 : i32
        %add3A_443 = arith.addi %scan3A_206#0, %add3A_442 : i32
        %broadcast_in_dim3A_444 = vector.broadcast %add3A_443 : i32 to vector<16xi32>
        %add3A_445 = arith.addi %broadcast_in_dim3A_444, %iota3A : vector<16xi32>
        %and3A_446 = arith.andi %add3A_445, %broadcast_in_dim3A_188 : vector<16xi32>
        tpu.vector_store_idx %arg6[%and3A_446], %broadcast_in_dim3A_299 : memref<8192xi32, #tpu.memory_space<vmem>>[vector<16xi32>], vector<16xi32>,
        tpu.vector_store_idx %arg7[%and3A_446], %broadcast_in_dim3A_301 : memref<8192xi32, #tpu.memory_space<vmem>>[vector<16xi32>], vector<16xi32>,
        %add3A_447 = arith.constant 464 : i32
        %add3A_448 = arith.addi %scan3A_206#0, %add3A_447 : i32
        %broadcast_in_dim3A_449 = vector.broadcast %add3A_448 : i32 to vector<16xi32>
        %add3A_450 = arith.addi %broadcast_in_dim3A_449, %iota3A : vector<16xi32>
        %and3A_451 = arith.andi %add3A_450, %broadcast_in_dim3A_188 : vector<16xi32>
        tpu.vector_store_idx %arg6[%and3A_451], %broadcast_in_dim3A_299 : memref<8192xi32, #tpu.memory_space<vmem>>[vector<16xi32>], vector<16xi32>,
        tpu.vector_store_idx %arg7[%and3A_451], %broadcast_in_dim3A_301 : memref<8192xi32, #tpu.memory_space<vmem>>[vector<16xi32>], vector<16xi32>,
        %add3A_452 = arith.constant 480 : i32
        %add3A_453 = arith.addi %scan3A_206#0, %add3A_452 : i32
        %broadcast_in_dim3A_454 = vector.broadcast %add3A_453 : i32 to vector<16xi32>
        %add3A_455 = arith.addi %broadcast_in_dim3A_454, %iota3A : vector<16xi32>
        %and3A_456 = arith.andi %add3A_455, %broadcast_in_dim3A_188 : vector<16xi32>
        tpu.vector_store_idx %arg6[%and3A_456], %broadcast_in_dim3A_299 : memref<8192xi32, #tpu.memory_space<vmem>>[vector<16xi32>], vector<16xi32>,
        tpu.vector_store_idx %arg7[%and3A_456], %broadcast_in_dim3A_301 : memref<8192xi32, #tpu.memory_space<vmem>>[vector<16xi32>], vector<16xi32>,
        %add3A_457 = arith.constant 496 : i32
        %add3A_458 = arith.addi %scan3A_206#0, %add3A_457 : i32
        %broadcast_in_dim3A_459 = vector.broadcast %add3A_458 : i32 to vector<16xi32>
        %add3A_460 = arith.addi %broadcast_in_dim3A_459, %iota3A : vector<16xi32>
        %and3A_461 = arith.andi %add3A_460, %broadcast_in_dim3A_188 : vector<16xi32>
        tpu.vector_store_idx %arg6[%and3A_461], %broadcast_in_dim3A_299 : memref<8192xi32, #tpu.memory_space<vmem>>[vector<16xi32>], vector<16xi32>,
        tpu.vector_store_idx %arg7[%and3A_461], %broadcast_in_dim3A_301 : memref<8192xi32, #tpu.memory_space<vmem>>[vector<16xi32>], vector<16xi32>,
        %jit3A_462 = arith.constant 2 : i32
        %eq3A_463 = arith.constant 0 : i32
        %eq3A_464 = arith.cmpi eq, %jit3A_462, %eq3A_463 : i32
        %jit3A_465 = arith.constant 1 : i32
        %select_n3A_466 = arith.select %eq3A_464, %jit3A_465, %jit3A_462 : i32
        %rem3A_467 = arith.remsi %scan3A_206#1, %select_n3A_466 : i32
        %ne3A_468 = arith.constant 0 : i32
        %ne3A_469 = arith.cmpi ne, %rem3A_467, %ne3A_468 : i32
        %lt3A_470 = arith.constant 0 : i32
        %lt3A_471 = arith.cmpi slt, %rem3A_467, %lt3A_470 : i32
        %lt3A_472 = arith.constant 0 : i32
        %lt3A_473 = arith.cmpi slt, %select_n3A_466, %lt3A_472 : i32
        %ne3A_474 = arith.xori %lt3A_471, %lt3A_473 : i1
        %and3A_475 = arith.andi %ne3A_474, %ne3A_469 : i1
        %add3A_476 = arith.addi %rem3A_467, %select_n3A_466 : i32
        %select_n3A_477 = arith.select %and3A_475, %add3A_476, %rem3A_467 : i32
        %eq3A_478 = arith.constant 0 : i32
        %eq3A_479 = arith.cmpi eq, %select_n3A_477, %eq3A_478 : i32
        %convert_element_type3A_480 = arith.extui %eq3A_479 : i1 to i32
        %cond3A_481 = arith.constant 0 : i32
        %cond3A_482 = arith.cmpi ne, %convert_element_type3A_480, %cond3A_481 : i32
        scf.if %cond3A_482 {
          %mul3A_546 = arith.constant 512 : i32
          %mul3A_547 = arith.muli %scan3A_206#1, %mul3A_546 : i32
          %and3A_548 = arith.constant 8191 : i32
          %and3A_549 = arith.andi %mul3A_547, %and3A_548 : i32
          %add3A_550 = arith.constant 0 : i32
          %add3A_551 = arith.addi %and3A_549, %add3A_550 : i32
          %get3A = arith.index_cast %add3A_551 : i32 to index
          %get3A_552 = tpu.vector_load %arg6[%get3A] {strides = array<i32>} : memref<8192xi32, #tpu.memory_space<vmem>>, vector<16xi32>,
          %swap3A_553 = arith.constant 0 : index
          %swap3A_554 = tpu.vector_load %arg8[%swap3A_553] {strides = array<i32>} : memref<512xi32, #tpu.memory_space<vmem>>, vector<16xi32>,
          tpu.vector_store %arg8[%swap3A_553], %get3A_552 {strides = array<i32>} : memref<512xi32, #tpu.memory_space<vmem>>, vector<16xi32>,
          %add3A_555 = arith.constant 0 : i32
          %add3A_556 = arith.addi %and3A_549, %add3A_555 : i32
          %get3A_557 = arith.index_cast %add3A_556 : i32 to index
          %get3A_558 = tpu.vector_load %arg7[%get3A_557] {strides = array<i32>} : memref<8192xi32, #tpu.memory_space<vmem>>, vector<16xi32>,
          %swap3A_559 = arith.constant 0 : index
          %swap3A_560 = tpu.vector_load %arg9[%swap3A_559] {strides = array<i32>} : memref<512xi32, #tpu.memory_space<vmem>>, vector<16xi32>,
          tpu.vector_store %arg9[%swap3A_559], %get3A_558 {strides = array<i32>} : memref<512xi32, #tpu.memory_space<vmem>>, vector<16xi32>,
          %add3A_561 = arith.constant 16 : i32
          %add3A_562 = arith.addi %and3A_549, %add3A_561 : i32
          %get3A_563 = arith.index_cast %add3A_562 : i32 to index
          %get3A_564 = tpu.vector_load %arg6[%get3A_563] {strides = array<i32>} : memref<8192xi32, #tpu.memory_space<vmem>>, vector<16xi32>,
          %swap3A_565 = arith.constant 16 : index
          %swap3A_566 = tpu.vector_load %arg8[%swap3A_565] {strides = array<i32>} : memref<512xi32, #tpu.memory_space<vmem>>, vector<16xi32>,
          tpu.vector_store %arg8[%swap3A_565], %get3A_564 {strides = array<i32>} : memref<512xi32, #tpu.memory_space<vmem>>, vector<16xi32>,
          %add3A_567 = arith.constant 16 : i32
          %add3A_568 = arith.addi %and3A_549, %add3A_567 : i32
          %get3A_569 = arith.index_cast %add3A_568 : i32 to index
          %get3A_570 = tpu.vector_load %arg7[%get3A_569] {strides = array<i32>} : memref<8192xi32, #tpu.memory_space<vmem>>, vector<16xi32>,
          %swap3A_571 = arith.constant 16 : index
          %swap3A_572 = tpu.vector_load %arg9[%swap3A_571] {strides = array<i32>} : memref<512xi32, #tpu.memory_space<vmem>>, vector<16xi32>,
          tpu.vector_store %arg9[%swap3A_571], %get3A_570 {strides = array<i32>} : memref<512xi32, #tpu.memory_space<vmem>>, vector<16xi32>,
          %add3A_573 = arith.constant 32 : i32
          %add3A_574 = arith.addi %and3A_549, %add3A_573 : i32
          %get3A_575 = arith.index_cast %add3A_574 : i32 to index
          %get3A_576 = tpu.vector_load %arg6[%get3A_575] {strides = array<i32>} : memref<8192xi32, #tpu.memory_space<vmem>>, vector<16xi32>,
          %swap3A_577 = arith.constant 32 : index
          %swap3A_578 = tpu.vector_load %arg8[%swap3A_577] {strides = array<i32>} : memref<512xi32, #tpu.memory_space<vmem>>, vector<16xi32>,
          tpu.vector_store %arg8[%swap3A_577], %get3A_576 {strides = array<i32>} : memref<512xi32, #tpu.memory_space<vmem>>, vector<16xi32>,
          %add3A_579 = arith.constant 32 : i32
          %add3A_580 = arith.addi %and3A_549, %add3A_579 : i32
          %get3A_581 = arith.index_cast %add3A_580 : i32 to index
          %get3A_582 = tpu.vector_load %arg7[%get3A_581] {strides = array<i32>} : memref<8192xi32, #tpu.memory_space<vmem>>, vector<16xi32>,
          %swap3A_583 = arith.constant 32 : index
          %swap3A_584 = tpu.vector_load %arg9[%swap3A_583] {strides = array<i32>} : memref<512xi32, #tpu.memory_space<vmem>>, vector<16xi32>,
          tpu.vector_store %arg9[%swap3A_583], %get3A_582 {strides = array<i32>} : memref<512xi32, #tpu.memory_space<vmem>>, vector<16xi32>,
          %add3A_585 = arith.constant 48 : i32
          %add3A_586 = arith.addi %and3A_549, %add3A_585 : i32
          %get3A_587 = arith.index_cast %add3A_586 : i32 to index
          %get3A_588 = tpu.vector_load %arg6[%get3A_587] {strides = array<i32>} : memref<8192xi32, #tpu.memory_space<vmem>>, vector<16xi32>,
          %swap3A_589 = arith.constant 48 : index
          %swap3A_590 = tpu.vector_load %arg8[%swap3A_589] {strides = array<i32>} : memref<512xi32, #tpu.memory_space<vmem>>, vector<16xi32>,
          tpu.vector_store %arg8[%swap3A_589], %get3A_588 {strides = array<i32>} : memref<512xi32, #tpu.memory_space<vmem>>, vector<16xi32>,
          %add3A_591 = arith.constant 48 : i32
          %add3A_592 = arith.addi %and3A_549, %add3A_591 : i32
          %get3A_593 = arith.index_cast %add3A_592 : i32 to index
          %get3A_594 = tpu.vector_load %arg7[%get3A_593] {strides = array<i32>} : memref<8192xi32, #tpu.memory_space<vmem>>, vector<16xi32>,
          %swap3A_595 = arith.constant 48 : index
          %swap3A_596 = tpu.vector_load %arg9[%swap3A_595] {strides = array<i32>} : memref<512xi32, #tpu.memory_space<vmem>>, vector<16xi32>,
          tpu.vector_store %arg9[%swap3A_595], %get3A_594 {strides = array<i32>} : memref<512xi32, #tpu.memory_space<vmem>>, vector<16xi32>,
          %add3A_597 = arith.constant 64 : i32
          %add3A_598 = arith.addi %and3A_549, %add3A_597 : i32
          %get3A_599 = arith.index_cast %add3A_598 : i32 to index
          %get3A_600 = tpu.vector_load %arg6[%get3A_599] {strides = array<i32>} : memref<8192xi32, #tpu.memory_space<vmem>>, vector<16xi32>,
          %swap3A_601 = arith.constant 64 : index
          %swap3A_602 = tpu.vector_load %arg8[%swap3A_601] {strides = array<i32>} : memref<512xi32, #tpu.memory_space<vmem>>, vector<16xi32>,
          tpu.vector_store %arg8[%swap3A_601], %get3A_600 {strides = array<i32>} : memref<512xi32, #tpu.memory_space<vmem>>, vector<16xi32>,
          %add3A_603 = arith.constant 64 : i32
          %add3A_604 = arith.addi %and3A_549, %add3A_603 : i32
          %get3A_605 = arith.index_cast %add3A_604 : i32 to index
          %get3A_606 = tpu.vector_load %arg7[%get3A_605] {strides = array<i32>} : memref<8192xi32, #tpu.memory_space<vmem>>, vector<16xi32>,
          %swap3A_607 = arith.constant 64 : index
          %swap3A_608 = tpu.vector_load %arg9[%swap3A_607] {strides = array<i32>} : memref<512xi32, #tpu.memory_space<vmem>>, vector<16xi32>,
          tpu.vector_store %arg9[%swap3A_607], %get3A_606 {strides = array<i32>} : memref<512xi32, #tpu.memory_space<vmem>>, vector<16xi32>,
          %add3A_609 = arith.constant 80 : i32
          %add3A_610 = arith.addi %and3A_549, %add3A_609 : i32
          %get3A_611 = arith.index_cast %add3A_610 : i32 to index
          %get3A_612 = tpu.vector_load %arg6[%get3A_611] {strides = array<i32>} : memref<8192xi32, #tpu.memory_space<vmem>>, vector<16xi32>,
          %swap3A_613 = arith.constant 80 : index
          %swap3A_614 = tpu.vector_load %arg8[%swap3A_613] {strides = array<i32>} : memref<512xi32, #tpu.memory_space<vmem>>, vector<16xi32>,
          tpu.vector_store %arg8[%swap3A_613], %get3A_612 {strides = array<i32>} : memref<512xi32, #tpu.memory_space<vmem>>, vector<16xi32>,
          %add3A_615 = arith.constant 80 : i32
          %add3A_616 = arith.addi %and3A_549, %add3A_615 : i32
          %get3A_617 = arith.index_cast %add3A_616 : i32 to index
          %get3A_618 = tpu.vector_load %arg7[%get3A_617] {strides = array<i32>} : memref<8192xi32, #tpu.memory_space<vmem>>, vector<16xi32>,
          %swap3A_619 = arith.constant 80 : index
          %swap3A_620 = tpu.vector_load %arg9[%swap3A_619] {strides = array<i32>} : memref<512xi32, #tpu.memory_space<vmem>>, vector<16xi32>,
          tpu.vector_store %arg9[%swap3A_619], %get3A_618 {strides = array<i32>} : memref<512xi32, #tpu.memory_space<vmem>>, vector<16xi32>,
          %add3A_621 = arith.constant 96 : i32
          %add3A_622 = arith.addi %and3A_549, %add3A_621 : i32
          %get3A_623 = arith.index_cast %add3A_622 : i32 to index
          %get3A_624 = tpu.vector_load %arg6[%get3A_623] {strides = array<i32>} : memref<8192xi32, #tpu.memory_space<vmem>>, vector<16xi32>,
          %swap3A_625 = arith.constant 96 : index
          %swap3A_626 = tpu.vector_load %arg8[%swap3A_625] {strides = array<i32>} : memref<512xi32, #tpu.memory_space<vmem>>, vector<16xi32>,
          tpu.vector_store %arg8[%swap3A_625], %get3A_624 {strides = array<i32>} : memref<512xi32, #tpu.memory_space<vmem>>, vector<16xi32>,
          %add3A_627 = arith.constant 96 : i32
          %add3A_628 = arith.addi %and3A_549, %add3A_627 : i32
          %get3A_629 = arith.index_cast %add3A_628 : i32 to index
          %get3A_630 = tpu.vector_load %arg7[%get3A_629] {strides = array<i32>} : memref<8192xi32, #tpu.memory_space<vmem>>, vector<16xi32>,
          %swap3A_631 = arith.constant 96 : index
          %swap3A_632 = tpu.vector_load %arg9[%swap3A_631] {strides = array<i32>} : memref<512xi32, #tpu.memory_space<vmem>>, vector<16xi32>,
          tpu.vector_store %arg9[%swap3A_631], %get3A_630 {strides = array<i32>} : memref<512xi32, #tpu.memory_space<vmem>>, vector<16xi32>,
          %add3A_633 = arith.constant 112 : i32
          %add3A_634 = arith.addi %and3A_549, %add3A_633 : i32
          %get3A_635 = arith.index_cast %add3A_634 : i32 to index
          %get3A_636 = tpu.vector_load %arg6[%get3A_635] {strides = array<i32>} : memref<8192xi32, #tpu.memory_space<vmem>>, vector<16xi32>,
          %swap3A_637 = arith.constant 112 : index
          %swap3A_638 = tpu.vector_load %arg8[%swap3A_637] {strides = array<i32>} : memref<512xi32, #tpu.memory_space<vmem>>, vector<16xi32>,
          tpu.vector_store %arg8[%swap3A_637], %get3A_636 {strides = array<i32>} : memref<512xi32, #tpu.memory_space<vmem>>, vector<16xi32>,
          %add3A_639 = arith.constant 112 : i32
          %add3A_640 = arith.addi %and3A_549, %add3A_639 : i32
          %get3A_641 = arith.index_cast %add3A_640 : i32 to index
          %get3A_642 = tpu.vector_load %arg7[%get3A_641] {strides = array<i32>} : memref<8192xi32, #tpu.memory_space<vmem>>, vector<16xi32>,
          %swap3A_643 = arith.constant 112 : index
          %swap3A_644 = tpu.vector_load %arg9[%swap3A_643] {strides = array<i32>} : memref<512xi32, #tpu.memory_space<vmem>>, vector<16xi32>,
          tpu.vector_store %arg9[%swap3A_643], %get3A_642 {strides = array<i32>} : memref<512xi32, #tpu.memory_space<vmem>>, vector<16xi32>,
          %add3A_645 = arith.constant 128 : i32
          %add3A_646 = arith.addi %and3A_549, %add3A_645 : i32
          %get3A_647 = arith.index_cast %add3A_646 : i32 to index
          %get3A_648 = tpu.vector_load %arg6[%get3A_647] {strides = array<i32>} : memref<8192xi32, #tpu.memory_space<vmem>>, vector<16xi32>,
          %swap3A_649 = arith.constant 128 : index
          %swap3A_650 = tpu.vector_load %arg8[%swap3A_649] {strides = array<i32>} : memref<512xi32, #tpu.memory_space<vmem>>, vector<16xi32>,
          tpu.vector_store %arg8[%swap3A_649], %get3A_648 {strides = array<i32>} : memref<512xi32, #tpu.memory_space<vmem>>, vector<16xi32>,
          %add3A_651 = arith.constant 128 : i32
          %add3A_652 = arith.addi %and3A_549, %add3A_651 : i32
          %get3A_653 = arith.index_cast %add3A_652 : i32 to index
          %get3A_654 = tpu.vector_load %arg7[%get3A_653] {strides = array<i32>} : memref<8192xi32, #tpu.memory_space<vmem>>, vector<16xi32>,
          %swap3A_655 = arith.constant 128 : index
          %swap3A_656 = tpu.vector_load %arg9[%swap3A_655] {strides = array<i32>} : memref<512xi32, #tpu.memory_space<vmem>>, vector<16xi32>,
          tpu.vector_store %arg9[%swap3A_655], %get3A_654 {strides = array<i32>} : memref<512xi32, #tpu.memory_space<vmem>>, vector<16xi32>,
          %add3A_657 = arith.constant 144 : i32
          %add3A_658 = arith.addi %and3A_549, %add3A_657 : i32
          %get3A_659 = arith.index_cast %add3A_658 : i32 to index
          %get3A_660 = tpu.vector_load %arg6[%get3A_659] {strides = array<i32>} : memref<8192xi32, #tpu.memory_space<vmem>>, vector<16xi32>,
          %swap3A_661 = arith.constant 144 : index
          %swap3A_662 = tpu.vector_load %arg8[%swap3A_661] {strides = array<i32>} : memref<512xi32, #tpu.memory_space<vmem>>, vector<16xi32>,
          tpu.vector_store %arg8[%swap3A_661], %get3A_660 {strides = array<i32>} : memref<512xi32, #tpu.memory_space<vmem>>, vector<16xi32>,
          %add3A_663 = arith.constant 144 : i32
          %add3A_664 = arith.addi %and3A_549, %add3A_663 : i32
          %get3A_665 = arith.index_cast %add3A_664 : i32 to index
          %get3A_666 = tpu.vector_load %arg7[%get3A_665] {strides = array<i32>} : memref<8192xi32, #tpu.memory_space<vmem>>, vector<16xi32>,
          %swap3A_667 = arith.constant 144 : index
          %swap3A_668 = tpu.vector_load %arg9[%swap3A_667] {strides = array<i32>} : memref<512xi32, #tpu.memory_space<vmem>>, vector<16xi32>,
          tpu.vector_store %arg9[%swap3A_667], %get3A_666 {strides = array<i32>} : memref<512xi32, #tpu.memory_space<vmem>>, vector<16xi32>,
          %add3A_669 = arith.constant 160 : i32
          %add3A_670 = arith.addi %and3A_549, %add3A_669 : i32
          %get3A_671 = arith.index_cast %add3A_670 : i32 to index
          %get3A_672 = tpu.vector_load %arg6[%get3A_671] {strides = array<i32>} : memref<8192xi32, #tpu.memory_space<vmem>>, vector<16xi32>,
          %swap3A_673 = arith.constant 160 : index
          %swap3A_674 = tpu.vector_load %arg8[%swap3A_673] {strides = array<i32>} : memref<512xi32, #tpu.memory_space<vmem>>, vector<16xi32>,
          tpu.vector_store %arg8[%swap3A_673], %get3A_672 {strides = array<i32>} : memref<512xi32, #tpu.memory_space<vmem>>, vector<16xi32>,
          %add3A_675 = arith.constant 160 : i32
          %add3A_676 = arith.addi %and3A_549, %add3A_675 : i32
          %get3A_677 = arith.index_cast %add3A_676 : i32 to index
          %get3A_678 = tpu.vector_load %arg7[%get3A_677] {strides = array<i32>} : memref<8192xi32, #tpu.memory_space<vmem>>, vector<16xi32>,
          %swap3A_679 = arith.constant 160 : index
          %swap3A_680 = tpu.vector_load %arg9[%swap3A_679] {strides = array<i32>} : memref<512xi32, #tpu.memory_space<vmem>>, vector<16xi32>,
          tpu.vector_store %arg9[%swap3A_679], %get3A_678 {strides = array<i32>} : memref<512xi32, #tpu.memory_space<vmem>>, vector<16xi32>,
          %add3A_681 = arith.constant 176 : i32
          %add3A_682 = arith.addi %and3A_549, %add3A_681 : i32
          %get3A_683 = arith.index_cast %add3A_682 : i32 to index
          %get3A_684 = tpu.vector_load %arg6[%get3A_683] {strides = array<i32>} : memref<8192xi32, #tpu.memory_space<vmem>>, vector<16xi32>,
          %swap3A_685 = arith.constant 176 : index
          %swap3A_686 = tpu.vector_load %arg8[%swap3A_685] {strides = array<i32>} : memref<512xi32, #tpu.memory_space<vmem>>, vector<16xi32>,
          tpu.vector_store %arg8[%swap3A_685], %get3A_684 {strides = array<i32>} : memref<512xi32, #tpu.memory_space<vmem>>, vector<16xi32>,
          %add3A_687 = arith.constant 176 : i32
          %add3A_688 = arith.addi %and3A_549, %add3A_687 : i32
          %get3A_689 = arith.index_cast %add3A_688 : i32 to index
          %get3A_690 = tpu.vector_load %arg7[%get3A_689] {strides = array<i32>} : memref<8192xi32, #tpu.memory_space<vmem>>, vector<16xi32>,
          %swap3A_691 = arith.constant 176 : index
          %swap3A_692 = tpu.vector_load %arg9[%swap3A_691] {strides = array<i32>} : memref<512xi32, #tpu.memory_space<vmem>>, vector<16xi32>,
          tpu.vector_store %arg9[%swap3A_691], %get3A_690 {strides = array<i32>} : memref<512xi32, #tpu.memory_space<vmem>>, vector<16xi32>,
          %add3A_693 = arith.constant 192 : i32
          %add3A_694 = arith.addi %and3A_549, %add3A_693 : i32
          %get3A_695 = arith.index_cast %add3A_694 : i32 to index
          %get3A_696 = tpu.vector_load %arg6[%get3A_695] {strides = array<i32>} : memref<8192xi32, #tpu.memory_space<vmem>>, vector<16xi32>,
          %swap3A_697 = arith.constant 192 : index
          %swap3A_698 = tpu.vector_load %arg8[%swap3A_697] {strides = array<i32>} : memref<512xi32, #tpu.memory_space<vmem>>, vector<16xi32>,
          tpu.vector_store %arg8[%swap3A_697], %get3A_696 {strides = array<i32>} : memref<512xi32, #tpu.memory_space<vmem>>, vector<16xi32>,
          %add3A_699 = arith.constant 192 : i32
          %add3A_700 = arith.addi %and3A_549, %add3A_699 : i32
          %get3A_701 = arith.index_cast %add3A_700 : i32 to index
          %get3A_702 = tpu.vector_load %arg7[%get3A_701] {strides = array<i32>} : memref<8192xi32, #tpu.memory_space<vmem>>, vector<16xi32>,
          %swap3A_703 = arith.constant 192 : index
          %swap3A_704 = tpu.vector_load %arg9[%swap3A_703] {strides = array<i32>} : memref<512xi32, #tpu.memory_space<vmem>>, vector<16xi32>,
          tpu.vector_store %arg9[%swap3A_703], %get3A_702 {strides = array<i32>} : memref<512xi32, #tpu.memory_space<vmem>>, vector<16xi32>,
          %add3A_705 = arith.constant 208 : i32
          %add3A_706 = arith.addi %and3A_549, %add3A_705 : i32
          %get3A_707 = arith.index_cast %add3A_706 : i32 to index
          %get3A_708 = tpu.vector_load %arg6[%get3A_707] {strides = array<i32>} : memref<8192xi32, #tpu.memory_space<vmem>>, vector<16xi32>,
          %swap3A_709 = arith.constant 208 : index
          %swap3A_710 = tpu.vector_load %arg8[%swap3A_709] {strides = array<i32>} : memref<512xi32, #tpu.memory_space<vmem>>, vector<16xi32>,
          tpu.vector_store %arg8[%swap3A_709], %get3A_708 {strides = array<i32>} : memref<512xi32, #tpu.memory_space<vmem>>, vector<16xi32>,
          %add3A_711 = arith.constant 208 : i32
          %add3A_712 = arith.addi %and3A_549, %add3A_711 : i32
          %get3A_713 = arith.index_cast %add3A_712 : i32 to index
          %get3A_714 = tpu.vector_load %arg7[%get3A_713] {strides = array<i32>} : memref<8192xi32, #tpu.memory_space<vmem>>, vector<16xi32>,
          %swap3A_715 = arith.constant 208 : index
          %swap3A_716 = tpu.vector_load %arg9[%swap3A_715] {strides = array<i32>} : memref<512xi32, #tpu.memory_space<vmem>>, vector<16xi32>,
          tpu.vector_store %arg9[%swap3A_715], %get3A_714 {strides = array<i32>} : memref<512xi32, #tpu.memory_space<vmem>>, vector<16xi32>,
          %add3A_717 = arith.constant 224 : i32
          %add3A_718 = arith.addi %and3A_549, %add3A_717 : i32
          %get3A_719 = arith.index_cast %add3A_718 : i32 to index
          %get3A_720 = tpu.vector_load %arg6[%get3A_719] {strides = array<i32>} : memref<8192xi32, #tpu.memory_space<vmem>>, vector<16xi32>,
          %swap3A_721 = arith.constant 224 : index
          %swap3A_722 = tpu.vector_load %arg8[%swap3A_721] {strides = array<i32>} : memref<512xi32, #tpu.memory_space<vmem>>, vector<16xi32>,
          tpu.vector_store %arg8[%swap3A_721], %get3A_720 {strides = array<i32>} : memref<512xi32, #tpu.memory_space<vmem>>, vector<16xi32>,
          %add3A_723 = arith.constant 224 : i32
          %add3A_724 = arith.addi %and3A_549, %add3A_723 : i32
          %get3A_725 = arith.index_cast %add3A_724 : i32 to index
          %get3A_726 = tpu.vector_load %arg7[%get3A_725] {strides = array<i32>} : memref<8192xi32, #tpu.memory_space<vmem>>, vector<16xi32>,
          %swap3A_727 = arith.constant 224 : index
          %swap3A_728 = tpu.vector_load %arg9[%swap3A_727] {strides = array<i32>} : memref<512xi32, #tpu.memory_space<vmem>>, vector<16xi32>,
          tpu.vector_store %arg9[%swap3A_727], %get3A_726 {strides = array<i32>} : memref<512xi32, #tpu.memory_space<vmem>>, vector<16xi32>,
          %add3A_729 = arith.constant 240 : i32
          %add3A_730 = arith.addi %and3A_549, %add3A_729 : i32
          %get3A_731 = arith.index_cast %add3A_730 : i32 to index
          %get3A_732 = tpu.vector_load %arg6[%get3A_731] {strides = array<i32>} : memref<8192xi32, #tpu.memory_space<vmem>>, vector<16xi32>,
          %swap3A_733 = arith.constant 240 : index
          %swap3A_734 = tpu.vector_load %arg8[%swap3A_733] {strides = array<i32>} : memref<512xi32, #tpu.memory_space<vmem>>, vector<16xi32>,
          tpu.vector_store %arg8[%swap3A_733], %get3A_732 {strides = array<i32>} : memref<512xi32, #tpu.memory_space<vmem>>, vector<16xi32>,
          %add3A_735 = arith.constant 240 : i32
          %add3A_736 = arith.addi %and3A_549, %add3A_735 : i32
          %get3A_737 = arith.index_cast %add3A_736 : i32 to index
          %get3A_738 = tpu.vector_load %arg7[%get3A_737] {strides = array<i32>} : memref<8192xi32, #tpu.memory_space<vmem>>, vector<16xi32>,
          %swap3A_739 = arith.constant 240 : index
          %swap3A_740 = tpu.vector_load %arg9[%swap3A_739] {strides = array<i32>} : memref<512xi32, #tpu.memory_space<vmem>>, vector<16xi32>,
          tpu.vector_store %arg9[%swap3A_739], %get3A_738 {strides = array<i32>} : memref<512xi32, #tpu.memory_space<vmem>>, vector<16xi32>,
          %add3A_741 = arith.constant 256 : i32
          %add3A_742 = arith.addi %and3A_549, %add3A_741 : i32
          %get3A_743 = arith.index_cast %add3A_742 : i32 to index
          %get3A_744 = tpu.vector_load %arg6[%get3A_743] {strides = array<i32>} : memref<8192xi32, #tpu.memory_space<vmem>>, vector<16xi32>,
          %swap3A_745 = arith.constant 256 : index
          %swap3A_746 = tpu.vector_load %arg8[%swap3A_745] {strides = array<i32>} : memref<512xi32, #tpu.memory_space<vmem>>, vector<16xi32>,
          tpu.vector_store %arg8[%swap3A_745], %get3A_744 {strides = array<i32>} : memref<512xi32, #tpu.memory_space<vmem>>, vector<16xi32>,
          %add3A_747 = arith.constant 256 : i32
          %add3A_748 = arith.addi %and3A_549, %add3A_747 : i32
          %get3A_749 = arith.index_cast %add3A_748 : i32 to index
          %get3A_750 = tpu.vector_load %arg7[%get3A_749] {strides = array<i32>} : memref<8192xi32, #tpu.memory_space<vmem>>, vector<16xi32>,
          %swap3A_751 = arith.constant 256 : index
          %swap3A_752 = tpu.vector_load %arg9[%swap3A_751] {strides = array<i32>} : memref<512xi32, #tpu.memory_space<vmem>>, vector<16xi32>,
          tpu.vector_store %arg9[%swap3A_751], %get3A_750 {strides = array<i32>} : memref<512xi32, #tpu.memory_space<vmem>>, vector<16xi32>,
          %add3A_753 = arith.constant 272 : i32
          %add3A_754 = arith.addi %and3A_549, %add3A_753 : i32
          %get3A_755 = arith.index_cast %add3A_754 : i32 to index
          %get3A_756 = tpu.vector_load %arg6[%get3A_755] {strides = array<i32>} : memref<8192xi32, #tpu.memory_space<vmem>>, vector<16xi32>,
          %swap3A_757 = arith.constant 272 : index
          %swap3A_758 = tpu.vector_load %arg8[%swap3A_757] {strides = array<i32>} : memref<512xi32, #tpu.memory_space<vmem>>, vector<16xi32>,
          tpu.vector_store %arg8[%swap3A_757], %get3A_756 {strides = array<i32>} : memref<512xi32, #tpu.memory_space<vmem>>, vector<16xi32>,
          %add3A_759 = arith.constant 272 : i32
          %add3A_760 = arith.addi %and3A_549, %add3A_759 : i32
          %get3A_761 = arith.index_cast %add3A_760 : i32 to index
          %get3A_762 = tpu.vector_load %arg7[%get3A_761] {strides = array<i32>} : memref<8192xi32, #tpu.memory_space<vmem>>, vector<16xi32>,
          %swap3A_763 = arith.constant 272 : index
          %swap3A_764 = tpu.vector_load %arg9[%swap3A_763] {strides = array<i32>} : memref<512xi32, #tpu.memory_space<vmem>>, vector<16xi32>,
          tpu.vector_store %arg9[%swap3A_763], %get3A_762 {strides = array<i32>} : memref<512xi32, #tpu.memory_space<vmem>>, vector<16xi32>,
          %add3A_765 = arith.constant 288 : i32
          %add3A_766 = arith.addi %and3A_549, %add3A_765 : i32
          %get3A_767 = arith.index_cast %add3A_766 : i32 to index
          %get3A_768 = tpu.vector_load %arg6[%get3A_767] {strides = array<i32>} : memref<8192xi32, #tpu.memory_space<vmem>>, vector<16xi32>,
          %swap3A_769 = arith.constant 288 : index
          %swap3A_770 = tpu.vector_load %arg8[%swap3A_769] {strides = array<i32>} : memref<512xi32, #tpu.memory_space<vmem>>, vector<16xi32>,
          tpu.vector_store %arg8[%swap3A_769], %get3A_768 {strides = array<i32>} : memref<512xi32, #tpu.memory_space<vmem>>, vector<16xi32>,
          %add3A_771 = arith.constant 288 : i32
          %add3A_772 = arith.addi %and3A_549, %add3A_771 : i32
          %get3A_773 = arith.index_cast %add3A_772 : i32 to index
          %get3A_774 = tpu.vector_load %arg7[%get3A_773] {strides = array<i32>} : memref<8192xi32, #tpu.memory_space<vmem>>, vector<16xi32>,
          %swap3A_775 = arith.constant 288 : index
          %swap3A_776 = tpu.vector_load %arg9[%swap3A_775] {strides = array<i32>} : memref<512xi32, #tpu.memory_space<vmem>>, vector<16xi32>,
          tpu.vector_store %arg9[%swap3A_775], %get3A_774 {strides = array<i32>} : memref<512xi32, #tpu.memory_space<vmem>>, vector<16xi32>,
          %add3A_777 = arith.constant 304 : i32
          %add3A_778 = arith.addi %and3A_549, %add3A_777 : i32
          %get3A_779 = arith.index_cast %add3A_778 : i32 to index
          %get3A_780 = tpu.vector_load %arg6[%get3A_779] {strides = array<i32>} : memref<8192xi32, #tpu.memory_space<vmem>>, vector<16xi32>,
          %swap3A_781 = arith.constant 304 : index
          %swap3A_782 = tpu.vector_load %arg8[%swap3A_781] {strides = array<i32>} : memref<512xi32, #tpu.memory_space<vmem>>, vector<16xi32>,
          tpu.vector_store %arg8[%swap3A_781], %get3A_780 {strides = array<i32>} : memref<512xi32, #tpu.memory_space<vmem>>, vector<16xi32>,
          %add3A_783 = arith.constant 304 : i32
          %add3A_784 = arith.addi %and3A_549, %add3A_783 : i32
          %get3A_785 = arith.index_cast %add3A_784 : i32 to index
          %get3A_786 = tpu.vector_load %arg7[%get3A_785] {strides = array<i32>} : memref<8192xi32, #tpu.memory_space<vmem>>, vector<16xi32>,
          %swap3A_787 = arith.constant 304 : index
          %swap3A_788 = tpu.vector_load %arg9[%swap3A_787] {strides = array<i32>} : memref<512xi32, #tpu.memory_space<vmem>>, vector<16xi32>,
          tpu.vector_store %arg9[%swap3A_787], %get3A_786 {strides = array<i32>} : memref<512xi32, #tpu.memory_space<vmem>>, vector<16xi32>,
          %add3A_789 = arith.constant 320 : i32
          %add3A_790 = arith.addi %and3A_549, %add3A_789 : i32
          %get3A_791 = arith.index_cast %add3A_790 : i32 to index
          %get3A_792 = tpu.vector_load %arg6[%get3A_791] {strides = array<i32>} : memref<8192xi32, #tpu.memory_space<vmem>>, vector<16xi32>,
          %swap3A_793 = arith.constant 320 : index
          %swap3A_794 = tpu.vector_load %arg8[%swap3A_793] {strides = array<i32>} : memref<512xi32, #tpu.memory_space<vmem>>, vector<16xi32>,
          tpu.vector_store %arg8[%swap3A_793], %get3A_792 {strides = array<i32>} : memref<512xi32, #tpu.memory_space<vmem>>, vector<16xi32>,
          %add3A_795 = arith.constant 320 : i32
          %add3A_796 = arith.addi %and3A_549, %add3A_795 : i32
          %get3A_797 = arith.index_cast %add3A_796 : i32 to index
          %get3A_798 = tpu.vector_load %arg7[%get3A_797] {strides = array<i32>} : memref<8192xi32, #tpu.memory_space<vmem>>, vector<16xi32>,
          %swap3A_799 = arith.constant 320 : index
          %swap3A_800 = tpu.vector_load %arg9[%swap3A_799] {strides = array<i32>} : memref<512xi32, #tpu.memory_space<vmem>>, vector<16xi32>,
          tpu.vector_store %arg9[%swap3A_799], %get3A_798 {strides = array<i32>} : memref<512xi32, #tpu.memory_space<vmem>>, vector<16xi32>,
          %add3A_801 = arith.constant 336 : i32
          %add3A_802 = arith.addi %and3A_549, %add3A_801 : i32
          %get3A_803 = arith.index_cast %add3A_802 : i32 to index
          %get3A_804 = tpu.vector_load %arg6[%get3A_803] {strides = array<i32>} : memref<8192xi32, #tpu.memory_space<vmem>>, vector<16xi32>,
          %swap3A_805 = arith.constant 336 : index
          %swap3A_806 = tpu.vector_load %arg8[%swap3A_805] {strides = array<i32>} : memref<512xi32, #tpu.memory_space<vmem>>, vector<16xi32>,
          tpu.vector_store %arg8[%swap3A_805], %get3A_804 {strides = array<i32>} : memref<512xi32, #tpu.memory_space<vmem>>, vector<16xi32>,
          %add3A_807 = arith.constant 336 : i32
          %add3A_808 = arith.addi %and3A_549, %add3A_807 : i32
          %get3A_809 = arith.index_cast %add3A_808 : i32 to index
          %get3A_810 = tpu.vector_load %arg7[%get3A_809] {strides = array<i32>} : memref<8192xi32, #tpu.memory_space<vmem>>, vector<16xi32>,
          %swap3A_811 = arith.constant 336 : index
          %swap3A_812 = tpu.vector_load %arg9[%swap3A_811] {strides = array<i32>} : memref<512xi32, #tpu.memory_space<vmem>>, vector<16xi32>,
          tpu.vector_store %arg9[%swap3A_811], %get3A_810 {strides = array<i32>} : memref<512xi32, #tpu.memory_space<vmem>>, vector<16xi32>,
          %add3A_813 = arith.constant 352 : i32
          %add3A_814 = arith.addi %and3A_549, %add3A_813 : i32
          %get3A_815 = arith.index_cast %add3A_814 : i32 to index
          %get3A_816 = tpu.vector_load %arg6[%get3A_815] {strides = array<i32>} : memref<8192xi32, #tpu.memory_space<vmem>>, vector<16xi32>,
          %swap3A_817 = arith.constant 352 : index
          %swap3A_818 = tpu.vector_load %arg8[%swap3A_817] {strides = array<i32>} : memref<512xi32, #tpu.memory_space<vmem>>, vector<16xi32>,
          tpu.vector_store %arg8[%swap3A_817], %get3A_816 {strides = array<i32>} : memref<512xi32, #tpu.memory_space<vmem>>, vector<16xi32>,
          %add3A_819 = arith.constant 352 : i32
          %add3A_820 = arith.addi %and3A_549, %add3A_819 : i32
          %get3A_821 = arith.index_cast %add3A_820 : i32 to index
          %get3A_822 = tpu.vector_load %arg7[%get3A_821] {strides = array<i32>} : memref<8192xi32, #tpu.memory_space<vmem>>, vector<16xi32>,
          %swap3A_823 = arith.constant 352 : index
          %swap3A_824 = tpu.vector_load %arg9[%swap3A_823] {strides = array<i32>} : memref<512xi32, #tpu.memory_space<vmem>>, vector<16xi32>,
          tpu.vector_store %arg9[%swap3A_823], %get3A_822 {strides = array<i32>} : memref<512xi32, #tpu.memory_space<vmem>>, vector<16xi32>,
          %add3A_825 = arith.constant 368 : i32
          %add3A_826 = arith.addi %and3A_549, %add3A_825 : i32
          %get3A_827 = arith.index_cast %add3A_826 : i32 to index
          %get3A_828 = tpu.vector_load %arg6[%get3A_827] {strides = array<i32>} : memref<8192xi32, #tpu.memory_space<vmem>>, vector<16xi32>,
          %swap3A_829 = arith.constant 368 : index
          %swap3A_830 = tpu.vector_load %arg8[%swap3A_829] {strides = array<i32>} : memref<512xi32, #tpu.memory_space<vmem>>, vector<16xi32>,
          tpu.vector_store %arg8[%swap3A_829], %get3A_828 {strides = array<i32>} : memref<512xi32, #tpu.memory_space<vmem>>, vector<16xi32>,
          %add3A_831 = arith.constant 368 : i32
          %add3A_832 = arith.addi %and3A_549, %add3A_831 : i32
          %get3A_833 = arith.index_cast %add3A_832 : i32 to index
          %get3A_834 = tpu.vector_load %arg7[%get3A_833] {strides = array<i32>} : memref<8192xi32, #tpu.memory_space<vmem>>, vector<16xi32>,
          %swap3A_835 = arith.constant 368 : index
          %swap3A_836 = tpu.vector_load %arg9[%swap3A_835] {strides = array<i32>} : memref<512xi32, #tpu.memory_space<vmem>>, vector<16xi32>,
          tpu.vector_store %arg9[%swap3A_835], %get3A_834 {strides = array<i32>} : memref<512xi32, #tpu.memory_space<vmem>>, vector<16xi32>,
          %add3A_837 = arith.constant 384 : i32
          %add3A_838 = arith.addi %and3A_549, %add3A_837 : i32
          %get3A_839 = arith.index_cast %add3A_838 : i32 to index
          %get3A_840 = tpu.vector_load %arg6[%get3A_839] {strides = array<i32>} : memref<8192xi32, #tpu.memory_space<vmem>>, vector<16xi32>,
          %swap3A_841 = arith.constant 384 : index
          %swap3A_842 = tpu.vector_load %arg8[%swap3A_841] {strides = array<i32>} : memref<512xi32, #tpu.memory_space<vmem>>, vector<16xi32>,
          tpu.vector_store %arg8[%swap3A_841], %get3A_840 {strides = array<i32>} : memref<512xi32, #tpu.memory_space<vmem>>, vector<16xi32>,
          %add3A_843 = arith.constant 384 : i32
          %add3A_844 = arith.addi %and3A_549, %add3A_843 : i32
          %get3A_845 = arith.index_cast %add3A_844 : i32 to index
          %get3A_846 = tpu.vector_load %arg7[%get3A_845] {strides = array<i32>} : memref<8192xi32, #tpu.memory_space<vmem>>, vector<16xi32>,
          %swap3A_847 = arith.constant 384 : index
          %swap3A_848 = tpu.vector_load %arg9[%swap3A_847] {strides = array<i32>} : memref<512xi32, #tpu.memory_space<vmem>>, vector<16xi32>,
          tpu.vector_store %arg9[%swap3A_847], %get3A_846 {strides = array<i32>} : memref<512xi32, #tpu.memory_space<vmem>>, vector<16xi32>,
          %add3A_849 = arith.constant 400 : i32
          %add3A_850 = arith.addi %and3A_549, %add3A_849 : i32
          %get3A_851 = arith.index_cast %add3A_850 : i32 to index
          %get3A_852 = tpu.vector_load %arg6[%get3A_851] {strides = array<i32>} : memref<8192xi32, #tpu.memory_space<vmem>>, vector<16xi32>,
          %swap3A_853 = arith.constant 400 : index
          %swap3A_854 = tpu.vector_load %arg8[%swap3A_853] {strides = array<i32>} : memref<512xi32, #tpu.memory_space<vmem>>, vector<16xi32>,
          tpu.vector_store %arg8[%swap3A_853], %get3A_852 {strides = array<i32>} : memref<512xi32, #tpu.memory_space<vmem>>, vector<16xi32>,
          %add3A_855 = arith.constant 400 : i32
          %add3A_856 = arith.addi %and3A_549, %add3A_855 : i32
          %get3A_857 = arith.index_cast %add3A_856 : i32 to index
          %get3A_858 = tpu.vector_load %arg7[%get3A_857] {strides = array<i32>} : memref<8192xi32, #tpu.memory_space<vmem>>, vector<16xi32>,
          %swap3A_859 = arith.constant 400 : index
          %swap3A_860 = tpu.vector_load %arg9[%swap3A_859] {strides = array<i32>} : memref<512xi32, #tpu.memory_space<vmem>>, vector<16xi32>,
          tpu.vector_store %arg9[%swap3A_859], %get3A_858 {strides = array<i32>} : memref<512xi32, #tpu.memory_space<vmem>>, vector<16xi32>,
          %add3A_861 = arith.constant 416 : i32
          %add3A_862 = arith.addi %and3A_549, %add3A_861 : i32
          %get3A_863 = arith.index_cast %add3A_862 : i32 to index
          %get3A_864 = tpu.vector_load %arg6[%get3A_863] {strides = array<i32>} : memref<8192xi32, #tpu.memory_space<vmem>>, vector<16xi32>,
          %swap3A_865 = arith.constant 416 : index
          %swap3A_866 = tpu.vector_load %arg8[%swap3A_865] {strides = array<i32>} : memref<512xi32, #tpu.memory_space<vmem>>, vector<16xi32>,
          tpu.vector_store %arg8[%swap3A_865], %get3A_864 {strides = array<i32>} : memref<512xi32, #tpu.memory_space<vmem>>, vector<16xi32>,
          %add3A_867 = arith.constant 416 : i32
          %add3A_868 = arith.addi %and3A_549, %add3A_867 : i32
          %get3A_869 = arith.index_cast %add3A_868 : i32 to index
          %get3A_870 = tpu.vector_load %arg7[%get3A_869] {strides = array<i32>} : memref<8192xi32, #tpu.memory_space<vmem>>, vector<16xi32>,
          %swap3A_871 = arith.constant 416 : index
          %swap3A_872 = tpu.vector_load %arg9[%swap3A_871] {strides = array<i32>} : memref<512xi32, #tpu.memory_space<vmem>>, vector<16xi32>,
          tpu.vector_store %arg9[%swap3A_871], %get3A_870 {strides = array<i32>} : memref<512xi32, #tpu.memory_space<vmem>>, vector<16xi32>,
          %add3A_873 = arith.constant 432 : i32
          %add3A_874 = arith.addi %and3A_549, %add3A_873 : i32
          %get3A_875 = arith.index_cast %add3A_874 : i32 to index
          %get3A_876 = tpu.vector_load %arg6[%get3A_875] {strides = array<i32>} : memref<8192xi32, #tpu.memory_space<vmem>>, vector<16xi32>,
          %swap3A_877 = arith.constant 432 : index
          %swap3A_878 = tpu.vector_load %arg8[%swap3A_877] {strides = array<i32>} : memref<512xi32, #tpu.memory_space<vmem>>, vector<16xi32>,
          tpu.vector_store %arg8[%swap3A_877], %get3A_876 {strides = array<i32>} : memref<512xi32, #tpu.memory_space<vmem>>, vector<16xi32>,
          %add3A_879 = arith.constant 432 : i32
          %add3A_880 = arith.addi %and3A_549, %add3A_879 : i32
          %get3A_881 = arith.index_cast %add3A_880 : i32 to index
          %get3A_882 = tpu.vector_load %arg7[%get3A_881] {strides = array<i32>} : memref<8192xi32, #tpu.memory_space<vmem>>, vector<16xi32>,
          %swap3A_883 = arith.constant 432 : index
          %swap3A_884 = tpu.vector_load %arg9[%swap3A_883] {strides = array<i32>} : memref<512xi32, #tpu.memory_space<vmem>>, vector<16xi32>,
          tpu.vector_store %arg9[%swap3A_883], %get3A_882 {strides = array<i32>} : memref<512xi32, #tpu.memory_space<vmem>>, vector<16xi32>,
          %add3A_885 = arith.constant 448 : i32
          %add3A_886 = arith.addi %and3A_549, %add3A_885 : i32
          %get3A_887 = arith.index_cast %add3A_886 : i32 to index
          %get3A_888 = tpu.vector_load %arg6[%get3A_887] {strides = array<i32>} : memref<8192xi32, #tpu.memory_space<vmem>>, vector<16xi32>,
          %swap3A_889 = arith.constant 448 : index
          %swap3A_890 = tpu.vector_load %arg8[%swap3A_889] {strides = array<i32>} : memref<512xi32, #tpu.memory_space<vmem>>, vector<16xi32>,
          tpu.vector_store %arg8[%swap3A_889], %get3A_888 {strides = array<i32>} : memref<512xi32, #tpu.memory_space<vmem>>, vector<16xi32>,
          %add3A_891 = arith.constant 448 : i32
          %add3A_892 = arith.addi %and3A_549, %add3A_891 : i32
          %get3A_893 = arith.index_cast %add3A_892 : i32 to index
          %get3A_894 = tpu.vector_load %arg7[%get3A_893] {strides = array<i32>} : memref<8192xi32, #tpu.memory_space<vmem>>, vector<16xi32>,
          %swap3A_895 = arith.constant 448 : index
          %swap3A_896 = tpu.vector_load %arg9[%swap3A_895] {strides = array<i32>} : memref<512xi32, #tpu.memory_space<vmem>>, vector<16xi32>,
          tpu.vector_store %arg9[%swap3A_895], %get3A_894 {strides = array<i32>} : memref<512xi32, #tpu.memory_space<vmem>>, vector<16xi32>,
          %add3A_897 = arith.constant 464 : i32
          %add3A_898 = arith.addi %and3A_549, %add3A_897 : i32
          %get3A_899 = arith.index_cast %add3A_898 : i32 to index
          %get3A_900 = tpu.vector_load %arg6[%get3A_899] {strides = array<i32>} : memref<8192xi32, #tpu.memory_space<vmem>>, vector<16xi32>,
          %swap3A_901 = arith.constant 464 : index
          %swap3A_902 = tpu.vector_load %arg8[%swap3A_901] {strides = array<i32>} : memref<512xi32, #tpu.memory_space<vmem>>, vector<16xi32>,
          tpu.vector_store %arg8[%swap3A_901], %get3A_900 {strides = array<i32>} : memref<512xi32, #tpu.memory_space<vmem>>, vector<16xi32>,
          %add3A_903 = arith.constant 464 : i32
          %add3A_904 = arith.addi %and3A_549, %add3A_903 : i32
          %get3A_905 = arith.index_cast %add3A_904 : i32 to index
          %get3A_906 = tpu.vector_load %arg7[%get3A_905] {strides = array<i32>} : memref<8192xi32, #tpu.memory_space<vmem>>, vector<16xi32>,
          %swap3A_907 = arith.constant 464 : index
          %swap3A_908 = tpu.vector_load %arg9[%swap3A_907] {strides = array<i32>} : memref<512xi32, #tpu.memory_space<vmem>>, vector<16xi32>,
          tpu.vector_store %arg9[%swap3A_907], %get3A_906 {strides = array<i32>} : memref<512xi32, #tpu.memory_space<vmem>>, vector<16xi32>,
          %add3A_909 = arith.constant 480 : i32
          %add3A_910 = arith.addi %and3A_549, %add3A_909 : i32
          %get3A_911 = arith.index_cast %add3A_910 : i32 to index
          %get3A_912 = tpu.vector_load %arg6[%get3A_911] {strides = array<i32>} : memref<8192xi32, #tpu.memory_space<vmem>>, vector<16xi32>,
          %swap3A_913 = arith.constant 480 : index
          %swap3A_914 = tpu.vector_load %arg8[%swap3A_913] {strides = array<i32>} : memref<512xi32, #tpu.memory_space<vmem>>, vector<16xi32>,
          tpu.vector_store %arg8[%swap3A_913], %get3A_912 {strides = array<i32>} : memref<512xi32, #tpu.memory_space<vmem>>, vector<16xi32>,
          %add3A_915 = arith.constant 480 : i32
          %add3A_916 = arith.addi %and3A_549, %add3A_915 : i32
          %get3A_917 = arith.index_cast %add3A_916 : i32 to index
          %get3A_918 = tpu.vector_load %arg7[%get3A_917] {strides = array<i32>} : memref<8192xi32, #tpu.memory_space<vmem>>, vector<16xi32>,
          %swap3A_919 = arith.constant 480 : index
          %swap3A_920 = tpu.vector_load %arg9[%swap3A_919] {strides = array<i32>} : memref<512xi32, #tpu.memory_space<vmem>>, vector<16xi32>,
          tpu.vector_store %arg9[%swap3A_919], %get3A_918 {strides = array<i32>} : memref<512xi32, #tpu.memory_space<vmem>>, vector<16xi32>,
          %add3A_921 = arith.constant 496 : i32
          %add3A_922 = arith.addi %and3A_549, %add3A_921 : i32
          %get3A_923 = arith.index_cast %add3A_922 : i32 to index
          %get3A_924 = tpu.vector_load %arg6[%get3A_923] {strides = array<i32>} : memref<8192xi32, #tpu.memory_space<vmem>>, vector<16xi32>,
          %swap3A_925 = arith.constant 496 : index
          %swap3A_926 = tpu.vector_load %arg8[%swap3A_925] {strides = array<i32>} : memref<512xi32, #tpu.memory_space<vmem>>, vector<16xi32>,
          tpu.vector_store %arg8[%swap3A_925], %get3A_924 {strides = array<i32>} : memref<512xi32, #tpu.memory_space<vmem>>, vector<16xi32>,
          %add3A_927 = arith.constant 496 : i32
          %add3A_928 = arith.addi %and3A_549, %add3A_927 : i32
          %get3A_929 = arith.index_cast %add3A_928 : i32 to index
          %get3A_930 = tpu.vector_load %arg7[%get3A_929] {strides = array<i32>} : memref<8192xi32, #tpu.memory_space<vmem>>, vector<16xi32>,
          %swap3A_931 = arith.constant 496 : index
          %swap3A_932 = tpu.vector_load %arg9[%swap3A_931] {strides = array<i32>} : memref<512xi32, #tpu.memory_space<vmem>>, vector<16xi32>,
          tpu.vector_store %arg9[%swap3A_931], %get3A_930 {strides = array<i32>} : memref<512xi32, #tpu.memory_space<vmem>>, vector<16xi32>,
          %dma_start3A_933 = arith.constant 0 : i32
          %dma_start3A_934 = arith.constant 0 : i32
          %dma_start3A_935 = tpu.memref_slice %arg3[%dma_start3A_933, %dma_start3A_934] : memref<400000x16xf32, #tpu.memory_space<hbm>> -> memref<400000x16xf32, #tpu.memory_space<hbm>>
          tpu.enqueue_indirect_dma source(%dma_start3A_935 : memref<400000x16xf32, #tpu.memory_space<hbm>>) target(%arg12 : memref<512x16xf32, #tpu.memory_space<vmem>>) offsets(%arg9 : memref<512xi32, #tpu.memory_space<vmem>>) semaphore(%arg22 : memref<!tpu.dma_semaphore, #tpu.memory_space<semaphore_mem>>)
        } else {
        }
        %jit3A_483 = arith.constant 2 : i32
        %eq3A_484 = arith.constant 0 : i32
        %eq3A_485 = arith.cmpi eq, %jit3A_483, %eq3A_484 : i32
        %jit3A_486 = arith.constant 1 : i32
        %select_n3A_487 = arith.select %eq3A_485, %jit3A_486, %jit3A_483 : i32
        %rem3A_488 = arith.remsi %scan3A_206#1, %select_n3A_487 : i32
        %ne3A_489 = arith.constant 0 : i32
        %ne3A_490 = arith.cmpi ne, %rem3A_488, %ne3A_489 : i32
        %lt3A_491 = arith.constant 0 : i32
        %lt3A_492 = arith.cmpi slt, %rem3A_488, %lt3A_491 : i32
        %lt3A_493 = arith.constant 0 : i32
        %lt3A_494 = arith.cmpi slt, %select_n3A_487, %lt3A_493 : i32
        %ne3A_495 = arith.xori %lt3A_492, %lt3A_494 : i1
        %and3A_496 = arith.andi %ne3A_495, %ne3A_490 : i1
        %add3A_497 = arith.addi %rem3A_488, %select_n3A_487 : i32
        %select_n3A_498 = arith.select %and3A_496, %add3A_497, %rem3A_488 : i32
        %eq3A_499 = arith.constant 1 : i32
        %eq3A_500 = arith.cmpi eq, %select_n3A_498, %eq3A_499 : i32
        %convert_element_type3A_501 = arith.extui %eq3A_500 : i1 to i32
        %cond3A_502 = arith.constant 0 : i32
        %cond3A_503 = arith.cmpi ne, %convert_element_type3A_501, %cond3A_502 : i32
        scf.if %cond3A_503 {
          %mul3A_546 = arith.constant 512 : i32
          %mul3A_547 = arith.muli %scan3A_206#1, %mul3A_546 : i32
          %and3A_548 = arith.constant 8191 : i32
          %and3A_549 = arith.andi %mul3A_547, %and3A_548 : i32
          %add3A_550 = arith.constant 0 : i32
          %add3A_551 = arith.addi %and3A_549, %add3A_550 : i32
          %get3A = arith.index_cast %add3A_551 : i32 to index
          %get3A_552 = tpu.vector_load %arg6[%get3A] {strides = array<i32>} : memref<8192xi32, #tpu.memory_space<vmem>>, vector<16xi32>,
          %swap3A_553 = arith.constant 0 : index
          %swap3A_554 = tpu.vector_load %arg10[%swap3A_553] {strides = array<i32>} : memref<512xi32, #tpu.memory_space<vmem>>, vector<16xi32>,
          tpu.vector_store %arg10[%swap3A_553], %get3A_552 {strides = array<i32>} : memref<512xi32, #tpu.memory_space<vmem>>, vector<16xi32>,
          %add3A_555 = arith.constant 0 : i32
          %add3A_556 = arith.addi %and3A_549, %add3A_555 : i32
          %get3A_557 = arith.index_cast %add3A_556 : i32 to index
          %get3A_558 = tpu.vector_load %arg7[%get3A_557] {strides = array<i32>} : memref<8192xi32, #tpu.memory_space<vmem>>, vector<16xi32>,
          %swap3A_559 = arith.constant 0 : index
          %swap3A_560 = tpu.vector_load %arg11[%swap3A_559] {strides = array<i32>} : memref<512xi32, #tpu.memory_space<vmem>>, vector<16xi32>,
          tpu.vector_store %arg11[%swap3A_559], %get3A_558 {strides = array<i32>} : memref<512xi32, #tpu.memory_space<vmem>>, vector<16xi32>,
          %add3A_561 = arith.constant 16 : i32
          %add3A_562 = arith.addi %and3A_549, %add3A_561 : i32
          %get3A_563 = arith.index_cast %add3A_562 : i32 to index
          %get3A_564 = tpu.vector_load %arg6[%get3A_563] {strides = array<i32>} : memref<8192xi32, #tpu.memory_space<vmem>>, vector<16xi32>,
          %swap3A_565 = arith.constant 16 : index
          %swap3A_566 = tpu.vector_load %arg10[%swap3A_565] {strides = array<i32>} : memref<512xi32, #tpu.memory_space<vmem>>, vector<16xi32>,
          tpu.vector_store %arg10[%swap3A_565], %get3A_564 {strides = array<i32>} : memref<512xi32, #tpu.memory_space<vmem>>, vector<16xi32>,
          %add3A_567 = arith.constant 16 : i32
          %add3A_568 = arith.addi %and3A_549, %add3A_567 : i32
          %get3A_569 = arith.index_cast %add3A_568 : i32 to index
          %get3A_570 = tpu.vector_load %arg7[%get3A_569] {strides = array<i32>} : memref<8192xi32, #tpu.memory_space<vmem>>, vector<16xi32>,
          %swap3A_571 = arith.constant 16 : index
          %swap3A_572 = tpu.vector_load %arg11[%swap3A_571] {strides = array<i32>} : memref<512xi32, #tpu.memory_space<vmem>>, vector<16xi32>,
          tpu.vector_store %arg11[%swap3A_571], %get3A_570 {strides = array<i32>} : memref<512xi32, #tpu.memory_space<vmem>>, vector<16xi32>,
          %add3A_573 = arith.constant 32 : i32
          %add3A_574 = arith.addi %and3A_549, %add3A_573 : i32
          %get3A_575 = arith.index_cast %add3A_574 : i32 to index
          %get3A_576 = tpu.vector_load %arg6[%get3A_575] {strides = array<i32>} : memref<8192xi32, #tpu.memory_space<vmem>>, vector<16xi32>,
          %swap3A_577 = arith.constant 32 : index
          %swap3A_578 = tpu.vector_load %arg10[%swap3A_577] {strides = array<i32>} : memref<512xi32, #tpu.memory_space<vmem>>, vector<16xi32>,
          tpu.vector_store %arg10[%swap3A_577], %get3A_576 {strides = array<i32>} : memref<512xi32, #tpu.memory_space<vmem>>, vector<16xi32>,
          %add3A_579 = arith.constant 32 : i32
          %add3A_580 = arith.addi %and3A_549, %add3A_579 : i32
          %get3A_581 = arith.index_cast %add3A_580 : i32 to index
          %get3A_582 = tpu.vector_load %arg7[%get3A_581] {strides = array<i32>} : memref<8192xi32, #tpu.memory_space<vmem>>, vector<16xi32>,
          %swap3A_583 = arith.constant 32 : index
          %swap3A_584 = tpu.vector_load %arg11[%swap3A_583] {strides = array<i32>} : memref<512xi32, #tpu.memory_space<vmem>>, vector<16xi32>,
          tpu.vector_store %arg11[%swap3A_583], %get3A_582 {strides = array<i32>} : memref<512xi32, #tpu.memory_space<vmem>>, vector<16xi32>,
          %add3A_585 = arith.constant 48 : i32
          %add3A_586 = arith.addi %and3A_549, %add3A_585 : i32
          %get3A_587 = arith.index_cast %add3A_586 : i32 to index
          %get3A_588 = tpu.vector_load %arg6[%get3A_587] {strides = array<i32>} : memref<8192xi32, #tpu.memory_space<vmem>>, vector<16xi32>,
          %swap3A_589 = arith.constant 48 : index
          %swap3A_590 = tpu.vector_load %arg10[%swap3A_589] {strides = array<i32>} : memref<512xi32, #tpu.memory_space<vmem>>, vector<16xi32>,
          tpu.vector_store %arg10[%swap3A_589], %get3A_588 {strides = array<i32>} : memref<512xi32, #tpu.memory_space<vmem>>, vector<16xi32>,
          %add3A_591 = arith.constant 48 : i32
          %add3A_592 = arith.addi %and3A_549, %add3A_591 : i32
          %get3A_593 = arith.index_cast %add3A_592 : i32 to index
          %get3A_594 = tpu.vector_load %arg7[%get3A_593] {strides = array<i32>} : memref<8192xi32, #tpu.memory_space<vmem>>, vector<16xi32>,
          %swap3A_595 = arith.constant 48 : index
          %swap3A_596 = tpu.vector_load %arg11[%swap3A_595] {strides = array<i32>} : memref<512xi32, #tpu.memory_space<vmem>>, vector<16xi32>,
          tpu.vector_store %arg11[%swap3A_595], %get3A_594 {strides = array<i32>} : memref<512xi32, #tpu.memory_space<vmem>>, vector<16xi32>,
          %add3A_597 = arith.constant 64 : i32
          %add3A_598 = arith.addi %and3A_549, %add3A_597 : i32
          %get3A_599 = arith.index_cast %add3A_598 : i32 to index
          %get3A_600 = tpu.vector_load %arg6[%get3A_599] {strides = array<i32>} : memref<8192xi32, #tpu.memory_space<vmem>>, vector<16xi32>,
          %swap3A_601 = arith.constant 64 : index
          %swap3A_602 = tpu.vector_load %arg10[%swap3A_601] {strides = array<i32>} : memref<512xi32, #tpu.memory_space<vmem>>, vector<16xi32>,
          tpu.vector_store %arg10[%swap3A_601], %get3A_600 {strides = array<i32>} : memref<512xi32, #tpu.memory_space<vmem>>, vector<16xi32>,
          %add3A_603 = arith.constant 64 : i32
          %add3A_604 = arith.addi %and3A_549, %add3A_603 : i32
          %get3A_605 = arith.index_cast %add3A_604 : i32 to index
          %get3A_606 = tpu.vector_load %arg7[%get3A_605] {strides = array<i32>} : memref<8192xi32, #tpu.memory_space<vmem>>, vector<16xi32>,
          %swap3A_607 = arith.constant 64 : index
          %swap3A_608 = tpu.vector_load %arg11[%swap3A_607] {strides = array<i32>} : memref<512xi32, #tpu.memory_space<vmem>>, vector<16xi32>,
          tpu.vector_store %arg11[%swap3A_607], %get3A_606 {strides = array<i32>} : memref<512xi32, #tpu.memory_space<vmem>>, vector<16xi32>,
          %add3A_609 = arith.constant 80 : i32
          %add3A_610 = arith.addi %and3A_549, %add3A_609 : i32
          %get3A_611 = arith.index_cast %add3A_610 : i32 to index
          %get3A_612 = tpu.vector_load %arg6[%get3A_611] {strides = array<i32>} : memref<8192xi32, #tpu.memory_space<vmem>>, vector<16xi32>,
          %swap3A_613 = arith.constant 80 : index
          %swap3A_614 = tpu.vector_load %arg10[%swap3A_613] {strides = array<i32>} : memref<512xi32, #tpu.memory_space<vmem>>, vector<16xi32>,
          tpu.vector_store %arg10[%swap3A_613], %get3A_612 {strides = array<i32>} : memref<512xi32, #tpu.memory_space<vmem>>, vector<16xi32>,
          %add3A_615 = arith.constant 80 : i32
          %add3A_616 = arith.addi %and3A_549, %add3A_615 : i32
          %get3A_617 = arith.index_cast %add3A_616 : i32 to index
          %get3A_618 = tpu.vector_load %arg7[%get3A_617] {strides = array<i32>} : memref<8192xi32, #tpu.memory_space<vmem>>, vector<16xi32>,
          %swap3A_619 = arith.constant 80 : index
          %swap3A_620 = tpu.vector_load %arg11[%swap3A_619] {strides = array<i32>} : memref<512xi32, #tpu.memory_space<vmem>>, vector<16xi32>,
          tpu.vector_store %arg11[%swap3A_619], %get3A_618 {strides = array<i32>} : memref<512xi32, #tpu.memory_space<vmem>>, vector<16xi32>,
          %add3A_621 = arith.constant 96 : i32
          %add3A_622 = arith.addi %and3A_549, %add3A_621 : i32
          %get3A_623 = arith.index_cast %add3A_622 : i32 to index
          %get3A_624 = tpu.vector_load %arg6[%get3A_623] {strides = array<i32>} : memref<8192xi32, #tpu.memory_space<vmem>>, vector<16xi32>,
          %swap3A_625 = arith.constant 96 : index
          %swap3A_626 = tpu.vector_load %arg10[%swap3A_625] {strides = array<i32>} : memref<512xi32, #tpu.memory_space<vmem>>, vector<16xi32>,
          tpu.vector_store %arg10[%swap3A_625], %get3A_624 {strides = array<i32>} : memref<512xi32, #tpu.memory_space<vmem>>, vector<16xi32>,
          %add3A_627 = arith.constant 96 : i32
          %add3A_628 = arith.addi %and3A_549, %add3A_627 : i32
          %get3A_629 = arith.index_cast %add3A_628 : i32 to index
          %get3A_630 = tpu.vector_load %arg7[%get3A_629] {strides = array<i32>} : memref<8192xi32, #tpu.memory_space<vmem>>, vector<16xi32>,
          %swap3A_631 = arith.constant 96 : index
          %swap3A_632 = tpu.vector_load %arg11[%swap3A_631] {strides = array<i32>} : memref<512xi32, #tpu.memory_space<vmem>>, vector<16xi32>,
          tpu.vector_store %arg11[%swap3A_631], %get3A_630 {strides = array<i32>} : memref<512xi32, #tpu.memory_space<vmem>>, vector<16xi32>,
          %add3A_633 = arith.constant 112 : i32
          %add3A_634 = arith.addi %and3A_549, %add3A_633 : i32
          %get3A_635 = arith.index_cast %add3A_634 : i32 to index
          %get3A_636 = tpu.vector_load %arg6[%get3A_635] {strides = array<i32>} : memref<8192xi32, #tpu.memory_space<vmem>>, vector<16xi32>,
          %swap3A_637 = arith.constant 112 : index
          %swap3A_638 = tpu.vector_load %arg10[%swap3A_637] {strides = array<i32>} : memref<512xi32, #tpu.memory_space<vmem>>, vector<16xi32>,
          tpu.vector_store %arg10[%swap3A_637], %get3A_636 {strides = array<i32>} : memref<512xi32, #tpu.memory_space<vmem>>, vector<16xi32>,
          %add3A_639 = arith.constant 112 : i32
          %add3A_640 = arith.addi %and3A_549, %add3A_639 : i32
          %get3A_641 = arith.index_cast %add3A_640 : i32 to index
          %get3A_642 = tpu.vector_load %arg7[%get3A_641] {strides = array<i32>} : memref<8192xi32, #tpu.memory_space<vmem>>, vector<16xi32>,
          %swap3A_643 = arith.constant 112 : index
          %swap3A_644 = tpu.vector_load %arg11[%swap3A_643] {strides = array<i32>} : memref<512xi32, #tpu.memory_space<vmem>>, vector<16xi32>,
          tpu.vector_store %arg11[%swap3A_643], %get3A_642 {strides = array<i32>} : memref<512xi32, #tpu.memory_space<vmem>>, vector<16xi32>,
          %add3A_645 = arith.constant 128 : i32
          %add3A_646 = arith.addi %and3A_549, %add3A_645 : i32
          %get3A_647 = arith.index_cast %add3A_646 : i32 to index
          %get3A_648 = tpu.vector_load %arg6[%get3A_647] {strides = array<i32>} : memref<8192xi32, #tpu.memory_space<vmem>>, vector<16xi32>,
          %swap3A_649 = arith.constant 128 : index
          %swap3A_650 = tpu.vector_load %arg10[%swap3A_649] {strides = array<i32>} : memref<512xi32, #tpu.memory_space<vmem>>, vector<16xi32>,
          tpu.vector_store %arg10[%swap3A_649], %get3A_648 {strides = array<i32>} : memref<512xi32, #tpu.memory_space<vmem>>, vector<16xi32>,
          %add3A_651 = arith.constant 128 : i32
          %add3A_652 = arith.addi %and3A_549, %add3A_651 : i32
          %get3A_653 = arith.index_cast %add3A_652 : i32 to index
          %get3A_654 = tpu.vector_load %arg7[%get3A_653] {strides = array<i32>} : memref<8192xi32, #tpu.memory_space<vmem>>, vector<16xi32>,
          %swap3A_655 = arith.constant 128 : index
          %swap3A_656 = tpu.vector_load %arg11[%swap3A_655] {strides = array<i32>} : memref<512xi32, #tpu.memory_space<vmem>>, vector<16xi32>,
          tpu.vector_store %arg11[%swap3A_655], %get3A_654 {strides = array<i32>} : memref<512xi32, #tpu.memory_space<vmem>>, vector<16xi32>,
          %add3A_657 = arith.constant 144 : i32
          %add3A_658 = arith.addi %and3A_549, %add3A_657 : i32
          %get3A_659 = arith.index_cast %add3A_658 : i32 to index
          %get3A_660 = tpu.vector_load %arg6[%get3A_659] {strides = array<i32>} : memref<8192xi32, #tpu.memory_space<vmem>>, vector<16xi32>,
          %swap3A_661 = arith.constant 144 : index
          %swap3A_662 = tpu.vector_load %arg10[%swap3A_661] {strides = array<i32>} : memref<512xi32, #tpu.memory_space<vmem>>, vector<16xi32>,
          tpu.vector_store %arg10[%swap3A_661], %get3A_660 {strides = array<i32>} : memref<512xi32, #tpu.memory_space<vmem>>, vector<16xi32>,
          %add3A_663 = arith.constant 144 : i32
          %add3A_664 = arith.addi %and3A_549, %add3A_663 : i32
          %get3A_665 = arith.index_cast %add3A_664 : i32 to index
          %get3A_666 = tpu.vector_load %arg7[%get3A_665] {strides = array<i32>} : memref<8192xi32, #tpu.memory_space<vmem>>, vector<16xi32>,
          %swap3A_667 = arith.constant 144 : index
          %swap3A_668 = tpu.vector_load %arg11[%swap3A_667] {strides = array<i32>} : memref<512xi32, #tpu.memory_space<vmem>>, vector<16xi32>,
          tpu.vector_store %arg11[%swap3A_667], %get3A_666 {strides = array<i32>} : memref<512xi32, #tpu.memory_space<vmem>>, vector<16xi32>,
          %add3A_669 = arith.constant 160 : i32
          %add3A_670 = arith.addi %and3A_549, %add3A_669 : i32
          %get3A_671 = arith.index_cast %add3A_670 : i32 to index
          %get3A_672 = tpu.vector_load %arg6[%get3A_671] {strides = array<i32>} : memref<8192xi32, #tpu.memory_space<vmem>>, vector<16xi32>,
          %swap3A_673 = arith.constant 160 : index
          %swap3A_674 = tpu.vector_load %arg10[%swap3A_673] {strides = array<i32>} : memref<512xi32, #tpu.memory_space<vmem>>, vector<16xi32>,
          tpu.vector_store %arg10[%swap3A_673], %get3A_672 {strides = array<i32>} : memref<512xi32, #tpu.memory_space<vmem>>, vector<16xi32>,
          %add3A_675 = arith.constant 160 : i32
          %add3A_676 = arith.addi %and3A_549, %add3A_675 : i32
          %get3A_677 = arith.index_cast %add3A_676 : i32 to index
          %get3A_678 = tpu.vector_load %arg7[%get3A_677] {strides = array<i32>} : memref<8192xi32, #tpu.memory_space<vmem>>, vector<16xi32>,
          %swap3A_679 = arith.constant 160 : index
          %swap3A_680 = tpu.vector_load %arg11[%swap3A_679] {strides = array<i32>} : memref<512xi32, #tpu.memory_space<vmem>>, vector<16xi32>,
          tpu.vector_store %arg11[%swap3A_679], %get3A_678 {strides = array<i32>} : memref<512xi32, #tpu.memory_space<vmem>>, vector<16xi32>,
          %add3A_681 = arith.constant 176 : i32
          %add3A_682 = arith.addi %and3A_549, %add3A_681 : i32
          %get3A_683 = arith.index_cast %add3A_682 : i32 to index
          %get3A_684 = tpu.vector_load %arg6[%get3A_683] {strides = array<i32>} : memref<8192xi32, #tpu.memory_space<vmem>>, vector<16xi32>,
          %swap3A_685 = arith.constant 176 : index
          %swap3A_686 = tpu.vector_load %arg10[%swap3A_685] {strides = array<i32>} : memref<512xi32, #tpu.memory_space<vmem>>, vector<16xi32>,
          tpu.vector_store %arg10[%swap3A_685], %get3A_684 {strides = array<i32>} : memref<512xi32, #tpu.memory_space<vmem>>, vector<16xi32>,
          %add3A_687 = arith.constant 176 : i32
          %add3A_688 = arith.addi %and3A_549, %add3A_687 : i32
          %get3A_689 = arith.index_cast %add3A_688 : i32 to index
          %get3A_690 = tpu.vector_load %arg7[%get3A_689] {strides = array<i32>} : memref<8192xi32, #tpu.memory_space<vmem>>, vector<16xi32>,
          %swap3A_691 = arith.constant 176 : index
          %swap3A_692 = tpu.vector_load %arg11[%swap3A_691] {strides = array<i32>} : memref<512xi32, #tpu.memory_space<vmem>>, vector<16xi32>,
          tpu.vector_store %arg11[%swap3A_691], %get3A_690 {strides = array<i32>} : memref<512xi32, #tpu.memory_space<vmem>>, vector<16xi32>,
          %add3A_693 = arith.constant 192 : i32
          %add3A_694 = arith.addi %and3A_549, %add3A_693 : i32
          %get3A_695 = arith.index_cast %add3A_694 : i32 to index
          %get3A_696 = tpu.vector_load %arg6[%get3A_695] {strides = array<i32>} : memref<8192xi32, #tpu.memory_space<vmem>>, vector<16xi32>,
          %swap3A_697 = arith.constant 192 : index
          %swap3A_698 = tpu.vector_load %arg10[%swap3A_697] {strides = array<i32>} : memref<512xi32, #tpu.memory_space<vmem>>, vector<16xi32>,
          tpu.vector_store %arg10[%swap3A_697], %get3A_696 {strides = array<i32>} : memref<512xi32, #tpu.memory_space<vmem>>, vector<16xi32>,
          %add3A_699 = arith.constant 192 : i32
          %add3A_700 = arith.addi %and3A_549, %add3A_699 : i32
          %get3A_701 = arith.index_cast %add3A_700 : i32 to index
          %get3A_702 = tpu.vector_load %arg7[%get3A_701] {strides = array<i32>} : memref<8192xi32, #tpu.memory_space<vmem>>, vector<16xi32>,
          %swap3A_703 = arith.constant 192 : index
          %swap3A_704 = tpu.vector_load %arg11[%swap3A_703] {strides = array<i32>} : memref<512xi32, #tpu.memory_space<vmem>>, vector<16xi32>,
          tpu.vector_store %arg11[%swap3A_703], %get3A_702 {strides = array<i32>} : memref<512xi32, #tpu.memory_space<vmem>>, vector<16xi32>,
          %add3A_705 = arith.constant 208 : i32
          %add3A_706 = arith.addi %and3A_549, %add3A_705 : i32
          %get3A_707 = arith.index_cast %add3A_706 : i32 to index
          %get3A_708 = tpu.vector_load %arg6[%get3A_707] {strides = array<i32>} : memref<8192xi32, #tpu.memory_space<vmem>>, vector<16xi32>,
          %swap3A_709 = arith.constant 208 : index
          %swap3A_710 = tpu.vector_load %arg10[%swap3A_709] {strides = array<i32>} : memref<512xi32, #tpu.memory_space<vmem>>, vector<16xi32>,
          tpu.vector_store %arg10[%swap3A_709], %get3A_708 {strides = array<i32>} : memref<512xi32, #tpu.memory_space<vmem>>, vector<16xi32>,
          %add3A_711 = arith.constant 208 : i32
          %add3A_712 = arith.addi %and3A_549, %add3A_711 : i32
          %get3A_713 = arith.index_cast %add3A_712 : i32 to index
          %get3A_714 = tpu.vector_load %arg7[%get3A_713] {strides = array<i32>} : memref<8192xi32, #tpu.memory_space<vmem>>, vector<16xi32>,
          %swap3A_715 = arith.constant 208 : index
          %swap3A_716 = tpu.vector_load %arg11[%swap3A_715] {strides = array<i32>} : memref<512xi32, #tpu.memory_space<vmem>>, vector<16xi32>,
          tpu.vector_store %arg11[%swap3A_715], %get3A_714 {strides = array<i32>} : memref<512xi32, #tpu.memory_space<vmem>>, vector<16xi32>,
          %add3A_717 = arith.constant 224 : i32
          %add3A_718 = arith.addi %and3A_549, %add3A_717 : i32
          %get3A_719 = arith.index_cast %add3A_718 : i32 to index
          %get3A_720 = tpu.vector_load %arg6[%get3A_719] {strides = array<i32>} : memref<8192xi32, #tpu.memory_space<vmem>>, vector<16xi32>,
          %swap3A_721 = arith.constant 224 : index
          %swap3A_722 = tpu.vector_load %arg10[%swap3A_721] {strides = array<i32>} : memref<512xi32, #tpu.memory_space<vmem>>, vector<16xi32>,
          tpu.vector_store %arg10[%swap3A_721], %get3A_720 {strides = array<i32>} : memref<512xi32, #tpu.memory_space<vmem>>, vector<16xi32>,
          %add3A_723 = arith.constant 224 : i32
          %add3A_724 = arith.addi %and3A_549, %add3A_723 : i32
          %get3A_725 = arith.index_cast %add3A_724 : i32 to index
          %get3A_726 = tpu.vector_load %arg7[%get3A_725] {strides = array<i32>} : memref<8192xi32, #tpu.memory_space<vmem>>, vector<16xi32>,
          %swap3A_727 = arith.constant 224 : index
          %swap3A_728 = tpu.vector_load %arg11[%swap3A_727] {strides = array<i32>} : memref<512xi32, #tpu.memory_space<vmem>>, vector<16xi32>,
          tpu.vector_store %arg11[%swap3A_727], %get3A_726 {strides = array<i32>} : memref<512xi32, #tpu.memory_space<vmem>>, vector<16xi32>,
          %add3A_729 = arith.constant 240 : i32
          %add3A_730 = arith.addi %and3A_549, %add3A_729 : i32
          %get3A_731 = arith.index_cast %add3A_730 : i32 to index
          %get3A_732 = tpu.vector_load %arg6[%get3A_731] {strides = array<i32>} : memref<8192xi32, #tpu.memory_space<vmem>>, vector<16xi32>,
          %swap3A_733 = arith.constant 240 : index
          %swap3A_734 = tpu.vector_load %arg10[%swap3A_733] {strides = array<i32>} : memref<512xi32, #tpu.memory_space<vmem>>, vector<16xi32>,
          tpu.vector_store %arg10[%swap3A_733], %get3A_732 {strides = array<i32>} : memref<512xi32, #tpu.memory_space<vmem>>, vector<16xi32>,
          %add3A_735 = arith.constant 240 : i32
          %add3A_736 = arith.addi %and3A_549, %add3A_735 : i32
          %get3A_737 = arith.index_cast %add3A_736 : i32 to index
          %get3A_738 = tpu.vector_load %arg7[%get3A_737] {strides = array<i32>} : memref<8192xi32, #tpu.memory_space<vmem>>, vector<16xi32>,
          %swap3A_739 = arith.constant 240 : index
          %swap3A_740 = tpu.vector_load %arg11[%swap3A_739] {strides = array<i32>} : memref<512xi32, #tpu.memory_space<vmem>>, vector<16xi32>,
          tpu.vector_store %arg11[%swap3A_739], %get3A_738 {strides = array<i32>} : memref<512xi32, #tpu.memory_space<vmem>>, vector<16xi32>,
          %add3A_741 = arith.constant 256 : i32
          %add3A_742 = arith.addi %and3A_549, %add3A_741 : i32
          %get3A_743 = arith.index_cast %add3A_742 : i32 to index
          %get3A_744 = tpu.vector_load %arg6[%get3A_743] {strides = array<i32>} : memref<8192xi32, #tpu.memory_space<vmem>>, vector<16xi32>,
          %swap3A_745 = arith.constant 256 : index
          %swap3A_746 = tpu.vector_load %arg10[%swap3A_745] {strides = array<i32>} : memref<512xi32, #tpu.memory_space<vmem>>, vector<16xi32>,
          tpu.vector_store %arg10[%swap3A_745], %get3A_744 {strides = array<i32>} : memref<512xi32, #tpu.memory_space<vmem>>, vector<16xi32>,
          %add3A_747 = arith.constant 256 : i32
          %add3A_748 = arith.addi %and3A_549, %add3A_747 : i32
          %get3A_749 = arith.index_cast %add3A_748 : i32 to index
          %get3A_750 = tpu.vector_load %arg7[%get3A_749] {strides = array<i32>} : memref<8192xi32, #tpu.memory_space<vmem>>, vector<16xi32>,
          %swap3A_751 = arith.constant 256 : index
          %swap3A_752 = tpu.vector_load %arg11[%swap3A_751] {strides = array<i32>} : memref<512xi32, #tpu.memory_space<vmem>>, vector<16xi32>,
          tpu.vector_store %arg11[%swap3A_751], %get3A_750 {strides = array<i32>} : memref<512xi32, #tpu.memory_space<vmem>>, vector<16xi32>,
          %add3A_753 = arith.constant 272 : i32
          %add3A_754 = arith.addi %and3A_549, %add3A_753 : i32
          %get3A_755 = arith.index_cast %add3A_754 : i32 to index
          %get3A_756 = tpu.vector_load %arg6[%get3A_755] {strides = array<i32>} : memref<8192xi32, #tpu.memory_space<vmem>>, vector<16xi32>,
          %swap3A_757 = arith.constant 272 : index
          %swap3A_758 = tpu.vector_load %arg10[%swap3A_757] {strides = array<i32>} : memref<512xi32, #tpu.memory_space<vmem>>, vector<16xi32>,
          tpu.vector_store %arg10[%swap3A_757], %get3A_756 {strides = array<i32>} : memref<512xi32, #tpu.memory_space<vmem>>, vector<16xi32>,
          %add3A_759 = arith.constant 272 : i32
          %add3A_760 = arith.addi %and3A_549, %add3A_759 : i32
          %get3A_761 = arith.index_cast %add3A_760 : i32 to index
          %get3A_762 = tpu.vector_load %arg7[%get3A_761] {strides = array<i32>} : memref<8192xi32, #tpu.memory_space<vmem>>, vector<16xi32>,
          %swap3A_763 = arith.constant 272 : index
          %swap3A_764 = tpu.vector_load %arg11[%swap3A_763] {strides = array<i32>} : memref<512xi32, #tpu.memory_space<vmem>>, vector<16xi32>,
          tpu.vector_store %arg11[%swap3A_763], %get3A_762 {strides = array<i32>} : memref<512xi32, #tpu.memory_space<vmem>>, vector<16xi32>,
          %add3A_765 = arith.constant 288 : i32
          %add3A_766 = arith.addi %and3A_549, %add3A_765 : i32
          %get3A_767 = arith.index_cast %add3A_766 : i32 to index
          %get3A_768 = tpu.vector_load %arg6[%get3A_767] {strides = array<i32>} : memref<8192xi32, #tpu.memory_space<vmem>>, vector<16xi32>,
          %swap3A_769 = arith.constant 288 : index
          %swap3A_770 = tpu.vector_load %arg10[%swap3A_769] {strides = array<i32>} : memref<512xi32, #tpu.memory_space<vmem>>, vector<16xi32>,
          tpu.vector_store %arg10[%swap3A_769], %get3A_768 {strides = array<i32>} : memref<512xi32, #tpu.memory_space<vmem>>, vector<16xi32>,
          %add3A_771 = arith.constant 288 : i32
          %add3A_772 = arith.addi %and3A_549, %add3A_771 : i32
          %get3A_773 = arith.index_cast %add3A_772 : i32 to index
          %get3A_774 = tpu.vector_load %arg7[%get3A_773] {strides = array<i32>} : memref<8192xi32, #tpu.memory_space<vmem>>, vector<16xi32>,
          %swap3A_775 = arith.constant 288 : index
          %swap3A_776 = tpu.vector_load %arg11[%swap3A_775] {strides = array<i32>} : memref<512xi32, #tpu.memory_space<vmem>>, vector<16xi32>,
          tpu.vector_store %arg11[%swap3A_775], %get3A_774 {strides = array<i32>} : memref<512xi32, #tpu.memory_space<vmem>>, vector<16xi32>,
          %add3A_777 = arith.constant 304 : i32
          %add3A_778 = arith.addi %and3A_549, %add3A_777 : i32
          %get3A_779 = arith.index_cast %add3A_778 : i32 to index
          %get3A_780 = tpu.vector_load %arg6[%get3A_779] {strides = array<i32>} : memref<8192xi32, #tpu.memory_space<vmem>>, vector<16xi32>,
          %swap3A_781 = arith.constant 304 : index
          %swap3A_782 = tpu.vector_load %arg10[%swap3A_781] {strides = array<i32>} : memref<512xi32, #tpu.memory_space<vmem>>, vector<16xi32>,
          tpu.vector_store %arg10[%swap3A_781], %get3A_780 {strides = array<i32>} : memref<512xi32, #tpu.memory_space<vmem>>, vector<16xi32>,
          %add3A_783 = arith.constant 304 : i32
          %add3A_784 = arith.addi %and3A_549, %add3A_783 : i32
          %get3A_785 = arith.index_cast %add3A_784 : i32 to index
          %get3A_786 = tpu.vector_load %arg7[%get3A_785] {strides = array<i32>} : memref<8192xi32, #tpu.memory_space<vmem>>, vector<16xi32>,
          %swap3A_787 = arith.constant 304 : index
          %swap3A_788 = tpu.vector_load %arg11[%swap3A_787] {strides = array<i32>} : memref<512xi32, #tpu.memory_space<vmem>>, vector<16xi32>,
          tpu.vector_store %arg11[%swap3A_787], %get3A_786 {strides = array<i32>} : memref<512xi32, #tpu.memory_space<vmem>>, vector<16xi32>,
          %add3A_789 = arith.constant 320 : i32
          %add3A_790 = arith.addi %and3A_549, %add3A_789 : i32
          %get3A_791 = arith.index_cast %add3A_790 : i32 to index
          %get3A_792 = tpu.vector_load %arg6[%get3A_791] {strides = array<i32>} : memref<8192xi32, #tpu.memory_space<vmem>>, vector<16xi32>,
          %swap3A_793 = arith.constant 320 : index
          %swap3A_794 = tpu.vector_load %arg10[%swap3A_793] {strides = array<i32>} : memref<512xi32, #tpu.memory_space<vmem>>, vector<16xi32>,
          tpu.vector_store %arg10[%swap3A_793], %get3A_792 {strides = array<i32>} : memref<512xi32, #tpu.memory_space<vmem>>, vector<16xi32>,
          %add3A_795 = arith.constant 320 : i32
          %add3A_796 = arith.addi %and3A_549, %add3A_795 : i32
          %get3A_797 = arith.index_cast %add3A_796 : i32 to index
          %get3A_798 = tpu.vector_load %arg7[%get3A_797] {strides = array<i32>} : memref<8192xi32, #tpu.memory_space<vmem>>, vector<16xi32>,
          %swap3A_799 = arith.constant 320 : index
          %swap3A_800 = tpu.vector_load %arg11[%swap3A_799] {strides = array<i32>} : memref<512xi32, #tpu.memory_space<vmem>>, vector<16xi32>,
          tpu.vector_store %arg11[%swap3A_799], %get3A_798 {strides = array<i32>} : memref<512xi32, #tpu.memory_space<vmem>>, vector<16xi32>,
          %add3A_801 = arith.constant 336 : i32
          %add3A_802 = arith.addi %and3A_549, %add3A_801 : i32
          %get3A_803 = arith.index_cast %add3A_802 : i32 to index
          %get3A_804 = tpu.vector_load %arg6[%get3A_803] {strides = array<i32>} : memref<8192xi32, #tpu.memory_space<vmem>>, vector<16xi32>,
          %swap3A_805 = arith.constant 336 : index
          %swap3A_806 = tpu.vector_load %arg10[%swap3A_805] {strides = array<i32>} : memref<512xi32, #tpu.memory_space<vmem>>, vector<16xi32>,
          tpu.vector_store %arg10[%swap3A_805], %get3A_804 {strides = array<i32>} : memref<512xi32, #tpu.memory_space<vmem>>, vector<16xi32>,
          %add3A_807 = arith.constant 336 : i32
          %add3A_808 = arith.addi %and3A_549, %add3A_807 : i32
          %get3A_809 = arith.index_cast %add3A_808 : i32 to index
          %get3A_810 = tpu.vector_load %arg7[%get3A_809] {strides = array<i32>} : memref<8192xi32, #tpu.memory_space<vmem>>, vector<16xi32>,
          %swap3A_811 = arith.constant 336 : index
          %swap3A_812 = tpu.vector_load %arg11[%swap3A_811] {strides = array<i32>} : memref<512xi32, #tpu.memory_space<vmem>>, vector<16xi32>,
          tpu.vector_store %arg11[%swap3A_811], %get3A_810 {strides = array<i32>} : memref<512xi32, #tpu.memory_space<vmem>>, vector<16xi32>,
          %add3A_813 = arith.constant 352 : i32
          %add3A_814 = arith.addi %and3A_549, %add3A_813 : i32
          %get3A_815 = arith.index_cast %add3A_814 : i32 to index
          %get3A_816 = tpu.vector_load %arg6[%get3A_815] {strides = array<i32>} : memref<8192xi32, #tpu.memory_space<vmem>>, vector<16xi32>,
          %swap3A_817 = arith.constant 352 : index
          %swap3A_818 = tpu.vector_load %arg10[%swap3A_817] {strides = array<i32>} : memref<512xi32, #tpu.memory_space<vmem>>, vector<16xi32>,
          tpu.vector_store %arg10[%swap3A_817], %get3A_816 {strides = array<i32>} : memref<512xi32, #tpu.memory_space<vmem>>, vector<16xi32>,
          %add3A_819 = arith.constant 352 : i32
          %add3A_820 = arith.addi %and3A_549, %add3A_819 : i32
          %get3A_821 = arith.index_cast %add3A_820 : i32 to index
          %get3A_822 = tpu.vector_load %arg7[%get3A_821] {strides = array<i32>} : memref<8192xi32, #tpu.memory_space<vmem>>, vector<16xi32>,
          %swap3A_823 = arith.constant 352 : index
          %swap3A_824 = tpu.vector_load %arg11[%swap3A_823] {strides = array<i32>} : memref<512xi32, #tpu.memory_space<vmem>>, vector<16xi32>,
          tpu.vector_store %arg11[%swap3A_823], %get3A_822 {strides = array<i32>} : memref<512xi32, #tpu.memory_space<vmem>>, vector<16xi32>,
          %add3A_825 = arith.constant 368 : i32
          %add3A_826 = arith.addi %and3A_549, %add3A_825 : i32
          %get3A_827 = arith.index_cast %add3A_826 : i32 to index
          %get3A_828 = tpu.vector_load %arg6[%get3A_827] {strides = array<i32>} : memref<8192xi32, #tpu.memory_space<vmem>>, vector<16xi32>,
          %swap3A_829 = arith.constant 368 : index
          %swap3A_830 = tpu.vector_load %arg10[%swap3A_829] {strides = array<i32>} : memref<512xi32, #tpu.memory_space<vmem>>, vector<16xi32>,
          tpu.vector_store %arg10[%swap3A_829], %get3A_828 {strides = array<i32>} : memref<512xi32, #tpu.memory_space<vmem>>, vector<16xi32>,
          %add3A_831 = arith.constant 368 : i32
          %add3A_832 = arith.addi %and3A_549, %add3A_831 : i32
          %get3A_833 = arith.index_cast %add3A_832 : i32 to index
          %get3A_834 = tpu.vector_load %arg7[%get3A_833] {strides = array<i32>} : memref<8192xi32, #tpu.memory_space<vmem>>, vector<16xi32>,
          %swap3A_835 = arith.constant 368 : index
          %swap3A_836 = tpu.vector_load %arg11[%swap3A_835] {strides = array<i32>} : memref<512xi32, #tpu.memory_space<vmem>>, vector<16xi32>,
          tpu.vector_store %arg11[%swap3A_835], %get3A_834 {strides = array<i32>} : memref<512xi32, #tpu.memory_space<vmem>>, vector<16xi32>,
          %add3A_837 = arith.constant 384 : i32
          %add3A_838 = arith.addi %and3A_549, %add3A_837 : i32
          %get3A_839 = arith.index_cast %add3A_838 : i32 to index
          %get3A_840 = tpu.vector_load %arg6[%get3A_839] {strides = array<i32>} : memref<8192xi32, #tpu.memory_space<vmem>>, vector<16xi32>,
          %swap3A_841 = arith.constant 384 : index
          %swap3A_842 = tpu.vector_load %arg10[%swap3A_841] {strides = array<i32>} : memref<512xi32, #tpu.memory_space<vmem>>, vector<16xi32>,
          tpu.vector_store %arg10[%swap3A_841], %get3A_840 {strides = array<i32>} : memref<512xi32, #tpu.memory_space<vmem>>, vector<16xi32>,
          %add3A_843 = arith.constant 384 : i32
          %add3A_844 = arith.addi %and3A_549, %add3A_843 : i32
          %get3A_845 = arith.index_cast %add3A_844 : i32 to index
          %get3A_846 = tpu.vector_load %arg7[%get3A_845] {strides = array<i32>} : memref<8192xi32, #tpu.memory_space<vmem>>, vector<16xi32>,
          %swap3A_847 = arith.constant 384 : index
          %swap3A_848 = tpu.vector_load %arg11[%swap3A_847] {strides = array<i32>} : memref<512xi32, #tpu.memory_space<vmem>>, vector<16xi32>,
          tpu.vector_store %arg11[%swap3A_847], %get3A_846 {strides = array<i32>} : memref<512xi32, #tpu.memory_space<vmem>>, vector<16xi32>,
          %add3A_849 = arith.constant 400 : i32
          %add3A_850 = arith.addi %and3A_549, %add3A_849 : i32
          %get3A_851 = arith.index_cast %add3A_850 : i32 to index
          %get3A_852 = tpu.vector_load %arg6[%get3A_851] {strides = array<i32>} : memref<8192xi32, #tpu.memory_space<vmem>>, vector<16xi32>,
          %swap3A_853 = arith.constant 400 : index
          %swap3A_854 = tpu.vector_load %arg10[%swap3A_853] {strides = array<i32>} : memref<512xi32, #tpu.memory_space<vmem>>, vector<16xi32>,
          tpu.vector_store %arg10[%swap3A_853], %get3A_852 {strides = array<i32>} : memref<512xi32, #tpu.memory_space<vmem>>, vector<16xi32>,
          %add3A_855 = arith.constant 400 : i32
          %add3A_856 = arith.addi %and3A_549, %add3A_855 : i32
          %get3A_857 = arith.index_cast %add3A_856 : i32 to index
          %get3A_858 = tpu.vector_load %arg7[%get3A_857] {strides = array<i32>} : memref<8192xi32, #tpu.memory_space<vmem>>, vector<16xi32>,
          %swap3A_859 = arith.constant 400 : index
          %swap3A_860 = tpu.vector_load %arg11[%swap3A_859] {strides = array<i32>} : memref<512xi32, #tpu.memory_space<vmem>>, vector<16xi32>,
          tpu.vector_store %arg11[%swap3A_859], %get3A_858 {strides = array<i32>} : memref<512xi32, #tpu.memory_space<vmem>>, vector<16xi32>,
          %add3A_861 = arith.constant 416 : i32
          %add3A_862 = arith.addi %and3A_549, %add3A_861 : i32
          %get3A_863 = arith.index_cast %add3A_862 : i32 to index
          %get3A_864 = tpu.vector_load %arg6[%get3A_863] {strides = array<i32>} : memref<8192xi32, #tpu.memory_space<vmem>>, vector<16xi32>,
          %swap3A_865 = arith.constant 416 : index
          %swap3A_866 = tpu.vector_load %arg10[%swap3A_865] {strides = array<i32>} : memref<512xi32, #tpu.memory_space<vmem>>, vector<16xi32>,
          tpu.vector_store %arg10[%swap3A_865], %get3A_864 {strides = array<i32>} : memref<512xi32, #tpu.memory_space<vmem>>, vector<16xi32>,
          %add3A_867 = arith.constant 416 : i32
          %add3A_868 = arith.addi %and3A_549, %add3A_867 : i32
          %get3A_869 = arith.index_cast %add3A_868 : i32 to index
          %get3A_870 = tpu.vector_load %arg7[%get3A_869] {strides = array<i32>} : memref<8192xi32, #tpu.memory_space<vmem>>, vector<16xi32>,
          %swap3A_871 = arith.constant 416 : index
          %swap3A_872 = tpu.vector_load %arg11[%swap3A_871] {strides = array<i32>} : memref<512xi32, #tpu.memory_space<vmem>>, vector<16xi32>,
          tpu.vector_store %arg11[%swap3A_871], %get3A_870 {strides = array<i32>} : memref<512xi32, #tpu.memory_space<vmem>>, vector<16xi32>,
          %add3A_873 = arith.constant 432 : i32
          %add3A_874 = arith.addi %and3A_549, %add3A_873 : i32
          %get3A_875 = arith.index_cast %add3A_874 : i32 to index
          %get3A_876 = tpu.vector_load %arg6[%get3A_875] {strides = array<i32>} : memref<8192xi32, #tpu.memory_space<vmem>>, vector<16xi32>,
          %swap3A_877 = arith.constant 432 : index
          %swap3A_878 = tpu.vector_load %arg10[%swap3A_877] {strides = array<i32>} : memref<512xi32, #tpu.memory_space<vmem>>, vector<16xi32>,
          tpu.vector_store %arg10[%swap3A_877], %get3A_876 {strides = array<i32>} : memref<512xi32, #tpu.memory_space<vmem>>, vector<16xi32>,
          %add3A_879 = arith.constant 432 : i32
          %add3A_880 = arith.addi %and3A_549, %add3A_879 : i32
          %get3A_881 = arith.index_cast %add3A_880 : i32 to index
          %get3A_882 = tpu.vector_load %arg7[%get3A_881] {strides = array<i32>} : memref<8192xi32, #tpu.memory_space<vmem>>, vector<16xi32>,
          %swap3A_883 = arith.constant 432 : index
          %swap3A_884 = tpu.vector_load %arg11[%swap3A_883] {strides = array<i32>} : memref<512xi32, #tpu.memory_space<vmem>>, vector<16xi32>,
          tpu.vector_store %arg11[%swap3A_883], %get3A_882 {strides = array<i32>} : memref<512xi32, #tpu.memory_space<vmem>>, vector<16xi32>,
          %add3A_885 = arith.constant 448 : i32
          %add3A_886 = arith.addi %and3A_549, %add3A_885 : i32
          %get3A_887 = arith.index_cast %add3A_886 : i32 to index
          %get3A_888 = tpu.vector_load %arg6[%get3A_887] {strides = array<i32>} : memref<8192xi32, #tpu.memory_space<vmem>>, vector<16xi32>,
          %swap3A_889 = arith.constant 448 : index
          %swap3A_890 = tpu.vector_load %arg10[%swap3A_889] {strides = array<i32>} : memref<512xi32, #tpu.memory_space<vmem>>, vector<16xi32>,
          tpu.vector_store %arg10[%swap3A_889], %get3A_888 {strides = array<i32>} : memref<512xi32, #tpu.memory_space<vmem>>, vector<16xi32>,
          %add3A_891 = arith.constant 448 : i32
          %add3A_892 = arith.addi %and3A_549, %add3A_891 : i32
          %get3A_893 = arith.index_cast %add3A_892 : i32 to index
          %get3A_894 = tpu.vector_load %arg7[%get3A_893] {strides = array<i32>} : memref<8192xi32, #tpu.memory_space<vmem>>, vector<16xi32>,
          %swap3A_895 = arith.constant 448 : index
          %swap3A_896 = tpu.vector_load %arg11[%swap3A_895] {strides = array<i32>} : memref<512xi32, #tpu.memory_space<vmem>>, vector<16xi32>,
          tpu.vector_store %arg11[%swap3A_895], %get3A_894 {strides = array<i32>} : memref<512xi32, #tpu.memory_space<vmem>>, vector<16xi32>,
          %add3A_897 = arith.constant 464 : i32
          %add3A_898 = arith.addi %and3A_549, %add3A_897 : i32
          %get3A_899 = arith.index_cast %add3A_898 : i32 to index
          %get3A_900 = tpu.vector_load %arg6[%get3A_899] {strides = array<i32>} : memref<8192xi32, #tpu.memory_space<vmem>>, vector<16xi32>,
          %swap3A_901 = arith.constant 464 : index
          %swap3A_902 = tpu.vector_load %arg10[%swap3A_901] {strides = array<i32>} : memref<512xi32, #tpu.memory_space<vmem>>, vector<16xi32>,
          tpu.vector_store %arg10[%swap3A_901], %get3A_900 {strides = array<i32>} : memref<512xi32, #tpu.memory_space<vmem>>, vector<16xi32>,
          %add3A_903 = arith.constant 464 : i32
          %add3A_904 = arith.addi %and3A_549, %add3A_903 : i32
          %get3A_905 = arith.index_cast %add3A_904 : i32 to index
          %get3A_906 = tpu.vector_load %arg7[%get3A_905] {strides = array<i32>} : memref<8192xi32, #tpu.memory_space<vmem>>, vector<16xi32>,
          %swap3A_907 = arith.constant 464 : index
          %swap3A_908 = tpu.vector_load %arg11[%swap3A_907] {strides = array<i32>} : memref<512xi32, #tpu.memory_space<vmem>>, vector<16xi32>,
          tpu.vector_store %arg11[%swap3A_907], %get3A_906 {strides = array<i32>} : memref<512xi32, #tpu.memory_space<vmem>>, vector<16xi32>,
          %add3A_909 = arith.constant 480 : i32
          %add3A_910 = arith.addi %and3A_549, %add3A_909 : i32
          %get3A_911 = arith.index_cast %add3A_910 : i32 to index
          %get3A_912 = tpu.vector_load %arg6[%get3A_911] {strides = array<i32>} : memref<8192xi32, #tpu.memory_space<vmem>>, vector<16xi32>,
          %swap3A_913 = arith.constant 480 : index
          %swap3A_914 = tpu.vector_load %arg10[%swap3A_913] {strides = array<i32>} : memref<512xi32, #tpu.memory_space<vmem>>, vector<16xi32>,
          tpu.vector_store %arg10[%swap3A_913], %get3A_912 {strides = array<i32>} : memref<512xi32, #tpu.memory_space<vmem>>, vector<16xi32>,
          %add3A_915 = arith.constant 480 : i32
          %add3A_916 = arith.addi %and3A_549, %add3A_915 : i32
          %get3A_917 = arith.index_cast %add3A_916 : i32 to index
          %get3A_918 = tpu.vector_load %arg7[%get3A_917] {strides = array<i32>} : memref<8192xi32, #tpu.memory_space<vmem>>, vector<16xi32>,
          %swap3A_919 = arith.constant 480 : index
          %swap3A_920 = tpu.vector_load %arg11[%swap3A_919] {strides = array<i32>} : memref<512xi32, #tpu.memory_space<vmem>>, vector<16xi32>,
          tpu.vector_store %arg11[%swap3A_919], %get3A_918 {strides = array<i32>} : memref<512xi32, #tpu.memory_space<vmem>>, vector<16xi32>,
          %add3A_921 = arith.constant 496 : i32
          %add3A_922 = arith.addi %and3A_549, %add3A_921 : i32
          %get3A_923 = arith.index_cast %add3A_922 : i32 to index
          %get3A_924 = tpu.vector_load %arg6[%get3A_923] {strides = array<i32>} : memref<8192xi32, #tpu.memory_space<vmem>>, vector<16xi32>,
          %swap3A_925 = arith.constant 496 : index
          %swap3A_926 = tpu.vector_load %arg10[%swap3A_925] {strides = array<i32>} : memref<512xi32, #tpu.memory_space<vmem>>, vector<16xi32>,
          tpu.vector_store %arg10[%swap3A_925], %get3A_924 {strides = array<i32>} : memref<512xi32, #tpu.memory_space<vmem>>, vector<16xi32>,
          %add3A_927 = arith.constant 496 : i32
          %add3A_928 = arith.addi %and3A_549, %add3A_927 : i32
          %get3A_929 = arith.index_cast %add3A_928 : i32 to index
          %get3A_930 = tpu.vector_load %arg7[%get3A_929] {strides = array<i32>} : memref<8192xi32, #tpu.memory_space<vmem>>, vector<16xi32>,
          %swap3A_931 = arith.constant 496 : index
          %swap3A_932 = tpu.vector_load %arg11[%swap3A_931] {strides = array<i32>} : memref<512xi32, #tpu.memory_space<vmem>>, vector<16xi32>,
          tpu.vector_store %arg11[%swap3A_931], %get3A_930 {strides = array<i32>} : memref<512xi32, #tpu.memory_space<vmem>>, vector<16xi32>,
          %dma_start3A_933 = arith.constant 0 : i32
          %dma_start3A_934 = arith.constant 0 : i32
          %dma_start3A_935 = tpu.memref_slice %arg3[%dma_start3A_933, %dma_start3A_934] : memref<400000x16xf32, #tpu.memory_space<hbm>> -> memref<400000x16xf32, #tpu.memory_space<hbm>>
          tpu.enqueue_indirect_dma source(%dma_start3A_935 : memref<400000x16xf32, #tpu.memory_space<hbm>>) target(%arg13 : memref<512x16xf32, #tpu.memory_space<vmem>>) offsets(%arg11 : memref<512xi32, #tpu.memory_space<vmem>>) semaphore(%arg22 : memref<!tpu.dma_semaphore, #tpu.memory_space<semaphore_mem>>)
        } else {
        }
        %jit3A_504 = arith.constant 2 : i32
        %eq3A_505 = arith.constant 0 : i32
        %eq3A_506 = arith.cmpi eq, %jit3A_504, %eq3A_505 : i32
        %jit3A_507 = arith.constant 1 : i32
        %select_n3A_508 = arith.select %eq3A_506, %jit3A_507, %jit3A_504 : i32
        %rem3A_509 = arith.remsi %scan3A_206#1, %select_n3A_508 : i32
        %ne3A_510 = arith.constant 0 : i32
        %ne3A_511 = arith.cmpi ne, %rem3A_509, %ne3A_510 : i32
        %lt3A_512 = arith.constant 0 : i32
        %lt3A_513 = arith.cmpi slt, %rem3A_509, %lt3A_512 : i32
        %lt3A_514 = arith.constant 0 : i32
        %lt3A_515 = arith.cmpi slt, %select_n3A_508, %lt3A_514 : i32
        %ne3A_516 = arith.xori %lt3A_513, %lt3A_515 : i1
        %and3A_517 = arith.andi %ne3A_516, %ne3A_511 : i1
        %add3A_518 = arith.addi %rem3A_509, %select_n3A_508 : i32
        %select_n3A_519 = arith.select %and3A_517, %add3A_518, %rem3A_509 : i32
        %eq3A_520 = arith.constant 0 : i32
        %eq3A_521 = arith.cmpi eq, %select_n3A_519, %eq3A_520 : i32
        %convert_element_type3A_522 = arith.extui %eq3A_521 : i1 to i32
        %cond3A_523 = arith.constant 0 : i32
        %cond3A_524 = arith.cmpi ne, %convert_element_type3A_522, %cond3A_523 : i32
        scf.if %cond3A_524 {
          %dma_wait3A = arith.constant 0 : i32
          %dma_wait3A_546 = arith.constant 0 : i32
          %dma_wait3A_547 = tpu.memref_slice %arg3[%dma_wait3A, %dma_wait3A_546] : memref<400000x16xf32, #tpu.memory_space<hbm>> -> memref<400000x16xf32, #tpu.memory_space<hbm>>
          tpu.wait_indirect_dma semaphore(%arg22 : memref<!tpu.dma_semaphore, #tpu.memory_space<semaphore_mem>>) src(%dma_wait3A_547 : memref<400000x16xf32, #tpu.memory_space<hbm>>) dst(%arg12 : memref<512x16xf32, #tpu.memory_space<vmem>>)
          "tpu.region"() ({
            %run_scoped3A = tpu.sem_alloc : memref<!tpu.dma_semaphore, #tpu.memory_space<semaphore_mem>>
            %dma_start3A_548 = arith.constant 0 : i32
            %dma_start3A_549 = arith.constant 0 : i32
            %dma_start3A_550 = tpu.memref_slice %arg20[%dma_start3A_548, %dma_start3A_549] : memref<65552x16xf32, #tpu.memory_space<vmem_shared>> -> memref<65552x16xf32, #tpu.memory_space<vmem_shared>>
            tpu.enqueue_indirect_dma source(%arg12 : memref<512x16xf32, #tpu.memory_space<vmem>>) target(%dma_start3A_550 : memref<65552x16xf32, #tpu.memory_space<vmem_shared>>) offsets(%arg8 : memref<512xi32, #tpu.memory_space<vmem>>) semaphore(%run_scoped3A : memref<!tpu.dma_semaphore, #tpu.memory_space<semaphore_mem>>) {add = true}
            %dma_wait3A_551 = arith.constant 0 : i32
            %dma_wait3A_552 = arith.constant 0 : i32
            %dma_wait3A_553 = tpu.memref_slice %arg20[%dma_wait3A_551, %dma_wait3A_552] : memref<65552x16xf32, #tpu.memory_space<vmem_shared>> -> memref<65552x16xf32, #tpu.memory_space<vmem_shared>>
            tpu.wait_indirect_dma semaphore(%run_scoped3A : memref<!tpu.dma_semaphore, #tpu.memory_space<semaphore_mem>>) src(%arg12 : memref<512x16xf32, #tpu.memory_space<vmem>>) dst(%dma_wait3A_553 : memref<65552x16xf32, #tpu.memory_space<vmem_shared>>)
            tpu.yield
          }) : () -> ()
          "tpu.region"() ({
            %run_scoped3A = tpu.sem_alloc : memref<!tpu.dma_semaphore, #tpu.memory_space<semaphore_mem>>
            %dma_start3A_548 = arith.constant 0 : i32
            %dma_start3A_549 = tpu.memref_slice %arg21[%dma_start3A_548] : memref<65552xf32, #tpu.memory_space<vmem_shared>> -> memref<65552xf32, #tpu.memory_space<vmem_shared>>
            tpu.enqueue_indirect_dma source(%arg14 : memref<512xf32, #tpu.memory_space<vmem>>) target(%dma_start3A_549 : memref<65552xf32, #tpu.memory_space<vmem_shared>>) offsets(%arg8 : memref<512xi32, #tpu.memory_space<vmem>>) semaphore(%run_scoped3A : memref<!tpu.dma_semaphore, #tpu.memory_space<semaphore_mem>>) {add = true}
            %dma_wait3A_550 = arith.constant 0 : i32
            %dma_wait3A_551 = tpu.memref_slice %arg21[%dma_wait3A_550] : memref<65552xf32, #tpu.memory_space<vmem_shared>> -> memref<65552xf32, #tpu.memory_space<vmem_shared>>
            tpu.wait_indirect_dma semaphore(%run_scoped3A : memref<!tpu.dma_semaphore, #tpu.memory_space<semaphore_mem>>) src(%arg14 : memref<512xf32, #tpu.memory_space<vmem>>) dst(%dma_wait3A_551 : memref<65552xf32, #tpu.memory_space<vmem_shared>>)
            tpu.yield
          }) : () -> ()
        } else {
        }
        %jit3A_525 = arith.constant 2 : i32
        %eq3A_526 = arith.constant 0 : i32
        %eq3A_527 = arith.cmpi eq, %jit3A_525, %eq3A_526 : i32
        %jit3A_528 = arith.constant 1 : i32
        %select_n3A_529 = arith.select %eq3A_527, %jit3A_528, %jit3A_525 : i32
        %rem3A_530 = arith.remsi %scan3A_206#1, %select_n3A_529 : i32
        %ne3A_531 = arith.constant 0 : i32
        %ne3A_532 = arith.cmpi ne, %rem3A_530, %ne3A_531 : i32
        %lt3A_533 = arith.constant 0 : i32
        %lt3A_534 = arith.cmpi slt, %rem3A_530, %lt3A_533 : i32
        %lt3A_535 = arith.constant 0 : i32
        %lt3A_536 = arith.cmpi slt, %select_n3A_529, %lt3A_535 : i32
        %ne3A_537 = arith.xori %lt3A_534, %lt3A_536 : i1
        %and3A_538 = arith.andi %ne3A_537, %ne3A_532 : i1
        %add3A_539 = arith.addi %rem3A_530, %select_n3A_529 : i32
        %select_n3A_540 = arith.select %and3A_538, %add3A_539, %rem3A_530 : i32
        %eq3A_541 = arith.constant 1 : i32
        %eq3A_542 = arith.cmpi eq, %select_n3A_540, %eq3A_541 : i32
        %convert_element_type3A_543 = arith.extui %eq3A_542 : i1 to i32
        %cond3A_544 = arith.constant 0 : i32
        %cond3A_545 = arith.cmpi ne, %convert_element_type3A_543, %cond3A_544 : i32
        scf.if %cond3A_545 {
          %dma_wait3A = arith.constant 0 : i32
          %dma_wait3A_546 = arith.constant 0 : i32
          %dma_wait3A_547 = tpu.memref_slice %arg3[%dma_wait3A, %dma_wait3A_546] : memref<400000x16xf32, #tpu.memory_space<hbm>> -> memref<400000x16xf32, #tpu.memory_space<hbm>>
          tpu.wait_indirect_dma semaphore(%arg22 : memref<!tpu.dma_semaphore, #tpu.memory_space<semaphore_mem>>) src(%dma_wait3A_547 : memref<400000x16xf32, #tpu.memory_space<hbm>>) dst(%arg13 : memref<512x16xf32, #tpu.memory_space<vmem>>)
          "tpu.region"() ({
            %run_scoped3A = tpu.sem_alloc : memref<!tpu.dma_semaphore, #tpu.memory_space<semaphore_mem>>
            %dma_start3A_548 = arith.constant 0 : i32
            %dma_start3A_549 = arith.constant 0 : i32
            %dma_start3A_550 = tpu.memref_slice %arg20[%dma_start3A_548, %dma_start3A_549] : memref<65552x16xf32, #tpu.memory_space<vmem_shared>> -> memref<65552x16xf32, #tpu.memory_space<vmem_shared>>
            tpu.enqueue_indirect_dma source(%arg13 : memref<512x16xf32, #tpu.memory_space<vmem>>) target(%dma_start3A_550 : memref<65552x16xf32, #tpu.memory_space<vmem_shared>>) offsets(%arg10 : memref<512xi32, #tpu.memory_space<vmem>>) semaphore(%run_scoped3A : memref<!tpu.dma_semaphore, #tpu.memory_space<semaphore_mem>>) {add = true}
            %dma_wait3A_551 = arith.constant 0 : i32
            %dma_wait3A_552 = arith.constant 0 : i32
            %dma_wait3A_553 = tpu.memref_slice %arg20[%dma_wait3A_551, %dma_wait3A_552] : memref<65552x16xf32, #tpu.memory_space<vmem_shared>> -> memref<65552x16xf32, #tpu.memory_space<vmem_shared>>
            tpu.wait_indirect_dma semaphore(%run_scoped3A : memref<!tpu.dma_semaphore, #tpu.memory_space<semaphore_mem>>) src(%arg13 : memref<512x16xf32, #tpu.memory_space<vmem>>) dst(%dma_wait3A_553 : memref<65552x16xf32, #tpu.memory_space<vmem_shared>>)
            tpu.yield
          }) : () -> ()
          "tpu.region"() ({
            %run_scoped3A = tpu.sem_alloc : memref<!tpu.dma_semaphore, #tpu.memory_space<semaphore_mem>>
            %dma_start3A_548 = arith.constant 0 : i32
            %dma_start3A_549 = tpu.memref_slice %arg21[%dma_start3A_548] : memref<65552xf32, #tpu.memory_space<vmem_shared>> -> memref<65552xf32, #tpu.memory_space<vmem_shared>>
            tpu.enqueue_indirect_dma source(%arg14 : memref<512xf32, #tpu.memory_space<vmem>>) target(%dma_start3A_549 : memref<65552xf32, #tpu.memory_space<vmem_shared>>) offsets(%arg10 : memref<512xi32, #tpu.memory_space<vmem>>) semaphore(%run_scoped3A : memref<!tpu.dma_semaphore, #tpu.memory_space<semaphore_mem>>) {add = true}
            %dma_wait3A_550 = arith.constant 0 : i32
            %dma_wait3A_551 = tpu.memref_slice %arg21[%dma_wait3A_550] : memref<65552xf32, #tpu.memory_space<vmem_shared>> -> memref<65552xf32, #tpu.memory_space<vmem_shared>>
            tpu.wait_indirect_dma semaphore(%run_scoped3A : memref<!tpu.dma_semaphore, #tpu.memory_space<semaphore_mem>>) src(%arg14 : memref<512xf32, #tpu.memory_space<vmem>>) dst(%dma_wait3A_551 : memref<65552xf32, #tpu.memory_space<vmem_shared>>)
            tpu.yield
          }) : () -> ()
        } else {
        }
      } else {
      }
      %barrier3A_215 = arith.constant 0 : index
      tpu.barrier barrier_id(%barrier3A_215)
      %jit3A = arith.constant 2 : i32
      %div3A = arith.divsi %arg1, %jit3A : i32
      %sign3A = arith.constant 0 : i32
      %sign3A_216 = arith.cmpi sgt, %arg1, %sign3A : i32
      %sign3A_217 = arith.extui %sign3A_216 : i1 to i32
      %sign3A_218 = arith.constant 0 : i32
      %sign3A_219 = arith.cmpi slt, %arg1, %sign3A_218 : i32
      %sign3A_220 = arith.extui %sign3A_219 : i1 to i32
      %sign3A_221 = arith.subi %sign3A_217, %sign3A_220 : i32
      %sign3A_222 = arith.constant 0 : i32
      %sign3A_223 = arith.cmpi sgt, %jit3A, %sign3A_222 : i32
      %sign3A_224 = arith.extui %sign3A_223 : i1 to i32
      %sign3A_225 = arith.constant 0 : i32
      %sign3A_226 = arith.cmpi slt, %jit3A, %sign3A_225 : i32
      %sign3A_227 = arith.extui %sign3A_226 : i1 to i32
      %sign3A_228 = arith.subi %sign3A_224, %sign3A_227 : i32
      %ne3A = arith.cmpi ne, %sign3A_221, %sign3A_228 : i32
      %rem3A = arith.remsi %arg1, %jit3A : i32
      %ne3A_229 = arith.constant 0 : i32
      %ne3A_230 = arith.cmpi ne, %rem3A, %ne3A_229 : i32
      %and3A = arith.andi %ne3A, %ne3A_230 : i1
      %sub3A = arith.constant 1 : i32
      %sub3A_231 = arith.subi %div3A, %sub3A : i32
      %select_n3A = arith.select %and3A, %sub3A_231, %div3A : i32
      %jit3A_232 = arith.constant 2 : i32
      %eq3A = arith.constant 0 : i32
      %eq3A_233 = arith.cmpi eq, %jit3A_232, %eq3A : i32
      %jit3A_234 = arith.constant 1 : i32
      %select_n3A_235 = arith.select %eq3A_233, %jit3A_234, %jit3A_232 : i32
      %rem3A_236 = arith.remsi %arg1, %select_n3A_235 : i32
      %ne3A_237 = arith.constant 0 : i32
      %ne3A_238 = arith.cmpi ne, %rem3A_236, %ne3A_237 : i32
      %lt3A = arith.constant 0 : i32
      %lt3A_239 = arith.cmpi slt, %rem3A_236, %lt3A : i32
      %lt3A_240 = arith.constant 0 : i32
      %lt3A_241 = arith.cmpi slt, %select_n3A_235, %lt3A_240 : i32
      %ne3A_242 = arith.xori %lt3A_239, %lt3A_241 : i1
      %and3A_243 = arith.andi %ne3A_242, %ne3A_238 : i1
      %add3A_244 = arith.addi %rem3A_236, %select_n3A_235 : i32
      %select_n3A_245 = arith.select %and3A_243, %add3A_244, %rem3A_236 : i32
      %mul3A_246 = arith.constant 16 : i32
      %mul3A_247 = arith.muli %select_n3A_245, %mul3A_246 : i32
      %mul3A_248 = arith.constant 2 : i32
      %mul3A_249 = arith.muli %scan3A_179, %mul3A_248 : i32
      %add3A_250 = arith.addi %mul3A_249, %arg0 : i32
      %mul3A_251 = arith.constant 8 : i32
      %mul3A_252 = arith.muli %add3A_250, %mul3A_251 : i32
      %add3A_253 = arith.addi %mul3A_252, %select_n3A : i32
      %broadcast_in_dim3A_254 = arith.constant 9.99999993E-9 : f32
      %broadcast_in_dim3A_255 = vector.broadcast %broadcast_in_dim3A_254 : f32 to vector<16xf32>
      %scan3A_256 = arith.constant 0 : i32
      %scan3A_257 = arith.constant 0 : i32
      %scan3A_258 = arith.constant 16 : i32
      %scan3A_259 = arith.addi %scan3A_257, %scan3A_258 : i32
      %scan3A_260 = arith.constant 1 : i32
      %scan3A_261 = scf.for %scan3A_298 = %scan3A_257 to %scan3A_259 step %scan3A_260 iter_args(%scan3A_299 = %scan3A_256) -> (i32)  : i32 {
        %add3A_300 = arith.addi %mul3A_247, %scan3A_298 : i32
        %mul3A_301 = arith.constant 32 : i32
        %mul3A_302 = arith.muli %select_n3A, %mul3A_301 : i32
        %add3A_303 = arith.addi %mul3A_302, %add3A_300 : i32
        %mul3A_304 = arith.constant 256 : i32
        %mul3A_305 = arith.muli %add3A_303, %mul3A_304 : i32
        "tpu.region"() ({
          %run_scoped3A = tpu.sem_alloc : memref<!tpu.dma_semaphore, #tpu.memory_space<semaphore_mem>>
          %dma_start3A_321 = arith.constant 0 : i32
          %dma_start3A_322 = arith.constant 0 : i32
          %dma_start3A_323 = tpu.memref_slice %arg12[%dma_start3A_321, %dma_start3A_322] : memref<512x16xf32, #tpu.memory_space<vmem>> -> memref<256x16xf32, #tpu.memory_space<vmem>>
          %dma_start3A_324 = arith.constant 0 : i32
          %dma_start3A_325 = tpu.memref_slice %arg20[%mul3A_305, %dma_start3A_324] : memref<65552x16xf32, #tpu.memory_space<vmem_shared>> -> memref<256x16xf32, #tpu.memory_space<vmem_shared>>
          %dma_start3A_326 = arith.constant 0 : i32
          %dma_start3A_327 = arith.constant 0 : i32
          %dma_start3A_328 = tpu.memref_slice %arg12[%dma_start3A_326, %dma_start3A_327] : memref<512x16xf32, #tpu.memory_space<vmem>> -> memref<256x16xf32, #tpu.memory_space<vmem>>
          %dma_start3A_329 = arith.constant 0 : i32
          %dma_start3A_330 = tpu.memref_slice %arg20[%mul3A_305, %dma_start3A_329] : memref<65552x16xf32, #tpu.memory_space<vmem_shared>> -> memref<256x16xf32, #tpu.memory_space<vmem_shared>>
          tpu.enqueue_dma source(%dma_start3A_330 : memref<256x16xf32, #tpu.memory_space<vmem_shared>>) target(%dma_start3A_328 : memref<256x16xf32, #tpu.memory_space<vmem>>) target_semaphore(%run_scoped3A : memref<!tpu.dma_semaphore, #tpu.memory_space<semaphore_mem>>)
          %dma_wait3A = arith.constant 0 : i32
          %dma_wait3A_331 = arith.constant 0 : i32
          %dma_wait3A_332 = tpu.memref_slice %arg12[%dma_wait3A, %dma_wait3A_331] : memref<512x16xf32, #tpu.memory_space<vmem>> -> memref<256x16xf32, #tpu.memory_space<vmem>>
          %dma_wait3A_333 = arith.constant 0 : i32
          %dma_wait3A_334 = tpu.memref_slice %arg20[%mul3A_305, %dma_wait3A_333] : memref<65552x16xf32, #tpu.memory_space<vmem_shared>> -> memref<256x16xf32, #tpu.memory_space<vmem_shared>>
          %dma_wait3A_335 = arith.constant 0 : i32
          %dma_wait3A_336 = arith.constant 0 : i32
          %dma_wait3A_337 = tpu.memref_slice %arg12[%dma_wait3A_335, %dma_wait3A_336] : memref<512x16xf32, #tpu.memory_space<vmem>> -> memref<256x16xf32, #tpu.memory_space<vmem>>
          %dma_wait3A_338 = arith.constant 0 : i32
          %dma_wait3A_339 = tpu.memref_slice %arg20[%mul3A_305, %dma_wait3A_338] : memref<65552x16xf32, #tpu.memory_space<vmem_shared>> -> memref<256x16xf32, #tpu.memory_space<vmem_shared>>
          tpu.wait_dma2 semaphore(%run_scoped3A : memref<!tpu.dma_semaphore, #tpu.memory_space<semaphore_mem>>) src(%dma_wait3A_339 : memref<256x16xf32, #tpu.memory_space<vmem_shared>>) dst(%dma_wait3A_337 : memref<256x16xf32, #tpu.memory_space<vmem>>)
          tpu.yield
        }) : () -> ()
        "tpu.region"() ({
          %run_scoped3A = tpu.sem_alloc : memref<!tpu.dma_semaphore, #tpu.memory_space<semaphore_mem>>
          %dma_start3A_321 = tpu.memref_slice %arg21[%mul3A_305] : memref<65552xf32, #tpu.memory_space<vmem_shared>> -> memref<256xf32, #tpu.memory_space<vmem_shared>>
          %dma_start3A_322 = tpu.memref_slice %arg21[%mul3A_305] : memref<65552xf32, #tpu.memory_space<vmem_shared>> -> memref<256xf32, #tpu.memory_space<vmem_shared>>
          tpu.enqueue_dma source(%dma_start3A_322 : memref<256xf32, #tpu.memory_space<vmem_shared>>) target(%arg18 : memref<256xf32, #tpu.memory_space<vmem>>) target_semaphore(%run_scoped3A : memref<!tpu.dma_semaphore, #tpu.memory_space<semaphore_mem>>)
          %dma_wait3A = tpu.memref_slice %arg21[%mul3A_305] : memref<65552xf32, #tpu.memory_space<vmem_shared>> -> memref<256xf32, #tpu.memory_space<vmem_shared>>
          %dma_wait3A_323 = tpu.memref_slice %arg21[%mul3A_305] : memref<65552xf32, #tpu.memory_space<vmem_shared>> -> memref<256xf32, #tpu.memory_space<vmem_shared>>
          tpu.wait_dma2 semaphore(%run_scoped3A : memref<!tpu.dma_semaphore, #tpu.memory_space<semaphore_mem>>) src(%dma_wait3A_323 : memref<256xf32, #tpu.memory_space<vmem_shared>>) dst(%arg18 : memref<256xf32, #tpu.memory_space<vmem>>)
          tpu.yield
        }) : () -> ()
        %scan3A_306 = arith.constant 0 : i32
        %scan3A_307 = arith.constant 0 : i32
        %scan3A_308 = arith.constant 16 : i32
        %scan3A_309 = arith.addi %scan3A_307, %scan3A_308 : i32
        %scan3A_310 = arith.constant 1 : i32
        %scan3A_311 = scf.for %scan3A_321 = %scan3A_307 to %scan3A_309 step %scan3A_310 iter_args(%scan3A_322 = %scan3A_306) -> (i32)  : i32 {
          %mul3A_323 = arith.constant 16 : i32
          %mul3A_324 = arith.muli %scan3A_321, %mul3A_323 : i32
          %get3A = arith.index_cast %mul3A_324 : i32 to index
          %get3A_325 = tpu.vector_load %arg18[%get3A] {strides = array<i32>} : memref<256xf32, #tpu.memory_space<vmem>>, vector<16xf32>,
          %gt3A_326 = arith.cmpf ogt, %get3A_325, %broadcast_in_dim3A_3 : vector<16xf32>
          %broadcast_in_dim3A_327 = arith.constant 1.000000e+00 : f32
          %broadcast_in_dim3A_328 = vector.broadcast %broadcast_in_dim3A_327 : f32 to vector<16xf32>
          %add3A_329 = arith.addf %get3A_325, %broadcast_in_dim3A_255 : vector<16xf32>
          %div3A_330 = arith.divf %broadcast_in_dim3A_328, %add3A_329 : vector<16xf32>
          %select_n3A_331 = arith.select %gt3A_326, %div3A_330, %broadcast_in_dim3A_3 : vector<16xi1>, vector<16xf32>
          %mul3A_332 = arith.constant 16 : i32
          %mul3A_333 = arith.muli %scan3A_321, %mul3A_332 : i32
          %swap3A_334 = arith.index_cast %mul3A_333 : i32 to index
          %swap3A_335 = tpu.vector_load %arg19[%swap3A_334] {strides = array<i32>} : memref<256xf32, #tpu.memory_space<vmem>>, vector<16xf32>,
          tpu.vector_store %arg19[%swap3A_334], %select_n3A_331 {strides = array<i32>} : memref<256xf32, #tpu.memory_space<vmem>>, vector<16xf32>,
          %scan3A_336 = arith.constant 0 : i32
          scf.yield %scan3A_336 : i32
        }
        %scan3A_312 = arith.constant 16 : i32
        %scan3A_313 = arith.constant 0 : i32
        %scan3A_314 = arith.constant 0 : i32
        %scan3A_315 = arith.constant 16 : i32
        %scan3A_316 = arith.addi %scan3A_314, %scan3A_315 : i32
        %scan3A_317 = arith.constant 1 : i32
        %scan3A_318 = scf.for %scan3A_321 = %scan3A_314 to %scan3A_316 step %scan3A_317 iter_args(%scan3A_322 = %scan3A_313) -> (i32)  : i32 {
          %mul3A_323 = arith.constant 16 : i32
          %mul3A_324 = arith.muli %scan3A_321, %mul3A_323 : i32
          %get3A = arith.index_cast %mul3A_324 : i32 to index
          %get3A_325 = tpu.vector_load %arg19[%get3A] {strides = array<i32>} : memref<256xf32, #tpu.memory_space<vmem>>, vector<16xf32>,
          %mul3A_326 = arith.constant 16 : i32
          %mul3A_327 = arith.muli %scan3A_321, %mul3A_326 : i32
          %broadcast_in_dim3A_328 = vector.broadcast %mul3A_327 : i32 to vector<16xi32>
          %add3A_329 = arith.addi %broadcast_in_dim3A_328, %iota3A : vector<16xi32>
          %broadcast_in_dim3A_330 = arith.constant 0 : i32
          %broadcast_in_dim3A_331 = vector.broadcast %broadcast_in_dim3A_330 : i32 to vector<16xi32>
          %gather3A = arith.constant 0 : i32
          %gather3A_332 = arith.constant 0 : i32
          %gather3A_333 = tpu.memref_slice %arg12[%gather3A, %gather3A_332] : memref<512x16xf32, #tpu.memory_space<vmem>> -> memref<256x16xf32, #tpu.memory_space<vmem>>
          %gather3A_334 = tpu.vector_load_idx %gather3A_333[%add3A_329, %broadcast_in_dim3A_331] : memref<256x16xf32, #tpu.memory_space<vmem>>[vector<16xi32>, vector<16xi32>], vector<16xf32>,
          %mul3A_335 = arith.mulf %gather3A_334, %get3A_325 : vector<16xf32>
          %mul3A_336 = arith.constant 16 : i32
          %mul3A_337 = arith.muli %scan3A_321, %mul3A_336 : i32
          %swap3A_338 = arith.constant 0 : i32
          %swap3A_339 = arith.index_cast %swap3A_338 : i32 to index
          %swap3A_340 = arith.index_cast %mul3A_337 : i32 to index
          %swap3A_341 = tpu.vector_load %arg17[%swap3A_339, %swap3A_340] {strides = array<i32>} : memref<16x256xf32, #tpu.memory_space<vmem>>, vector<16xf32>,
          tpu.vector_store %arg17[%swap3A_339, %swap3A_340], %mul3A_335 {strides = array<i32>} : memref<16x256xf32, #tpu.memory_space<vmem>>, vector<16xf32>,
          %broadcast_in_dim3A_342 = arith.constant 1 : i32
          %broadcast_in_dim3A_343 = vector.broadcast %broadcast_in_dim3A_342 : i32 to vector<16xi32>
          %gather3A_344 = arith.constant 0 : i32
          %gather3A_345 = arith.constant 0 : i32
          %gather3A_346 = tpu.memref_slice %arg12[%gather3A_344, %gather3A_345] : memref<512x16xf32, #tpu.memory_space<vmem>> -> memref<256x16xf32, #tpu.memory_space<vmem>>
          %gather3A_347 = tpu.vector_load_idx %gather3A_346[%add3A_329, %broadcast_in_dim3A_343] : memref<256x16xf32, #tpu.memory_space<vmem>>[vector<16xi32>, vector<16xi32>], vector<16xf32>,
          %mul3A_348 = arith.mulf %gather3A_347, %get3A_325 : vector<16xf32>
          %mul3A_349 = arith.constant 16 : i32
          %mul3A_350 = arith.muli %scan3A_321, %mul3A_349 : i32
          %swap3A_351 = arith.constant 1 : i32
          %swap3A_352 = arith.index_cast %swap3A_351 : i32 to index
          %swap3A_353 = arith.index_cast %mul3A_350 : i32 to index
          %swap3A_354 = tpu.vector_load %arg17[%swap3A_352, %swap3A_353] {strides = array<i32>} : memref<16x256xf32, #tpu.memory_space<vmem>>, vector<16xf32>,
          tpu.vector_store %arg17[%swap3A_352, %swap3A_353], %mul3A_348 {strides = array<i32>} : memref<16x256xf32, #tpu.memory_space<vmem>>, vector<16xf32>,
          %broadcast_in_dim3A_355 = arith.constant 2 : i32
          %broadcast_in_dim3A_356 = vector.broadcast %broadcast_in_dim3A_355 : i32 to vector<16xi32>
          %gather3A_357 = arith.constant 0 : i32
          %gather3A_358 = arith.constant 0 : i32
          %gather3A_359 = tpu.memref_slice %arg12[%gather3A_357, %gather3A_358] : memref<512x16xf32, #tpu.memory_space<vmem>> -> memref<256x16xf32, #tpu.memory_space<vmem>>
          %gather3A_360 = tpu.vector_load_idx %gather3A_359[%add3A_329, %broadcast_in_dim3A_356] : memref<256x16xf32, #tpu.memory_space<vmem>>[vector<16xi32>, vector<16xi32>], vector<16xf32>,
          %mul3A_361 = arith.mulf %gather3A_360, %get3A_325 : vector<16xf32>
          %mul3A_362 = arith.constant 16 : i32
          %mul3A_363 = arith.muli %scan3A_321, %mul3A_362 : i32
          %swap3A_364 = arith.constant 2 : i32
          %swap3A_365 = arith.index_cast %swap3A_364 : i32 to index
          %swap3A_366 = arith.index_cast %mul3A_363 : i32 to index
          %swap3A_367 = tpu.vector_load %arg17[%swap3A_365, %swap3A_366] {strides = array<i32>} : memref<16x256xf32, #tpu.memory_space<vmem>>, vector<16xf32>,
          tpu.vector_store %arg17[%swap3A_365, %swap3A_366], %mul3A_361 {strides = array<i32>} : memref<16x256xf32, #tpu.memory_space<vmem>>, vector<16xf32>,
          %broadcast_in_dim3A_368 = arith.constant 3 : i32
          %broadcast_in_dim3A_369 = vector.broadcast %broadcast_in_dim3A_368 : i32 to vector<16xi32>
          %gather3A_370 = arith.constant 0 : i32
          %gather3A_371 = arith.constant 0 : i32
          %gather3A_372 = tpu.memref_slice %arg12[%gather3A_370, %gather3A_371] : memref<512x16xf32, #tpu.memory_space<vmem>> -> memref<256x16xf32, #tpu.memory_space<vmem>>
          %gather3A_373 = tpu.vector_load_idx %gather3A_372[%add3A_329, %broadcast_in_dim3A_369] : memref<256x16xf32, #tpu.memory_space<vmem>>[vector<16xi32>, vector<16xi32>], vector<16xf32>,
          %mul3A_374 = arith.mulf %gather3A_373, %get3A_325 : vector<16xf32>
          %mul3A_375 = arith.constant 16 : i32
          %mul3A_376 = arith.muli %scan3A_321, %mul3A_375 : i32
          %swap3A_377 = arith.constant 3 : i32
          %swap3A_378 = arith.index_cast %swap3A_377 : i32 to index
          %swap3A_379 = arith.index_cast %mul3A_376 : i32 to index
          %swap3A_380 = tpu.vector_load %arg17[%swap3A_378, %swap3A_379] {strides = array<i32>} : memref<16x256xf32, #tpu.memory_space<vmem>>, vector<16xf32>,
          tpu.vector_store %arg17[%swap3A_378, %swap3A_379], %mul3A_374 {strides = array<i32>} : memref<16x256xf32, #tpu.memory_space<vmem>>, vector<16xf32>,
          %broadcast_in_dim3A_381 = arith.constant 4 : i32
          %broadcast_in_dim3A_382 = vector.broadcast %broadcast_in_dim3A_381 : i32 to vector<16xi32>
          %gather3A_383 = arith.constant 0 : i32
          %gather3A_384 = arith.constant 0 : i32
          %gather3A_385 = tpu.memref_slice %arg12[%gather3A_383, %gather3A_384] : memref<512x16xf32, #tpu.memory_space<vmem>> -> memref<256x16xf32, #tpu.memory_space<vmem>>
          %gather3A_386 = tpu.vector_load_idx %gather3A_385[%add3A_329, %broadcast_in_dim3A_382] : memref<256x16xf32, #tpu.memory_space<vmem>>[vector<16xi32>, vector<16xi32>], vector<16xf32>,
          %mul3A_387 = arith.mulf %gather3A_386, %get3A_325 : vector<16xf32>
          %mul3A_388 = arith.constant 16 : i32
          %mul3A_389 = arith.muli %scan3A_321, %mul3A_388 : i32
          %swap3A_390 = arith.constant 4 : i32
          %swap3A_391 = arith.index_cast %swap3A_390 : i32 to index
          %swap3A_392 = arith.index_cast %mul3A_389 : i32 to index
          %swap3A_393 = tpu.vector_load %arg17[%swap3A_391, %swap3A_392] {strides = array<i32>} : memref<16x256xf32, #tpu.memory_space<vmem>>, vector<16xf32>,
          tpu.vector_store %arg17[%swap3A_391, %swap3A_392], %mul3A_387 {strides = array<i32>} : memref<16x256xf32, #tpu.memory_space<vmem>>, vector<16xf32>,
          %broadcast_in_dim3A_394 = arith.constant 5 : i32
          %broadcast_in_dim3A_395 = vector.broadcast %broadcast_in_dim3A_394 : i32 to vector<16xi32>
          %gather3A_396 = arith.constant 0 : i32
          %gather3A_397 = arith.constant 0 : i32
          %gather3A_398 = tpu.memref_slice %arg12[%gather3A_396, %gather3A_397] : memref<512x16xf32, #tpu.memory_space<vmem>> -> memref<256x16xf32, #tpu.memory_space<vmem>>
          %gather3A_399 = tpu.vector_load_idx %gather3A_398[%add3A_329, %broadcast_in_dim3A_395] : memref<256x16xf32, #tpu.memory_space<vmem>>[vector<16xi32>, vector<16xi32>], vector<16xf32>,
          %mul3A_400 = arith.mulf %gather3A_399, %get3A_325 : vector<16xf32>
          %mul3A_401 = arith.constant 16 : i32
          %mul3A_402 = arith.muli %scan3A_321, %mul3A_401 : i32
          %swap3A_403 = arith.constant 5 : i32
          %swap3A_404 = arith.index_cast %swap3A_403 : i32 to index
          %swap3A_405 = arith.index_cast %mul3A_402 : i32 to index
          %swap3A_406 = tpu.vector_load %arg17[%swap3A_404, %swap3A_405] {strides = array<i32>} : memref<16x256xf32, #tpu.memory_space<vmem>>, vector<16xf32>,
          tpu.vector_store %arg17[%swap3A_404, %swap3A_405], %mul3A_400 {strides = array<i32>} : memref<16x256xf32, #tpu.memory_space<vmem>>, vector<16xf32>,
          %broadcast_in_dim3A_407 = arith.constant 6 : i32
          %broadcast_in_dim3A_408 = vector.broadcast %broadcast_in_dim3A_407 : i32 to vector<16xi32>
          %gather3A_409 = arith.constant 0 : i32
          %gather3A_410 = arith.constant 0 : i32
          %gather3A_411 = tpu.memref_slice %arg12[%gather3A_409, %gather3A_410] : memref<512x16xf32, #tpu.memory_space<vmem>> -> memref<256x16xf32, #tpu.memory_space<vmem>>
          %gather3A_412 = tpu.vector_load_idx %gather3A_411[%add3A_329, %broadcast_in_dim3A_408] : memref<256x16xf32, #tpu.memory_space<vmem>>[vector<16xi32>, vector<16xi32>], vector<16xf32>,
          %mul3A_413 = arith.mulf %gather3A_412, %get3A_325 : vector<16xf32>
          %mul3A_414 = arith.constant 16 : i32
          %mul3A_415 = arith.muli %scan3A_321, %mul3A_414 : i32
          %swap3A_416 = arith.constant 6 : i32
          %swap3A_417 = arith.index_cast %swap3A_416 : i32 to index
          %swap3A_418 = arith.index_cast %mul3A_415 : i32 to index
          %swap3A_419 = tpu.vector_load %arg17[%swap3A_417, %swap3A_418] {strides = array<i32>} : memref<16x256xf32, #tpu.memory_space<vmem>>, vector<16xf32>,
          tpu.vector_store %arg17[%swap3A_417, %swap3A_418], %mul3A_413 {strides = array<i32>} : memref<16x256xf32, #tpu.memory_space<vmem>>, vector<16xf32>,
          %broadcast_in_dim3A_420 = arith.constant 7 : i32
          %broadcast_in_dim3A_421 = vector.broadcast %broadcast_in_dim3A_420 : i32 to vector<16xi32>
          %gather3A_422 = arith.constant 0 : i32
          %gather3A_423 = arith.constant 0 : i32
          %gather3A_424 = tpu.memref_slice %arg12[%gather3A_422, %gather3A_423] : memref<512x16xf32, #tpu.memory_space<vmem>> -> memref<256x16xf32, #tpu.memory_space<vmem>>
          %gather3A_425 = tpu.vector_load_idx %gather3A_424[%add3A_329, %broadcast_in_dim3A_421] : memref<256x16xf32, #tpu.memory_space<vmem>>[vector<16xi32>, vector<16xi32>], vector<16xf32>,
          %mul3A_426 = arith.mulf %gather3A_425, %get3A_325 : vector<16xf32>
          %mul3A_427 = arith.constant 16 : i32
          %mul3A_428 = arith.muli %scan3A_321, %mul3A_427 : i32
          %swap3A_429 = arith.constant 7 : i32
          %swap3A_430 = arith.index_cast %swap3A_429 : i32 to index
          %swap3A_431 = arith.index_cast %mul3A_428 : i32 to index
          %swap3A_432 = tpu.vector_load %arg17[%swap3A_430, %swap3A_431] {strides = array<i32>} : memref<16x256xf32, #tpu.memory_space<vmem>>, vector<16xf32>,
          tpu.vector_store %arg17[%swap3A_430, %swap3A_431], %mul3A_426 {strides = array<i32>} : memref<16x256xf32, #tpu.memory_space<vmem>>, vector<16xf32>,
          %broadcast_in_dim3A_433 = arith.constant 8 : i32
          %broadcast_in_dim3A_434 = vector.broadcast %broadcast_in_dim3A_433 : i32 to vector<16xi32>
          %gather3A_435 = arith.constant 0 : i32
          %gather3A_436 = arith.constant 0 : i32
          %gather3A_437 = tpu.memref_slice %arg12[%gather3A_435, %gather3A_436] : memref<512x16xf32, #tpu.memory_space<vmem>> -> memref<256x16xf32, #tpu.memory_space<vmem>>
          %gather3A_438 = tpu.vector_load_idx %gather3A_437[%add3A_329, %broadcast_in_dim3A_434] : memref<256x16xf32, #tpu.memory_space<vmem>>[vector<16xi32>, vector<16xi32>], vector<16xf32>,
          %mul3A_439 = arith.mulf %gather3A_438, %get3A_325 : vector<16xf32>
          %mul3A_440 = arith.constant 16 : i32
          %mul3A_441 = arith.muli %scan3A_321, %mul3A_440 : i32
          %swap3A_442 = arith.constant 8 : i32
          %swap3A_443 = arith.index_cast %swap3A_442 : i32 to index
          %swap3A_444 = arith.index_cast %mul3A_441 : i32 to index
          %swap3A_445 = tpu.vector_load %arg17[%swap3A_443, %swap3A_444] {strides = array<i32>} : memref<16x256xf32, #tpu.memory_space<vmem>>, vector<16xf32>,
          tpu.vector_store %arg17[%swap3A_443, %swap3A_444], %mul3A_439 {strides = array<i32>} : memref<16x256xf32, #tpu.memory_space<vmem>>, vector<16xf32>,
          %broadcast_in_dim3A_446 = arith.constant 9 : i32
          %broadcast_in_dim3A_447 = vector.broadcast %broadcast_in_dim3A_446 : i32 to vector<16xi32>
          %gather3A_448 = arith.constant 0 : i32
          %gather3A_449 = arith.constant 0 : i32
          %gather3A_450 = tpu.memref_slice %arg12[%gather3A_448, %gather3A_449] : memref<512x16xf32, #tpu.memory_space<vmem>> -> memref<256x16xf32, #tpu.memory_space<vmem>>
          %gather3A_451 = tpu.vector_load_idx %gather3A_450[%add3A_329, %broadcast_in_dim3A_447] : memref<256x16xf32, #tpu.memory_space<vmem>>[vector<16xi32>, vector<16xi32>], vector<16xf32>,
          %mul3A_452 = arith.mulf %gather3A_451, %get3A_325 : vector<16xf32>
          %mul3A_453 = arith.constant 16 : i32
          %mul3A_454 = arith.muli %scan3A_321, %mul3A_453 : i32
          %swap3A_455 = arith.constant 9 : i32
          %swap3A_456 = arith.index_cast %swap3A_455 : i32 to index
          %swap3A_457 = arith.index_cast %mul3A_454 : i32 to index
          %swap3A_458 = tpu.vector_load %arg17[%swap3A_456, %swap3A_457] {strides = array<i32>} : memref<16x256xf32, #tpu.memory_space<vmem>>, vector<16xf32>,
          tpu.vector_store %arg17[%swap3A_456, %swap3A_457], %mul3A_452 {strides = array<i32>} : memref<16x256xf32, #tpu.memory_space<vmem>>, vector<16xf32>,
          %broadcast_in_dim3A_459 = arith.constant 10 : i32
          %broadcast_in_dim3A_460 = vector.broadcast %broadcast_in_dim3A_459 : i32 to vector<16xi32>
          %gather3A_461 = arith.constant 0 : i32
          %gather3A_462 = arith.constant 0 : i32
          %gather3A_463 = tpu.memref_slice %arg12[%gather3A_461, %gather3A_462] : memref<512x16xf32, #tpu.memory_space<vmem>> -> memref<256x16xf32, #tpu.memory_space<vmem>>
          %gather3A_464 = tpu.vector_load_idx %gather3A_463[%add3A_329, %broadcast_in_dim3A_460] : memref<256x16xf32, #tpu.memory_space<vmem>>[vector<16xi32>, vector<16xi32>], vector<16xf32>,
          %mul3A_465 = arith.mulf %gather3A_464, %get3A_325 : vector<16xf32>
          %mul3A_466 = arith.constant 16 : i32
          %mul3A_467 = arith.muli %scan3A_321, %mul3A_466 : i32
          %swap3A_468 = arith.constant 10 : i32
          %swap3A_469 = arith.index_cast %swap3A_468 : i32 to index
          %swap3A_470 = arith.index_cast %mul3A_467 : i32 to index
          %swap3A_471 = tpu.vector_load %arg17[%swap3A_469, %swap3A_470] {strides = array<i32>} : memref<16x256xf32, #tpu.memory_space<vmem>>, vector<16xf32>,
          tpu.vector_store %arg17[%swap3A_469, %swap3A_470], %mul3A_465 {strides = array<i32>} : memref<16x256xf32, #tpu.memory_space<vmem>>, vector<16xf32>,
          %broadcast_in_dim3A_472 = arith.constant 11 : i32
          %broadcast_in_dim3A_473 = vector.broadcast %broadcast_in_dim3A_472 : i32 to vector<16xi32>
          %gather3A_474 = arith.constant 0 : i32
          %gather3A_475 = arith.constant 0 : i32
          %gather3A_476 = tpu.memref_slice %arg12[%gather3A_474, %gather3A_475] : memref<512x16xf32, #tpu.memory_space<vmem>> -> memref<256x16xf32, #tpu.memory_space<vmem>>
          %gather3A_477 = tpu.vector_load_idx %gather3A_476[%add3A_329, %broadcast_in_dim3A_473] : memref<256x16xf32, #tpu.memory_space<vmem>>[vector<16xi32>, vector<16xi32>], vector<16xf32>,
          %mul3A_478 = arith.mulf %gather3A_477, %get3A_325 : vector<16xf32>
          %mul3A_479 = arith.constant 16 : i32
          %mul3A_480 = arith.muli %scan3A_321, %mul3A_479 : i32
          %swap3A_481 = arith.constant 11 : i32
          %swap3A_482 = arith.index_cast %swap3A_481 : i32 to index
          %swap3A_483 = arith.index_cast %mul3A_480 : i32 to index
          %swap3A_484 = tpu.vector_load %arg17[%swap3A_482, %swap3A_483] {strides = array<i32>} : memref<16x256xf32, #tpu.memory_space<vmem>>, vector<16xf32>,
          tpu.vector_store %arg17[%swap3A_482, %swap3A_483], %mul3A_478 {strides = array<i32>} : memref<16x256xf32, #tpu.memory_space<vmem>>, vector<16xf32>,
          %broadcast_in_dim3A_485 = arith.constant 12 : i32
          %broadcast_in_dim3A_486 = vector.broadcast %broadcast_in_dim3A_485 : i32 to vector<16xi32>
          %gather3A_487 = arith.constant 0 : i32
          %gather3A_488 = arith.constant 0 : i32
          %gather3A_489 = tpu.memref_slice %arg12[%gather3A_487, %gather3A_488] : memref<512x16xf32, #tpu.memory_space<vmem>> -> memref<256x16xf32, #tpu.memory_space<vmem>>
          %gather3A_490 = tpu.vector_load_idx %gather3A_489[%add3A_329, %broadcast_in_dim3A_486] : memref<256x16xf32, #tpu.memory_space<vmem>>[vector<16xi32>, vector<16xi32>], vector<16xf32>,
          %mul3A_491 = arith.mulf %gather3A_490, %get3A_325 : vector<16xf32>
          %mul3A_492 = arith.constant 16 : i32
          %mul3A_493 = arith.muli %scan3A_321, %mul3A_492 : i32
          %swap3A_494 = arith.constant 12 : i32
          %swap3A_495 = arith.index_cast %swap3A_494 : i32 to index
          %swap3A_496 = arith.index_cast %mul3A_493 : i32 to index
          %swap3A_497 = tpu.vector_load %arg17[%swap3A_495, %swap3A_496] {strides = array<i32>} : memref<16x256xf32, #tpu.memory_space<vmem>>, vector<16xf32>,
          tpu.vector_store %arg17[%swap3A_495, %swap3A_496], %mul3A_491 {strides = array<i32>} : memref<16x256xf32, #tpu.memory_space<vmem>>, vector<16xf32>,
          %broadcast_in_dim3A_498 = arith.constant 13 : i32
          %broadcast_in_dim3A_499 = vector.broadcast %broadcast_in_dim3A_498 : i32 to vector<16xi32>
          %gather3A_500 = arith.constant 0 : i32
          %gather3A_501 = arith.constant 0 : i32
          %gather3A_502 = tpu.memref_slice %arg12[%gather3A_500, %gather3A_501] : memref<512x16xf32, #tpu.memory_space<vmem>> -> memref<256x16xf32, #tpu.memory_space<vmem>>
          %gather3A_503 = tpu.vector_load_idx %gather3A_502[%add3A_329, %broadcast_in_dim3A_499] : memref<256x16xf32, #tpu.memory_space<vmem>>[vector<16xi32>, vector<16xi32>], vector<16xf32>,
          %mul3A_504 = arith.mulf %gather3A_503, %get3A_325 : vector<16xf32>
          %mul3A_505 = arith.constant 16 : i32
          %mul3A_506 = arith.muli %scan3A_321, %mul3A_505 : i32
          %swap3A_507 = arith.constant 13 : i32
          %swap3A_508 = arith.index_cast %swap3A_507 : i32 to index
          %swap3A_509 = arith.index_cast %mul3A_506 : i32 to index
          %swap3A_510 = tpu.vector_load %arg17[%swap3A_508, %swap3A_509] {strides = array<i32>} : memref<16x256xf32, #tpu.memory_space<vmem>>, vector<16xf32>,
          tpu.vector_store %arg17[%swap3A_508, %swap3A_509], %mul3A_504 {strides = array<i32>} : memref<16x256xf32, #tpu.memory_space<vmem>>, vector<16xf32>,
          %broadcast_in_dim3A_511 = arith.constant 14 : i32
          %broadcast_in_dim3A_512 = vector.broadcast %broadcast_in_dim3A_511 : i32 to vector<16xi32>
          %gather3A_513 = arith.constant 0 : i32
          %gather3A_514 = arith.constant 0 : i32
          %gather3A_515 = tpu.memref_slice %arg12[%gather3A_513, %gather3A_514] : memref<512x16xf32, #tpu.memory_space<vmem>> -> memref<256x16xf32, #tpu.memory_space<vmem>>
          %gather3A_516 = tpu.vector_load_idx %gather3A_515[%add3A_329, %broadcast_in_dim3A_512] : memref<256x16xf32, #tpu.memory_space<vmem>>[vector<16xi32>, vector<16xi32>], vector<16xf32>,
          %mul3A_517 = arith.mulf %gather3A_516, %get3A_325 : vector<16xf32>
          %mul3A_518 = arith.constant 16 : i32
          %mul3A_519 = arith.muli %scan3A_321, %mul3A_518 : i32
          %swap3A_520 = arith.constant 14 : i32
          %swap3A_521 = arith.index_cast %swap3A_520 : i32 to index
          %swap3A_522 = arith.index_cast %mul3A_519 : i32 to index
          %swap3A_523 = tpu.vector_load %arg17[%swap3A_521, %swap3A_522] {strides = array<i32>} : memref<16x256xf32, #tpu.memory_space<vmem>>, vector<16xf32>,
          tpu.vector_store %arg17[%swap3A_521, %swap3A_522], %mul3A_517 {strides = array<i32>} : memref<16x256xf32, #tpu.memory_space<vmem>>, vector<16xf32>,
          %broadcast_in_dim3A_524 = arith.constant 15 : i32
          %broadcast_in_dim3A_525 = vector.broadcast %broadcast_in_dim3A_524 : i32 to vector<16xi32>
          %gather3A_526 = arith.constant 0 : i32
          %gather3A_527 = arith.constant 0 : i32
          %gather3A_528 = tpu.memref_slice %arg12[%gather3A_526, %gather3A_527] : memref<512x16xf32, #tpu.memory_space<vmem>> -> memref<256x16xf32, #tpu.memory_space<vmem>>
          %gather3A_529 = tpu.vector_load_idx %gather3A_528[%add3A_329, %broadcast_in_dim3A_525] : memref<256x16xf32, #tpu.memory_space<vmem>>[vector<16xi32>, vector<16xi32>], vector<16xf32>,
          %mul3A_530 = arith.mulf %gather3A_529, %get3A_325 : vector<16xf32>
          %mul3A_531 = arith.constant 16 : i32
          %mul3A_532 = arith.muli %scan3A_321, %mul3A_531 : i32
          %swap3A_533 = arith.constant 15 : i32
          %swap3A_534 = arith.index_cast %swap3A_533 : i32 to index
          %swap3A_535 = arith.index_cast %mul3A_532 : i32 to index
          %swap3A_536 = tpu.vector_load %arg17[%swap3A_534, %swap3A_535] {strides = array<i32>} : memref<16x256xf32, #tpu.memory_space<vmem>>, vector<16xf32>,
          tpu.vector_store %arg17[%swap3A_534, %swap3A_535], %mul3A_530 {strides = array<i32>} : memref<16x256xf32, #tpu.memory_space<vmem>>, vector<16xf32>,
          %scan3A_537 = arith.constant 0 : i32
          scf.yield %scan3A_537 : i32
        }
        %scan3A_319 = arith.constant 16 : i32
        "tpu.region"() ({
          %run_scoped3A = tpu.sem_alloc : memref<!tpu.dma_semaphore, #tpu.memory_space<semaphore_mem>>
          %dma_start3A_321 = arith.constant 0 : i32
          %dma_start3A_322 = arith.constant 0 : i32
          %dma_start3A_323 = tpu.memref_slice %arg4[%add3A_253, %add3A_300, %dma_start3A_321, %dma_start3A_322] : memref<128x32x16x256xf32, #tpu.memory_space<hbm>> -> memref<1x1x16x256xf32, #tpu.memory_space<hbm>>
          %dma_start3A_324 = tpu.memref_squeeze %dma_start3A_323 : memref<1x1x16x256xf32, #tpu.memory_space<hbm>> -> memref<16x256xf32, #tpu.memory_space<hbm>>
          %dma_start3A_325 = arith.constant 0 : i32
          %dma_start3A_326 = arith.constant 0 : i32
          %dma_start3A_327 = tpu.memref_slice %arg4[%add3A_253, %add3A_300, %dma_start3A_325, %dma_start3A_326] : memref<128x32x16x256xf32, #tpu.memory_space<hbm>> -> memref<1x1x16x256xf32, #tpu.memory_space<hbm>>
          %dma_start3A_328 = tpu.memref_squeeze %dma_start3A_327 : memref<1x1x16x256xf32, #tpu.memory_space<hbm>> -> memref<16x256xf32, #tpu.memory_space<hbm>>
          tpu.enqueue_dma source(%arg17 : memref<16x256xf32, #tpu.memory_space<vmem>>) target(%dma_start3A_328 : memref<16x256xf32, #tpu.memory_space<hbm>>) target_semaphore(%run_scoped3A : memref<!tpu.dma_semaphore, #tpu.memory_space<semaphore_mem>>)
          %dma_wait3A = arith.constant 0 : i32
          %dma_wait3A_329 = arith.constant 0 : i32
          %dma_wait3A_330 = tpu.memref_slice %arg4[%add3A_253, %add3A_300, %dma_wait3A, %dma_wait3A_329] : memref<128x32x16x256xf32, #tpu.memory_space<hbm>> -> memref<1x1x16x256xf32, #tpu.memory_space<hbm>>
          %dma_wait3A_331 = tpu.memref_squeeze %dma_wait3A_330 : memref<1x1x16x256xf32, #tpu.memory_space<hbm>> -> memref<16x256xf32, #tpu.memory_space<hbm>>
          %dma_wait3A_332 = arith.constant 0 : i32
          %dma_wait3A_333 = arith.constant 0 : i32
          %dma_wait3A_334 = tpu.memref_slice %arg4[%add3A_253, %add3A_300, %dma_wait3A_332, %dma_wait3A_333] : memref<128x32x16x256xf32, #tpu.memory_space<hbm>> -> memref<1x1x16x256xf32, #tpu.memory_space<hbm>>
          %dma_wait3A_335 = tpu.memref_squeeze %dma_wait3A_334 : memref<1x1x16x256xf32, #tpu.memory_space<hbm>> -> memref<16x256xf32, #tpu.memory_space<hbm>>
          tpu.wait_dma2 semaphore(%run_scoped3A : memref<!tpu.dma_semaphore, #tpu.memory_space<semaphore_mem>>) src(%arg17 : memref<16x256xf32, #tpu.memory_space<vmem>>) dst(%dma_wait3A_335 : memref<16x256xf32, #tpu.memory_space<hbm>>)
          tpu.yield
        }) : () -> ()
        %scan3A_320 = arith.constant 0 : i32
        scf.yield %scan3A_320 : i32
      }
      %scan3A_262 = arith.constant 16 : i32
      %add3A_263 = arith.constant 0 : i32
      %add3A_264 = arith.addi %mul3A_2, %add3A_263 : i32
      "tpu.region"() ({
        %run_scoped3A = tpu.sem_alloc : memref<!tpu.dma_semaphore, #tpu.memory_space<semaphore_mem>>
        %dma_start3A_298 = arith.constant 0 : i32
        %dma_start3A_299 = tpu.memref_slice %arg20[%add3A_264, %dma_start3A_298] : memref<65552x16xf32, #tpu.memory_space<vmem_shared>> -> memref<256x16xf32, #tpu.memory_space<vmem_shared>>
        %dma_start3A_300 = arith.constant 0 : i32
        %dma_start3A_301 = tpu.memref_slice %arg20[%add3A_264, %dma_start3A_300] : memref<65552x16xf32, #tpu.memory_space<vmem_shared>> -> memref<256x16xf32, #tpu.memory_space<vmem_shared>>
        tpu.enqueue_dma source(%arg15 : memref<256x16xf32, #tpu.memory_space<vmem>>) target(%dma_start3A_301 : memref<256x16xf32, #tpu.memory_space<vmem_shared>>) target_semaphore(%run_scoped3A : memref<!tpu.dma_semaphore, #tpu.memory_space<semaphore_mem>>)
        %dma_wait3A = arith.constant 0 : i32
        %dma_wait3A_302 = tpu.memref_slice %arg20[%add3A_264, %dma_wait3A] : memref<65552x16xf32, #tpu.memory_space<vmem_shared>> -> memref<256x16xf32, #tpu.memory_space<vmem_shared>>
        %dma_wait3A_303 = arith.constant 0 : i32
        %dma_wait3A_304 = tpu.memref_slice %arg20[%add3A_264, %dma_wait3A_303] : memref<65552x16xf32, #tpu.memory_space<vmem_shared>> -> memref<256x16xf32, #tpu.memory_space<vmem_shared>>
        tpu.wait_dma2 semaphore(%run_scoped3A : memref<!tpu.dma_semaphore, #tpu.memory_space<semaphore_mem>>) src(%arg15 : memref<256x16xf32, #tpu.memory_space<vmem>>) dst(%dma_wait3A_304 : memref<256x16xf32, #tpu.memory_space<vmem_shared>>)
        tpu.yield
      }) : () -> ()
      %add3A_265 = arith.constant 256 : i32
      %add3A_266 = arith.addi %mul3A_2, %add3A_265 : i32
      "tpu.region"() ({
        %run_scoped3A = tpu.sem_alloc : memref<!tpu.dma_semaphore, #tpu.memory_space<semaphore_mem>>
        %dma_start3A_298 = arith.constant 0 : i32
        %dma_start3A_299 = tpu.memref_slice %arg20[%add3A_266, %dma_start3A_298] : memref<65552x16xf32, #tpu.memory_space<vmem_shared>> -> memref<256x16xf32, #tpu.memory_space<vmem_shared>>
        %dma_start3A_300 = arith.constant 0 : i32
        %dma_start3A_301 = tpu.memref_slice %arg20[%add3A_266, %dma_start3A_300] : memref<65552x16xf32, #tpu.memory_space<vmem_shared>> -> memref<256x16xf32, #tpu.memory_space<vmem_shared>>
        tpu.enqueue_dma source(%arg15 : memref<256x16xf32, #tpu.memory_space<vmem>>) target(%dma_start3A_301 : memref<256x16xf32, #tpu.memory_space<vmem_shared>>) target_semaphore(%run_scoped3A : memref<!tpu.dma_semaphore, #tpu.memory_space<semaphore_mem>>)
        %dma_wait3A = arith.constant 0 : i32
        %dma_wait3A_302 = tpu.memref_slice %arg20[%add3A_266, %dma_wait3A] : memref<65552x16xf32, #tpu.memory_space<vmem_shared>> -> memref<256x16xf32, #tpu.memory_space<vmem_shared>>
        %dma_wait3A_303 = arith.constant 0 : i32
        %dma_wait3A_304 = tpu.memref_slice %arg20[%add3A_266, %dma_wait3A_303] : memref<65552x16xf32, #tpu.memory_space<vmem_shared>> -> memref<256x16xf32, #tpu.memory_space<vmem_shared>>
        tpu.wait_dma2 semaphore(%run_scoped3A : memref<!tpu.dma_semaphore, #tpu.memory_space<semaphore_mem>>) src(%arg15 : memref<256x16xf32, #tpu.memory_space<vmem>>) dst(%dma_wait3A_304 : memref<256x16xf32, #tpu.memory_space<vmem_shared>>)
        tpu.yield
      }) : () -> ()
      %add3A_267 = arith.constant 512 : i32
      %add3A_268 = arith.addi %mul3A_2, %add3A_267 : i32
      "tpu.region"() ({
        %run_scoped3A = tpu.sem_alloc : memref<!tpu.dma_semaphore, #tpu.memory_space<semaphore_mem>>
        %dma_start3A_298 = arith.constant 0 : i32
        %dma_start3A_299 = tpu.memref_slice %arg20[%add3A_268, %dma_start3A_298] : memref<65552x16xf32, #tpu.memory_space<vmem_shared>> -> memref<256x16xf32, #tpu.memory_space<vmem_shared>>
        %dma_start3A_300 = arith.constant 0 : i32
        %dma_start3A_301 = tpu.memref_slice %arg20[%add3A_268, %dma_start3A_300] : memref<65552x16xf32, #tpu.memory_space<vmem_shared>> -> memref<256x16xf32, #tpu.memory_space<vmem_shared>>
        tpu.enqueue_dma source(%arg15 : memref<256x16xf32, #tpu.memory_space<vmem>>) target(%dma_start3A_301 : memref<256x16xf32, #tpu.memory_space<vmem_shared>>) target_semaphore(%run_scoped3A : memref<!tpu.dma_semaphore, #tpu.memory_space<semaphore_mem>>)
        %dma_wait3A = arith.constant 0 : i32
        %dma_wait3A_302 = tpu.memref_slice %arg20[%add3A_268, %dma_wait3A] : memref<65552x16xf32, #tpu.memory_space<vmem_shared>> -> memref<256x16xf32, #tpu.memory_space<vmem_shared>>
        %dma_wait3A_303 = arith.constant 0 : i32
        %dma_wait3A_304 = tpu.memref_slice %arg20[%add3A_268, %dma_wait3A_303] : memref<65552x16xf32, #tpu.memory_space<vmem_shared>> -> memref<256x16xf32, #tpu.memory_space<vmem_shared>>
        tpu.wait_dma2 semaphore(%run_scoped3A : memref<!tpu.dma_semaphore, #tpu.memory_space<semaphore_mem>>) src(%arg15 : memref<256x16xf32, #tpu.memory_space<vmem>>) dst(%dma_wait3A_304 : memref<256x16xf32, #tpu.memory_space<vmem_shared>>)
        tpu.yield
      }) : () -> ()
      %add3A_269 = arith.constant 768 : i32
      %add3A_270 = arith.addi %mul3A_2, %add3A_269 : i32
      "tpu.region"() ({
        %run_scoped3A = tpu.sem_alloc : memref<!tpu.dma_semaphore, #tpu.memory_space<semaphore_mem>>
        %dma_start3A_298 = arith.constant 0 : i32
        %dma_start3A_299 = tpu.memref_slice %arg20[%add3A_270, %dma_start3A_298] : memref<65552x16xf32, #tpu.memory_space<vmem_shared>> -> memref<256x16xf32, #tpu.memory_space<vmem_shared>>
        %dma_start3A_300 = arith.constant 0 : i32
        %dma_start3A_301 = tpu.memref_slice %arg20[%add3A_270, %dma_start3A_300] : memref<65552x16xf32, #tpu.memory_space<vmem_shared>> -> memref<256x16xf32, #tpu.memory_space<vmem_shared>>
        tpu.enqueue_dma source(%arg15 : memref<256x16xf32, #tpu.memory_space<vmem>>) target(%dma_start3A_301 : memref<256x16xf32, #tpu.memory_space<vmem_shared>>) target_semaphore(%run_scoped3A : memref<!tpu.dma_semaphore, #tpu.memory_space<semaphore_mem>>)
        %dma_wait3A = arith.constant 0 : i32
        %dma_wait3A_302 = tpu.memref_slice %arg20[%add3A_270, %dma_wait3A] : memref<65552x16xf32, #tpu.memory_space<vmem_shared>> -> memref<256x16xf32, #tpu.memory_space<vmem_shared>>
        %dma_wait3A_303 = arith.constant 0 : i32
        %dma_wait3A_304 = tpu.memref_slice %arg20[%add3A_270, %dma_wait3A_303] : memref<65552x16xf32, #tpu.memory_space<vmem_shared>> -> memref<256x16xf32, #tpu.memory_space<vmem_shared>>
        tpu.wait_dma2 semaphore(%run_scoped3A : memref<!tpu.dma_semaphore, #tpu.memory_space<semaphore_mem>>) src(%arg15 : memref<256x16xf32, #tpu.memory_space<vmem>>) dst(%dma_wait3A_304 : memref<256x16xf32, #tpu.memory_space<vmem_shared>>)
        tpu.yield
      }) : () -> ()
      %add3A_271 = arith.constant 1024 : i32
      %add3A_272 = arith.addi %mul3A_2, %add3A_271 : i32
      "tpu.region"() ({
        %run_scoped3A = tpu.sem_alloc : memref<!tpu.dma_semaphore, #tpu.memory_space<semaphore_mem>>
        %dma_start3A_298 = arith.constant 0 : i32
        %dma_start3A_299 = tpu.memref_slice %arg20[%add3A_272, %dma_start3A_298] : memref<65552x16xf32, #tpu.memory_space<vmem_shared>> -> memref<256x16xf32, #tpu.memory_space<vmem_shared>>
        %dma_start3A_300 = arith.constant 0 : i32
        %dma_start3A_301 = tpu.memref_slice %arg20[%add3A_272, %dma_start3A_300] : memref<65552x16xf32, #tpu.memory_space<vmem_shared>> -> memref<256x16xf32, #tpu.memory_space<vmem_shared>>
        tpu.enqueue_dma source(%arg15 : memref<256x16xf32, #tpu.memory_space<vmem>>) target(%dma_start3A_301 : memref<256x16xf32, #tpu.memory_space<vmem_shared>>) target_semaphore(%run_scoped3A : memref<!tpu.dma_semaphore, #tpu.memory_space<semaphore_mem>>)
        %dma_wait3A = arith.constant 0 : i32
        %dma_wait3A_302 = tpu.memref_slice %arg20[%add3A_272, %dma_wait3A] : memref<65552x16xf32, #tpu.memory_space<vmem_shared>> -> memref<256x16xf32, #tpu.memory_space<vmem_shared>>
        %dma_wait3A_303 = arith.constant 0 : i32
        %dma_wait3A_304 = tpu.memref_slice %arg20[%add3A_272, %dma_wait3A_303] : memref<65552x16xf32, #tpu.memory_space<vmem_shared>> -> memref<256x16xf32, #tpu.memory_space<vmem_shared>>
        tpu.wait_dma2 semaphore(%run_scoped3A : memref<!tpu.dma_semaphore, #tpu.memory_space<semaphore_mem>>) src(%arg15 : memref<256x16xf32, #tpu.memory_space<vmem>>) dst(%dma_wait3A_304 : memref<256x16xf32, #tpu.memory_space<vmem_shared>>)
        tpu.yield
      }) : () -> ()
      %add3A_273 = arith.constant 1280 : i32
      %add3A_274 = arith.addi %mul3A_2, %add3A_273 : i32
      "tpu.region"() ({
        %run_scoped3A = tpu.sem_alloc : memref<!tpu.dma_semaphore, #tpu.memory_space<semaphore_mem>>
        %dma_start3A_298 = arith.constant 0 : i32
        %dma_start3A_299 = tpu.memref_slice %arg20[%add3A_274, %dma_start3A_298] : memref<65552x16xf32, #tpu.memory_space<vmem_shared>> -> memref<256x16xf32, #tpu.memory_space<vmem_shared>>
        %dma_start3A_300 = arith.constant 0 : i32
        %dma_start3A_301 = tpu.memref_slice %arg20[%add3A_274, %dma_start3A_300] : memref<65552x16xf32, #tpu.memory_space<vmem_shared>> -> memref<256x16xf32, #tpu.memory_space<vmem_shared>>
        tpu.enqueue_dma source(%arg15 : memref<256x16xf32, #tpu.memory_space<vmem>>) target(%dma_start3A_301 : memref<256x16xf32, #tpu.memory_space<vmem_shared>>) target_semaphore(%run_scoped3A : memref<!tpu.dma_semaphore, #tpu.memory_space<semaphore_mem>>)
        %dma_wait3A = arith.constant 0 : i32
        %dma_wait3A_302 = tpu.memref_slice %arg20[%add3A_274, %dma_wait3A] : memref<65552x16xf32, #tpu.memory_space<vmem_shared>> -> memref<256x16xf32, #tpu.memory_space<vmem_shared>>
        %dma_wait3A_303 = arith.constant 0 : i32
        %dma_wait3A_304 = tpu.memref_slice %arg20[%add3A_274, %dma_wait3A_303] : memref<65552x16xf32, #tpu.memory_space<vmem_shared>> -> memref<256x16xf32, #tpu.memory_space<vmem_shared>>
        tpu.wait_dma2 semaphore(%run_scoped3A : memref<!tpu.dma_semaphore, #tpu.memory_space<semaphore_mem>>) src(%arg15 : memref<256x16xf32, #tpu.memory_space<vmem>>) dst(%dma_wait3A_304 : memref<256x16xf32, #tpu.memory_space<vmem_shared>>)
        tpu.yield
      }) : () -> ()
      %add3A_275 = arith.constant 1536 : i32
      %add3A_276 = arith.addi %mul3A_2, %add3A_275 : i32
      "tpu.region"() ({
        %run_scoped3A = tpu.sem_alloc : memref<!tpu.dma_semaphore, #tpu.memory_space<semaphore_mem>>
        %dma_start3A_298 = arith.constant 0 : i32
        %dma_start3A_299 = tpu.memref_slice %arg20[%add3A_276, %dma_start3A_298] : memref<65552x16xf32, #tpu.memory_space<vmem_shared>> -> memref<256x16xf32, #tpu.memory_space<vmem_shared>>
        %dma_start3A_300 = arith.constant 0 : i32
        %dma_start3A_301 = tpu.memref_slice %arg20[%add3A_276, %dma_start3A_300] : memref<65552x16xf32, #tpu.memory_space<vmem_shared>> -> memref<256x16xf32, #tpu.memory_space<vmem_shared>>
        tpu.enqueue_dma source(%arg15 : memref<256x16xf32, #tpu.memory_space<vmem>>) target(%dma_start3A_301 : memref<256x16xf32, #tpu.memory_space<vmem_shared>>) target_semaphore(%run_scoped3A : memref<!tpu.dma_semaphore, #tpu.memory_space<semaphore_mem>>)
        %dma_wait3A = arith.constant 0 : i32
        %dma_wait3A_302 = tpu.memref_slice %arg20[%add3A_276, %dma_wait3A] : memref<65552x16xf32, #tpu.memory_space<vmem_shared>> -> memref<256x16xf32, #tpu.memory_space<vmem_shared>>
        %dma_wait3A_303 = arith.constant 0 : i32
        %dma_wait3A_304 = tpu.memref_slice %arg20[%add3A_276, %dma_wait3A_303] : memref<65552x16xf32, #tpu.memory_space<vmem_shared>> -> memref<256x16xf32, #tpu.memory_space<vmem_shared>>
        tpu.wait_dma2 semaphore(%run_scoped3A : memref<!tpu.dma_semaphore, #tpu.memory_space<semaphore_mem>>) src(%arg15 : memref<256x16xf32, #tpu.memory_space<vmem>>) dst(%dma_wait3A_304 : memref<256x16xf32, #tpu.memory_space<vmem_shared>>)
        tpu.yield
      }) : () -> ()
      %add3A_277 = arith.constant 1792 : i32
      %add3A_278 = arith.addi %mul3A_2, %add3A_277 : i32
      "tpu.region"() ({
        %run_scoped3A = tpu.sem_alloc : memref<!tpu.dma_semaphore, #tpu.memory_space<semaphore_mem>>
        %dma_start3A_298 = arith.constant 0 : i32
        %dma_start3A_299 = tpu.memref_slice %arg20[%add3A_278, %dma_start3A_298] : memref<65552x16xf32, #tpu.memory_space<vmem_shared>> -> memref<256x16xf32, #tpu.memory_space<vmem_shared>>
        %dma_start3A_300 = arith.constant 0 : i32
        %dma_start3A_301 = tpu.memref_slice %arg20[%add3A_278, %dma_start3A_300] : memref<65552x16xf32, #tpu.memory_space<vmem_shared>> -> memref<256x16xf32, #tpu.memory_space<vmem_shared>>
        tpu.enqueue_dma source(%arg15 : memref<256x16xf32, #tpu.memory_space<vmem>>) target(%dma_start3A_301 : memref<256x16xf32, #tpu.memory_space<vmem_shared>>) target_semaphore(%run_scoped3A : memref<!tpu.dma_semaphore, #tpu.memory_space<semaphore_mem>>)
        %dma_wait3A = arith.constant 0 : i32
        %dma_wait3A_302 = tpu.memref_slice %arg20[%add3A_278, %dma_wait3A] : memref<65552x16xf32, #tpu.memory_space<vmem_shared>> -> memref<256x16xf32, #tpu.memory_space<vmem_shared>>
        %dma_wait3A_303 = arith.constant 0 : i32
        %dma_wait3A_304 = tpu.memref_slice %arg20[%add3A_278, %dma_wait3A_303] : memref<65552x16xf32, #tpu.memory_space<vmem_shared>> -> memref<256x16xf32, #tpu.memory_space<vmem_shared>>
        tpu.wait_dma2 semaphore(%run_scoped3A : memref<!tpu.dma_semaphore, #tpu.memory_space<semaphore_mem>>) src(%arg15 : memref<256x16xf32, #tpu.memory_space<vmem>>) dst(%dma_wait3A_304 : memref<256x16xf32, #tpu.memory_space<vmem_shared>>)
        tpu.yield
      }) : () -> ()
      %add3A_279 = arith.constant 2048 : i32
      %add3A_280 = arith.addi %mul3A_2, %add3A_279 : i32
      "tpu.region"() ({
        %run_scoped3A = tpu.sem_alloc : memref<!tpu.dma_semaphore, #tpu.memory_space<semaphore_mem>>
        %dma_start3A_298 = arith.constant 0 : i32
        %dma_start3A_299 = tpu.memref_slice %arg20[%add3A_280, %dma_start3A_298] : memref<65552x16xf32, #tpu.memory_space<vmem_shared>> -> memref<256x16xf32, #tpu.memory_space<vmem_shared>>
        %dma_start3A_300 = arith.constant 0 : i32
        %dma_start3A_301 = tpu.memref_slice %arg20[%add3A_280, %dma_start3A_300] : memref<65552x16xf32, #tpu.memory_space<vmem_shared>> -> memref<256x16xf32, #tpu.memory_space<vmem_shared>>
        tpu.enqueue_dma source(%arg15 : memref<256x16xf32, #tpu.memory_space<vmem>>) target(%dma_start3A_301 : memref<256x16xf32, #tpu.memory_space<vmem_shared>>) target_semaphore(%run_scoped3A : memref<!tpu.dma_semaphore, #tpu.memory_space<semaphore_mem>>)
        %dma_wait3A = arith.constant 0 : i32
        %dma_wait3A_302 = tpu.memref_slice %arg20[%add3A_280, %dma_wait3A] : memref<65552x16xf32, #tpu.memory_space<vmem_shared>> -> memref<256x16xf32, #tpu.memory_space<vmem_shared>>
        %dma_wait3A_303 = arith.constant 0 : i32
        %dma_wait3A_304 = tpu.memref_slice %arg20[%add3A_280, %dma_wait3A_303] : memref<65552x16xf32, #tpu.memory_space<vmem_shared>> -> memref<256x16xf32, #tpu.memory_space<vmem_shared>>
        tpu.wait_dma2 semaphore(%run_scoped3A : memref<!tpu.dma_semaphore, #tpu.memory_space<semaphore_mem>>) src(%arg15 : memref<256x16xf32, #tpu.memory_space<vmem>>) dst(%dma_wait3A_304 : memref<256x16xf32, #tpu.memory_space<vmem_shared>>)
        tpu.yield
      }) : () -> ()
      %add3A_281 = arith.constant 2304 : i32
      %add3A_282 = arith.addi %mul3A_2, %add3A_281 : i32
      "tpu.region"() ({
        %run_scoped3A = tpu.sem_alloc : memref<!tpu.dma_semaphore, #tpu.memory_space<semaphore_mem>>
        %dma_start3A_298 = arith.constant 0 : i32
        %dma_start3A_299 = tpu.memref_slice %arg20[%add3A_282, %dma_start3A_298] : memref<65552x16xf32, #tpu.memory_space<vmem_shared>> -> memref<256x16xf32, #tpu.memory_space<vmem_shared>>
        %dma_start3A_300 = arith.constant 0 : i32
        %dma_start3A_301 = tpu.memref_slice %arg20[%add3A_282, %dma_start3A_300] : memref<65552x16xf32, #tpu.memory_space<vmem_shared>> -> memref<256x16xf32, #tpu.memory_space<vmem_shared>>
        tpu.enqueue_dma source(%arg15 : memref<256x16xf32, #tpu.memory_space<vmem>>) target(%dma_start3A_301 : memref<256x16xf32, #tpu.memory_space<vmem_shared>>) target_semaphore(%run_scoped3A : memref<!tpu.dma_semaphore, #tpu.memory_space<semaphore_mem>>)
        %dma_wait3A = arith.constant 0 : i32
        %dma_wait3A_302 = tpu.memref_slice %arg20[%add3A_282, %dma_wait3A] : memref<65552x16xf32, #tpu.memory_space<vmem_shared>> -> memref<256x16xf32, #tpu.memory_space<vmem_shared>>
        %dma_wait3A_303 = arith.constant 0 : i32
        %dma_wait3A_304 = tpu.memref_slice %arg20[%add3A_282, %dma_wait3A_303] : memref<65552x16xf32, #tpu.memory_space<vmem_shared>> -> memref<256x16xf32, #tpu.memory_space<vmem_shared>>
        tpu.wait_dma2 semaphore(%run_scoped3A : memref<!tpu.dma_semaphore, #tpu.memory_space<semaphore_mem>>) src(%arg15 : memref<256x16xf32, #tpu.memory_space<vmem>>) dst(%dma_wait3A_304 : memref<256x16xf32, #tpu.memory_space<vmem_shared>>)
        tpu.yield
      }) : () -> ()
      %add3A_283 = arith.constant 2560 : i32
      %add3A_284 = arith.addi %mul3A_2, %add3A_283 : i32
      "tpu.region"() ({
        %run_scoped3A = tpu.sem_alloc : memref<!tpu.dma_semaphore, #tpu.memory_space<semaphore_mem>>
        %dma_start3A_298 = arith.constant 0 : i32
        %dma_start3A_299 = tpu.memref_slice %arg20[%add3A_284, %dma_start3A_298] : memref<65552x16xf32, #tpu.memory_space<vmem_shared>> -> memref<256x16xf32, #tpu.memory_space<vmem_shared>>
        %dma_start3A_300 = arith.constant 0 : i32
        %dma_start3A_301 = tpu.memref_slice %arg20[%add3A_284, %dma_start3A_300] : memref<65552x16xf32, #tpu.memory_space<vmem_shared>> -> memref<256x16xf32, #tpu.memory_space<vmem_shared>>
        tpu.enqueue_dma source(%arg15 : memref<256x16xf32, #tpu.memory_space<vmem>>) target(%dma_start3A_301 : memref<256x16xf32, #tpu.memory_space<vmem_shared>>) target_semaphore(%run_scoped3A : memref<!tpu.dma_semaphore, #tpu.memory_space<semaphore_mem>>)
        %dma_wait3A = arith.constant 0 : i32
        %dma_wait3A_302 = tpu.memref_slice %arg20[%add3A_284, %dma_wait3A] : memref<65552x16xf32, #tpu.memory_space<vmem_shared>> -> memref<256x16xf32, #tpu.memory_space<vmem_shared>>
        %dma_wait3A_303 = arith.constant 0 : i32
        %dma_wait3A_304 = tpu.memref_slice %arg20[%add3A_284, %dma_wait3A_303] : memref<65552x16xf32, #tpu.memory_space<vmem_shared>> -> memref<256x16xf32, #tpu.memory_space<vmem_shared>>
        tpu.wait_dma2 semaphore(%run_scoped3A : memref<!tpu.dma_semaphore, #tpu.memory_space<semaphore_mem>>) src(%arg15 : memref<256x16xf32, #tpu.memory_space<vmem>>) dst(%dma_wait3A_304 : memref<256x16xf32, #tpu.memory_space<vmem_shared>>)
        tpu.yield
      }) : () -> ()
      %add3A_285 = arith.constant 2816 : i32
      %add3A_286 = arith.addi %mul3A_2, %add3A_285 : i32
      "tpu.region"() ({
        %run_scoped3A = tpu.sem_alloc : memref<!tpu.dma_semaphore, #tpu.memory_space<semaphore_mem>>
        %dma_start3A_298 = arith.constant 0 : i32
        %dma_start3A_299 = tpu.memref_slice %arg20[%add3A_286, %dma_start3A_298] : memref<65552x16xf32, #tpu.memory_space<vmem_shared>> -> memref<256x16xf32, #tpu.memory_space<vmem_shared>>
        %dma_start3A_300 = arith.constant 0 : i32
        %dma_start3A_301 = tpu.memref_slice %arg20[%add3A_286, %dma_start3A_300] : memref<65552x16xf32, #tpu.memory_space<vmem_shared>> -> memref<256x16xf32, #tpu.memory_space<vmem_shared>>
        tpu.enqueue_dma source(%arg15 : memref<256x16xf32, #tpu.memory_space<vmem>>) target(%dma_start3A_301 : memref<256x16xf32, #tpu.memory_space<vmem_shared>>) target_semaphore(%run_scoped3A : memref<!tpu.dma_semaphore, #tpu.memory_space<semaphore_mem>>)
        %dma_wait3A = arith.constant 0 : i32
        %dma_wait3A_302 = tpu.memref_slice %arg20[%add3A_286, %dma_wait3A] : memref<65552x16xf32, #tpu.memory_space<vmem_shared>> -> memref<256x16xf32, #tpu.memory_space<vmem_shared>>
        %dma_wait3A_303 = arith.constant 0 : i32
        %dma_wait3A_304 = tpu.memref_slice %arg20[%add3A_286, %dma_wait3A_303] : memref<65552x16xf32, #tpu.memory_space<vmem_shared>> -> memref<256x16xf32, #tpu.memory_space<vmem_shared>>
        tpu.wait_dma2 semaphore(%run_scoped3A : memref<!tpu.dma_semaphore, #tpu.memory_space<semaphore_mem>>) src(%arg15 : memref<256x16xf32, #tpu.memory_space<vmem>>) dst(%dma_wait3A_304 : memref<256x16xf32, #tpu.memory_space<vmem_shared>>)
        tpu.yield
      }) : () -> ()
      %add3A_287 = arith.constant 3072 : i32
      %add3A_288 = arith.addi %mul3A_2, %add3A_287 : i32
      "tpu.region"() ({
        %run_scoped3A = tpu.sem_alloc : memref<!tpu.dma_semaphore, #tpu.memory_space<semaphore_mem>>
        %dma_start3A_298 = arith.constant 0 : i32
        %dma_start3A_299 = tpu.memref_slice %arg20[%add3A_288, %dma_start3A_298] : memref<65552x16xf32, #tpu.memory_space<vmem_shared>> -> memref<256x16xf32, #tpu.memory_space<vmem_shared>>
        %dma_start3A_300 = arith.constant 0 : i32
        %dma_start3A_301 = tpu.memref_slice %arg20[%add3A_288, %dma_start3A_300] : memref<65552x16xf32, #tpu.memory_space<vmem_shared>> -> memref<256x16xf32, #tpu.memory_space<vmem_shared>>
        tpu.enqueue_dma source(%arg15 : memref<256x16xf32, #tpu.memory_space<vmem>>) target(%dma_start3A_301 : memref<256x16xf32, #tpu.memory_space<vmem_shared>>) target_semaphore(%run_scoped3A : memref<!tpu.dma_semaphore, #tpu.memory_space<semaphore_mem>>)
        %dma_wait3A = arith.constant 0 : i32
        %dma_wait3A_302 = tpu.memref_slice %arg20[%add3A_288, %dma_wait3A] : memref<65552x16xf32, #tpu.memory_space<vmem_shared>> -> memref<256x16xf32, #tpu.memory_space<vmem_shared>>
        %dma_wait3A_303 = arith.constant 0 : i32
        %dma_wait3A_304 = tpu.memref_slice %arg20[%add3A_288, %dma_wait3A_303] : memref<65552x16xf32, #tpu.memory_space<vmem_shared>> -> memref<256x16xf32, #tpu.memory_space<vmem_shared>>
        tpu.wait_dma2 semaphore(%run_scoped3A : memref<!tpu.dma_semaphore, #tpu.memory_space<semaphore_mem>>) src(%arg15 : memref<256x16xf32, #tpu.memory_space<vmem>>) dst(%dma_wait3A_304 : memref<256x16xf32, #tpu.memory_space<vmem_shared>>)
        tpu.yield
      }) : () -> ()
      %add3A_289 = arith.constant 3328 : i32
      %add3A_290 = arith.addi %mul3A_2, %add3A_289 : i32
      "tpu.region"() ({
        %run_scoped3A = tpu.sem_alloc : memref<!tpu.dma_semaphore, #tpu.memory_space<semaphore_mem>>
        %dma_start3A_298 = arith.constant 0 : i32
        %dma_start3A_299 = tpu.memref_slice %arg20[%add3A_290, %dma_start3A_298] : memref<65552x16xf32, #tpu.memory_space<vmem_shared>> -> memref<256x16xf32, #tpu.memory_space<vmem_shared>>
        %dma_start3A_300 = arith.constant 0 : i32
        %dma_start3A_301 = tpu.memref_slice %arg20[%add3A_290, %dma_start3A_300] : memref<65552x16xf32, #tpu.memory_space<vmem_shared>> -> memref<256x16xf32, #tpu.memory_space<vmem_shared>>
        tpu.enqueue_dma source(%arg15 : memref<256x16xf32, #tpu.memory_space<vmem>>) target(%dma_start3A_301 : memref<256x16xf32, #tpu.memory_space<vmem_shared>>) target_semaphore(%run_scoped3A : memref<!tpu.dma_semaphore, #tpu.memory_space<semaphore_mem>>)
        %dma_wait3A = arith.constant 0 : i32
        %dma_wait3A_302 = tpu.memref_slice %arg20[%add3A_290, %dma_wait3A] : memref<65552x16xf32, #tpu.memory_space<vmem_shared>> -> memref<256x16xf32, #tpu.memory_space<vmem_shared>>
        %dma_wait3A_303 = arith.constant 0 : i32
        %dma_wait3A_304 = tpu.memref_slice %arg20[%add3A_290, %dma_wait3A_303] : memref<65552x16xf32, #tpu.memory_space<vmem_shared>> -> memref<256x16xf32, #tpu.memory_space<vmem_shared>>
        tpu.wait_dma2 semaphore(%run_scoped3A : memref<!tpu.dma_semaphore, #tpu.memory_space<semaphore_mem>>) src(%arg15 : memref<256x16xf32, #tpu.memory_space<vmem>>) dst(%dma_wait3A_304 : memref<256x16xf32, #tpu.memory_space<vmem_shared>>)
        tpu.yield
      }) : () -> ()
      %add3A_291 = arith.constant 3584 : i32
      %add3A_292 = arith.addi %mul3A_2, %add3A_291 : i32
      "tpu.region"() ({
        %run_scoped3A = tpu.sem_alloc : memref<!tpu.dma_semaphore, #tpu.memory_space<semaphore_mem>>
        %dma_start3A_298 = arith.constant 0 : i32
        %dma_start3A_299 = tpu.memref_slice %arg20[%add3A_292, %dma_start3A_298] : memref<65552x16xf32, #tpu.memory_space<vmem_shared>> -> memref<256x16xf32, #tpu.memory_space<vmem_shared>>
        %dma_start3A_300 = arith.constant 0 : i32
        %dma_start3A_301 = tpu.memref_slice %arg20[%add3A_292, %dma_start3A_300] : memref<65552x16xf32, #tpu.memory_space<vmem_shared>> -> memref<256x16xf32, #tpu.memory_space<vmem_shared>>
        tpu.enqueue_dma source(%arg15 : memref<256x16xf32, #tpu.memory_space<vmem>>) target(%dma_start3A_301 : memref<256x16xf32, #tpu.memory_space<vmem_shared>>) target_semaphore(%run_scoped3A : memref<!tpu.dma_semaphore, #tpu.memory_space<semaphore_mem>>)
        %dma_wait3A = arith.constant 0 : i32
        %dma_wait3A_302 = tpu.memref_slice %arg20[%add3A_292, %dma_wait3A] : memref<65552x16xf32, #tpu.memory_space<vmem_shared>> -> memref<256x16xf32, #tpu.memory_space<vmem_shared>>
        %dma_wait3A_303 = arith.constant 0 : i32
        %dma_wait3A_304 = tpu.memref_slice %arg20[%add3A_292, %dma_wait3A_303] : memref<65552x16xf32, #tpu.memory_space<vmem_shared>> -> memref<256x16xf32, #tpu.memory_space<vmem_shared>>
        tpu.wait_dma2 semaphore(%run_scoped3A : memref<!tpu.dma_semaphore, #tpu.memory_space<semaphore_mem>>) src(%arg15 : memref<256x16xf32, #tpu.memory_space<vmem>>) dst(%dma_wait3A_304 : memref<256x16xf32, #tpu.memory_space<vmem_shared>>)
        tpu.yield
      }) : () -> ()
      %add3A_293 = arith.constant 3840 : i32
      %add3A_294 = arith.addi %mul3A_2, %add3A_293 : i32
      "tpu.region"() ({
        %run_scoped3A = tpu.sem_alloc : memref<!tpu.dma_semaphore, #tpu.memory_space<semaphore_mem>>
        %dma_start3A_298 = arith.constant 0 : i32
        %dma_start3A_299 = tpu.memref_slice %arg20[%add3A_294, %dma_start3A_298] : memref<65552x16xf32, #tpu.memory_space<vmem_shared>> -> memref<256x16xf32, #tpu.memory_space<vmem_shared>>
        %dma_start3A_300 = arith.constant 0 : i32
        %dma_start3A_301 = tpu.memref_slice %arg20[%add3A_294, %dma_start3A_300] : memref<65552x16xf32, #tpu.memory_space<vmem_shared>> -> memref<256x16xf32, #tpu.memory_space<vmem_shared>>
        tpu.enqueue_dma source(%arg15 : memref<256x16xf32, #tpu.memory_space<vmem>>) target(%dma_start3A_301 : memref<256x16xf32, #tpu.memory_space<vmem_shared>>) target_semaphore(%run_scoped3A : memref<!tpu.dma_semaphore, #tpu.memory_space<semaphore_mem>>)
        %dma_wait3A = arith.constant 0 : i32
        %dma_wait3A_302 = tpu.memref_slice %arg20[%add3A_294, %dma_wait3A] : memref<65552x16xf32, #tpu.memory_space<vmem_shared>> -> memref<256x16xf32, #tpu.memory_space<vmem_shared>>
        %dma_wait3A_303 = arith.constant 0 : i32
        %dma_wait3A_304 = tpu.memref_slice %arg20[%add3A_294, %dma_wait3A_303] : memref<65552x16xf32, #tpu.memory_space<vmem_shared>> -> memref<256x16xf32, #tpu.memory_space<vmem_shared>>
        tpu.wait_dma2 semaphore(%run_scoped3A : memref<!tpu.dma_semaphore, #tpu.memory_space<semaphore_mem>>) src(%arg15 : memref<256x16xf32, #tpu.memory_space<vmem>>) dst(%dma_wait3A_304 : memref<256x16xf32, #tpu.memory_space<vmem_shared>>)
        tpu.yield
      }) : () -> ()
      %add3A_295 = arith.constant 0 : i32
      %add3A_296 = arith.addi %mul3A_2, %add3A_295 : i32
      "tpu.region"() ({
        %run_scoped3A = tpu.sem_alloc : memref<!tpu.dma_semaphore, #tpu.memory_space<semaphore_mem>>
        %dma_start3A_298 = tpu.memref_slice %arg21[%add3A_296] : memref<65552xf32, #tpu.memory_space<vmem_shared>> -> memref<4096xf32, #tpu.memory_space<vmem_shared>>
        %dma_start3A_299 = tpu.memref_slice %arg21[%add3A_296] : memref<65552xf32, #tpu.memory_space<vmem_shared>> -> memref<4096xf32, #tpu.memory_space<vmem_shared>>
        tpu.enqueue_dma source(%arg16 : memref<4096xf32, #tpu.memory_space<vmem>>) target(%dma_start3A_299 : memref<4096xf32, #tpu.memory_space<vmem_shared>>) target_semaphore(%run_scoped3A : memref<!tpu.dma_semaphore, #tpu.memory_space<semaphore_mem>>)
        %dma_wait3A = tpu.memref_slice %arg21[%add3A_296] : memref<65552xf32, #tpu.memory_space<vmem_shared>> -> memref<4096xf32, #tpu.memory_space<vmem_shared>>
        %dma_wait3A_300 = tpu.memref_slice %arg21[%add3A_296] : memref<65552xf32, #tpu.memory_space<vmem_shared>> -> memref<4096xf32, #tpu.memory_space<vmem_shared>>
        tpu.wait_dma2 semaphore(%run_scoped3A : memref<!tpu.dma_semaphore, #tpu.memory_space<semaphore_mem>>) src(%arg16 : memref<4096xf32, #tpu.memory_space<vmem>>) dst(%dma_wait3A_300 : memref<4096xf32, #tpu.memory_space<vmem_shared>>)
        tpu.yield
      }) : () -> ()
      %scan3A_297 = arith.constant 0 : i32
      scf.yield %scan3A_297 : i32
    }
    %scan3A_178 = arith.constant 8 : i32
    return
  }
}

module attributes {stable_mosaic.version = 14 : i64} {
  func.func @_binning_body(%arg0: i32, %arg1: memref<4096xf32, #tpu.memory_space<vmem>>, %arg2: memref<4096xf32, #tpu.memory_space<vmem>>, %arg3: memref<4096xf32, #tpu.memory_space<vmem>>, %arg4: memref<4096xi32, #tpu.memory_space<vmem>>) attributes {dimension_semantics = [#tpu.dimension_semantics<arbitrary>], iteration_bounds = array<i64: 100>, scalar_prefetch = 0 : i64, scratch_operands = 0 : i64, tpu.core_type = #tpu.core_type<tc>, window_params = [{transform_indices = @transform_0, window_bounds = array<i64: 4096>}, {transform_indices = @transform_1, window_bounds = array<i64: 4096>}, {transform_indices = @transform_2, window_bounds = array<i64: 4096>}, {transform_indices = @transform_3, window_bounds = array<i64: 4096>}]} {
    %get3A = arith.constant 0 : index
    %get3A_0 = vector.load %arg1[%get3A] : memref<4096xf32, #tpu.memory_space<vmem>>, vector<4096xf32>
    %get3A_1 = arith.constant 0 : index
    %get3A_2 = vector.load %arg2[%get3A_1] : memref<4096xf32, #tpu.memory_space<vmem>>, vector<4096xf32>
    %get3A_3 = arith.constant 0 : index
    %get3A_4 = vector.load %arg3[%get3A_3] : memref<4096xf32, #tpu.memory_space<vmem>>, vector<4096xf32>
    %mul3A = arith.mulf %get3A_0, %get3A_0 : vector<4096xf32>
    %mul3A_5 = arith.mulf %get3A_2, %get3A_2 : vector<4096xf32>
    %add3A = arith.addf %mul3A, %mul3A_5 : vector<4096xf32>
    %sqrt3A = math.sqrt %add3A : vector<4096xf32>
    %atan23A = math.atan2 %get3A_2, %get3A_0 : vector<4096xf32>
    %add3A_6 = arith.constant 6.28318548 : f32
    %add3A_7 = vector.broadcast %add3A_6 : f32 to vector<4096xf32>
    %add3A_8 = arith.addf %atan23A, %add3A_7 : vector<4096xf32>
    %jit3A = arith.constant 6.28318548 : f32
    %rem3A = vector.broadcast %jit3A : f32 to vector<4096xf32>
    %rem3A_9 = arith.remf %add3A_8, %rem3A : vector<4096xf32>
    %ne3A = arith.constant 0.000000e+00 : f32
    %ne3A_10 = vector.broadcast %ne3A : f32 to vector<4096xf32>
    %ne3A_11 = arith.cmpf one, %rem3A_9, %ne3A_10 : vector<4096xf32>
    %lt3A = arith.constant 0.000000e+00 : f32
    %lt3A_12 = vector.broadcast %lt3A : f32 to vector<4096xf32>
    %lt3A_13 = arith.cmpf olt, %rem3A_9, %lt3A_12 : vector<4096xf32>
    %lt3A_14 = arith.constant 0.000000e+00 : f32
    %lt3A_15 = arith.cmpf olt, %jit3A, %lt3A_14 : f32
    %ne3A_16 = vector.broadcast %lt3A_15 : i1 to vector<4096xi1>
    %ne3A_17 = vector.broadcast %ne3A_16 : vector<4096xi1> to vector<4096xi1>
    %ne3A_18 = arith.xori %lt3A_13, %ne3A_17 : vector<4096xi1>
    %and3A = arith.andi %ne3A_18, %ne3A_11 : vector<4096xi1>
    %add3A_19 = vector.broadcast %jit3A : f32 to vector<4096xf32>
    %add3A_20 = arith.addf %rem3A_9, %add3A_19 : vector<4096xf32>
    %select_n3A = arith.select %and3A, %add3A_20, %rem3A_9 : vector<4096xi1>, vector<4096xf32>
    %sub3A = arith.constant 0.000000e+00 : f32
    %sub3A_21 = vector.broadcast %sub3A : f32 to vector<4096xf32>
    %sub3A_22 = arith.subf %sqrt3A, %sub3A_21 : vector<4096xf32>
    %div3A = arith.constant 5.000000e+01 : f32
    %div3A_23 = vector.broadcast %div3A : f32 to vector<4096xf32>
    %div3A_24 = arith.divf %sub3A_22, %div3A_23 : vector<4096xf32>
    %mul3A_25 = arith.constant 1.280000e+02 : f32
    %mul3A_26 = vector.broadcast %mul3A_25 : f32 to vector<4096xf32>
    %mul3A_27 = arith.mulf %div3A_24, %mul3A_26 : vector<4096xf32>
    %floor3A = math.floor %mul3A_27 : vector<4096xf32>
    %convert_element_type3A = arith.fptosi %floor3A : vector<4096xf32> to vector<4096xi32>
    %div3A_28 = arith.constant 6.28318548 : f32
    %div3A_29 = vector.broadcast %div3A_28 : f32 to vector<4096xf32>
    %div3A_30 = arith.divf %select_n3A, %div3A_29 : vector<4096xf32>
    %mul3A_31 = arith.constant 2.560000e+02 : f32
    %mul3A_32 = vector.broadcast %mul3A_31 : f32 to vector<4096xf32>
    %mul3A_33 = arith.mulf %div3A_30, %mul3A_32 : vector<4096xf32>
    %floor3A_34 = math.floor %mul3A_33 : vector<4096xf32>
    %convert_element_type3A_35 = arith.fptosi %floor3A_34 : vector<4096xf32> to vector<4096xi32>
    %jit3A_36 = arith.constant 256 : i32
    %eq3A = arith.constant 0 : i32
    %eq3A_37 = arith.cmpi eq, %jit3A_36, %eq3A : i32
    %jit3A_38 = arith.constant 1 : i32
    %select_n3A_39 = arith.select %eq3A_37, %jit3A_38, %jit3A_36 : i32
    %rem3A_40 = vector.broadcast %select_n3A_39 : i32 to vector<4096xi32>
    %rem3A_41 = arith.remsi %convert_element_type3A_35, %rem3A_40 : vector<4096xi32>
    %ne3A_42 = arith.constant 0 : i32
    %ne3A_43 = vector.broadcast %ne3A_42 : i32 to vector<4096xi32>
    %ne3A_44 = arith.cmpi ne, %rem3A_41, %ne3A_43 : vector<4096xi32>
    %lt3A_45 = arith.constant 0 : i32
    %lt3A_46 = vector.broadcast %lt3A_45 : i32 to vector<4096xi32>
    %lt3A_47 = arith.cmpi slt, %rem3A_41, %lt3A_46 : vector<4096xi32>
    %lt3A_48 = arith.constant 0 : i32
    %lt3A_49 = arith.cmpi slt, %select_n3A_39, %lt3A_48 : i32
    %ne3A_50 = vector.broadcast %lt3A_49 : i1 to vector<4096xi1>
    %ne3A_51 = vector.broadcast %ne3A_50 : vector<4096xi1> to vector<4096xi1>
    %ne3A_52 = arith.xori %lt3A_47, %ne3A_51 : vector<4096xi1>
    %and3A_53 = arith.andi %ne3A_52, %ne3A_44 : vector<4096xi1>
    %add3A_54 = vector.broadcast %select_n3A_39 : i32 to vector<4096xi32>
    %add3A_55 = arith.addi %rem3A_41, %add3A_54 : vector<4096xi32>
    %select_n3A_56 = arith.select %and3A_53, %add3A_55, %rem3A_41 : vector<4096xi1>, vector<4096xi32>
    %sub3A_57 = arith.constant -1.000000e+01 : f32
    %sub3A_58 = vector.broadcast %sub3A_57 : f32 to vector<4096xf32>
    %sub3A_59 = arith.subf %get3A_4, %sub3A_58 : vector<4096xf32>
    %div3A_60 = arith.constant 2.000000e+01 : f32
    %div3A_61 = vector.broadcast %div3A_60 : f32 to vector<4096xf32>
    %div3A_62 = arith.divf %sub3A_59, %div3A_61 : vector<4096xf32>
    %mul3A_63 = arith.constant 3.200000e+01 : f32
    %mul3A_64 = vector.broadcast %mul3A_63 : f32 to vector<4096xf32>
    %mul3A_65 = arith.mulf %div3A_62, %mul3A_64 : vector<4096xf32>
    %floor3A_66 = math.floor %mul3A_65 : vector<4096xf32>
    %convert_element_type3A_67 = arith.fptosi %floor3A_66 : vector<4096xf32> to vector<4096xi32>
    %ge3A = arith.constant 0 : i32
    %ge3A_68 = vector.broadcast %ge3A : i32 to vector<4096xi32>
    %ge3A_69 = arith.cmpi sge, %convert_element_type3A, %ge3A_68 : vector<4096xi32>
    %lt3A_70 = arith.constant 128 : i32
    %lt3A_71 = vector.broadcast %lt3A_70 : i32 to vector<4096xi32>
    %lt3A_72 = arith.cmpi slt, %convert_element_type3A, %lt3A_71 : vector<4096xi32>
    %and3A_73 = arith.andi %ge3A_69, %lt3A_72 : vector<4096xi1>
    %ge3A_74 = arith.constant 0 : i32
    %ge3A_75 = vector.broadcast %ge3A_74 : i32 to vector<4096xi32>
    %ge3A_76 = arith.cmpi sge, %convert_element_type3A_67, %ge3A_75 : vector<4096xi32>
    %and3A_77 = arith.andi %and3A_73, %ge3A_76 : vector<4096xi1>
    %lt3A_78 = arith.constant 32 : i32
    %lt3A_79 = vector.broadcast %lt3A_78 : i32 to vector<4096xi32>
    %lt3A_80 = arith.cmpi slt, %convert_element_type3A_67, %lt3A_79 : vector<4096xi32>
    %and3A_81 = arith.andi %and3A_77, %lt3A_80 : vector<4096xi1>
    %jit3A_82 = arith.constant 0 : i32
    %jit3A_83 = arith.constant 127 : i32
    %max3A = vector.broadcast %jit3A_82 : i32 to vector<4096xi32>
    %max3A_84 = arith.maxsi %max3A, %convert_element_type3A : vector<4096xi32>
    %min3A = vector.broadcast %jit3A_83 : i32 to vector<4096xi32>
    %min3A_85 = arith.minsi %min3A, %max3A_84 : vector<4096xi32>
    %jit3A_86 = arith.constant 0 : i32
    %jit3A_87 = arith.constant 255 : i32
    %max3A_88 = vector.broadcast %jit3A_86 : i32 to vector<4096xi32>
    %max3A_89 = arith.maxsi %max3A_88, %select_n3A_56 : vector<4096xi32>
    %min3A_90 = vector.broadcast %jit3A_87 : i32 to vector<4096xi32>
    %min3A_91 = arith.minsi %min3A_90, %max3A_89 : vector<4096xi32>
    %jit3A_92 = arith.constant 0 : i32
    %jit3A_93 = arith.constant 31 : i32
    %max3A_94 = vector.broadcast %jit3A_92 : i32 to vector<4096xi32>
    %max3A_95 = arith.maxsi %max3A_94, %convert_element_type3A_67 : vector<4096xi32>
    %min3A_96 = vector.broadcast %jit3A_93 : i32 to vector<4096xi32>
    %min3A_97 = arith.minsi %min3A_96, %max3A_95 : vector<4096xi32>
    %mul3A_98 = arith.constant 256 : i32
    %mul3A_99 = vector.broadcast %mul3A_98 : i32 to vector<4096xi32>
    %mul3A_100 = arith.muli %min3A_85, %mul3A_99 : vector<4096xi32>
    %add3A_101 = arith.addi %mul3A_100, %min3A_91 : vector<4096xi32>
    %mul3A_102 = arith.constant 32 : i32
    %mul3A_103 = vector.broadcast %mul3A_102 : i32 to vector<4096xi32>
    %mul3A_104 = arith.muli %add3A_101, %mul3A_103 : vector<4096xi32>
    %add3A_105 = arith.addi %mul3A_104, %min3A_97 : vector<4096xi32>
    %and3A_106 = arith.constant 65535 : i32
    %and3A_107 = vector.broadcast %and3A_106 : i32 to vector<4096xi32>
    %and3A_108 = arith.andi %add3A_105, %and3A_107 : vector<4096xi32>
    %and3A_109 = arith.constant 57344 : i32
    %and3A_110 = vector.broadcast %and3A_109 : i32 to vector<4096xi32>
    %and3A_111 = arith.andi %and3A_108, %and3A_110 : vector<4096xi32>
    %and3A_112 = arith.constant 31 : i32
    %and3A_113 = vector.broadcast %and3A_112 : i32 to vector<4096xi32>
    %and3A_114 = arith.andi %and3A_108, %and3A_113 : vector<4096xi32>
    %shift_left3A = arith.constant 8 : i32
    %shift_left3A_115 = vector.broadcast %shift_left3A : i32 to vector<4096xi32>
    %shift_left3A_116 = arith.shli %and3A_114, %shift_left3A_115 : vector<4096xi32>
    %or3A = arith.ori %and3A_111, %shift_left3A_116 : vector<4096xi32>
    %shift_right_arithmetic3A = arith.constant 5 : i32
    %shift_right_arithmetic3A_117 = vector.broadcast %shift_right_arithmetic3A : i32 to vector<4096xi32>
    %shift_right_arithmetic3A_118 = arith.shrsi %and3A_108, %shift_right_arithmetic3A_117 : vector<4096xi32>
    %and3A_119 = arith.constant 255 : i32
    %and3A_120 = vector.broadcast %and3A_119 : i32 to vector<4096xi32>
    %and3A_121 = arith.andi %shift_right_arithmetic3A_118, %and3A_120 : vector<4096xi32>
    %or3A_122 = arith.ori %or3A, %and3A_121 : vector<4096xi32>
    %sub3A_123 = arith.subi %add3A_105, %and3A_108 : vector<4096xi32>
    %add3A_124 = arith.addi %sub3A_123, %or3A_122 : vector<4096xi32>
    %jit3A_125 = arith.constant 1073741824 : i32
    %broadcast_in_dim3A = vector.broadcast %jit3A_125 : i32 to vector<4096xi32>
    %select_n3A_126 = arith.select %and3A_81, %add3A_124, %broadcast_in_dim3A : vector<4096xi1>, vector<4096xi32>
    %swap3A = arith.constant 0 : index
    %swap3A_127 = vector.load %arg4[%swap3A] : memref<4096xi32, #tpu.memory_space<vmem>>, vector<4096xi32>
    tpu.vector_store %arg4[%swap3A], %select_n3A_126 {strides = array<i32>} : memref<4096xi32, #tpu.memory_space<vmem>>, vector<4096xi32>,
    return
  }
  func.func @transform_0(%arg0: i32) -> i32 {
    %c0_i32 = arith.constant 0 : i32
    return %arg0 : i32
  }
  func.func @transform_1(%arg0: i32) -> i32 {
    %c0_i32 = arith.constant 0 : i32
    return %arg0 : i32
  }
  func.func @transform_2(%arg0: i32) -> i32 {
    %c0_i32 = arith.constant 0 : i32
    return %arg0 : i32
  }
  func.func @transform_3(%arg0: i32) -> i32 {
    %c0_i32 = arith.constant 0 : i32
    return %arg0 : i32
  }
}

</mosaic_0001>

<sc_bundles>
// kernel: kernel.4.cloned.1.call-start
scs
__scs_entry_jumppad:
0x0: {  	(pc) =	sbr.rel $0x88, $3  }
0x1: {  	(tag) =	ssettag $0x0;
	lr =	simm.s32 $0x1  }
0x2: {  	[smem:$0x3F9F] =	sst lr;
	_ =	strace $0xD0000000  }
0x3: {  	_ = 	snop  }
0x4: {  	_ = 	snop  }
0x5: {  	_ = 	snop  }
0x6: {  	_ = 	snop  }
0x7: {  	_ = 	snop  }
__scs_overlays_trampoline_lowered:
0x8: {  	[smem:$0x3FAE] =	sst s0  }
0x9: {  	[smem:$0x3FAF] =	sst s1  }
0xa: {  	[smem:$0x3FB0] =	sst s2  }
0xb: {  	[smem:$0x3FB1] =	sst s3  }
0xc: {  	[smem:$0x3FB2] =	sst s4  }
0xd: {  	[smem:$0x3FB3] =	sst s5  }
0xe: {  	[smem:$0x3FB4] =	sst s6  }
0xf: {  	[smem:$0x3FB5] =	sst s7  }
0x10: {  	[smem:$0x3FB6] =	sst s8  }
0x11: {  	[smem:$0x3FB7] =	sst s9;
	s0 =	simm.s32 @!p0 $0x0  }
0x12: {  	s1 =	sld [smem:$0x3F9D];
	s0 =	simm.s32 @p0 $0x1  }
0x13: {  	[smem:$0x3FB8] =	sst s0;
	s0 =	simm.s32 @!p1 $0x0  }
0x14: {  	s2 =	sld [smem:$0x3F9C];
	s0 =	simm.s32 @p1 $0x1  }
0x15: {  	[smem:$0x3FB9] =	sst s0;
	s0 =	simm.s32 @!p2 $0x0  }
0x16: {  	s3 =	sld [smem:$0x3FDB];
	s0 =	simm.s32 @p2 $0x1  }
0x17: {  	s4 =	simm.s32 $0x1BF5;
	[smem:$0x3FBB] =	sst s0  }
0x18: {  	s0 =	sld [smem:$0x3F9E];
	_ =	swait.ge [sflag:s4], $0x0  }
0x19: {  	s7 =	sld [smem:$0x3F9F]  }
0x1a: {  	s8 =	sadd.s32 $0xFFFFE003, lr  }
0x1b: {  	s9 =	sadd.s32 $0xFFFFFEF7, lr;
	s5 =	simm.s32 $0xFFFFFFFF;
	p2 =	slt.u32 s8, $0xFFFFF086  }
0x1c: {  	p1 =	slt.u32 s9, $0xF7A;
	s5 =	simm.s32 @!p2 $0x0  }
0x1d: {  	s5 =	simm.s32 @p1 $0x1;
	p0 =	seq.s32 s7, s2  }
0x1e: {  	s7 =	smul.u32 @!p0 $0xF7A, s2;
	p2 =	seq.s32 @!p0 s5, $0x0  }
0x1f: {  	s9 =	smul.u32 $0xF7A, s1;
	s8 =	simm.s32 @!p0 $0x1BF5;
	p2 =	por !p2, p0  }
0x20: {  	[sflag:s8] =	ssyncset.s32 @!p0 $0xFFFFF086;
	s6 =	sadd.s32 @!p0 s3, s7;
	s7 =	simm.s32 @!p0 $0x108  }
0x21: {  	s3 =	sadd.s32 s3, s9;
	s6 =	sadd.s32 @!p0 $0x88, s6;
	s7 =	simm.s32 @p2 $0x1082  }
0x22: {  	[simem:s7], [sflag:s8] =	dma.local @!p0 [hbm:s6], $0xF7A  }
0x23: {  	s9 =	sor.u32 $0xD0000000, s2;
	s6 =	simm.s32 $0x108;
	_ =	swait.ge @!p0 [sflag:s8], $0x0  }
0x24: {  	s3 =	sadd.s32 $0x88, s3;
	s6 =	simm.s32 @!p1 $0x1082;
	[sflag:s4] =	ssyncset.s32 $0xFFFFF086  }
0x25: {  	[simem:s6], [sflag:s4] =	dma.local [hbm:s3], $0xF7A  }
0x26: {  	[smem:$0x3F9F] =	sst s1;
	(tag) =	ssettag s2;
	_ =	strace s9  }
0x27: {  	s1 =	sld [smem:$0x3FAF]  }
0x28: {  	s2 =	sld [smem:$0x3FB0]  }
0x29: {  	s4 =	sld [smem:$0x3FB2]  }
0x2a: {  	p0 =	seq.s32 s5, $0x0;
	s5 =	sld [smem:$0x3FB3]  }
0x2b: {  	s6 =	sld [smem:$0x3FB4]  }
0x2c: {  	s7 =	sld [smem:$0x3FB5]  }
0x2d: {  	s3 =	simm.s32 $0x108;
	s8 =	sld [smem:$0x3FB6]  }
0x2e: {  	s3 =	simm.s32 @!p0 $0x1082;
	s9 =	sld [smem:$0x3FB7]  }
0x2f: {  	lr =	sadd.s32 s0, s3;
	s0 =	sld [smem:$0x3FAE]  }
0x30: {  	s3 =	sld [smem:$0x3FB1]  }
0x31: {  	[smem:$0x3FBA] =	sst s10  }
0x32: {  	s10 =	sld [smem:$0x3FB8];
	_ =	sdelay $0x3  }
0x33: {  	p0 =	seq.s32 s10, $0x1;
	s10 =	sld [smem:$0x3FBA];
	_ =	sdelay $0x3  }
0x34: {  	[smem:$0x3FBA] =	sst s10  }
0x35: {  	s10 =	sld [smem:$0x3FB9];
	_ =	sdelay $0x3  }
0x36: {  	p1 =	seq.s32 s10, $0x1;
	s10 =	sld [smem:$0x3FBA];
	_ =	sdelay $0x3  }
0x37: {  	[smem:$0x3FBA] =	sst s10  }
0x38: {  	s10 =	sld [smem:$0x3FBB]  }
0x39: {  	_ = 	snop;
	(pc) =	sbr.ind lr, $3  }
0x3a: {  	_ = 	snop  }
0x3b: {  	_ = 	snop  }
0x3c: {  	p2 =	seq.s32 s10, $0x1;
	s10 =	sld [smem:$0x3FBA]  }
0x3d: {  	_ =	shalt  }
0x3e: {  	_ =	shalt  }
0x3f: {  	_ =	shalt  }
0x40: {  	_ =	shalt  }
0x41: {  	_ =	shalt  }
0x42: {  	_ =	shalt  }
0x43: {  	_ =	shalt  }
0x44: {  	_ =	shalt  }
0x45: {  	_ =	shalt  }
0x46: {  	_ =	shalt  }
0x47: {  	_ =	shalt  }
0x48: {  	_ =	shalt  }
0x49: {  	_ =	shalt  }
0x4a: {  	_ =	shalt  }
0x4b: {  	_ =	shalt  }
0x4c: {  	_ =	shalt  }
0x4d: {  	_ =	shalt  }
0x4e: {  	_ =	shalt  }
0x4f: {  	_ =	shalt  }
0x50: {  	_ =	shalt  }
0x51: {  	_ =	shalt  }
0x52: {  	_ =	shalt  }
0x53: {  	_ =	shalt  }
0x54: {  	_ =	shalt  }
0x55: {  	_ =	shalt  }
0x56: {  	_ =	shalt  }
0x57: {  	_ =	shalt  }
0x58: {  	_ =	shalt  }
0x59: {  	_ =	shalt  }
0x5a: {  	_ =	shalt  }
0x5b: {  	_ =	shalt  }
0x5c: {  	_ =	shalt  }
0x5d: {  	_ =	shalt  }
0x5e: {  	_ =	shalt  }
0x5f: {  	_ =	shalt  }
0x60: {  	_ =	shalt  }
0x61: {  	_ =	shalt  }
0x62: {  	_ =	shalt  }
0x63: {  	_ =	shalt  }
0x64: {  	_ =	shalt  }
0x65: {  	_ =	shalt  }
0x66: {  	_ =	shalt  }
0x67: {  	_ =	shalt  }
0x68: {  	_ =	shalt  }
0x69: {  	_ =	shalt  }
0x6a: {  	_ =	shalt  }
0x6b: {  	_ =	shalt  }
0x6c: {  	_ =	shalt  }
0x6d: {  	_ =	shalt  }
0x6e: {  	_ =	shalt  }
0x6f: {  	_ =	shalt  }
0x70: {  	_ =	shalt  }
0x71: {  	_ =	shalt  }
0x72: {  	_ =	shalt  }
0x73: {  	_ =	shalt  }
0x74: {  	_ =	shalt  }
0x75: {  	_ =	shalt  }
0x76: {  	_ =	shalt  }
0x77: {  	_ =	shalt  }
0x78: {  	_ =	shalt  }
0x79: {  	_ =	shalt  }
0x7a: {  	_ =	shalt  }
0x7b: {  	_ =	shalt  }
0x7c: {  	_ =	shalt  }
0x7d: {  	_ =	shalt  }
0x7e: {  	_ =	shalt  }
0x7f: {  	_ =	shalt  }
0x80: {  	_ =	shalt  }
0x81: {  	_ =	shalt  }
0x82: {  	_ =	shalt  }
0x83: {  	_ =	shalt  }
0x84: {  	_ =	shalt  }
0x85: {  	_ =	shalt  }
0x86: {  	_ =	shalt  }
0x87: {  	_ =	shalt  }
.Lfunc_end0:
.L_simem_size_0:
called_computation_lowered:
.L_overlay_start_0:
0x88: {  	s2 =	sld [smem:$0x3FD9]  }
0x89: {  	s3 =	sld [smem:$0x3FFE];
	_ =	sdelay $0x1  }
0x8a: {  	s1 =	srdreg.scid  }
0x8b: {  	s0 =	sand.u32 $0x1, s1  }
0x8c: {  	s17 =	sshll.u32 s0, $0xA;
	s2 =	sadd.s32 s3, s2  }
0x8d: {  	s2 =	sadd.s32 s2, s17  }
0x8e: {  	[smem:$0x3FC6] =	sst s2  }
0x8f: {  	_ = 	snop  }
0x90: {  	s2 =	sld [smem:$0x3FD0];
	(tm) =	ssettm $0x1  }
0x91: {  	s18 =	sld [smem:$0x3FFB];
	_ =	sdelay $0x3  }
0x92: {  	_ =	strace s18  }
0x93: {  	s3 =	sld [smem:$0x3FFC];
	_ =	sdelay $0x3  }
0x94: {  	_ =	strace s3  }
0x95: {  	s3 =	sld [smem:$0x3FFD];
	_ =	sdelay $0x3  }
0x96: {  	_ =	strace s3  }
0x97: {  	_ =	strace $0x8FFFFFFF  }
0x98: {  	s19 =	sld [smem:$0x3FDB];
	_ =	sdelay $0x1  }
0x99: {  	s4 =	simm.s32 $_scs_section_size  }
0x9a: {  	s5 =	simm.s32 $_size__tile_overlayer_lowered;
	s6 =	simm.s32 $_tile_overlayer_lowered  }
0x9b: {  	s22 =	simm.s32 $0x1BFF;
	s21 =	sshll.u32 s6, $0x1;
	s3 =	sadd.s32 s4, s19  }
0x9c: {  	s7 =	simm.s32 $0x0;
	s20 =	sshll.u32 s5, $0x1;
	s5 =	sadd.s32 s21, s3  }
0x9d: {  	[timem:s7], [sflag:s22] =	dma.local [hbm:s5], s20  }
0x9e: {  	_ =	swait.ge [sflag:s22], s20  }
0x9f: {  	s4 =	ssub.s32 $0x0, s20;
	[sflag:s22] =	ssyncset.done $0x0  }
0xa0: {  	[sflag:s22] =	ssyncadd.s32 s4;
	_ =	sdelay $0x1  }
0xa1: {  	s23 =	simm.s32 $0x1B8B  }
0xa2: {  	_ =	swait.ge [sflag:s23], $0x1  }
0xa3: {  	[sflag:s23] =	ssyncset.done $0x0  }
0xa4: {  	s25 =	simm.s32 $0x1B8E;
	s24 =	sld [smem:$0x3FFE];
	[sflag:s23] =	ssyncadd.s32 $0xFFFFFFFF  }
0xa5: {  	s26 =	simm.s32 $execute0_lowered;
	[smem:$0x3FD2] =	sst s25  }
0xa6: {  	s5 =	sshll.u32 s26, $0x1;
	_ =	strace $0x80000046;
	[dreg:$0x1] =	wrdreg $0xFFFFFFFF  }
0xa7: {  	s28 =	simm.s32 $_size_execute0_lowered;
	s3 =	sadd.s32 s3, s5;
	[dreg:$0x0] =	wrdreg $0x0  }
0xa8: {  	s5 =	sshll.u32 s28, $0x1;
	[dreg:$0x2] =	wrdreg s3  }
0xa9: {  	[dreg:$0x3] =	wrdreg s5  }
0xaa: {  	[dreg:$0x4] =	wrdreg $0xC0  }
0xab: {  	_ =	task [dreg:s7], $0x5FFFF  }
0xac: {  	[dreg:$0x1] =	wrdreg $0xFFFFFFFF  }
0xad: {  	[dreg:$0x0] =	wrdreg $0x60  }
0xae: {  	[dreg:$0x2] =	wrdreg s24  }
0xaf: {  	[dreg:$0x3] =	wrdreg s2  }
0xb0: {  	[dreg:$0x4] =	wrdreg $0xD5000  }
0xb1: {  	[dreg:$0x5] =	wrdreg $0x1D5100  }
0xb2: {  	[dreg:$0x6] =	wrdreg $0x9  }
0xb3: {  	_ =	task.clear_ibuf [dreg:s7], $0x7FFFF;
	_ =	strace $0x90000046  }
0xb4: {  	s29 =	simm.s32 $0x9;
	_ =	strace $0x80000048  }
0xb5: {  	_ =	swait.ge [sflag:s29], $0x1  }
0xb6: {  	[sflag:s29] =	ssyncadd.s32 $0xFFFFFFFF  }
0xb7: {  	_ =	strace $0x90000048  }
0xb8: {  	_ =	sfence  }
0xb9: {  	s30 =	sld [smem:$0x0];
	_ =	sdelay $0x2  }
0xba: {  	s31 =	sshll.u32 s1, $0xD;
	s1 =	sshrl.u32 s1, $0x2  }
0xbb: {  	s3 =	sand.u32 $0x4000, s31;
	s1 =	sadd.s32 s1, s30  }
0xbc: {  	s0 =	sor.u32 s3, s0;
	s1 =	sshll.u32 s1, $0x11  }
0xbd: {  	s0 =	sor.u32 s1, s0  }
0xbe: {  	s0 =	sadd.s32 $0x8F2B, s0  }
0xbf: {  	[sflag:s0] =	ssyncadd.remote.s32 $0x1  }
0xc0: {  	_ =	sfence.sel $0xFFFF  }
0xc1: {  	[dreg:$0x0] =	wrdreg $0xFFFFFFFF;
	(pc) =	sbr.abs _section_cstart, $3  }
0xc2: {  	[dreg:$0x1] =	wrdreg $0xFFFFFFFF  }
0xc3: {  	_ =	task.clear_ibuf [dreg:s7], $0x2FFFF;
	_ =	strace $0x9FFFFFFF  }
0xc4: {  	(tm) =	ssettm $0x7FFFFFFF  }
0xc5: {  	_ =	shalt  }
tec
execute0_lowered:
.L_overlay_start_1:
0x0: {  	(tag) =	ssettag $0x1  }
0x1: {  	s1 =	rddreg [dreg:$0x0]  }
0x2: {  	s2 =	rddreg [dreg:$0x1]  }
0x3: {  	s3 =	rddreg [dreg:$0x2]  }
0x4: {  	s5 =	rddreg [dreg:$0x3]  }
0x5: {  	s6 =	simm.s32 $0x0;
	s10 =	stileid.u32;
	s0 =	srdreg.scid  }
0x6: {  	[smem:$0x7FF] =	sst s6;
	s4 =	sshrl.u32 s10, $0x1;
	s7 =	sand.u32 $0x1, s0  }
0x7: {  	s8 =	sshll.u32 s10, $0x10;
	_ =	strace $0x80000047;
	s11 =	sshll.u32 s4, $0xE  }
0x8: {  	[dreg:$0x5] =	wrdreg s7;
	s0 =	sadd.s32 s11, s1;
	s11 =	sadd.s32 s8, s3  }
0x9: {  	s8 =	sadd.s32 $0x1000, s11;
	[dreg:$0x6] =	wrdreg s11  }
0xa: {  	s12 =	sadd.s32 $0x2000, s11;
	[dreg:$0x7] =	wrdreg s8  }
0xb: {  	s13 =	sadd.s32 $0x3000, s11;
	[dreg:$0x8] =	wrdreg s12  }
0xc: {  	s14 =	sadd.s32 $0x4000, s11;
	[dreg:$0x9] =	wrdreg s13  }
0xd: {  	s15 =	sadd.s32 $0x5000, s11;
	[dreg:$0xa] =	wrdreg s14  }
0xe: {  	s16 =	sadd.s32 $0x6000, s11;
	[dreg:$0xb] =	wrdreg s15  }
0xf: {  	s26 =	smul.u32 $0x6400, s10;
	s17 =	sadd.s32 $0x7000, s11;
	[dreg:$0xc] =	wrdreg s16  }
0x10: {  	s21 =	sshll.u32 s10, $0xC;
	s18 =	sadd.s32 $0x8000, s11;
	[dreg:$0xd] =	wrdreg s17  }
0x11: {  	s10 =	sshll.u32 s10, $0x4;
	s19 =	sadd.s32 $0x9000, s11;
	[dreg:$0xe] =	wrdreg s18  }
0x12: {  	s22 =	sshrl.u32 s26, $0x3;
	s20 =	sadd.s32 $0xA000, s11;
	[dreg:$0xf] =	wrdreg s19  }
0x13: {  	s7 =	ssub.s32 $0x2, s7;
	s23 =	sadd.s32 s1, s22;
	[dreg:$0x10] =	wrdreg s20  }
0x14: {  	s9 =	sshrl.u32 s7, $0x1;
	s0 =	sadd.s32 $0xC800, s0;
	[dreg:$0x12] =	wrdreg s23  }
0x15: {  	s7 =	ssub.s32 s7, s9;
	s25 =	sadd.s32 $0xB000, s11;
	[dreg:$0x13] =	wrdreg s0  }
0x16: {  	s22 =	sand.u32 $0x10, s10;
	s28 =	sadd.s32 $0xC000, s11;
	[dreg:$0x15] =	wrdreg s25  }
0x17: {  	s29 =	sadd.s32 $0xD000, s11;
	s30 =	sadd.s32 $0xE000, s11;
	[dreg:$0x16] =	wrdreg s28  }
0x18: {  	s31 =	sadd.s32 $0xF000, s11;
	s10 =	simm.s32 $0x5F00;
	[dreg:$0x17] =	wrdreg s29  }
0x19: {  	s11 =	simm.s32 $0x8100;
	s8 =	sadd.s32 s21, s5;
	[dreg:$0x18] =	wrdreg s30  }
0x1a: {  	s23 =	sshll.u32 s4, $0xD;
	s24 =	smax.u32 s7, $0x1;
	[dreg:$0x19] =	wrdreg s31  }
0x1b: {  	s4 =	simm.s32 $0x3;
	s25 =	simm.s32 $0x2;
	s7 =	simm.s32 $0x1900  }
0x1c: {  	s21 =	simm.s32 $0x3900;
	s12 =	simm.s32 $0x5B00;
	s13 =	simm.s32 $0x6100  }
0x1d: {  	v0 =	vimm.f32 $0.0e+00;
	v1 =	vimm.f32 $1.000000000e+00;
	v2 =	vlaneseq.u32;
	s14 =	simm.s32 $0xD300;
	s15 =	simm.s32 $0xC300;
	[dreg:$0x11] =	wrdreg s8  }
0x1e: {  	v3 =	vimm.s32 $0x0;
	v4 =	vimm.s32 $0x10000;
	v5 =	vmul.u32 $0x10, v2;
	[dreg:$0x14] =	wrdreg s24;
	s24 =	simm.s32 $0x200;
	s8 =	simm.s32 $0x0  }
.LBB2_1:
0x1f: {  	[dreg:$0x1a] =	wrdreg s8;
	s8 =	simm.s32 $0x40;
	s9 =	simm.s32 $0x0  }
.LBB2_2:
0x20: {  	p0 =	sne.s32 s8, $0x3FC0;
	[tilespmem:s9+$0xA300] =	vst v0;
	s16 =	smov.u32 s8;
	s8 =	sadd.s32 $0x40, s8  }
.Ltmp0:
0x21: {  	[tilespmem:s9+$0xB300] =	vst v0;
	(pc) =	sbr.rel @p0 .LBB2_2-.Ltmp0, $2  }
0x22: {  	_ =	sdelay $0x2  }
0x23: {  	s9 =	sshra.s32 s16, $0x2  }
0x24: {  	[tilespmem:s9+$0xA300] =	vst v0  }
0x25: {  	[tilespmem:s9+$0xB300] =	vst v0  }
0x26: {  	[tilespmem:$0xA100] =	vst v1  }
0x27: {  	[tilespmem:$0xA110] =	vst v1  }
0x28: {  	[tilespmem:$0xA120] =	vst v1  }
0x29: {  	[tilespmem:$0xA130] =	vst v1  }
0x2a: {  	[tilespmem:$0xA140] =	vst v1  }
0x2b: {  	[tilespmem:$0xA150] =	vst v1  }
0x2c: {  	[tilespmem:$0xA160] =	vst v1  }
0x2d: {  	[tilespmem:$0xA170] =	vst v1  }
0x2e: {  	[tilespmem:$0xA180] =	vst v1  }
0x2f: {  	[tilespmem:$0xA190] =	vst v1  }
0x30: {  	[tilespmem:$0xA1A0] =	vst v1  }
0x31: {  	[tilespmem:$0xA1B0] =	vst v1  }
0x32: {  	[tilespmem:$0xA1C0] =	vst v1  }
0x33: {  	[tilespmem:$0xA1D0] =	vst v1  }
0x34: {  	[tilespmem:$0xA1E0] =	vst v1  }
0x35: {  	[tilespmem:$0xA1F0] =	vst v1  }
0x36: {  	[tilespmem:$0xA200] =	vst v1  }
0x37: {  	[tilespmem:$0xA210] =	vst v1  }
0x38: {  	[tilespmem:$0xA220] =	vst v1  }
0x39: {  	[tilespmem:$0xA230] =	vst v1  }
0x3a: {  	[tilespmem:$0xA240] =	vst v1  }
0x3b: {  	[tilespmem:$0xA250] =	vst v1  }
0x3c: {  	[tilespmem:$0xA260] =	vst v1  }
0x3d: {  	[tilespmem:$0xA270] =	vst v1  }
0x3e: {  	[tilespmem:$0xA280] =	vst v1  }
0x3f: {  	[tilespmem:$0xA290] =	vst v1  }
0x40: {  	[tilespmem:$0xA2A0] =	vst v1  }
0x41: {  	[tilespmem:$0xA2B0] =	vst v1  }
0x42: {  	[tilespmem:$0xA2C0] =	vst v1  }
0x43: {  	[tilespmem:$0xA2D0] =	vst v1  }
0x44: {  	[tilespmem:$0xA2E0] =	vst v1  }
0x45: {  	s0 =	rddreg [dreg:$0x6];
	s8 =	simm.s32 $0xA300;
	[tilespmem:$0xA2F0] =	vst v1  }
0x46: {  	[spmem:s0] =	stream.linear.scatter [tilespmem:s8], [sflag:$0x3], $0x1000, $0x38;
	[tilespmem:$0x1E518] =	vst v63  }
0x47: {  	_ =	swait.ge [sflag:s4], $0x1000  }
0x48: {  	[sflag:s4] =	ssyncset.done $0x0  }
0x49: {  	s18 =	rddreg [dreg:$0x7];
	[sflag:s4] =	ssyncadd.s32 $0xFFFFF000  }
0x4a: {  	[spmem:s18] =	stream.linear.scatter [tilespmem:s8], [sflag:$0x3], $0x1000, $0x38;
	[tilespmem:$0x1E518] =	vst v63  }
0x4b: {  	_ =	swait.ge [sflag:s4], $0x1000  }
0x4c: {  	[sflag:s4] =	ssyncset.done $0x0  }
0x4d: {  	s19 =	rddreg [dreg:$0x8];
	[sflag:s4] =	ssyncadd.s32 $0xFFFFF000  }
0x4e: {  	[spmem:s19] =	stream.linear.scatter [tilespmem:s8], [sflag:$0x3], $0x1000, $0x38;
	[tilespmem:$0x1E518] =	vst v63  }
0x4f: {  	_ =	swait.ge [sflag:s4], $0x1000  }
0x50: {  	[sflag:s4] =	ssyncset.done $0x0  }
0x51: {  	s20 =	rddreg [dreg:$0x9];
	[sflag:s4] =	ssyncadd.s32 $0xFFFFF000  }
0x52: {  	[spmem:s20] =	stream.linear.scatter [tilespmem:s8], [sflag:$0x3], $0x1000, $0x38;
	[tilespmem:$0x1E518] =	vst v63  }
0x53: {  	_ =	swait.ge [sflag:s4], $0x1000  }
0x54: {  	[sflag:s4] =	ssyncset.done $0x0  }
0x55: {  	s28 =	rddreg [dreg:$0xa];
	[sflag:s4] =	ssyncadd.s32 $0xFFFFF000  }
0x56: {  	[spmem:s28] =	stream.linear.scatter [tilespmem:s8], [sflag:$0x3], $0x1000, $0x38;
	[tilespmem:$0x1E518] =	vst v63  }
0x57: {  	_ =	swait.ge [sflag:s4], $0x1000  }
0x58: {  	[sflag:s4] =	ssyncset.done $0x0  }
0x59: {  	s29 =	rddreg [dreg:$0xb];
	[sflag:s4] =	ssyncadd.s32 $0xFFFFF000  }
0x5a: {  	[spmem:s29] =	stream.linear.scatter [tilespmem:s8], [sflag:$0x3], $0x1000, $0x38;
	[tilespmem:$0x1E518] =	vst v63  }
0x5b: {  	_ =	swait.ge [sflag:s4], $0x1000  }
0x5c: {  	[sflag:s4] =	ssyncset.done $0x0  }
0x5d: {  	s30 =	rddreg [dreg:$0xc];
	[sflag:s4] =	ssyncadd.s32 $0xFFFFF000  }
0x5e: {  	[spmem:s30] =	stream.linear.scatter [tilespmem:s8], [sflag:$0x3], $0x1000, $0x38;
	[tilespmem:$0x1E518] =	vst v63  }
0x5f: {  	_ =	swait.ge [sflag:s4], $0x1000  }
0x60: {  	[sflag:s4] =	ssyncset.done $0x0  }
0x61: {  	s31 =	rddreg [dreg:$0xd];
	[sflag:s4] =	ssyncadd.s32 $0xFFFFF000  }
0x62: {  	[spmem:s31] =	stream.linear.scatter [tilespmem:s8], [sflag:$0x3], $0x1000, $0x38;
	[tilespmem:$0x1E518] =	vst v63  }
0x63: {  	_ =	swait.ge [sflag:s4], $0x1000  }
0x64: {  	[sflag:s4] =	ssyncset.done $0x0  }
0x65: {  	s9 =	rddreg [dreg:$0xe];
	[sflag:s4] =	ssyncadd.s32 $0xFFFFF000  }
0x66: {  	[spmem:s9] =	stream.linear.scatter [tilespmem:s8], [sflag:$0x3], $0x1000, $0x38;
	[tilespmem:$0x1E518] =	vst v63  }
0x67: {  	_ =	swait.ge [sflag:s4], $0x1000  }
0x68: {  	[sflag:s4] =	ssyncset.done $0x0  }
0x69: {  	s16 =	rddreg [dreg:$0xf];
	[sflag:s4] =	ssyncadd.s32 $0xFFFFF000  }
0x6a: {  	[spmem:s16] =	stream.linear.scatter [tilespmem:s8], [sflag:$0x3], $0x1000, $0x38;
	[tilespmem:$0x1E518] =	vst v63  }
0x6b: {  	_ =	swait.ge [sflag:s4], $0x1000  }
0x6c: {  	[sflag:s4] =	ssyncset.done $0x0  }
0x6d: {  	s17 =	rddreg [dreg:$0x10];
	[sflag:s4] =	ssyncadd.s32 $0xFFFFF000  }
0x6e: {  	[spmem:s17] =	stream.linear.scatter [tilespmem:s8], [sflag:$0x3], $0x1000, $0x38;
	[tilespmem:$0x1E518] =	vst v63  }
0x6f: {  	_ =	swait.ge [sflag:s4], $0x1000  }
0x70: {  	[sflag:s4] =	ssyncset.done $0x0  }
0x71: {  	s18 =	rddreg [dreg:$0x15];
	[sflag:s4] =	ssyncadd.s32 $0xFFFFF000  }
0x72: {  	[spmem:s18] =	stream.linear.scatter [tilespmem:s8], [sflag:$0x3], $0x1000, $0x38;
	[tilespmem:$0x1E518] =	vst v63  }
0x73: {  	_ =	swait.ge [sflag:s4], $0x1000  }
0x74: {  	[sflag:s4] =	ssyncset.done $0x0  }
0x75: {  	s19 =	rddreg [dreg:$0x16];
	[sflag:s4] =	ssyncadd.s32 $0xFFFFF000  }
0x76: {  	[spmem:s19] =	stream.linear.scatter [tilespmem:s8], [sflag:$0x3], $0x1000, $0x38;
	[tilespmem:$0x1E518] =	vst v63  }
0x77: {  	_ =	swait.ge [sflag:s4], $0x1000  }
0x78: {  	[sflag:s4] =	ssyncset.done $0x0  }
0x79: {  	s20 =	rddreg [dreg:$0x17];
	[sflag:s4] =	ssyncadd.s32 $0xFFFFF000  }
0x7a: {  	[spmem:s20] =	stream.linear.scatter [tilespmem:s8], [sflag:$0x3], $0x1000, $0x38;
	[tilespmem:$0x1E518] =	vst v63  }
0x7b: {  	_ =	swait.ge [sflag:s4], $0x1000  }
0x7c: {  	[sflag:s4] =	ssyncset.done $0x0  }
0x7d: {  	s28 =	rddreg [dreg:$0x18];
	[sflag:s4] =	ssyncadd.s32 $0xFFFFF000  }
0x7e: {  	[spmem:s28] =	stream.linear.scatter [tilespmem:s8], [sflag:$0x3], $0x1000, $0x38;
	[tilespmem:$0x1E518] =	vst v63  }
0x7f: {  	_ =	swait.ge [sflag:s4], $0x1000  }
0x80: {  	[sflag:s4] =	ssyncset.done $0x0  }
0x81: {  	s29 =	rddreg [dreg:$0x19];
	[sflag:s4] =	ssyncadd.s32 $0xFFFFF000  }
0x82: {  	[spmem:s29] =	stream.linear.scatter [tilespmem:s8], [sflag:$0x3], $0x1000, $0x38;
	[tilespmem:$0x1E518] =	vst v63  }
0x83: {  	_ =	swait.ge [sflag:s4], $0x1000  }
0x84: {  	[sflag:s4] =	ssyncset.done $0x0  }
0x85: {  	s31 =	simm.s32 $0xB300;
	s30 =	rddreg [dreg:$0x11];
	[sflag:s4] =	ssyncadd.s32 $0xFFFFF000  }
0x86: {  	[spmem:s30] =	stream.linear.scatter [tilespmem:s31], [sflag:$0x3], $0x1000, $0x38;
	[tilespmem:$0x1E518] =	vst v63  }
0x87: {  	_ =	swait.ge [sflag:s4], $0x1000  }
0x88: {  	[sflag:s4] =	ssyncset.done $0x0  }
0x89: {  	s16 =	simm.s32 $0x0;
	[sflag:s4] =	ssyncadd.s32 $0xFFFFF000  }
.LBB2_4:
0x8a: {  	s8 =	sshll.u32 s16, $0x1;
	[bflag:$0x0] =	sbarrier.arrive $0xFFFF  }
.Ltmp1:
0x8b: {  	s30 =	simm.s32 $0x0;
	s0 =	rddreg [dreg:$0x5];
	(pc) =	sbr.rel .LBB2_6-.Ltmp1, $4  }
0x8c: {  	s20 =	simm.s32 $0x0;
	s29 =	rddreg [dreg:$0x12];
	s9 =	sor.u32 s0, s8  }
0x8d: {  	[tilespmem:s30], [sflag:$0x2] =	stream.linear.gather [hbm4b:s29+s30], $0xC80, $0x38;
	[tilespmem:$0x1E518] =	vst v63  }
0x8e: {  	s18 =	simm.s32 $0x0;
	s19 =	simm.s32 $0x0;
	s31 =	sshll.u32 s9, $0x10  }
0x8f: {  	s28 =	simm.s32 $0x0;
	[dreg:$0x1b] =	wrdreg s9;
	s9 =	smov.u32 s26;
	v6 =	vmov s31  }
.LBB2_14:
0x90: {  	s18 =	smov.u32 s8  }
.LBB2_5:
0x91: {  	p0 =	seq.s32 s28, $0x8  }
.Ltmp2:
0x92: {  	_ = 	snop;
	(pc) =	sbr.rel @p0 .LBB2_15-.Ltmp2, $2  }
0x93: {  	_ =	sdelay $0x2  }
0x94: {  	s9 =	sadd.s32 $0xC80, s9  }
.LBB2_6:
0x95: {  	s8 =	smov.u32 s28  }
0x96: {  	p0 =	seq.s32 s8, $0x7;
	s8 =	sand.u32 $0x1, s8  }
0x97: {  	s28 =	sadd.s32 $0x1, s28;
	p1 =	seq.s32 s8, $0x1;
	s8 =	simm.s32 $0xC80  }
0x98: {  	_ =	swait.ge [sflag:s25], $0xC80;
	s29 =	smul.u32 @!p0 $0xC80, s28;
	s8 =	simm.s32 @!p1 $0x0  }
0x99: {  	s31 =	simm.s32 $0x0;
	[sflag:s25] =	ssyncset.done $0x0;
	s30 =	sand.u32 @!p0 $0x1, s28;
	v7 =	vmov s8  }
0x9a: {  	[sflag:s25] =	ssyncadd.s32 $0xFFFFF380;
	p1 =	seq.s32 @!p0 s30, $0x1;
	s29 =	sadd.s32 @!p0 s26, s29  }
0x9b: {  	s8 =	simm.s32 @!p0 $0xC80;
	p1 =	por !p1, p0;
	s29 =	sshrl.u32 @!p0 s29, $0x3  }
0x9c: {  	s30 =	simm.s32 @!p0 $0x0;
	s8 =	simm.s32 @p1 $0x0;
	s29 =	sadd.s32 @!p0 s1, s29  }
0x9d: {  	[tilespmem:s8], [sflag:$0x2] =	stream.linear.gather @!p0 [hbm4b:s29+s30], $0xC80, $0x38;
	[tilespmem:$0x1E518] =	vst v63  }
0x9e: {  	v8 =	vld.idx.msk [tilespmem:v7+s31+$0x0 ss:$0x1], $0xffff;
	_ =	sdelay $0x4  }
0x9f: {  	v8 =	vsub.s32 v8, v6  }
0xa0: {  	vm0 =	vlt.u32 v8, $0x10000  }
0xa1: {  	v9 =	vsel vm0, $0x1, v3  }
0xa2: {  	(xrf0) =	vadd.scan.msk.s32 $0xffff, v9;
	_ =	sdelay $0x4  }
0xa3: {  	v63 =	vsel vm0, $0xFFFFFFFF, v3  }
0xa4: {  	v9 =	vadd.s32 s19, v63;
	v10, _, _ =	vpop (xrf0)  }
0xa5: {  	v9 =	vadd.s32 v10, v9;
	(v2sf) =	vpush v10, $0xF  }
0xa6: {  	v9 =	vand.u32 $0x1FFF, v9;
	_ =	sdelay $0x4  }
0xa7: {  	[tilespmem:v9+s7+$0x0] =	vst.idx.msk vm0, v8;
	v8 =	vor.u32 s9, v2  }
0xa8: {  	s30 =	simm.s32 $0x10;
	s29 =	simm.s32 $0x80;
	s8 =	smov.u32 s9;
	[tilespmem:v9+s21+$0x0] =	vst.idx.msk vm0, v8  }
.LBB2_7:
0xa9: {  	p0 =	sne.s32 s29, $0x31C0;
	v8 =	vld.idx.msk [tilespmem:v7+s30+$0x0 ss:$0x1], $0xffff;
	_ =	sdelay $0x5  }
0xaa: {  	v8 =	vsub.s32 v8, v6  }
0xab: {  	vm0 =	vlt.u32 v8, $0x10000;
	s30 =	spop (v2sf)  }
0xac: {  	v9 =	vsel vm0, $0xFFFFFFFF, v3;
	v10 =	vsel vm0, $0x1, v3;
	s19 =	sadd.s32 s19, s30  }
0xad: {  	v9 =	vadd.s32 s19, v9;
	(xrf0) =	vadd.scan.msk.s32 $0xffff, v10;
	_ =	sdelay $0x5  }
0xae: {  	v10, _, _ =	vpop (xrf0)  }
0xaf: {  	v9 =	vadd.s32 v10, v9;
	(v2sf) =	vpush v10, $0xF  }
0xb0: {  	v9 =	vand.u32 $0x1FFF, v9;
	_ =	sdelay $0x1  }
.Ltmp3:
0xb1: {  	(pc) =	sbr.rel @p0 .LBB2_7-.Ltmp3, $4  }
0xb2: {  	_ = 	snop  }
0xb3: {  	s8 =	sadd.s32 $0x10, s8  }
0xb4: {  	[tilespmem:v9+s7+$0x0] =	vst.idx.msk vm0, v8;
	v8 =	vor.u32 s8, v2  }
0xb5: {  	s30 =	sshra.s32 s29, $0x2;
	s29 =	sadd.s32 $0x40, s29;
	[tilespmem:v9+s21+$0x0] =	vst.idx.msk vm0, v8  }
0xb6: {  	_ =	sdelay $0x3  }
0xb7: {  	v7 =	vld.idx.msk [tilespmem:v7+s30+$0x0 ss:$0x1], $0xffff;
	_ =	sdelay $0x4  }
0xb8: {  	v7 =	vsub.s32 v7, v6  }
0xb9: {  	vm0 =	vlt.u32 v7, $0x10000  }
0xba: {  	v8 =	vsel vm0, $0x1, v3  }
0xbb: {  	(xrf0) =	vadd.scan.msk.s32 $0xffff, v8;
	_ =	sdelay $0x5  }
0xbc: {  	v8, _, _ =	vpop (xrf0)  }
0xbd: {  	(v2sf) =	vpush v8, $0xF;
	_ =	sdelay $0xd  }
0xbe: {  	s29 =	spop (v2sf)  }
0xbf: {  	v9 =	vsel vm0, $0xFFFFFFFF, v3;
	s19 =	sadd.s32 s19, s29;
	s29 =	spop (v2sf)  }
0xc0: {  	v9 =	vadd.s32 s19, v9;
	s19 =	sadd.s32 s19, s29  }
0xc1: {  	s29 =	sshra.s32 s19, $0x1F;
	s31 =	sand.u32 $0x1FF, s19  }
0xc2: {  	p0 =	slt.s32 s19, $0x1;
	s29 =	sshrl.u32 s29, $0x17;
	p1 =	sne.s32 s31, $0x0  }
0xc3: {  	s29 =	sadd.s32 s29, s19;
	p0 =	por !p0, !p1  }
0xc4: {  	s30 =	simm.s32 $0x1;
	s29 =	sshra.s32 s29, $0x9;
	p0 =	por !p0, !p0  }
0xc5: {  	v8 =	vadd.s32 v8, v9;
	s31 =	ssub.s32 s29, s18;
	s30 =	simm.s32 @!p0 $0x0  }
0xc6: {  	v8 =	vand.u32 $0x1FFF, v8;
	s30 =	ssub.s32 s31, s30  }
0xc7: {  	p1 =	slt.s32 s30, $0x1  }
.Ltmp4:
0xc8: {  	_ = 	snop;
	(pc) =	sbr.rel @p1 .LBB2_5-.Ltmp4, $4  }
0xc9: {  	_ = 	snop  }
0xca: {  	s8 =	sadd.s32 $0x10, s8  }
0xcb: {  	[tilespmem:v8+s7+$0x0] =	vst.idx.msk vm0, v7;
	v7 =	vor.u32 s8, v2  }
0xcc: {  	[tilespmem:v8+s21+$0x0] =	vst.idx.msk vm0, v7  }
.Ltmp5:
0xcd: {  	(pc) =	sbr.rel .LBB2_10-.Ltmp5, $4  }
0xce: {  	_ = 	snop  }
0xcf: {  	s8 =	simm.s32 $0xFFFFFFFF  }
0xd0: {  	s8 =	simm.s32 @!p0 $0x0  }
0xd1: {  	s8 =	sadd.s32 s8, s29;
	s29 =	sshll.u32 s18, $0x9  }
.LBB2_12:
0xd2: {  	s30 =	sand.u32 $0x1E00, s29  }
0xd3: {  	v7 =	vld [tilespmem:s30+$0x1900];
	_ =	sdelay $0x4  }
0xd4: {  	[tilespmem:$0x5D00] =	vst v7  }
0xd5: {  	v7 =	vld [tilespmem:s30+$0x3900];
	_ =	sdelay $0x4  }
0xd6: {  	[tilespmem:$0x5F00] =	vst v7  }
0xd7: {  	v7 =	vld [tilespmem:s30+$0x1910];
	_ =	sdelay $0x4  }
0xd8: {  	[tilespmem:$0x5D10] =	vst v7  }
0xd9: {  	v7 =	vld [tilespmem:s30+$0x3910];
	_ =	sdelay $0x4  }
0xda: {  	[tilespmem:$0x5F10] =	vst v7  }
0xdb: {  	v7 =	vld [tilespmem:s30+$0x1920];
	_ =	sdelay $0x4  }
0xdc: {  	[tilespmem:$0x5D20] =	vst v7  }
0xdd: {  	v7 =	vld [tilespmem:s30+$0x3920];
	_ =	sdelay $0x4  }
0xde: {  	[tilespmem:$0x5F20] =	vst v7  }
0xdf: {  	v7 =	vld [tilespmem:s30+$0x1930];
	_ =	sdelay $0x4  }
0xe0: {  	[tilespmem:$0x5D30] =	vst v7  }
0xe1: {  	v7 =	vld [tilespmem:s30+$0x3930];
	_ =	sdelay $0x4  }
0xe2: {  	[tilespmem:$0x5F30] =	vst v7  }
0xe3: {  	v7 =	vld [tilespmem:s30+$0x1940];
	_ =	sdelay $0x4  }
0xe4: {  	[tilespmem:$0x5D40] =	vst v7  }
0xe5: {  	v7 =	vld [tilespmem:s30+$0x3940];
	_ =	sdelay $0x4  }
0xe6: {  	[tilespmem:$0x5F40] =	vst v7  }
0xe7: {  	v7 =	vld [tilespmem:s30+$0x1950];
	_ =	sdelay $0x4  }
0xe8: {  	[tilespmem:$0x5D50] =	vst v7  }
0xe9: {  	v7 =	vld [tilespmem:s30+$0x3950];
	_ =	sdelay $0x4  }
0xea: {  	[tilespmem:$0x5F50] =	vst v7  }
0xeb: {  	v7 =	vld [tilespmem:s30+$0x1960];
	_ =	sdelay $0x4  }
0xec: {  	[tilespmem:$0x5D60] =	vst v7  }
0xed: {  	v7 =	vld [tilespmem:s30+$0x3960];
	_ =	sdelay $0x4  }
0xee: {  	[tilespmem:$0x5F60] =	vst v7  }
0xef: {  	v7 =	vld [tilespmem:s30+$0x1970];
	_ =	sdelay $0x4  }
0xf0: {  	[tilespmem:$0x5D70] =	vst v7  }
0xf1: {  	v7 =	vld [tilespmem:s30+$0x3970];
	_ =	sdelay $0x4  }
0xf2: {  	[tilespmem:$0x5F70] =	vst v7  }
0xf3: {  	v7 =	vld [tilespmem:s30+$0x1980];
	_ =	sdelay $0x4  }
0xf4: {  	[tilespmem:$0x5D80] =	vst v7  }
0xf5: {  	v7 =	vld [tilespmem:s30+$0x3980];
	_ =	sdelay $0x4  }
0xf6: {  	[tilespmem:$0x5F80] =	vst v7  }
0xf7: {  	v7 =	vld [tilespmem:s30+$0x1990];
	_ =	sdelay $0x4  }
0xf8: {  	[tilespmem:$0x5D90] =	vst v7  }
0xf9: {  	v7 =	vld [tilespmem:s30+$0x3990];
	_ =	sdelay $0x4  }
0xfa: {  	[tilespmem:$0x5F90] =	vst v7  }
0xfb: {  	v7 =	vld [tilespmem:s30+$0x19A0];
	_ =	sdelay $0x4  }
0xfc: {  	[tilespmem:$0x5DA0] =	vst v7  }
0xfd: {  	v7 =	vld [tilespmem:s30+$0x39A0];
	_ =	sdelay $0x4  }
0xfe: {  	[tilespmem:$0x5FA0] =	vst v7  }
0xff: {  	v7 =	vld [tilespmem:s30+$0x19B0];
	_ =	sdelay $0x4  }
0x100: {  	[tilespmem:$0x5DB0] =	vst v7  }
0x101: {  	v7 =	vld [tilespmem:s30+$0x39B0];
	_ =	sdelay $0x4  }
0x102: {  	[tilespmem:$0x5FB0] =	vst v7  }
0x103: {  	v7 =	vld [tilespmem:s30+$0x19C0];
	_ =	sdelay $0x4  }
0x104: {  	[tilespmem:$0x5DC0] =	vst v7  }
0x105: {  	v7 =	vld [tilespmem:s30+$0x39C0];
	_ =	sdelay $0x4  }
0x106: {  	[tilespmem:$0x5FC0] =	vst v7  }
0x107: {  	v7 =	vld [tilespmem:s30+$0x19D0];
	_ =	sdelay $0x4  }
0x108: {  	[tilespmem:$0x5DD0] =	vst v7  }
0x109: {  	v7 =	vld [tilespmem:s30+$0x39D0];
	_ =	sdelay $0x4  }
0x10a: {  	[tilespmem:$0x5FD0] =	vst v7  }
0x10b: {  	v7 =	vld [tilespmem:s30+$0x19E0];
	_ =	sdelay $0x4  }
0x10c: {  	[tilespmem:$0x5DE0] =	vst v7  }
0x10d: {  	v7 =	vld [tilespmem:s30+$0x39E0];
	_ =	sdelay $0x4  }
0x10e: {  	[tilespmem:$0x5FE0] =	vst v7  }
0x10f: {  	v7 =	vld [tilespmem:s30+$0x19F0];
	_ =	sdelay $0x4  }
0x110: {  	[tilespmem:$0x5DF0] =	vst v7  }
0x111: {  	v7 =	vld [tilespmem:s30+$0x39F0];
	_ =	sdelay $0x4  }
0x112: {  	[tilespmem:$0x5FF0] =	vst v7  }
0x113: {  	v7 =	vld [tilespmem:s30+$0x1A00];
	_ =	sdelay $0x4  }
0x114: {  	[tilespmem:$0x5E00] =	vst v7  }
0x115: {  	v7 =	vld [tilespmem:s30+$0x3A00];
	_ =	sdelay $0x4  }
0x116: {  	[tilespmem:$0x6000] =	vst v7  }
0x117: {  	v7 =	vld [tilespmem:s30+$0x1A10];
	_ =	sdelay $0x4  }
0x118: {  	[tilespmem:$0x5E10] =	vst v7  }
0x119: {  	v7 =	vld [tilespmem:s30+$0x3A10];
	_ =	sdelay $0x4  }
0x11a: {  	[tilespmem:$0x6010] =	vst v7  }
0x11b: {  	v7 =	vld [tilespmem:s30+$0x1A20];
	_ =	sdelay $0x4  }
0x11c: {  	[tilespmem:$0x5E20] =	vst v7  }
0x11d: {  	v7 =	vld [tilespmem:s30+$0x3A20];
	_ =	sdelay $0x4  }
0x11e: {  	[tilespmem:$0x6020] =	vst v7  }
0x11f: {  	v7 =	vld [tilespmem:s30+$0x1A30];
	_ =	sdelay $0x4  }
0x120: {  	[tilespmem:$0x5E30] =	vst v7  }
0x121: {  	v7 =	vld [tilespmem:s30+$0x3A30];
	_ =	sdelay $0x4  }
0x122: {  	[tilespmem:$0x6030] =	vst v7  }
0x123: {  	v7 =	vld [tilespmem:s30+$0x1A40];
	_ =	sdelay $0x4  }
0x124: {  	[tilespmem:$0x5E40] =	vst v7  }
0x125: {  	v7 =	vld [tilespmem:s30+$0x3A40];
	_ =	sdelay $0x4  }
0x126: {  	[tilespmem:$0x6040] =	vst v7  }
0x127: {  	v7 =	vld [tilespmem:s30+$0x1A50];
	_ =	sdelay $0x4  }
0x128: {  	[tilespmem:$0x5E50] =	vst v7  }
0x129: {  	v7 =	vld [tilespmem:s30+$0x3A50];
	_ =	sdelay $0x4  }
0x12a: {  	[tilespmem:$0x6050] =	vst v7  }
0x12b: {  	v7 =	vld [tilespmem:s30+$0x1A60];
	_ =	sdelay $0x4  }
0x12c: {  	[tilespmem:$0x5E60] =	vst v7  }
0x12d: {  	v7 =	vld [tilespmem:s30+$0x3A60];
	_ =	sdelay $0x4  }
0x12e: {  	[tilespmem:$0x6060] =	vst v7  }
0x12f: {  	v7 =	vld [tilespmem:s30+$0x1A70];
	_ =	sdelay $0x4  }
0x130: {  	[tilespmem:$0x5E70] =	vst v7  }
0x131: {  	v7 =	vld [tilespmem:s30+$0x3A70];
	_ =	sdelay $0x4  }
0x132: {  	[tilespmem:$0x6070] =	vst v7  }
0x133: {  	v7 =	vld [tilespmem:s30+$0x1A80];
	_ =	sdelay $0x4  }
0x134: {  	[tilespmem:$0x5E80] =	vst v7  }
0x135: {  	v7 =	vld [tilespmem:s30+$0x3A80];
	_ =	sdelay $0x4  }
0x136: {  	[tilespmem:$0x6080] =	vst v7  }
0x137: {  	v7 =	vld [tilespmem:s30+$0x1A90];
	_ =	sdelay $0x4  }
0x138: {  	[tilespmem:$0x5E90] =	vst v7  }
0x139: {  	v7 =	vld [tilespmem:s30+$0x3A90];
	_ =	sdelay $0x4  }
0x13a: {  	[tilespmem:$0x6090] =	vst v7  }
0x13b: {  	v7 =	vld [tilespmem:s30+$0x1AA0];
	_ =	sdelay $0x4  }
0x13c: {  	[tilespmem:$0x5EA0] =	vst v7  }
0x13d: {  	v7 =	vld [tilespmem:s30+$0x3AA0];
	_ =	sdelay $0x4  }
0x13e: {  	[tilespmem:$0x60A0] =	vst v7  }
0x13f: {  	v7 =	vld [tilespmem:s30+$0x1AB0];
	_ =	sdelay $0x4  }
0x140: {  	[tilespmem:$0x5EB0] =	vst v7  }
0x141: {  	v7 =	vld [tilespmem:s30+$0x3AB0];
	_ =	sdelay $0x4  }
0x142: {  	[tilespmem:$0x60B0] =	vst v7  }
0x143: {  	v7 =	vld [tilespmem:s30+$0x1AC0];
	_ =	sdelay $0x4  }
0x144: {  	[tilespmem:$0x5EC0] =	vst v7  }
0x145: {  	v7 =	vld [tilespmem:s30+$0x3AC0];
	_ =	sdelay $0x4  }
0x146: {  	[tilespmem:$0x60C0] =	vst v7  }
0x147: {  	v7 =	vld [tilespmem:s30+$0x1AD0];
	_ =	sdelay $0x4  }
0x148: {  	[tilespmem:$0x5ED0] =	vst v7  }
0x149: {  	v7 =	vld [tilespmem:s30+$0x3AD0];
	_ =	sdelay $0x4  }
0x14a: {  	[tilespmem:$0x60D0] =	vst v7  }
0x14b: {  	v7 =	vld [tilespmem:s30+$0x1AE0];
	_ =	sdelay $0x4  }
0x14c: {  	[tilespmem:$0x5EE0] =	vst v7  }
0x14d: {  	v7 =	vld [tilespmem:s30+$0x3AE0];
	_ =	sdelay $0x4  }
0x14e: {  	[tilespmem:$0x60E0] =	vst v7  }
0x14f: {  	v7 =	vld [tilespmem:s30+$0x1AF0];
	_ =	sdelay $0x4  }
0x150: {  	[tilespmem:$0x5EF0] =	vst v7  }
0x151: {  	v7 =	vld [tilespmem:s30+$0x3AF0];
	_ =	sdelay $0x4  }
0x152: {  	[tilespmem:$0x60F0] =	vst v7  }
0x153: {  	[tilespmem:s11], [sflag:$0x1] =	stream.indirect.gather [hbm4b:s2+s24], $0x10, s10, s24, $0xb8;
	[tilespmem:$0x1E518] =	vst v63  }
.LBB2_13:
0x154: {  	p0 =	sle.s32 s18, s20  }
0x155: {  	s30 =	simm.s32 @!p0 $0x1  }
0x156: {  	s31 =	sand.u32 @!p0 $0x1, s20;
	_ =	swait.ge @!p0 [sflag:s30], $0x2000  }
0x157: {  	p1 =	seq.s32 @!p0 s31, $0x1;
	[sflag:s30] =	ssyncset.done @!p0 $0x0  }
0x158: {  	p2 =	por !p1, p0;
	p1 =	por p1, p0;
	[sflag:s30] =	ssyncadd.s32 @!p0 $0xFFFFE000  }
0x159: {  	s30 =	simm.s32 @!p2 $0x200;
	s31 =	simm.s32 @!p2 $0x5D00;
	s17 =	simm.s32 @!p2 $0x8100  }
0x15a: {  	[spmem:s3] =	stream.indirect.scatter.add.f32 @!p2 [tilespmem:s17], [sflag:$0x3], $0x10, s31, s30, $0xb8;
	[tilespmem:$0x1E518] =	vst v63  }
0x15b: {  	s0 =	simm.s32 @!p1 $0x6100;
	s17 =	simm.s32 @!p1 $0x200;
	s30 =	simm.s32 @!p1 $0x5900  }
0x15c: {  	[spmem:s3] =	stream.indirect.scatter.add.f32 @!p1 [tilespmem:s0], [sflag:$0x3], $0x10, s30, s17, $0xb8;
	[tilespmem:$0x1E518] =	vst v63  }
0x15d: {  	s0 =	simm.s32 @!p0 $0x3  }
0x15e: {  	_ =	swait.ge @!p0 [sflag:s0], $0x2000  }
0x15f: {  	s31 =	simm.s32 @p2 $0x5900;
	[sflag:s0] =	ssyncset.done @!p0 $0x0  }
0x160: {  	s17 =	simm.s32 @!p0 $0x200;
	s30 =	simm.s32 @!p0 $0xA100;
	[sflag:s0] =	ssyncadd.s32 @!p0 $0xFFFFE000  }
0x161: {  	[spmem:s5] =	stream.indirect.scatter.add.f32 @!p0 [tilespmem:s30], [sflag:$0x3], $0x1, s31, s17, $0xb8;
	[tilespmem:$0x1E518] =	vst v63  }
0x162: {  	p1 =	sgt.s32 s18, s20;
	s18 =	sadd.s32 $0x1, s18;
	s17 =	simm.s32 $0x1  }
0x163: {  	s17 =	simm.s32 @!p1 $0x0;
	p1 =	seq.s32 s8, s18  }
.Ltmp6:
0x164: {  	_ = 	snop;
	(pc) =	sbr.rel @p1 .LBB2_14-.Ltmp6, $4  }
0x165: {  	_ = 	snop  }
0x166: {  	_ =	swait.ge @!p0 [sflag:s0], $0x200  }
0x167: {  	[sflag:s0] =	ssyncset.done @!p0 $0x0  }
0x168: {  	s29 =	sadd.s32 $0x200, s29;
	s20 =	sadd.s32 s17, s20;
	[sflag:s0] =	ssyncadd.s32 @!p0 $0xFFFFFE00  }
.LBB2_10:
0x169: {  	s30 =	sand.u32 $0x1, s18  }
0x16a: {  	p0 =	seq.s32 s30, $0x1  }
.Ltmp7:
0x16b: {  	_ = 	snop;
	(pc) =	sbr.rel @p0 .LBB2_12-.Ltmp7, $1  }
0x16c: {  	_ =	sdelay $0x3  }
0x16d: {  	s30 =	sand.u32 $0x1C00, s29  }
0x16e: {  	v7 =	vld [tilespmem:s30+$0x1900];
	_ =	sdelay $0x4  }
0x16f: {  	[tilespmem:$0x5900] =	vst v7  }
0x170: {  	v7 =	vld [tilespmem:s30+$0x3900];
	_ =	sdelay $0x4  }
0x171: {  	[tilespmem:$0x5B00] =	vst v7  }
0x172: {  	v7 =	vld [tilespmem:s30+$0x1910];
	_ =	sdelay $0x4  }
0x173: {  	[tilespmem:$0x5910] =	vst v7  }
0x174: {  	v7 =	vld [tilespmem:s30+$0x3910];
	_ =	sdelay $0x4  }
0x175: {  	[tilespmem:$0x5B10] =	vst v7  }
0x176: {  	v7 =	vld [tilespmem:s30+$0x1920];
	_ =	sdelay $0x4  }
0x177: {  	[tilespmem:$0x5920] =	vst v7  }
0x178: {  	v7 =	vld [tilespmem:s30+$0x3920];
	_ =	sdelay $0x4  }
0x179: {  	[tilespmem:$0x5B20] =	vst v7  }
0x17a: {  	v7 =	vld [tilespmem:s30+$0x1930];
	_ =	sdelay $0x4  }
0x17b: {  	[tilespmem:$0x5930] =	vst v7  }
0x17c: {  	v7 =	vld [tilespmem:s30+$0x3930];
	_ =	sdelay $0x4  }
0x17d: {  	[tilespmem:$0x5B30] =	vst v7  }
0x17e: {  	v7 =	vld [tilespmem:s30+$0x1940];
	_ =	sdelay $0x4  }
0x17f: {  	[tilespmem:$0x5940] =	vst v7  }
0x180: {  	v7 =	vld [tilespmem:s30+$0x3940];
	_ =	sdelay $0x4  }
0x181: {  	[tilespmem:$0x5B40] =	vst v7  }
0x182: {  	v7 =	vld [tilespmem:s30+$0x1950];
	_ =	sdelay $0x4  }
0x183: {  	[tilespmem:$0x5950] =	vst v7  }
0x184: {  	v7 =	vld [tilespmem:s30+$0x3950];
	_ =	sdelay $0x4  }
0x185: {  	[tilespmem:$0x5B50] =	vst v7  }
0x186: {  	v7 =	vld [tilespmem:s30+$0x1960];
	_ =	sdelay $0x4  }
0x187: {  	[tilespmem:$0x5960] =	vst v7  }
0x188: {  	v7 =	vld [tilespmem:s30+$0x3960];
	_ =	sdelay $0x4  }
0x189: {  	[tilespmem:$0x5B60] =	vst v7  }
0x18a: {  	v7 =	vld [tilespmem:s30+$0x1970];
	_ =	sdelay $0x4  }
0x18b: {  	[tilespmem:$0x5970] =	vst v7  }
0x18c: {  	v7 =	vld [tilespmem:s30+$0x3970];
	_ =	sdelay $0x4  }
0x18d: {  	[tilespmem:$0x5B70] =	vst v7  }
0x18e: {  	v7 =	vld [tilespmem:s30+$0x1980];
	_ =	sdelay $0x4  }
0x18f: {  	[tilespmem:$0x5980] =	vst v7  }
0x190: {  	v7 =	vld [tilespmem:s30+$0x3980];
	_ =	sdelay $0x4  }
0x191: {  	[tilespmem:$0x5B80] =	vst v7  }
0x192: {  	v7 =	vld [tilespmem:s30+$0x1990];
	_ =	sdelay $0x4  }
0x193: {  	[tilespmem:$0x5990] =	vst v7  }
0x194: {  	v7 =	vld [tilespmem:s30+$0x3990];
	_ =	sdelay $0x4  }
0x195: {  	[tilespmem:$0x5B90] =	vst v7  }
0x196: {  	v7 =	vld [tilespmem:s30+$0x19A0];
	_ =	sdelay $0x4  }
0x197: {  	[tilespmem:$0x59A0] =	vst v7  }
0x198: {  	v7 =	vld [tilespmem:s30+$0x39A0];
	_ =	sdelay $0x4  }
0x199: {  	[tilespmem:$0x5BA0] =	vst v7  }
0x19a: {  	v7 =	vld [tilespmem:s30+$0x19B0];
	_ =	sdelay $0x4  }
0x19b: {  	[tilespmem:$0x59B0] =	vst v7  }
0x19c: {  	v7 =	vld [tilespmem:s30+$0x39B0];
	_ =	sdelay $0x4  }
0x19d: {  	[tilespmem:$0x5BB0] =	vst v7  }
0x19e: {  	v7 =	vld [tilespmem:s30+$0x19C0];
	_ =	sdelay $0x4  }
0x19f: {  	[tilespmem:$0x59C0] =	vst v7  }
0x1a0: {  	v7 =	vld [tilespmem:s30+$0x39C0];
	_ =	sdelay $0x4  }
0x1a1: {  	[tilespmem:$0x5BC0] =	vst v7  }
0x1a2: {  	v7 =	vld [tilespmem:s30+$0x19D0];
	_ =	sdelay $0x4  }
0x1a3: {  	[tilespmem:$0x59D0] =	vst v7  }
0x1a4: {  	v7 =	vld [tilespmem:s30+$0x39D0];
	_ =	sdelay $0x4  }
0x1a5: {  	[tilespmem:$0x5BD0] =	vst v7  }
0x1a6: {  	v7 =	vld [tilespmem:s30+$0x19E0];
	_ =	sdelay $0x4  }
0x1a7: {  	[tilespmem:$0x59E0] =	vst v7  }
0x1a8: {  	v7 =	vld [tilespmem:s30+$0x39E0];
	_ =	sdelay $0x4  }
0x1a9: {  	[tilespmem:$0x5BE0] =	vst v7  }
0x1aa: {  	v7 =	vld [tilespmem:s30+$0x19F0];
	_ =	sdelay $0x4  }
0x1ab: {  	[tilespmem:$0x59F0] =	vst v7  }
0x1ac: {  	v7 =	vld [tilespmem:s30+$0x39F0];
	_ =	sdelay $0x4  }
0x1ad: {  	[tilespmem:$0x5BF0] =	vst v7  }
0x1ae: {  	v7 =	vld [tilespmem:s30+$0x1A00];
	_ =	sdelay $0x4  }
0x1af: {  	[tilespmem:$0x5A00] =	vst v7  }
0x1b0: {  	v7 =	vld [tilespmem:s30+$0x3A00];
	_ =	sdelay $0x4  }
0x1b1: {  	[tilespmem:$0x5C00] =	vst v7  }
0x1b2: {  	v7 =	vld [tilespmem:s30+$0x1A10];
	_ =	sdelay $0x4  }
0x1b3: {  	[tilespmem:$0x5A10] =	vst v7  }
0x1b4: {  	v7 =	vld [tilespmem:s30+$0x3A10];
	_ =	sdelay $0x4  }
0x1b5: {  	[tilespmem:$0x5C10] =	vst v7  }
0x1b6: {  	v7 =	vld [tilespmem:s30+$0x1A20];
	_ =	sdelay $0x4  }
0x1b7: {  	[tilespmem:$0x5A20] =	vst v7  }
0x1b8: {  	v7 =	vld [tilespmem:s30+$0x3A20];
	_ =	sdelay $0x4  }
0x1b9: {  	[tilespmem:$0x5C20] =	vst v7  }
0x1ba: {  	v7 =	vld [tilespmem:s30+$0x1A30];
	_ =	sdelay $0x4  }
0x1bb: {  	[tilespmem:$0x5A30] =	vst v7  }
0x1bc: {  	v7 =	vld [tilespmem:s30+$0x3A30];
	_ =	sdelay $0x4  }
0x1bd: {  	[tilespmem:$0x5C30] =	vst v7  }
0x1be: {  	v7 =	vld [tilespmem:s30+$0x1A40];
	_ =	sdelay $0x4  }
0x1bf: {  	[tilespmem:$0x5A40] =	vst v7  }
0x1c0: {  	v7 =	vld [tilespmem:s30+$0x3A40];
	_ =	sdelay $0x4  }
0x1c1: {  	[tilespmem:$0x5C40] =	vst v7  }
0x1c2: {  	v7 =	vld [tilespmem:s30+$0x1A50];
	_ =	sdelay $0x4  }
0x1c3: {  	[tilespmem:$0x5A50] =	vst v7  }
0x1c4: {  	v7 =	vld [tilespmem:s30+$0x3A50];
	_ =	sdelay $0x4  }
0x1c5: {  	[tilespmem:$0x5C50] =	vst v7  }
0x1c6: {  	v7 =	vld [tilespmem:s30+$0x1A60];
	_ =	sdelay $0x4  }
0x1c7: {  	[tilespmem:$0x5A60] =	vst v7  }
0x1c8: {  	v7 =	vld [tilespmem:s30+$0x3A60];
	_ =	sdelay $0x4  }
0x1c9: {  	[tilespmem:$0x5C60] =	vst v7  }
0x1ca: {  	v7 =	vld [tilespmem:s30+$0x1A70];
	_ =	sdelay $0x4  }
0x1cb: {  	[tilespmem:$0x5A70] =	vst v7  }
0x1cc: {  	v7 =	vld [tilespmem:s30+$0x3A70];
	_ =	sdelay $0x4  }
0x1cd: {  	[tilespmem:$0x5C70] =	vst v7  }
0x1ce: {  	v7 =	vld [tilespmem:s30+$0x1A80];
	_ =	sdelay $0x4  }
0x1cf: {  	[tilespmem:$0x5A80] =	vst v7  }
0x1d0: {  	v7 =	vld [tilespmem:s30+$0x3A80];
	_ =	sdelay $0x4  }
0x1d1: {  	[tilespmem:$0x5C80] =	vst v7  }
0x1d2: {  	v7 =	vld [tilespmem:s30+$0x1A90];
	_ =	sdelay $0x4  }
0x1d3: {  	[tilespmem:$0x5A90] =	vst v7  }
0x1d4: {  	v7 =	vld [tilespmem:s30+$0x3A90];
	_ =	sdelay $0x4  }
0x1d5: {  	[tilespmem:$0x5C90] =	vst v7  }
0x1d6: {  	v7 =	vld [tilespmem:s30+$0x1AA0];
	_ =	sdelay $0x4  }
0x1d7: {  	[tilespmem:$0x5AA0] =	vst v7  }
0x1d8: {  	v7 =	vld [tilespmem:s30+$0x3AA0];
	_ =	sdelay $0x4  }
0x1d9: {  	[tilespmem:$0x5CA0] =	vst v7  }
0x1da: {  	v7 =	vld [tilespmem:s30+$0x1AB0];
	_ =	sdelay $0x4  }
0x1db: {  	[tilespmem:$0x5AB0] =	vst v7  }
0x1dc: {  	v7 =	vld [tilespmem:s30+$0x3AB0];
	_ =	sdelay $0x4  }
0x1dd: {  	[tilespmem:$0x5CB0] =	vst v7  }
0x1de: {  	v7 =	vld [tilespmem:s30+$0x1AC0];
	_ =	sdelay $0x4  }
0x1df: {  	[tilespmem:$0x5AC0] =	vst v7  }
0x1e0: {  	v7 =	vld [tilespmem:s30+$0x3AC0];
	_ =	sdelay $0x4  }
0x1e1: {  	[tilespmem:$0x5CC0] =	vst v7  }
0x1e2: {  	v7 =	vld [tilespmem:s30+$0x1AD0];
	_ =	sdelay $0x4  }
0x1e3: {  	[tilespmem:$0x5AD0] =	vst v7  }
0x1e4: {  	v7 =	vld [tilespmem:s30+$0x3AD0];
	_ =	sdelay $0x4  }
0x1e5: {  	[tilespmem:$0x5CD0] =	vst v7  }
0x1e6: {  	v7 =	vld [tilespmem:s30+$0x1AE0];
	_ =	sdelay $0x4  }
0x1e7: {  	[tilespmem:$0x5AE0] =	vst v7  }
0x1e8: {  	v7 =	vld [tilespmem:s30+$0x3AE0];
	_ =	sdelay $0x4  }
0x1e9: {  	[tilespmem:$0x5CE0] =	vst v7  }
0x1ea: {  	v7 =	vld [tilespmem:s30+$0x1AF0];
	_ =	sdelay $0x4  }
0x1eb: {  	[tilespmem:$0x5AF0] =	vst v7  }
0x1ec: {  	v7 =	vld [tilespmem:s30+$0x3AF0];
	_ =	sdelay $0x1  }
.Ltmp8:
0x1ed: {  	_ = 	snop;
	(pc) =	sbr.rel .LBB2_13-.Ltmp8, $3  }
0x1ee: {  	_ =	sdelay $0x1  }
0x1ef: {  	[tilespmem:$0x5CF0] =	vst v7  }
0x1f0: {  	[tilespmem:s13], [sflag:$0x1] =	stream.indirect.gather [hbm4b:s2+s24], $0x10, s12, s24, $0xb8;
	[tilespmem:$0x1E518] =	vst v63  }
.LBB2_15:
0x1f1: {  	p0 =	sle.s32 s18, s20  }
0x1f2: {  	s0 =	simm.s32 @!p0 $0x1  }
0x1f3: {  	s8 =	sand.u32 @!p0 $0x1, s20;
	_ =	swait.ge @!p0 [sflag:s0], $0x2000  }
0x1f4: {  	p1 =	seq.s32 @!p0 s8, $0x1;
	[sflag:s0] =	ssyncset.done @!p0 $0x0  }
0x1f5: {  	p2 =	por !p1, p0;
	p1 =	por p1, p0;
	[sflag:s0] =	ssyncadd.s32 @!p0 $0xFFFFE000  }
0x1f6: {  	s0 =	simm.s32 @!p2 $0x200;
	s8 =	simm.s32 @!p2 $0x5D00;
	s9 =	simm.s32 @!p2 $0x8100  }
0x1f7: {  	[spmem:s3] =	stream.indirect.scatter.add.f32 @!p2 [tilespmem:s9], [sflag:$0x3], $0x10, s8, s0, $0xb8;
	[tilespmem:$0x1E518] =	vst v63  }
0x1f8: {  	s17 =	simm.s32 @!p1 $0x6100;
	s0 =	simm.s32 @!p1 $0x200;
	s9 =	simm.s32 @!p1 $0x5900  }
0x1f9: {  	[spmem:s3] =	stream.indirect.scatter.add.f32 @!p1 [tilespmem:s17], [sflag:$0x3], $0x10, s9, s0, $0xb8;
	[tilespmem:$0x1E518] =	vst v63  }
0x1fa: {  	s0 =	simm.s32 @!p0 $0x3  }
0x1fb: {  	_ =	swait.ge @!p0 [sflag:s0], $0x2000  }
0x1fc: {  	s8 =	simm.s32 @p2 $0x5900;
	[sflag:s0] =	ssyncset.done @!p0 $0x0  }
0x1fd: {  	s9 =	simm.s32 @!p0 $0x200;
	s17 =	simm.s32 @!p0 $0xA100;
	[sflag:s0] =	ssyncadd.s32 @!p0 $0xFFFFE000  }
0x1fe: {  	[spmem:s5] =	stream.indirect.scatter.add.f32 @!p0 [tilespmem:s17], [sflag:$0x3], $0x1, s8, s9, $0xb8;
	[tilespmem:$0x1E518] =	vst v63  }
0x1ff: {  	s8 =	sshll.u32 s18, $0x9  }
0x200: {  	p1 =	sle.s32 s19, s8  }
.Ltmp9:
0x201: {  	_ = 	snop;
	(pc) =	sbr.rel @p1 .LBB2_20-.Ltmp9, $4  }
0x202: {  	_ = 	snop  }
0x203: {  	_ =	swait.ge @!p0 [sflag:s0], $0x200  }
0x204: {  	[sflag:s0] =	ssyncset.done @!p0 $0x0  }
0x205: {  	[sflag:s0] =	ssyncadd.s32 @!p0 $0xFFFFFE00  }
0x206: {  	v6 =	vadd.s32 s19, v2  }
0x207: {  	s0 =	sadd.s32 $0x10, s19;
	v6 =	vand.u32 $0x1FFF, v6  }
0x208: {  	v7 =	vadd.s32 s0, v2  }
0x209: {  	s29 =	sadd.s32 $0x20, s19;
	v7 =	vand.u32 $0x1FFF, v7  }
0x20a: {  	v8 =	vadd.s32 s29, v2  }
0x20b: {  	s30 =	sadd.s32 $0x30, s19;
	v8 =	vand.u32 $0x1FFF, v8  }
0x20c: {  	v9 =	vadd.s32 s30, v2;
	[tilespmem:v6+s7+$0x0] =	vst.idx.msk $0xffff, v4  }
0x20d: {  	s31 =	sadd.s32 $0x40, s19;
	[tilespmem:v6+s21+$0x0] =	vst.idx.msk $0xffff, v3;
	v6 =	vand.u32 $0x1FFF, v9  }
0x20e: {  	v27 =	vadd.s32 s31, v2;
	[tilespmem:v7+s7+$0x0] =	vst.idx.msk $0xffff, v4  }
0x20f: {  	s9 =	sadd.s32 $0x50, s19;
	[tilespmem:v7+s21+$0x0] =	vst.idx.msk $0xffff, v3;
	v7 =	vand.u32 $0x1FFF, v27  }
0x210: {  	v28 =	vadd.s32 s9, v2;
	[tilespmem:v8+s7+$0x0] =	vst.idx.msk $0xffff, v4  }
0x211: {  	s17 =	sadd.s32 $0x60, s19;
	v29 =	vand.u32 $0x1FFF, v28;
	[tilespmem:v8+s21+$0x0] =	vst.idx.msk $0xffff, v3  }
0x212: {  	v30 =	vadd.s32 s17, v2;
	[tilespmem:v6+s7+$0x0] =	vst.idx.msk $0xffff, v4  }
0x213: {  	s20 =	sadd.s32 $0x70, s19;
	[tilespmem:v6+s21+$0x0] =	vst.idx.msk $0xffff, v3;
	v6 =	vand.u32 $0x1FFF, v30  }
0x214: {  	v31 =	vadd.s32 s20, v2;
	[tilespmem:v7+s7+$0x0] =	vst.idx.msk $0xffff, v4  }
0x215: {  	s28 =	sadd.s32 $0x80, s19;
	[tilespmem:v7+s21+$0x0] =	vst.idx.msk $0xffff, v3;
	v7 =	vand.u32 $0x1FFF, v31  }
0x216: {  	v32 =	vadd.s32 s28, v2;
	[tilespmem:v29+s7+$0x0] =	vst.idx.msk $0xffff, v4  }
0x217: {  	s29 =	sadd.s32 $0x90, s19;
	v33 =	vand.u32 $0x1FFF, v32;
	[tilespmem:v29+s21+$0x0] =	vst.idx.msk $0xffff, v3  }
0x218: {  	v34 =	vadd.s32 s29, v2;
	[tilespmem:v6+s7+$0x0] =	vst.idx.msk $0xffff, v4  }
0x219: {  	s30 =	sadd.s32 $0xA0, s19;
	[tilespmem:v6+s21+$0x0] =	vst.idx.msk $0xffff, v3;
	v6 =	vand.u32 $0x1FFF, v34  }
0x21a: {  	v35 =	vadd.s32 s30, v2;
	[tilespmem:v7+s7+$0x0] =	vst.idx.msk $0xffff, v4  }
0x21b: {  	s31 =	sadd.s32 $0xB0, s19;
	[tilespmem:v7+s21+$0x0] =	vst.idx.msk $0xffff, v3;
	v7 =	vand.u32 $0x1FFF, v35  }
0x21c: {  	v36 =	vadd.s32 s31, v2;
	[tilespmem:v33+s7+$0x0] =	vst.idx.msk $0xffff, v4  }
0x21d: {  	s9 =	sadd.s32 $0xC0, s19;
	v37 =	vand.u32 $0x1FFF, v36;
	[tilespmem:v33+s21+$0x0] =	vst.idx.msk $0xffff, v3  }
0x21e: {  	v38 =	vadd.s32 s9, v2;
	[tilespmem:v6+s7+$0x0] =	vst.idx.msk $0xffff, v4  }
0x21f: {  	s17 =	sadd.s32 $0xD0, s19;
	[tilespmem:v6+s21+$0x0] =	vst.idx.msk $0xffff, v3;
	v6 =	vand.u32 $0x1FFF, v38  }
0x220: {  	v39 =	vadd.s32 s17, v2;
	[tilespmem:v7+s7+$0x0] =	vst.idx.msk $0xffff, v4  }
0x221: {  	s20 =	sadd.s32 $0xE0, s19;
	[tilespmem:v7+s21+$0x0] =	vst.idx.msk $0xffff, v3;
	v7 =	vand.u32 $0x1FFF, v39  }
0x222: {  	v40 =	vadd.s32 s20, v2;
	[tilespmem:v37+s7+$0x0] =	vst.idx.msk $0xffff, v4  }
0x223: {  	s28 =	sadd.s32 $0xF0, s19;
	v41 =	vand.u32 $0x1FFF, v40;
	[tilespmem:v37+s21+$0x0] =	vst.idx.msk $0xffff, v3  }
0x224: {  	v42 =	vadd.s32 s28, v2;
	[tilespmem:v6+s7+$0x0] =	vst.idx.msk $0xffff, v4  }
0x225: {  	s29 =	sadd.s32 $0x100, s19;
	[tilespmem:v6+s21+$0x0] =	vst.idx.msk $0xffff, v3;
	v6 =	vand.u32 $0x1FFF, v42  }
0x226: {  	v43 =	vadd.s32 s29, v2;
	[tilespmem:v7+s7+$0x0] =	vst.idx.msk $0xffff, v4  }
0x227: {  	s30 =	sadd.s32 $0x110, s19;
	[tilespmem:v7+s21+$0x0] =	vst.idx.msk $0xffff, v3;
	v7 =	vand.u32 $0x1FFF, v43  }
0x228: {  	v44 =	vadd.s32 s30, v2;
	[tilespmem:v41+s7+$0x0] =	vst.idx.msk $0xffff, v4  }
0x229: {  	s31 =	sadd.s32 $0x120, s19;
	v45 =	vand.u32 $0x1FFF, v44;
	[tilespmem:v41+s21+$0x0] =	vst.idx.msk $0xffff, v3  }
0x22a: {  	v46 =	vadd.s32 s31, v2;
	[tilespmem:v6+s7+$0x0] =	vst.idx.msk $0xffff, v4  }
0x22b: {  	s9 =	sadd.s32 $0x130, s19;
	[tilespmem:v6+s21+$0x0] =	vst.idx.msk $0xffff, v3;
	v6 =	vand.u32 $0x1FFF, v46  }
0x22c: {  	v47 =	vadd.s32 s9, v2;
	[tilespmem:v7+s7+$0x0] =	vst.idx.msk $0xffff, v4  }
0x22d: {  	s17 =	sadd.s32 $0x140, s19;
	[tilespmem:v7+s21+$0x0] =	vst.idx.msk $0xffff, v3;
	v7 =	vand.u32 $0x1FFF, v47  }
0x22e: {  	v48 =	vadd.s32 s17, v2;
	[tilespmem:v45+s7+$0x0] =	vst.idx.msk $0xffff, v4  }
0x22f: {  	s20 =	sadd.s32 $0x150, s19;
	v49 =	vand.u32 $0x1FFF, v48;
	[tilespmem:v45+s21+$0x0] =	vst.idx.msk $0xffff, v3  }
0x230: {  	v50 =	vadd.s32 s20, v2;
	[tilespmem:v6+s7+$0x0] =	vst.idx.msk $0xffff, v4  }
0x231: {  	s28 =	sadd.s32 $0x160, s19;
	[tilespmem:v6+s21+$0x0] =	vst.idx.msk $0xffff, v3;
	v6 =	vand.u32 $0x1FFF, v50  }
0x232: {  	v51 =	vadd.s32 s28, v2;
	[tilespmem:v7+s7+$0x0] =	vst.idx.msk $0xffff, v4  }
0x233: {  	s29 =	sadd.s32 $0x170, s19;
	[tilespmem:v7+s21+$0x0] =	vst.idx.msk $0xffff, v3;
	v7 =	vand.u32 $0x1FFF, v51  }
0x234: {  	v52 =	vadd.s32 s29, v2;
	[tilespmem:v49+s7+$0x0] =	vst.idx.msk $0xffff, v4  }
0x235: {  	s30 =	sadd.s32 $0x180, s19;
	v53 =	vand.u32 $0x1FFF, v52;
	[tilespmem:v49+s21+$0x0] =	vst.idx.msk $0xffff, v3  }
0x236: {  	v54 =	vadd.s32 s30, v2;
	[tilespmem:v6+s7+$0x0] =	vst.idx.msk $0xffff, v4  }
0x237: {  	s31 =	sadd.s32 $0x190, s19;
	[tilespmem:v6+s21+$0x0] =	vst.idx.msk $0xffff, v3;
	v6 =	vand.u32 $0x1FFF, v54  }
0x238: {  	v55 =	vadd.s32 s31, v2;
	[tilespmem:v7+s7+$0x0] =	vst.idx.msk $0xffff, v4  }
0x239: {  	s9 =	sadd.s32 $0x1A0, s19;
	[tilespmem:v7+s21+$0x0] =	vst.idx.msk $0xffff, v3;
	v7 =	vand.u32 $0x1FFF, v55  }
0x23a: {  	v56 =	vadd.s32 s9, v2;
	[tilespmem:v53+s7+$0x0] =	vst.idx.msk $0xffff, v4  }
0x23b: {  	s17 =	sadd.s32 $0x1B0, s19;
	v57 =	vand.u32 $0x1FFF, v56;
	[tilespmem:v53+s21+$0x0] =	vst.idx.msk $0xffff, v3  }
0x23c: {  	v58 =	vadd.s32 s17, v2;
	[tilespmem:v6+s7+$0x0] =	vst.idx.msk $0xffff, v4  }
0x23d: {  	s20 =	sadd.s32 $0x1C0, s19;
	[tilespmem:v6+s21+$0x0] =	vst.idx.msk $0xffff, v3;
	v6 =	vand.u32 $0x1FFF, v58  }
0x23e: {  	v59 =	vadd.s32 s20, v2;
	[tilespmem:v7+s7+$0x0] =	vst.idx.msk $0xffff, v4  }
0x23f: {  	s28 =	sadd.s32 $0x1D0, s19;
	[tilespmem:v7+s21+$0x0] =	vst.idx.msk $0xffff, v3;
	v7 =	vand.u32 $0x1FFF, v59  }
0x240: {  	v60 =	vadd.s32 s28, v2;
	[tilespmem:v57+s7+$0x0] =	vst.idx.msk $0xffff, v4  }
0x241: {  	s29 =	sadd.s32 $0x1E0, s19;
	v61 =	vand.u32 $0x1FFF, v60;
	[tilespmem:v57+s21+$0x0] =	vst.idx.msk $0xffff, v3  }
0x242: {  	v62 =	vadd.s32 s29, v2;
	[tilespmem:v6+s7+$0x0] =	vst.idx.msk $0xffff, v4  }
0x243: {  	s30 =	sadd.s32 $0x1F0, s19;
	[tilespmem:v6+s21+$0x0] =	vst.idx.msk $0xffff, v3;
	v6 =	vand.u32 $0x1FFF, v62  }
0x244: {  	v63 =	vadd.s32 s30, v2;
	[tilespmem:v7+s7+$0x0] =	vst.idx.msk $0xffff, v4  }
0x245: {  	s31 =	sand.u32 $0x1, s18;
	[tilespmem:v7+s21+$0x0] =	vst.idx.msk $0xffff, v3;
	v7 =	vand.u32 $0x1FFF, v63  }
0x246: {  	p0 =	seq.s32 s31, $0x1;
	[tilespmem:v61+s7+$0x0] =	vst.idx.msk $0xffff, v4  }
.Ltmp10:
0x247: {  	[tilespmem:v61+s21+$0x0] =	vst.idx.msk $0xffff, v3;
	(pc) =	sbr.rel @p0 .LBB2_18-.Ltmp10, $4  }
0x248: {  	[tilespmem:v6+s7+$0x0] =	vst.idx.msk $0xffff, v4  }
0x249: {  	[tilespmem:v6+s21+$0x0] =	vst.idx.msk $0xffff, v3  }
0x24a: {  	[tilespmem:v7+s7+$0x0] =	vst.idx.msk $0xffff, v4  }
0x24b: {  	[tilespmem:v7+s21+$0x0] =	vst.idx.msk $0xffff, v3  }
0x24c: {  	s8 =	sand.u32 $0x1C00, s8  }
0x24d: {  	v6 =	vld [tilespmem:s8+$0x1900];
	_ =	sdelay $0x4  }
0x24e: {  	[tilespmem:$0x5900] =	vst v6  }
0x24f: {  	v6 =	vld [tilespmem:s8+$0x3900];
	_ =	sdelay $0x4  }
0x250: {  	[tilespmem:$0x5B00] =	vst v6  }
0x251: {  	v6 =	vld [tilespmem:s8+$0x1910];
	_ =	sdelay $0x4  }
0x252: {  	[tilespmem:$0x5910] =	vst v6  }
0x253: {  	v6 =	vld [tilespmem:s8+$0x3910];
	_ =	sdelay $0x4  }
0x254: {  	[tilespmem:$0x5B10] =	vst v6  }
0x255: {  	v6 =	vld [tilespmem:s8+$0x1920];
	_ =	sdelay $0x4  }
0x256: {  	[tilespmem:$0x5920] =	vst v6  }
0x257: {  	v6 =	vld [tilespmem:s8+$0x3920];
	_ =	sdelay $0x4  }
0x258: {  	[tilespmem:$0x5B20] =	vst v6  }
0x259: {  	v6 =	vld [tilespmem:s8+$0x1930];
	_ =	sdelay $0x4  }
0x25a: {  	[tilespmem:$0x5930] =	vst v6  }
0x25b: {  	v6 =	vld [tilespmem:s8+$0x3930];
	_ =	sdelay $0x4  }
0x25c: {  	[tilespmem:$0x5B30] =	vst v6  }
0x25d: {  	v6 =	vld [tilespmem:s8+$0x1940];
	_ =	sdelay $0x4  }
0x25e: {  	[tilespmem:$0x5940] =	vst v6  }
0x25f: {  	v6 =	vld [tilespmem:s8+$0x3940];
	_ =	sdelay $0x4  }
0x260: {  	[tilespmem:$0x5B40] =	vst v6  }
0x261: {  	v6 =	vld [tilespmem:s8+$0x1950];
	_ =	sdelay $0x4  }
0x262: {  	[tilespmem:$0x5950] =	vst v6  }
0x263: {  	v6 =	vld [tilespmem:s8+$0x3950];
	_ =	sdelay $0x4  }
0x264: {  	[tilespmem:$0x5B50] =	vst v6  }
0x265: {  	v6 =	vld [tilespmem:s8+$0x1960];
	_ =	sdelay $0x4  }
0x266: {  	[tilespmem:$0x5960] =	vst v6  }
0x267: {  	v6 =	vld [tilespmem:s8+$0x3960];
	_ =	sdelay $0x4  }
0x268: {  	[tilespmem:$0x5B60] =	vst v6  }
0x269: {  	v6 =	vld [tilespmem:s8+$0x1970];
	_ =	sdelay $0x4  }
0x26a: {  	[tilespmem:$0x5970] =	vst v6  }
0x26b: {  	v6 =	vld [tilespmem:s8+$0x3970];
	_ =	sdelay $0x4  }
0x26c: {  	[tilespmem:$0x5B70] =	vst v6  }
0x26d: {  	v6 =	vld [tilespmem:s8+$0x1980];
	_ =	sdelay $0x4  }
0x26e: {  	[tilespmem:$0x5980] =	vst v6  }
0x26f: {  	v6 =	vld [tilespmem:s8+$0x3980];
	_ =	sdelay $0x4  }
0x270: {  	[tilespmem:$0x5B80] =	vst v6  }
0x271: {  	v6 =	vld [tilespmem:s8+$0x1990];
	_ =	sdelay $0x4  }
0x272: {  	[tilespmem:$0x5990] =	vst v6  }
0x273: {  	v6 =	vld [tilespmem:s8+$0x3990];
	_ =	sdelay $0x4  }
0x274: {  	[tilespmem:$0x5B90] =	vst v6  }
0x275: {  	v6 =	vld [tilespmem:s8+$0x19A0];
	_ =	sdelay $0x4  }
0x276: {  	[tilespmem:$0x59A0] =	vst v6  }
0x277: {  	v6 =	vld [tilespmem:s8+$0x39A0];
	_ =	sdelay $0x4  }
0x278: {  	[tilespmem:$0x5BA0] =	vst v6  }
0x279: {  	v6 =	vld [tilespmem:s8+$0x19B0];
	_ =	sdelay $0x4  }
0x27a: {  	[tilespmem:$0x59B0] =	vst v6  }
0x27b: {  	v6 =	vld [tilespmem:s8+$0x39B0];
	_ =	sdelay $0x4  }
0x27c: {  	[tilespmem:$0x5BB0] =	vst v6  }
0x27d: {  	v6 =	vld [tilespmem:s8+$0x19C0];
	_ =	sdelay $0x4  }
0x27e: {  	[tilespmem:$0x59C0] =	vst v6  }
0x27f: {  	v6 =	vld [tilespmem:s8+$0x39C0];
	_ =	sdelay $0x4  }
0x280: {  	[tilespmem:$0x5BC0] =	vst v6  }
0x281: {  	v6 =	vld [tilespmem:s8+$0x19D0];
	_ =	sdelay $0x4  }
0x282: {  	[tilespmem:$0x59D0] =	vst v6  }
0x283: {  	v6 =	vld [tilespmem:s8+$0x39D0];
	_ =	sdelay $0x4  }
0x284: {  	[tilespmem:$0x5BD0] =	vst v6  }
0x285: {  	v6 =	vld [tilespmem:s8+$0x19E0];
	_ =	sdelay $0x4  }
0x286: {  	[tilespmem:$0x59E0] =	vst v6  }
0x287: {  	v6 =	vld [tilespmem:s8+$0x39E0];
	_ =	sdelay $0x4  }
0x288: {  	[tilespmem:$0x5BE0] =	vst v6  }
0x289: {  	v6 =	vld [tilespmem:s8+$0x19F0];
	_ =	sdelay $0x4  }
0x28a: {  	[tilespmem:$0x59F0] =	vst v6  }
0x28b: {  	v6 =	vld [tilespmem:s8+$0x39F0];
	_ =	sdelay $0x4  }
0x28c: {  	[tilespmem:$0x5BF0] =	vst v6  }
0x28d: {  	v6 =	vld [tilespmem:s8+$0x1A00];
	_ =	sdelay $0x4  }
0x28e: {  	[tilespmem:$0x5A00] =	vst v6  }
0x28f: {  	v6 =	vld [tilespmem:s8+$0x3A00];
	_ =	sdelay $0x4  }
0x290: {  	[tilespmem:$0x5C00] =	vst v6  }
0x291: {  	v6 =	vld [tilespmem:s8+$0x1A10];
	_ =	sdelay $0x4  }
0x292: {  	[tilespmem:$0x5A10] =	vst v6  }
0x293: {  	v6 =	vld [tilespmem:s8+$0x3A10];
	_ =	sdelay $0x4  }
0x294: {  	[tilespmem:$0x5C10] =	vst v6  }
0x295: {  	v6 =	vld [tilespmem:s8+$0x1A20];
	_ =	sdelay $0x4  }
0x296: {  	[tilespmem:$0x5A20] =	vst v6  }
0x297: {  	v6 =	vld [tilespmem:s8+$0x3A20];
	_ =	sdelay $0x4  }
0x298: {  	[tilespmem:$0x5C20] =	vst v6  }
0x299: {  	v6 =	vld [tilespmem:s8+$0x1A30];
	_ =	sdelay $0x4  }
0x29a: {  	[tilespmem:$0x5A30] =	vst v6  }
0x29b: {  	v6 =	vld [tilespmem:s8+$0x3A30];
	_ =	sdelay $0x4  }
0x29c: {  	[tilespmem:$0x5C30] =	vst v6  }
0x29d: {  	v6 =	vld [tilespmem:s8+$0x1A40];
	_ =	sdelay $0x4  }
0x29e: {  	[tilespmem:$0x5A40] =	vst v6  }
0x29f: {  	v6 =	vld [tilespmem:s8+$0x3A40];
	_ =	sdelay $0x4  }
0x2a0: {  	[tilespmem:$0x5C40] =	vst v6  }
0x2a1: {  	v6 =	vld [tilespmem:s8+$0x1A50];
	_ =	sdelay $0x4  }
0x2a2: {  	[tilespmem:$0x5A50] =	vst v6  }
0x2a3: {  	v6 =	vld [tilespmem:s8+$0x3A50];
	_ =	sdelay $0x4  }
0x2a4: {  	[tilespmem:$0x5C50] =	vst v6  }
0x2a5: {  	v6 =	vld [tilespmem:s8+$0x1A60];
	_ =	sdelay $0x4  }
0x2a6: {  	[tilespmem:$0x5A60] =	vst v6  }
0x2a7: {  	v6 =	vld [tilespmem:s8+$0x3A60];
	_ =	sdelay $0x4  }
0x2a8: {  	[tilespmem:$0x5C60] =	vst v6  }
0x2a9: {  	v6 =	vld [tilespmem:s8+$0x1A70];
	_ =	sdelay $0x4  }
0x2aa: {  	[tilespmem:$0x5A70] =	vst v6  }
0x2ab: {  	v6 =	vld [tilespmem:s8+$0x3A70];
	_ =	sdelay $0x4  }
0x2ac: {  	[tilespmem:$0x5C70] =	vst v6  }
0x2ad: {  	v6 =	vld [tilespmem:s8+$0x1A80];
	_ =	sdelay $0x4  }
0x2ae: {  	[tilespmem:$0x5A80] =	vst v6  }
0x2af: {  	v6 =	vld [tilespmem:s8+$0x3A80];
	_ =	sdelay $0x4  }
0x2b0: {  	[tilespmem:$0x5C80] =	vst v6  }
0x2b1: {  	v6 =	vld [tilespmem:s8+$0x1A90];
	_ =	sdelay $0x4  }
0x2b2: {  	[tilespmem:$0x5A90] =	vst v6  }
0x2b3: {  	v6 =	vld [tilespmem:s8+$0x3A90];
	_ =	sdelay $0x4  }
0x2b4: {  	[tilespmem:$0x5C90] =	vst v6  }
0x2b5: {  	v6 =	vld [tilespmem:s8+$0x1AA0];
	_ =	sdelay $0x4  }
0x2b6: {  	[tilespmem:$0x5AA0] =	vst v6  }
0x2b7: {  	v6 =	vld [tilespmem:s8+$0x3AA0];
	_ =	sdelay $0x4  }
0x2b8: {  	[tilespmem:$0x5CA0] =	vst v6  }
0x2b9: {  	v6 =	vld [tilespmem:s8+$0x1AB0];
	_ =	sdelay $0x4  }
0x2ba: {  	[tilespmem:$0x5AB0] =	vst v6  }
0x2bb: {  	v6 =	vld [tilespmem:s8+$0x3AB0];
	_ =	sdelay $0x4  }
0x2bc: {  	[tilespmem:$0x5CB0] =	vst v6  }
0x2bd: {  	v6 =	vld [tilespmem:s8+$0x1AC0];
	_ =	sdelay $0x4  }
0x2be: {  	[tilespmem:$0x5AC0] =	vst v6  }
0x2bf: {  	v6 =	vld [tilespmem:s8+$0x3AC0];
	_ =	sdelay $0x4  }
0x2c0: {  	[tilespmem:$0x5CC0] =	vst v6  }
0x2c1: {  	v6 =	vld [tilespmem:s8+$0x1AD0];
	_ =	sdelay $0x4  }
0x2c2: {  	[tilespmem:$0x5AD0] =	vst v6  }
0x2c3: {  	v6 =	vld [tilespmem:s8+$0x3AD0];
	_ =	sdelay $0x4  }
0x2c4: {  	[tilespmem:$0x5CD0] =	vst v6  }
0x2c5: {  	v6 =	vld [tilespmem:s8+$0x1AE0];
	_ =	sdelay $0x4  }
0x2c6: {  	[tilespmem:$0x5AE0] =	vst v6  }
0x2c7: {  	v6 =	vld [tilespmem:s8+$0x3AE0];
	_ =	sdelay $0x4  }
0x2c8: {  	[tilespmem:$0x5CE0] =	vst v6  }
0x2c9: {  	v6 =	vld [tilespmem:s8+$0x1AF0];
	_ =	sdelay $0x4  }
0x2ca: {  	[tilespmem:$0x5AF0] =	vst v6  }
0x2cb: {  	v6 =	vld [tilespmem:s8+$0x3AF0];
	_ =	sdelay $0x4  }
0x2cc: {  	[tilespmem:$0x5CF0] =	vst v6  }
0x2cd: {  	[tilespmem:s13], [sflag:$0x1] =	stream.indirect.gather [hbm4b:s2+s24], $0x10, s12, s24, $0xb8;
	[tilespmem:$0x1E518] =	vst v63  }
.Ltmp11:
0x2ce: {  	s0 =	simm.s32 $0x1;
	(pc) =	sbr.rel .LBB2_19-.Ltmp11, $4  }
0x2cf: {  	_ =	swait.ge [sflag:s0], $0x2000  }
0x2d0: {  	[sflag:s0] =	ssyncset.done $0x0  }
0x2d1: {  	s8 =	simm.s32 $0x5900;
	[sflag:s0] =	ssyncadd.s32 $0xFFFFE000  }
0x2d2: {  	[spmem:s3] =	stream.indirect.scatter.add.f32 [tilespmem:s13], [sflag:$0x3], $0x10, s8, s24, $0xb8;
	[tilespmem:$0x1E518] =	vst v63  }
.LBB2_18:
0x2d3: {  	s8 =	sand.u32 $0x1E00, s8  }
0x2d4: {  	v6 =	vld [tilespmem:s8+$0x1900];
	_ =	sdelay $0x4  }
0x2d5: {  	[tilespmem:$0x5D00] =	vst v6  }
0x2d6: {  	v6 =	vld [tilespmem:s8+$0x3900];
	_ =	sdelay $0x4  }
0x2d7: {  	[tilespmem:$0x5F00] =	vst v6  }
0x2d8: {  	v6 =	vld [tilespmem:s8+$0x1910];
	_ =	sdelay $0x4  }
0x2d9: {  	[tilespmem:$0x5D10] =	vst v6  }
0x2da: {  	v6 =	vld [tilespmem:s8+$0x3910];
	_ =	sdelay $0x4  }
0x2db: {  	[tilespmem:$0x5F10] =	vst v6  }
0x2dc: {  	v6 =	vld [tilespmem:s8+$0x1920];
	_ =	sdelay $0x4  }
0x2dd: {  	[tilespmem:$0x5D20] =	vst v6  }
0x2de: {  	v6 =	vld [tilespmem:s8+$0x3920];
	_ =	sdelay $0x4  }
0x2df: {  	[tilespmem:$0x5F20] =	vst v6  }
0x2e0: {  	v6 =	vld [tilespmem:s8+$0x1930];
	_ =	sdelay $0x4  }
0x2e1: {  	[tilespmem:$0x5D30] =	vst v6  }
0x2e2: {  	v6 =	vld [tilespmem:s8+$0x3930];
	_ =	sdelay $0x4  }
0x2e3: {  	[tilespmem:$0x5F30] =	vst v6  }
0x2e4: {  	v6 =	vld [tilespmem:s8+$0x1940];
	_ =	sdelay $0x4  }
0x2e5: {  	[tilespmem:$0x5D40] =	vst v6  }
0x2e6: {  	v6 =	vld [tilespmem:s8+$0x3940];
	_ =	sdelay $0x4  }
0x2e7: {  	[tilespmem:$0x5F40] =	vst v6  }
0x2e8: {  	v6 =	vld [tilespmem:s8+$0x1950];
	_ =	sdelay $0x4  }
0x2e9: {  	[tilespmem:$0x5D50] =	vst v6  }
0x2ea: {  	v6 =	vld [tilespmem:s8+$0x3950];
	_ =	sdelay $0x4  }
0x2eb: {  	[tilespmem:$0x5F50] =	vst v6  }
0x2ec: {  	v6 =	vld [tilespmem:s8+$0x1960];
	_ =	sdelay $0x4  }
0x2ed: {  	[tilespmem:$0x5D60] =	vst v6  }
0x2ee: {  	v6 =	vld [tilespmem:s8+$0x3960];
	_ =	sdelay $0x4  }
0x2ef: {  	[tilespmem:$0x5F60] =	vst v6  }
0x2f0: {  	v6 =	vld [tilespmem:s8+$0x1970];
	_ =	sdelay $0x4  }
0x2f1: {  	[tilespmem:$0x5D70] =	vst v6  }
0x2f2: {  	v6 =	vld [tilespmem:s8+$0x3970];
	_ =	sdelay $0x4  }
0x2f3: {  	[tilespmem:$0x5F70] =	vst v6  }
0x2f4: {  	v6 =	vld [tilespmem:s8+$0x1980];
	_ =	sdelay $0x4  }
0x2f5: {  	[tilespmem:$0x5D80] =	vst v6  }
0x2f6: {  	v6 =	vld [tilespmem:s8+$0x3980];
	_ =	sdelay $0x4  }
0x2f7: {  	[tilespmem:$0x5F80] =	vst v6  }
0x2f8: {  	v6 =	vld [tilespmem:s8+$0x1990];
	_ =	sdelay $0x4  }
0x2f9: {  	[tilespmem:$0x5D90] =	vst v6  }
0x2fa: {  	v6 =	vld [tilespmem:s8+$0x3990];
	_ =	sdelay $0x4  }
0x2fb: {  	[tilespmem:$0x5F90] =	vst v6  }
0x2fc: {  	v6 =	vld [tilespmem:s8+$0x19A0];
	_ =	sdelay $0x4  }
0x2fd: {  	[tilespmem:$0x5DA0] =	vst v6  }
0x2fe: {  	v6 =	vld [tilespmem:s8+$0x39A0];
	_ =	sdelay $0x4  }
0x2ff: {  	[tilespmem:$0x5FA0] =	vst v6  }
0x300: {  	v6 =	vld [tilespmem:s8+$0x19B0];
	_ =	sdelay $0x4  }
0x301: {  	[tilespmem:$0x5DB0] =	vst v6  }
0x302: {  	v6 =	vld [tilespmem:s8+$0x39B0];
	_ =	sdelay $0x4  }
0x303: {  	[tilespmem:$0x5FB0] =	vst v6  }
0x304: {  	v6 =	vld [tilespmem:s8+$0x19C0];
	_ =	sdelay $0x4  }
0x305: {  	[tilespmem:$0x5DC0] =	vst v6  }
0x306: {  	v6 =	vld [tilespmem:s8+$0x39C0];
	_ =	sdelay $0x4  }
0x307: {  	[tilespmem:$0x5FC0] =	vst v6  }
0x308: {  	v6 =	vld [tilespmem:s8+$0x19D0];
	_ =	sdelay $0x4  }
0x309: {  	[tilespmem:$0x5DD0] =	vst v6  }
0x30a: {  	v6 =	vld [tilespmem:s8+$0x39D0];
	_ =	sdelay $0x4  }
0x30b: {  	[tilespmem:$0x5FD0] =	vst v6  }
0x30c: {  	v6 =	vld [tilespmem:s8+$0x19E0];
	_ =	sdelay $0x4  }
0x30d: {  	[tilespmem:$0x5DE0] =	vst v6  }
0x30e: {  	v6 =	vld [tilespmem:s8+$0x39E0];
	_ =	sdelay $0x4  }
0x30f: {  	[tilespmem:$0x5FE0] =	vst v6  }
0x310: {  	v6 =	vld [tilespmem:s8+$0x19F0];
	_ =	sdelay $0x4  }
0x311: {  	[tilespmem:$0x5DF0] =	vst v6  }
0x312: {  	v6 =	vld [tilespmem:s8+$0x39F0];
	_ =	sdelay $0x4  }
0x313: {  	[tilespmem:$0x5FF0] =	vst v6  }
0x314: {  	v6 =	vld [tilespmem:s8+$0x1A00];
	_ =	sdelay $0x4  }
0x315: {  	[tilespmem:$0x5E00] =	vst v6  }
0x316: {  	v6 =	vld [tilespmem:s8+$0x3A00];
	_ =	sdelay $0x4  }
0x317: {  	[tilespmem:$0x6000] =	vst v6  }
0x318: {  	v6 =	vld [tilespmem:s8+$0x1A10];
	_ =	sdelay $0x4  }
0x319: {  	[tilespmem:$0x5E10] =	vst v6  }
0x31a: {  	v6 =	vld [tilespmem:s8+$0x3A10];
	_ =	sdelay $0x4  }
0x31b: {  	[tilespmem:$0x6010] =	vst v6  }
0x31c: {  	v6 =	vld [tilespmem:s8+$0x1A20];
	_ =	sdelay $0x4  }
0x31d: {  	[tilespmem:$0x5E20] =	vst v6  }
0x31e: {  	v6 =	vld [tilespmem:s8+$0x3A20];
	_ =	sdelay $0x4  }
0x31f: {  	[tilespmem:$0x6020] =	vst v6  }
0x320: {  	v6 =	vld [tilespmem:s8+$0x1A30];
	_ =	sdelay $0x4  }
0x321: {  	[tilespmem:$0x5E30] =	vst v6  }
0x322: {  	v6 =	vld [tilespmem:s8+$0x3A30];
	_ =	sdelay $0x4  }
0x323: {  	[tilespmem:$0x6030] =	vst v6  }
0x324: {  	v6 =	vld [tilespmem:s8+$0x1A40];
	_ =	sdelay $0x4  }
0x325: {  	[tilespmem:$0x5E40] =	vst v6  }
0x326: {  	v6 =	vld [tilespmem:s8+$0x3A40];
	_ =	sdelay $0x4  }
0x327: {  	[tilespmem:$0x6040] =	vst v6  }
0x328: {  	v6 =	vld [tilespmem:s8+$0x1A50];
	_ =	sdelay $0x4  }
0x329: {  	[tilespmem:$0x5E50] =	vst v6  }
0x32a: {  	v6 =	vld [tilespmem:s8+$0x3A50];
	_ =	sdelay $0x4  }
0x32b: {  	[tilespmem:$0x6050] =	vst v6  }
0x32c: {  	v6 =	vld [tilespmem:s8+$0x1A60];
	_ =	sdelay $0x4  }
0x32d: {  	[tilespmem:$0x5E60] =	vst v6  }
0x32e: {  	v6 =	vld [tilespmem:s8+$0x3A60];
	_ =	sdelay $0x4  }
0x32f: {  	[tilespmem:$0x6060] =	vst v6  }
0x330: {  	v6 =	vld [tilespmem:s8+$0x1A70];
	_ =	sdelay $0x4  }
0x331: {  	[tilespmem:$0x5E70] =	vst v6  }
0x332: {  	v6 =	vld [tilespmem:s8+$0x3A70];
	_ =	sdelay $0x4  }
0x333: {  	[tilespmem:$0x6070] =	vst v6  }
0x334: {  	v6 =	vld [tilespmem:s8+$0x1A80];
	_ =	sdelay $0x4  }
0x335: {  	[tilespmem:$0x5E80] =	vst v6  }
0x336: {  	v6 =	vld [tilespmem:s8+$0x3A80];
	_ =	sdelay $0x4  }
0x337: {  	[tilespmem:$0x6080] =	vst v6  }
0x338: {  	v6 =	vld [tilespmem:s8+$0x1A90];
	_ =	sdelay $0x4  }
0x339: {  	[tilespmem:$0x5E90] =	vst v6  }
0x33a: {  	v6 =	vld [tilespmem:s8+$0x3A90];
	_ =	sdelay $0x4  }
0x33b: {  	[tilespmem:$0x6090] =	vst v6  }
0x33c: {  	v6 =	vld [tilespmem:s8+$0x1AA0];
	_ =	sdelay $0x4  }
0x33d: {  	[tilespmem:$0x5EA0] =	vst v6  }
0x33e: {  	v6 =	vld [tilespmem:s8+$0x3AA0];
	_ =	sdelay $0x4  }
0x33f: {  	[tilespmem:$0x60A0] =	vst v6  }
0x340: {  	v6 =	vld [tilespmem:s8+$0x1AB0];
	_ =	sdelay $0x4  }
0x341: {  	[tilespmem:$0x5EB0] =	vst v6  }
0x342: {  	v6 =	vld [tilespmem:s8+$0x3AB0];
	_ =	sdelay $0x4  }
0x343: {  	[tilespmem:$0x60B0] =	vst v6  }
0x344: {  	v6 =	vld [tilespmem:s8+$0x1AC0];
	_ =	sdelay $0x4  }
0x345: {  	[tilespmem:$0x5EC0] =	vst v6  }
0x346: {  	v6 =	vld [tilespmem:s8+$0x3AC0];
	_ =	sdelay $0x4  }
0x347: {  	[tilespmem:$0x60C0] =	vst v6  }
0x348: {  	v6 =	vld [tilespmem:s8+$0x1AD0];
	_ =	sdelay $0x4  }
0x349: {  	[tilespmem:$0x5ED0] =	vst v6  }
0x34a: {  	v6 =	vld [tilespmem:s8+$0x3AD0];
	_ =	sdelay $0x4  }
0x34b: {  	[tilespmem:$0x60D0] =	vst v6  }
0x34c: {  	v6 =	vld [tilespmem:s8+$0x1AE0];
	_ =	sdelay $0x4  }
0x34d: {  	[tilespmem:$0x5EE0] =	vst v6  }
0x34e: {  	v6 =	vld [tilespmem:s8+$0x3AE0];
	_ =	sdelay $0x4  }
0x34f: {  	[tilespmem:$0x60E0] =	vst v6  }
0x350: {  	v6 =	vld [tilespmem:s8+$0x1AF0];
	_ =	sdelay $0x4  }
0x351: {  	[tilespmem:$0x5EF0] =	vst v6  }
0x352: {  	v6 =	vld [tilespmem:s8+$0x3AF0];
	_ =	sdelay $0x4  }
0x353: {  	s0 =	simm.s32 $0x1;
	[tilespmem:$0x60F0] =	vst v6  }
0x354: {  	[tilespmem:s11], [sflag:$0x1] =	stream.indirect.gather [hbm4b:s2+s24], $0x10, s10, s24, $0xb8;
	[tilespmem:$0x1E518] =	vst v63  }
0x355: {  	_ =	swait.ge [sflag:s0], $0x2000  }
0x356: {  	[sflag:s0] =	ssyncset.done $0x0  }
0x357: {  	s8 =	simm.s32 $0x5D00;
	[sflag:s0] =	ssyncadd.s32 $0xFFFFE000  }
0x358: {  	[spmem:s3] =	stream.indirect.scatter.add.f32 [tilespmem:s11], [sflag:$0x3], $0x10, s8, s24, $0xb8;
	[tilespmem:$0x1E518] =	vst v63  }
.LBB2_19:
0x359: {  	_ =	swait.ge [sflag:s4], $0x2000  }
0x35a: {  	[sflag:s4] =	ssyncset.done $0x0  }
0x35b: {  	s0 =	simm.s32 $0xA100;
	[sflag:s4] =	ssyncadd.s32 $0xFFFFE000  }
0x35c: {  	[spmem:s5] =	stream.indirect.scatter.add.f32 [tilespmem:s0], [sflag:$0x3], $0x1, s8, s24, $0xb8;
	[tilespmem:$0x1E518] =	vst v63  }
0x35d: {  	_ =	swait.ge [sflag:s4], $0x200  }
0x35e: {  	[sflag:s4] =	ssyncset.done $0x0  }
0x35f: {  	[sflag:s4] =	ssyncadd.s32 $0xFFFFFE00  }
.LBB2_20:
0x360: {  	s0 =	rddreg [dreg:$0x1b];
	[bflag:$0x0] =	sbarrier.arrive $0xFFFF  }
0x361: {  	s0 =	sshll.u32 s0, $0x11;
	s8 =	rddreg [dreg:$0x13]  }
0x362: {  	s17 =	simm.s32 $0x0;
	s9 =	sadd.s32 s0, s8  }
.LBB2_21:
0x363: {  	s18 =	sor.u32 s22, s17  }
0x364: {  	s0 =	sshll.u32 s18, $0x8  }
0x365: {  	s0 =	sadd.s32 s23, s0  }
0x366: {  	s8 =	sshll.u32 s0, $0x4  }
0x367: {  	s8 =	sand.u32 $0x3FFFFFF0, s8  }
0x368: {  	s8 =	sadd.s32 s8, s3  }
0x369: {  	[tilespmem:s13], [sflag:$0x3] =	stream.linear.gather [spmem:s8], $0x1000, $0x38;
	[tilespmem:$0x1E518] =	vst v63  }
0x36a: {  	_ =	swait.ge [sflag:s4], $0x1000  }
0x36b: {  	[sflag:s4] =	ssyncset.done $0x0  }
0x36c: {  	s0 =	sadd.s32 s0, s5;
	[sflag:s4] =	ssyncadd.s32 $0xFFFFF000  }
0x36d: {  	[tilespmem:s14], [sflag:$0x3] =	stream.linear.gather [spmem:s0], $0x100, $0x38;
	[tilespmem:$0x1E518] =	vst v63  }
0x36e: {  	_ =	swait.ge [sflag:s4], $0x100  }
0x36f: {  	[sflag:s4] =	ssyncset.done $0x0  }
0x370: {  	s8 =	simm.s32 $0x0;
	[sflag:s4] =	ssyncadd.s32 $0xFFFFFF00  }
0x371: {  	v8 =	vld [tilespmem:s8+$0xD300];
	_ =	sdelay $0x4  }
0x372: {  	v6 =	vadd.f32 $9.999999930e-09, v8  }
0x373: {  	s19 =	simm.s32 $0x10  }
0x374: {  	(erf) = vrcp.f32 v6;
	v6 =	vld [tilespmem:s19+$0xD300];
	_ =	sdelay $0x4  }
0x375: {  	s20 =	simm.s32 $0x20;
	v9 =	vadd.f32 $9.999999930e-09, v6  }
0x376: {  	v7 =	vld [tilespmem:s20+$0xD300]  }
0x377: {  	(erf) = vrcp.f32 v9;
	_ =	sdelay $0x2  }
0x378: {  	s28 =	simm.s32 $0xC0;
	vm0 =	vgt.f32 v8, $0.0e+00;
	v8 =	vpop (erf)  }
.LBB2_22:
0x379: {  	s0 =	sshra.s32 s28, $0x2;
	p0 =	sne.s32 s28, $0x3C0;
	s28 =	sadd.s32 $0x40, s28;
	v9 =	vadd.f32 $9.999999930e-09, v7;
	v8 =	vnsel vm0, $0x0, v8;
	v10 =	vmov v7  }
.Ltmp12:
0x37a: {  	v7 =	vld [tilespmem:s0+$0xD300];
	[tilespmem:s8+$0xD400] =	vst v8;
	s8 =	smov.u32 s19;
	s19 =	smov.u32 s20;
	(pc) =	sbr.rel @p0 .LBB2_22-.Ltmp12, $2  }
0x37b: {  	s20 =	smov.u32 s0;
	(erf) = vrcp.f32 v9;
	_ =	sdelay $0x2  }
0x37c: {  	vm0 =	vgt.f32 v6, $0.0e+00;
	v6 =	vmov v10;
	v8 =	vpop (erf)  }
0x37d: {  	v9 =	vadd.f32 $9.999999930e-09, v7;
	_ =	sdelay $0x1  }
0x37e: {  	(erf) = vrcp.f32 v9;
	_ =	sdelay $0x3  }
0x37f: {  	s0 =	simm.s32 $0x0  }
0x380: {  	v63 =	vmov s0  }
0x381: {  	v9 =	vshll.u32 v63, $0x4  }
0x382: {  	v9 =	vor.u32 v5, v9  }
0x383: {  	v8 =	vnsel vm0, $0x0, v8;
	vm14 =	vgt.f32 v6, $0.0e+00;
	v6 =	vpop (erf)  }
0x384: {  	vm15 =	vgt.f32 v7, $0.0e+00;
	[tilespmem:s8+$0xD400] =	vst v8;
	v6 =	vnsel vm14, $0x0, v6;
	v7 =	vpop (erf)  }
0x385: {  	[tilespmem:s19+$0xD400] =	vst v6;
	v6 =	vnsel vm15, $0x0, v7  }
0x386: {  	[tilespmem:s20+$0xD400] =	vst v6  }
0x387: {  	s19 =	simm.s32 $0xD400;
	v6 =	vld.idx.msk [tilespmem:v9+s13+$0x0], $0xffff  }
0x388: {  	v7 =	vld [tilespmem:s19+$0x0];
	_ =	sdelay $0x2  }
0x389: {  	v8 =	vor.u32 $0x1, v9;
	_ =	sdelay $0x1  }
0x38a: {  	v6 =	vmul.f32 v6, v7  }
0x38b: {  	s8 =	simm.s32 $0xCB00  }
0x38c: {  	[tilespmem:s8+$0xFFFFF800] =	vst v6  }
0x38d: {  	v6 =	vld.idx.msk [tilespmem:v8+s13+$0x0], $0xffff;
	_ =	sdelay $0x2  }
0x38e: {  	v8 =	vor.u32 $0x2, v9;
	_ =	sdelay $0x1  }
0x38f: {  	v6 =	vmul.f32 v6, v7;
	_ =	sdelay $0x1  }
0x390: {  	[tilespmem:s8+$0xFFFFF900] =	vst v6  }
0x391: {  	v6 =	vld.idx.msk [tilespmem:v8+s13+$0x0], $0xffff;
	_ =	sdelay $0x2  }
0x392: {  	v8 =	vor.u32 $0x3, v9;
	_ =	sdelay $0x1  }
0x393: {  	v6 =	vmul.f32 v6, v7;
	_ =	sdelay $0x1  }
0x394: {  	[tilespmem:s8+$0xFFFFFA00] =	vst v6  }
0x395: {  	v6 =	vld.idx.msk [tilespmem:v8+s13+$0x0], $0xffff;
	_ =	sdelay $0x2  }
0x396: {  	v8 =	vor.u32 $0x4, v9;
	_ =	sdelay $0x1  }
0x397: {  	v6 =	vmul.f32 v6, v7;
	_ =	sdelay $0x1  }
0x398: {  	[tilespmem:s8+$0xFFFFFB00] =	vst v6  }
0x399: {  	v6 =	vld.idx.msk [tilespmem:v8+s13+$0x0], $0xffff;
	_ =	sdelay $0x2  }
0x39a: {  	v8 =	vor.u32 $0x5, v9;
	_ =	sdelay $0x1  }
0x39b: {  	v6 =	vmul.f32 v6, v7;
	_ =	sdelay $0x1  }
0x39c: {  	[tilespmem:s8+$0xFFFFFC00] =	vst v6  }
0x39d: {  	v6 =	vld.idx.msk [tilespmem:v8+s13+$0x0], $0xffff;
	_ =	sdelay $0x2  }
0x39e: {  	v8 =	vor.u32 $0x6, v9;
	_ =	sdelay $0x1  }
0x39f: {  	v6 =	vmul.f32 v6, v7;
	_ =	sdelay $0x1  }
0x3a0: {  	[tilespmem:s8+$0xFFFFFD00] =	vst v6  }
0x3a1: {  	v6 =	vld.idx.msk [tilespmem:v8+s13+$0x0], $0xffff;
	_ =	sdelay $0x2  }
0x3a2: {  	v8 =	vor.u32 $0x7, v9;
	_ =	sdelay $0x1  }
0x3a3: {  	v6 =	vmul.f32 v6, v7;
	_ =	sdelay $0x1  }
0x3a4: {  	[tilespmem:s8+$0xFFFFFE00] =	vst v6  }
0x3a5: {  	v6 =	vld.idx.msk [tilespmem:v8+s13+$0x0], $0xffff;
	_ =	sdelay $0x2  }
0x3a6: {  	v8 =	vor.u32 $0x8, v9;
	_ =	sdelay $0x1  }
0x3a7: {  	v6 =	vmul.f32 v6, v7;
	_ =	sdelay $0x1  }
0x3a8: {  	[tilespmem:s8+$0xFFFFFF00] =	vst v6  }
0x3a9: {  	v6 =	vld.idx.msk [tilespmem:v8+s13+$0x0], $0xffff;
	_ =	sdelay $0x2  }
0x3aa: {  	v8 =	vor.u32 $0x9, v9;
	_ =	sdelay $0x1  }
0x3ab: {  	v6 =	vmul.f32 v6, v7;
	_ =	sdelay $0x1  }
0x3ac: {  	[tilespmem:s8+$0x0] =	vst v6  }
0x3ad: {  	v6 =	vld.idx.msk [tilespmem:v8+s13+$0x0], $0xffff;
	_ =	sdelay $0x2  }
0x3ae: {  	v8 =	vor.u32 $0xA, v9;
	_ =	sdelay $0x1  }
0x3af: {  	v6 =	vmul.f32 v6, v7;
	_ =	sdelay $0x1  }
0x3b0: {  	[tilespmem:s8+$0x100] =	vst v6  }
0x3b1: {  	v6 =	vld.idx.msk [tilespmem:v8+s13+$0x0], $0xffff;
	_ =	sdelay $0x2  }
0x3b2: {  	v8 =	vor.u32 $0xB, v9;
	_ =	sdelay $0x1  }
0x3b3: {  	v6 =	vmul.f32 v6, v7;
	_ =	sdelay $0x1  }
0x3b4: {  	[tilespmem:s8+$0x200] =	vst v6  }
0x3b5: {  	v6 =	vld.idx.msk [tilespmem:v8+s13+$0x0], $0xffff;
	_ =	sdelay $0x2  }
0x3b6: {  	v8 =	vor.u32 $0xC, v9;
	_ =	sdelay $0x1  }
0x3b7: {  	v6 =	vmul.f32 v6, v7;
	_ =	sdelay $0x1  }
0x3b8: {  	[tilespmem:s8+$0x300] =	vst v6  }
0x3b9: {  	v6 =	vld.idx.msk [tilespmem:v8+s13+$0x0], $0xffff;
	_ =	sdelay $0x2  }
0x3ba: {  	v8 =	vor.u32 $0xD, v9;
	_ =	sdelay $0x1  }
0x3bb: {  	v6 =	vmul.f32 v6, v7;
	_ =	sdelay $0x1  }
0x3bc: {  	[tilespmem:s8+$0x400] =	vst v6  }
0x3bd: {  	v6 =	vld.idx.msk [tilespmem:v8+s13+$0x0], $0xffff;
	_ =	sdelay $0x2  }
0x3be: {  	v8 =	vor.u32 $0xE, v9;
	_ =	sdelay $0x1  }
0x3bf: {  	v6 =	vmul.f32 v6, v7;
	_ =	sdelay $0x1  }
0x3c0: {  	[tilespmem:s8+$0x500] =	vst v6  }
0x3c1: {  	v6 =	vld.idx.msk [tilespmem:v8+s13+$0x0], $0xffff;
	_ =	sdelay $0x2  }
0x3c2: {  	v8 =	vor.u32 $0xF, v9;
	_ =	sdelay $0x1  }
0x3c3: {  	v6 =	vmul.f32 v6, v7;
	_ =	sdelay $0x1  }
0x3c4: {  	[tilespmem:s8+$0x600] =	vst v6  }
0x3c5: {  	s31 =	simm.s32 $0x10;
	v8 =	vld.idx.msk [tilespmem:v8+s13+$0x0], $0xffff  }
0x3c6: {  	v6 =	vmov s31  }
0x3c7: {  	v6 =	vshll.u32 v6, $0x4  }
0x3c8: {  	v6 =	vor.u32 v5, v6;
	_ =	sdelay $0x1  }
0x3c9: {  	s29 =	simm.s32 $0x20;
	v7 =	vmul.f32 v8, v7  }
.LBB2_24:
0x3ca: {  	s19 =	sadd.s32 $0x10, s19  }
0x3cb: {  	s28 =	smov.u32 s29;
	s20 =	sadd.s32 $0x10, s29;
	[tilespmem:s8+$0x700] =	vst v7;
	s8 =	sadd.s32 $0x10, s8  }
0x3cc: {  	p0 =	sne.s32 s29, $0xF0;
	v8 =	vld.idx.msk [tilespmem:v6+s13+$0x0], $0xffff  }
0x3cd: {  	v7 =	vld [tilespmem:s19+$0x0];
	_ =	sdelay $0x2  }
0x3ce: {  	v9 =	vor.u32 $0x1, v6;
	_ =	sdelay $0x1  }
0x3cf: {  	v8 =	vmul.f32 v8, v7;
	_ =	sdelay $0x1  }
0x3d0: {  	[tilespmem:s8+$0xFFFFF800] =	vst v8  }
0x3d1: {  	v8 =	vld.idx.msk [tilespmem:v9+s13+$0x0], $0xffff;
	_ =	sdelay $0x3  }
0x3d2: {  	v9 =	vor.u32 $0x2, v6;
	_ =	sdelay $0x1  }
0x3d3: {  	v8 =	vmul.f32 v8, v7;
	_ =	sdelay $0x1  }
0x3d4: {  	[tilespmem:s8+$0xFFFFF900] =	vst v8  }
0x3d5: {  	v8 =	vld.idx.msk [tilespmem:v9+s13+$0x0], $0xffff;
	_ =	sdelay $0x3  }
0x3d6: {  	v9 =	vor.u32 $0x3, v6;
	_ =	sdelay $0x1  }
0x3d7: {  	v8 =	vmul.f32 v8, v7;
	_ =	sdelay $0x1  }
0x3d8: {  	[tilespmem:s8+$0xFFFFFA00] =	vst v8  }
0x3d9: {  	v8 =	vld.idx.msk [tilespmem:v9+s13+$0x0], $0xffff;
	_ =	sdelay $0x3  }
0x3da: {  	v9 =	vor.u32 $0x4, v6;
	_ =	sdelay $0x1  }
0x3db: {  	v8 =	vmul.f32 v8, v7;
	_ =	sdelay $0x1  }
0x3dc: {  	[tilespmem:s8+$0xFFFFFB00] =	vst v8  }
0x3dd: {  	v8 =	vld.idx.msk [tilespmem:v9+s13+$0x0], $0xffff;
	_ =	sdelay $0x3  }
0x3de: {  	v9 =	vor.u32 $0x5, v6;
	_ =	sdelay $0x1  }
0x3df: {  	v8 =	vmul.f32 v8, v7;
	_ =	sdelay $0x1  }
0x3e0: {  	[tilespmem:s8+$0xFFFFFC00] =	vst v8  }
0x3e1: {  	v8 =	vld.idx.msk [tilespmem:v9+s13+$0x0], $0xffff;
	_ =	sdelay $0x3  }
0x3e2: {  	v9 =	vor.u32 $0x6, v6;
	_ =	sdelay $0x1  }
0x3e3: {  	v8 =	vmul.f32 v8, v7;
	_ =	sdelay $0x1  }
0x3e4: {  	[tilespmem:s8+$0xFFFFFD00] =	vst v8  }
0x3e5: {  	v8 =	vld.idx.msk [tilespmem:v9+s13+$0x0], $0xffff;
	_ =	sdelay $0x3  }
0x3e6: {  	v9 =	vor.u32 $0x7, v6;
	_ =	sdelay $0x1  }
0x3e7: {  	v8 =	vmul.f32 v8, v7;
	_ =	sdelay $0x1  }
0x3e8: {  	[tilespmem:s8+$0xFFFFFE00] =	vst v8  }
0x3e9: {  	v8 =	vld.idx.msk [tilespmem:v9+s13+$0x0], $0xffff;
	_ =	sdelay $0x3  }
0x3ea: {  	v9 =	vor.u32 $0x8, v6;
	_ =	sdelay $0x1  }
0x3eb: {  	v8 =	vmul.f32 v8, v7;
	_ =	sdelay $0x1  }
0x3ec: {  	[tilespmem:s8+$0xFFFFFF00] =	vst v8  }
0x3ed: {  	v8 =	vld.idx.msk [tilespmem:v9+s13+$0x0], $0xffff;
	_ =	sdelay $0x3  }
0x3ee: {  	v9 =	vor.u32 $0x9, v6;
	_ =	sdelay $0x1  }
0x3ef: {  	v8 =	vmul.f32 v8, v7;
	_ =	sdelay $0x1  }
0x3f0: {  	[tilespmem:s8+$0x0] =	vst v8  }
0x3f1: {  	v8 =	vld.idx.msk [tilespmem:v9+s13+$0x0], $0xffff;
	_ =	sdelay $0x3  }
0x3f2: {  	v9 =	vor.u32 $0xA, v6;
	_ =	sdelay $0x1  }
0x3f3: {  	v8 =	vmul.f32 v8, v7;
	_ =	sdelay $0x1  }
0x3f4: {  	[tilespmem:s8+$0x100] =	vst v8  }
0x3f5: {  	v8 =	vld.idx.msk [tilespmem:v9+s13+$0x0], $0xffff;
	_ =	sdelay $0x3  }
0x3f6: {  	v9 =	vor.u32 $0xB, v6;
	_ =	sdelay $0x1  }
0x3f7: {  	v8 =	vmul.f32 v8, v7;
	_ =	sdelay $0x1  }
0x3f8: {  	[tilespmem:s8+$0x200] =	vst v8  }
0x3f9: {  	v8 =	vld.idx.msk [tilespmem:v9+s13+$0x0], $0xffff;
	_ =	sdelay $0x3  }
0x3fa: {  	v9 =	vor.u32 $0xC, v6;
	_ =	sdelay $0x1  }
0x3fb: {  	v8 =	vmul.f32 v8, v7;
	_ =	sdelay $0x1  }
0x3fc: {  	[tilespmem:s8+$0x300] =	vst v8  }
0x3fd: {  	v8 =	vld.idx.msk [tilespmem:v9+s13+$0x0], $0xffff;
	_ =	sdelay $0x3  }
0x3fe: {  	v9 =	vor.u32 $0xD, v6;
	_ =	sdelay $0x1  }
0x3ff: {  	v8 =	vmul.f32 v8, v7;
	_ =	sdelay $0x1  }
0x400: {  	[tilespmem:s8+$0x400] =	vst v8  }
0x401: {  	v8 =	vld.idx.msk [tilespmem:v9+s13+$0x0], $0xffff;
	_ =	sdelay $0x3  }
0x402: {  	v9 =	vor.u32 $0xE, v6;
	_ =	sdelay $0x1  }
0x403: {  	v8 =	vmul.f32 v8, v7;
	_ =	sdelay $0x1  }
0x404: {  	[tilespmem:s8+$0x500] =	vst v8  }
0x405: {  	v8 =	vld.idx.msk [tilespmem:v9+s13+$0x0], $0xffff;
	_ =	sdelay $0x3  }
0x406: {  	v6 =	vor.u32 $0xF, v6;
	_ =	sdelay $0x1  }
0x407: {  	v8 =	vmul.f32 v8, v7;
	_ =	sdelay $0x1  }
0x408: {  	[tilespmem:s8+$0x600] =	vst v8  }
0x409: {  	v8 =	vld.idx.msk [tilespmem:v6+s13+$0x0], $0xffff;
	_ =	sdelay $0x1  }
.Ltmp13:
0x40a: {  	v6 =	vmov s28;
	(pc) =	sbr.rel @p0 .LBB2_24-.Ltmp13, $3  }
0x40b: {  	v6 =	vshll.u32 v6, $0x4  }
0x40c: {  	v6 =	vor.u32 v5, v6;
	_ =	sdelay $0x1  }
0x40d: {  	s29 =	smov.u32 s20;
	v7 =	vmul.f32 v8, v7  }
0x40e: {  	_ =	sdelay $0x2  }
0x40f: {  	[tilespmem:s8+$0x700] =	vst v7  }
0x410: {  	s0 =	sadd.s32 $0x10, s19;
	v7 =	vld.idx.msk [tilespmem:v6+s13+$0x0], $0xffff  }
0x411: {  	v8 =	vld [tilespmem:s0+$0x0];
	_ =	sdelay $0x2  }
0x412: {  	v9 =	vor.u32 $0x1, v6;
	_ =	sdelay $0x1  }
0x413: {  	v7 =	vmul.f32 v7, v8  }
0x414: {  	s29 =	sadd.s32 $0x10, s8  }
0x415: {  	[tilespmem:s29+$0xFFFFF800] =	vst v7  }
0x416: {  	v7 =	vld.idx.msk [tilespmem:v9+s13+$0x0], $0xffff;
	_ =	sdelay $0x2  }
0x417: {  	v51 =	vor.u32 $0x2, v6;
	_ =	sdelay $0x1  }
0x418: {  	v7 =	vmul.f32 v7, v8;
	_ =	sdelay $0x1  }
0x419: {  	[tilespmem:s29+$0xFFFFF900] =	vst v7  }
0x41a: {  	v7 =	vld.idx.msk [tilespmem:v51+s13+$0x0], $0xffff;
	_ =	sdelay $0x2  }
0x41b: {  	v52 =	vor.u32 $0x3, v6;
	_ =	sdelay $0x1  }
0x41c: {  	v7 =	vmul.f32 v7, v8;
	_ =	sdelay $0x1  }
0x41d: {  	[tilespmem:s29+$0xFFFFFA00] =	vst v7  }
0x41e: {  	v7 =	vld.idx.msk [tilespmem:v52+s13+$0x0], $0xffff;
	_ =	sdelay $0x2  }
0x41f: {  	v53 =	vor.u32 $0x4, v6;
	_ =	sdelay $0x1  }
0x420: {  	v7 =	vmul.f32 v7, v8;
	_ =	sdelay $0x1  }
0x421: {  	[tilespmem:s29+$0xFFFFFB00] =	vst v7  }
0x422: {  	v7 =	vld.idx.msk [tilespmem:v53+s13+$0x0], $0xffff;
	_ =	sdelay $0x2  }
0x423: {  	v54 =	vor.u32 $0x5, v6;
	_ =	sdelay $0x1  }
0x424: {  	v7 =	vmul.f32 v7, v8;
	_ =	sdelay $0x1  }
0x425: {  	[tilespmem:s29+$0xFFFFFC00] =	vst v7  }
0x426: {  	v7 =	vld.idx.msk [tilespmem:v54+s13+$0x0], $0xffff;
	_ =	sdelay $0x2  }
0x427: {  	v55 =	vor.u32 $0x6, v6;
	_ =	sdelay $0x1  }
0x428: {  	v7 =	vmul.f32 v7, v8;
	_ =	sdelay $0x1  }
0x429: {  	[tilespmem:s29+$0xFFFFFD00] =	vst v7  }
0x42a: {  	v7 =	vld.idx.msk [tilespmem:v55+s13+$0x0], $0xffff;
	_ =	sdelay $0x2  }
0x42b: {  	v56 =	vor.u32 $0x7, v6;
	_ =	sdelay $0x1  }
0x42c: {  	v7 =	vmul.f32 v7, v8;
	_ =	sdelay $0x1  }
0x42d: {  	[tilespmem:s29+$0xFFFFFE00] =	vst v7  }
0x42e: {  	v7 =	vld.idx.msk [tilespmem:v56+s13+$0x0], $0xffff;
	_ =	sdelay $0x2  }
0x42f: {  	v57 =	vor.u32 $0x8, v6;
	_ =	sdelay $0x1  }
0x430: {  	v7 =	vmul.f32 v7, v8;
	_ =	sdelay $0x1  }
0x431: {  	[tilespmem:s29+$0xFFFFFF00] =	vst v7  }
0x432: {  	v7 =	vld.idx.msk [tilespmem:v57+s13+$0x0], $0xffff;
	_ =	sdelay $0x2  }
0x433: {  	v58 =	vor.u32 $0x9, v6;
	_ =	sdelay $0x1  }
0x434: {  	v7 =	vmul.f32 v7, v8;
	_ =	sdelay $0x1  }
0x435: {  	[tilespmem:s29+$0x0] =	vst v7  }
0x436: {  	v7 =	vld.idx.msk [tilespmem:v58+s13+$0x0], $0xffff;
	_ =	sdelay $0x2  }
0x437: {  	v59 =	vor.u32 $0xA, v6;
	_ =	sdelay $0x1  }
0x438: {  	v7 =	vmul.f32 v7, v8;
	_ =	sdelay $0x1  }
0x439: {  	[tilespmem:s29+$0x100] =	vst v7  }
0x43a: {  	v7 =	vld.idx.msk [tilespmem:v59+s13+$0x0], $0xffff;
	_ =	sdelay $0x2  }
0x43b: {  	v60 =	vor.u32 $0xB, v6;
	_ =	sdelay $0x1  }
0x43c: {  	v7 =	vmul.f32 v7, v8;
	_ =	sdelay $0x1  }
0x43d: {  	[tilespmem:s29+$0x200] =	vst v7  }
0x43e: {  	v7 =	vld.idx.msk [tilespmem:v60+s13+$0x0], $0xffff;
	_ =	sdelay $0x2  }
0x43f: {  	v61 =	vor.u32 $0xC, v6;
	_ =	sdelay $0x1  }
0x440: {  	v7 =	vmul.f32 v7, v8;
	_ =	sdelay $0x1  }
0x441: {  	[tilespmem:s29+$0x300] =	vst v7  }
0x442: {  	v7 =	vld.idx.msk [tilespmem:v61+s13+$0x0], $0xffff;
	_ =	sdelay $0x2  }
0x443: {  	v62 =	vor.u32 $0xD, v6;
	_ =	sdelay $0x1  }
0x444: {  	v7 =	vmul.f32 v7, v8;
	_ =	sdelay $0x1  }
0x445: {  	[tilespmem:s29+$0x400] =	vst v7  }
0x446: {  	v7 =	vld.idx.msk [tilespmem:v62+s13+$0x0], $0xffff;
	_ =	sdelay $0x2  }
0x447: {  	v63 =	vor.u32 $0xE, v6;
	_ =	sdelay $0x1  }
0x448: {  	v7 =	vmul.f32 v7, v8;
	_ =	sdelay $0x1  }
0x449: {  	[tilespmem:s29+$0x500] =	vst v7  }
0x44a: {  	v7 =	vld.idx.msk [tilespmem:v63+s13+$0x0], $0xffff;
	_ =	sdelay $0x2  }
0x44b: {  	v6 =	vor.u32 $0xF, v6;
	_ =	sdelay $0x1  }
0x44c: {  	v7 =	vmul.f32 v7, v8;
	_ =	sdelay $0x1  }
0x44d: {  	[tilespmem:s29+$0x600] =	vst v7  }
0x44e: {  	v6 =	vld.idx.msk [tilespmem:v6+s13+$0x0], $0xffff;
	_ =	sdelay $0x4  }
0x44f: {  	s17 =	sadd.s32 $0x1, s17;
	v6 =	vmul.f32 v6, v8  }
0x450: {  	s30 =	sshll.u32 s18, $0x9;
	p0 =	sne.s32 s17, $0x10  }
.Ltmp14:
0x451: {  	s31 =	sadd.s32 s30, s9;
	[tilespmem:s29+$0x700] =	vst v6;
	(pc) =	sbr.rel @p0 .LBB2_21-.Ltmp14, $4  }
0x452: {  	[hbm4b:s31+s6] =	stream.linear.scatter [tilespmem:s15], [sflag:$0x3], $0x1000, $0x38;
	[tilespmem:$0x1E518] =	vst v63  }
0x453: {  	_ =	swait.ge [sflag:s4], $0x1000  }
0x454: {  	[sflag:s4] =	ssyncset.done $0x0  }
0x455: {  	[sflag:s4] =	ssyncadd.s32 $0xFFFFF000  }
0x456: {  	s0 =	rddreg [dreg:$0x6];
	s8 =	simm.s32 $0xA300  }
0x457: {  	[spmem:s0] =	stream.linear.scatter [tilespmem:s8], [sflag:$0x3], $0x1000, $0x38;
	[tilespmem:$0x1E518] =	vst v63  }
0x458: {  	_ =	swait.ge [sflag:s4], $0x1000  }
0x459: {  	[sflag:s4] =	ssyncset.done $0x0  }
0x45a: {  	s17 =	rddreg [dreg:$0x7];
	[sflag:s4] =	ssyncadd.s32 $0xFFFFF000  }
0x45b: {  	[spmem:s17] =	stream.linear.scatter [tilespmem:s8], [sflag:$0x3], $0x1000, $0x38;
	[tilespmem:$0x1E518] =	vst v63  }
0x45c: {  	_ =	swait.ge [sflag:s4], $0x1000  }
0x45d: {  	[sflag:s4] =	ssyncset.done $0x0  }
0x45e: {  	s18 =	rddreg [dreg:$0x8];
	[sflag:s4] =	ssyncadd.s32 $0xFFFFF000  }
0x45f: {  	[spmem:s18] =	stream.linear.scatter [tilespmem:s8], [sflag:$0x3], $0x1000, $0x38;
	[tilespmem:$0x1E518] =	vst v63  }
0x460: {  	_ =	swait.ge [sflag:s4], $0x1000  }
0x461: {  	[sflag:s4] =	ssyncset.done $0x0  }
0x462: {  	s19 =	rddreg [dreg:$0x9];
	[sflag:s4] =	ssyncadd.s32 $0xFFFFF000  }
0x463: {  	[spmem:s19] =	stream.linear.scatter [tilespmem:s8], [sflag:$0x3], $0x1000, $0x38;
	[tilespmem:$0x1E518] =	vst v63  }
0x464: {  	_ =	swait.ge [sflag:s4], $0x1000  }
0x465: {  	[sflag:s4] =	ssyncset.done $0x0  }
0x466: {  	s20 =	rddreg [dreg:$0xa];
	[sflag:s4] =	ssyncadd.s32 $0xFFFFF000  }
0x467: {  	[spmem:s20] =	stream.linear.scatter [tilespmem:s8], [sflag:$0x3], $0x1000, $0x38;
	[tilespmem:$0x1E518] =	vst v63  }
0x468: {  	_ =	swait.ge [sflag:s4], $0x1000  }
0x469: {  	[sflag:s4] =	ssyncset.done $0x0  }
0x46a: {  	s28 =	rddreg [dreg:$0xb];
	[sflag:s4] =	ssyncadd.s32 $0xFFFFF000  }
0x46b: {  	[spmem:s28] =	stream.linear.scatter [tilespmem:s8], [sflag:$0x3], $0x1000, $0x38;
	[tilespmem:$0x1E518] =	vst v63  }
0x46c: {  	_ =	swait.ge [sflag:s4], $0x1000  }
0x46d: {  	[sflag:s4] =	ssyncset.done $0x0  }
0x46e: {  	s29 =	rddreg [dreg:$0xc];
	[sflag:s4] =	ssyncadd.s32 $0xFFFFF000  }
0x46f: {  	[spmem:s29] =	stream.linear.scatter [tilespmem:s8], [sflag:$0x3], $0x1000, $0x38;
	[tilespmem:$0x1E518] =	vst v63  }
0x470: {  	_ =	swait.ge [sflag:s4], $0x1000  }
0x471: {  	[sflag:s4] =	ssyncset.done $0x0  }
0x472: {  	s30 =	rddreg [dreg:$0xd];
	[sflag:s4] =	ssyncadd.s32 $0xFFFFF000  }
0x473: {  	[spmem:s30] =	stream.linear.scatter [tilespmem:s8], [sflag:$0x3], $0x1000, $0x38;
	[tilespmem:$0x1E518] =	vst v63  }
0x474: {  	_ =	swait.ge [sflag:s4], $0x1000  }
0x475: {  	[sflag:s4] =	ssyncset.done $0x0  }
0x476: {  	s31 =	rddreg [dreg:$0xe];
	[sflag:s4] =	ssyncadd.s32 $0xFFFFF000  }
0x477: {  	[spmem:s31] =	stream.linear.scatter [tilespmem:s8], [sflag:$0x3], $0x1000, $0x38;
	[tilespmem:$0x1E518] =	vst v63  }
0x478: {  	_ =	swait.ge [sflag:s4], $0x1000  }
0x479: {  	[sflag:s4] =	ssyncset.done $0x0  }
0x47a: {  	s9 =	rddreg [dreg:$0xf];
	[sflag:s4] =	ssyncadd.s32 $0xFFFFF000  }
0x47b: {  	[spmem:s9] =	stream.linear.scatter [tilespmem:s8], [sflag:$0x3], $0x1000, $0x38;
	[tilespmem:$0x1E518] =	vst v63  }
0x47c: {  	_ =	swait.ge [sflag:s4], $0x1000  }
0x47d: {  	[sflag:s4] =	ssyncset.done $0x0  }
0x47e: {  	s17 =	rddreg [dreg:$0x10];
	[sflag:s4] =	ssyncadd.s32 $0xFFFFF000  }
0x47f: {  	[spmem:s17] =	stream.linear.scatter [tilespmem:s8], [sflag:$0x3], $0x1000, $0x38;
	[tilespmem:$0x1E518] =	vst v63  }
0x480: {  	_ =	swait.ge [sflag:s4], $0x1000  }
0x481: {  	[sflag:s4] =	ssyncset.done $0x0  }
0x482: {  	s18 =	rddreg [dreg:$0x15];
	[sflag:s4] =	ssyncadd.s32 $0xFFFFF000  }
0x483: {  	[spmem:s18] =	stream.linear.scatter [tilespmem:s8], [sflag:$0x3], $0x1000, $0x38;
	[tilespmem:$0x1E518] =	vst v63  }
0x484: {  	_ =	swait.ge [sflag:s4], $0x1000  }
0x485: {  	[sflag:s4] =	ssyncset.done $0x0  }
0x486: {  	s19 =	rddreg [dreg:$0x16];
	[sflag:s4] =	ssyncadd.s32 $0xFFFFF000  }
0x487: {  	[spmem:s19] =	stream.linear.scatter [tilespmem:s8], [sflag:$0x3], $0x1000, $0x38;
	[tilespmem:$0x1E518] =	vst v63  }
0x488: {  	_ =	swait.ge [sflag:s4], $0x1000  }
0x489: {  	[sflag:s4] =	ssyncset.done $0x0  }
0x48a: {  	s20 =	rddreg [dreg:$0x17];
	[sflag:s4] =	ssyncadd.s32 $0xFFFFF000  }
0x48b: {  	[spmem:s20] =	stream.linear.scatter [tilespmem:s8], [sflag:$0x3], $0x1000, $0x38;
	[tilespmem:$0x1E518] =	vst v63  }
0x48c: {  	_ =	swait.ge [sflag:s4], $0x1000  }
0x48d: {  	[sflag:s4] =	ssyncset.done $0x0  }
0x48e: {  	s28 =	rddreg [dreg:$0x18];
	[sflag:s4] =	ssyncadd.s32 $0xFFFFF000  }
0x48f: {  	[spmem:s28] =	stream.linear.scatter [tilespmem:s8], [sflag:$0x3], $0x1000, $0x38;
	[tilespmem:$0x1E518] =	vst v63  }
0x490: {  	_ =	swait.ge [sflag:s4], $0x1000  }
0x491: {  	[sflag:s4] =	ssyncset.done $0x0  }
0x492: {  	s29 =	rddreg [dreg:$0x19];
	[sflag:s4] =	ssyncadd.s32 $0xFFFFF000  }
0x493: {  	[spmem:s29] =	stream.linear.scatter [tilespmem:s8], [sflag:$0x3], $0x1000, $0x38;
	[tilespmem:$0x1E518] =	vst v63  }
0x494: {  	s16 =	sadd.s32 $0x1, s16;
	_ =	swait.ge [sflag:s4], $0x1000  }
0x495: {  	p0 =	sne.s32 s16, $0x8;
	s31 =	simm.s32 $0xB300;
	[sflag:s4] =	ssyncset.done $0x0  }
.Ltmp15:
0x496: {  	s30 =	rddreg [dreg:$0x11];
	[sflag:s4] =	ssyncadd.s32 $0xFFFFF000;
	(pc) =	sbr.rel @p0 .LBB2_4-.Ltmp15, $4  }
0x497: {  	[spmem:s30] =	stream.linear.scatter [tilespmem:s31], [sflag:$0x3], $0x1000, $0x38;
	[tilespmem:$0x1E518] =	vst v63  }
0x498: {  	_ =	swait.ge [sflag:s4], $0x1000  }
0x499: {  	[sflag:s4] =	ssyncset.done $0x0  }
0x49a: {  	[sflag:s4] =	ssyncadd.s32 $0xFFFFF000  }
0x49b: {  	s8 =	rddreg [dreg:$0x1a]  }
0x49c: {  	s0 =	rddreg [dreg:$0x14];
	s8 =	sadd.s32 $0x1, s8  }
0x49d: {  	p0 =	sne.s32 s8, s0  }
.Ltmp16:
0x49e: {  	_ = 	snop;
	(pc) =	sbr.rel @p0 .LBB2_1-.Ltmp16, $1  }
0x49f: {  	_ =	sdelay $0x3  }
0x4a0: {  	_ =	sfence.sel $0x180000  }
0x4a1: {  	[bflag:$0x0] =	sbarrier.arrive $0xFFFF  }
0x4a2: {  	_ =	strace $0x90000047  }
0x4a3: {  	s0 =	stileid.u32;
	[bflag:$0x2] =	sbarrier.arrive $0xFFFF  }
0x4a4: {  	p0 =	sne.s32 s0, $0x0;
	s0 =	rddreg [dreg:$0x4]  }
0x4a5: {  	s0 =	sadd.s32 @!p0 $0x100000, s0  }
0x4a6: {  	[sflag:s0] =	ssyncadd.tile.s32 @!p0 $0x1;
	_ =	shalt  }
.Lfunc_end2:
_tile_overlayer_lowered:
.L_overlay_start_2:
0x4a7: {  	(tag) =	ssettag $0x2  }
0x4a8: {  	s0 =	rddreg [dreg:$0x0];
	s2 =	stileid.u32  }
0x4a9: {  	s1 =	rddreg [dreg:$0x1];
	p0 =	sne.s32 s2, $0x0  }
0x4aa: {  	s3 =	rddreg [dreg:$0x2];
	[bflag:$0x3] =	sbarrier.arrive $0xFFFF;
	s2 =	simm.s32 @!p0 $0x1C03  }
0x4ab: {  	[timem:s3], [sflag:s2] =	dma.local @!p0 [hbm:s0], s1  }
0x4ac: {  	s0 =	simm.s32 @!p0 $0x3  }
0x4ad: {  	_ =	swait.ge @!p0 [sflag:s0], s1  }
0x4ae: {  	s1 =	ssub.s32 @!p0 $0x0, s1;
	[sflag:s0] =	ssyncset.done @!p0 $0x0  }
0x4af: {  	[sflag:s0] =	ssyncadd.s32 @!p0 s1  }
0x4b0: {  	[bflag:$0x3] =	sbarrier.arrive $0xFFFF  }
0x4b1: {  	_ =	shalt  }

</sc_bundles>
